<compile_context>
chip_gen: v7x
topology: tpu7x:2x2x1
jax: 0.10.2.dev20260603
libtpu: 0.0.44.dev20260713+nightly
codegen_flags: <defaults>
</compile_context>

<pallas_src>
import functools

import jax
import jax.numpy as jnp
from jax import lax
from jax.experimental import pallas as pl
from jax.experimental.pallas import tpu as pltpu
from jax.experimental.pallas import tpu_sc as plsc

N_NODES = 10000
N_ACC = 10240
DIM = 128
N_REL = 8
NC = 2
NS = 16
NW = NC * NS
CHUNK = 128
STEP = 64
LANES = 16


def _rel_transform_body(x_ref, w_ref, y_ref):
    y_ref[...] = jnp.dot(x_ref[...], w_ref[0], preferred_element_type=jnp.float32)


def _rel_transform(x, rel_weight, n_pad):
    nblk = 10
    blk = n_pad // nblk
    return pl.pallas_call(
        _rel_transform_body,
        grid=(N_REL, nblk),
        in_specs=[
            pl.BlockSpec((blk, DIM), lambda r, i: (i, 0)),
            pl.BlockSpec((1, DIM, DIM), lambda r, i: (r, 0, 0)),
        ],
        out_specs=pl.BlockSpec((blk, DIM), lambda r, i: (r * nblk + i, 0)),
        out_shape=jax.ShapeDtypeStruct((N_REL * n_pad, DIM), jnp.float32),
    )(x, rel_weight)


def _combine_body(p_ref, x_ref, sw_ref, m_ref, o_ref):
    self_msg = jnp.dot(x_ref[...], sw_ref[...], preferred_element_type=jnp.float32)
    o_ref[...] = p_ref[0] + p_ref[1] + m_ref[...] * self_msg


def _combine(partials, x, self_weight, maskf):
    nblk = 10
    blk = N_NODES // nblk
    return pl.pallas_call(
        _combine_body,
        grid=(nblk,),
        in_specs=[
            pl.BlockSpec((NC, blk, DIM), lambda i: (0, i, 0)),
            pl.BlockSpec((blk, DIM), lambda i: (i, 0)),
            pl.BlockSpec((DIM, DIM), lambda i: (0, 0)),
            pl.BlockSpec((blk, 1), lambda i: (i, 0)),
        ],
        out_specs=pl.BlockSpec((blk, DIM), lambda i: (i, 0)),
        out_shape=jax.ShapeDtypeStruct((N_NODES, DIM), jnp.float32),
    )(partials, x, self_weight, maskf)


def _sc_body(nchunk, y_hbm, gidx_hbm, tgt_hbm, ew_hbm, out_hbm,
             idx_v, ew_v, tb0, tb1, rows0, rows1, acc,
             tsem0, tsem1, gsem0, gsem1):
    c = lax.axis_index("c")
    s = lax.axis_index("s")
    wid = s * NC + c
    nstep = nchunk * 2

    pltpu.sync_copy(gidx_hbm.at[wid], idx_v)
    pltpu.sync_copy(ew_hbm.at[wid], ew_v)

    def zrow(i, _):
        for j in range(DIM // LANES):
            rows0[i, pl.ds(j * LANES, LANES)] = jnp.zeros((LANES,), jnp.float32)
        return 0
    lax.fori_loop(0, STEP, zrow, 0)

    rows_per_sub = N_ACC // NS
    for k in range(rows_per_sub // STEP):
        pltpu.sync_copy(rows0, acc.at[pl.ds(s * rows_per_sub + k * STEP, STEP)])
    plsc.subcore_barrier()

    tbs = (tb0, tb1)
    bufs = (rows0, rows1)
    tsems = (tsem0, tsem1)
    gsems = (gsem0, gsem1)

    def gather_idx(row, half):
        return idx_v.at[row, pl.ds(half * STEP, STEP)]

    def scale(buf, row, half):
        def scale_group(g, _):
            ew16 = ew_v[row, pl.ds(half * STEP + g * LANES, LANES)]
            for l in range(LANES):
                e = g * LANES + l
                w = ew16[l]
                for j in range(DIM // LANES):
                    sl = pl.ds(j * LANES, LANES)
                    buf[e, sl] = buf[e, sl] * w
            return 0
        lax.fori_loop(0, STEP // LANES, scale_group, 0)

    pltpu.async_copy(tgt_hbm.at[wid, 0], tb0, tsem0)
    pltpu.async_copy(tgt_hbm.at[wid, 1], tb1, tsem1)
    pltpu.async_copy(y_hbm.at[gather_idx(0, 0)], rows0, gsem0)

    def step_pair(i2, _):
        for k in range(2):
            j = i2 * 2 + k
            o = 1 - k

            @pl.when(j + 1 < nstep)
            def _():
                if k == 0:
                    g = gather_idx(i2, 1)
                else:
                    g = gather_idx(i2 + 1, 0)
                pltpu.async_copy(y_hbm.at[g], bufs[o], gsems[o])

            pltpu.make_async_copy(y_hbm.at[gather_idx(i2, k)], bufs[k],
                                  gsems[k]).wait()
            scale(bufs[k], i2, k)
            pltpu.make_async_copy(tgt_hbm.at[wid, j], tbs[k], tsems[k]).wait()
            pltpu.sync_copy(bufs[k], acc.at[tbs[k]], add=True)

            @pl.when(j + 2 < nstep)
            def _():
                pltpu.async_copy(tgt_hbm.at[wid, j + 2], tbs[k], tsems[k])
        return 0
    lax.fori_loop(0, nstep // 2, step_pair, 0)

    plsc.subcore_barrier()
    pltpu.sync_copy(acc.at[pl.ds(s * rows_per_sub, rows_per_sub)],
                    out_hbm.at[c, pl.ds(s * rows_per_sub, rows_per_sub)])


def _sc_edge_pass(y, gidx3, tgt3, ew3, nchunk):
    mesh = plsc.VectorSubcoreMesh(core_axis_name="c", subcore_axis_name="s")
    kern = pl.kernel(
        functools.partial(_sc_body, nchunk),
        out_type=jax.ShapeDtypeStruct((NC, N_ACC, DIM), jnp.float32),
        mesh=mesh,
        scratch_types=[
            pltpu.VMEM((nchunk, CHUNK), jnp.int32),
            pltpu.VMEM((nchunk, CHUNK), jnp.float32),
            pltpu.VMEM((STEP,), jnp.int32),
            pltpu.VMEM((STEP,), jnp.int32),
            pltpu.VMEM((STEP, DIM), jnp.float32),
            pltpu.VMEM((STEP, DIM), jnp.float32),
            pltpu.VMEM_SHARED((N_ACC, DIM), jnp.float32),
            pltpu.SemaphoreType.DMA,
            pltpu.SemaphoreType.DMA,
            pltpu.SemaphoreType.DMA,
            pltpu.SemaphoreType.DMA,
        ],
    )
    return kern(y, gidx3, tgt3, ew3)


def kernel(x, node_keep_mask, source, target, edge_type, edge_weights,
           rel_weight, self_weight):
    num_edges = source.shape[0]
    n_pad = N_NODES
    per_w = -(-num_edges // (NW * CHUNK)) * CHUNK
    e_pad = per_w * NW

    nchunk = per_w // CHUNK

    gidx = edge_type.astype(jnp.int32) * n_pad + source.astype(jnp.int32)
    gidx = jnp.pad(gidx, (0, e_pad - num_edges))
    tgt = jnp.pad(target.astype(jnp.int32), (0, e_pad - num_edges))
    ew = jnp.pad(edge_weights.astype(jnp.float32), (0, e_pad - num_edges))
    gidx3 = gidx.reshape(NW, nchunk, CHUNK)
    tgt3 = tgt.reshape(NW, nchunk * 2, STEP)
    ew3 = ew.reshape(NW, nchunk, CHUNK)

    y = _rel_transform(x, rel_weight, n_pad)
    partials = _sc_edge_pass(y, gidx3, tgt3, ew3, nchunk)
    maskf = node_keep_mask.astype(jnp.float32)[:, None]
    return _combine(partials, x, self_weight, maskf)

# --- scband reference (transcript-rebuilt; emitter-appended) ---
"""Pipeline reference for scband-relation-specific-message-passing-3367254360144 (READ-ONLY COPY).

The authoritative reference and input builder live on the scoring server;
editing this copy changes nothing except your own understanding.
"""

import jax, jax.numpy as jnp
import numpy as np

NUM_NODES = 10000
NUM_EDGES = 320000
DIM = 128
NUM_REL = 8


def setup_inputs(seed: int = 0) -> dict:
    key = jax.random.key(seed)
    ks = jax.random.split(key, 8)
    x = jax.random.normal(ks[0], (NUM_NODES, DIM), dtype=jnp.float32)
    node_keep_mask = jax.random.randint(ks[1], (NUM_NODES,), 0, 2) > 0
    source = jax.random.randint(ks[2], (NUM_EDGES,), 0, NUM_NODES, dtype=jnp.int32).astype(jnp.int64)
    target = jax.random.randint(ks[3], (NUM_EDGES,), 0, NUM_NODES, dtype=jnp.int32).astype(jnp.int64)
    edge_type = jax.random.randint(ks[4], (NUM_EDGES,), 0, NUM_REL, dtype=jnp.int32).astype(jnp.int64)
    edge_weights = jax.random.uniform(ks[5], (NUM_EDGES,), dtype=jnp.float32)
    # Learned parameters: one (input_dim x output_dim) matrix per relation, plus self-loop weight
    rel_weight = jax.random.normal(ks[6], (NUM_REL, DIM, DIM), dtype=jnp.float32) / np.sqrt(DIM)
    self_weight = jax.random.normal(ks[7], (DIM, DIM), dtype=jnp.float32) / np.sqrt(DIM)
    return {
        "x": x,
        "node_keep_mask": node_keep_mask,
        "source": source,
        "target": target,
        "edge_type": edge_type,
        "edge_weights": edge_weights,
        "rel_weight": rel_weight,
        "self_weight": self_weight,
    }


def reference(x, node_keep_mask, source, target, edge_type, edge_weights, rel_weight, self_weight):
    """Relation-specific message passing (RGCN-style realization of the abstract base).

    m_e = edge_weights[e] * x[source[e]]; per-relation scatter-add into target nodes,
    then relation-specific linear transform (aggregate-then-transform, equivalent to
    transform-then-aggregate for sum aggregation); self-loop with node_keep_mask dropout.
    """
    num_nodes = x.shape[0]
    num_rel = rel_weight.shape[0]
    out_dim = rel_weight.shape[2]
    msgs = jnp.take(x, source, axis=0) * edge_weights[:, None]  # (E, d_in) gather
    out = jnp.zeros((num_nodes, out_dim), dtype=x.dtype)
    for r in range(num_rel):
        rel_mask = (edge_type == r).astype(x.dtype)
        agg = jax.ops.segment_sum(msgs * rel_mask[:, None], target, num_segments=num_nodes)
        out = out + agg @ rel_weight[r]
    self_msg = x @ self_weight
    out = out + jnp.where(node_keep_mask[:, None], self_msg, jnp.zeros_like(self_msg))
    return out

if __name__ == "__main__":
    import jax
    _d = setup_inputs()
    print(jax.jit(kernel)(*tuple(_d.values())))

</pallas_src>

<mosaic_0001>
#map = affine_map<(d0, d1) -> (0, 0)>
#map1 = affine_map<(d0, d1) -> (0, 0, 0)>
module attributes {stable_mosaic.version = 14 : i64} {
  func.func @_sc_body(%arg0: i32, %arg1: i32, %arg2: memref<80000x128xf32, #tpu.memory_space<hbm>>, %arg3: memref<32x79x128xi32, #tpu.memory_space<hbm>>, %arg4: memref<32x158x64xi32, #tpu.memory_space<hbm>>, %arg5: memref<32x79x128xf32, #tpu.memory_space<hbm>>, %arg6: memref<2x10240x128xf32, #tpu.memory_space<hbm>>, %arg7: memref<79x128xi32, #tpu.memory_space<vmem>>, %arg8: memref<79x128xf32, #tpu.memory_space<vmem>>, %arg9: memref<64xi32, #tpu.memory_space<vmem>>, %arg10: memref<64xi32, #tpu.memory_space<vmem>>, %arg11: memref<64x128xf32, #tpu.memory_space<vmem>>, %arg12: memref<64x128xf32, #tpu.memory_space<vmem>>, %arg13: memref<10240x128xf32, #tpu.memory_space<vmem_shared>>, %arg14: memref<!tpu.dma_semaphore, #tpu.memory_space<semaphore_mem>>, %arg15: memref<!tpu.dma_semaphore, #tpu.memory_space<semaphore_mem>>, %arg16: memref<!tpu.dma_semaphore, #tpu.memory_space<semaphore_mem>>, %arg17: memref<!tpu.dma_semaphore, #tpu.memory_space<semaphore_mem>>) attributes {dimension_semantics = [#tpu.dimension_semantics<core_parallel>, #tpu.dimension_semantics<subcore_parallel>], iteration_bounds = array<i64: 2, 16>, scalar_prefetch = 0 : i64, scratch_operands = 11 : i64, tpu.core_type = #tpu.core_type<sc_vector_subcore>, window_params = [{transform_indices = #map}, {transform_indices = #map1}, {transform_indices = #map1}, {transform_indices = #map1}, {transform_indices = #map1}]} {
    %mul3A = arith.constant 2 : i32
    %mul3A_0 = arith.muli %arg1, %mul3A : i32
    %add3A = arith.addi %mul3A_0, %arg0 : i32
    "tpu.region"() ({
      %run_scoped3A = tpu.sem_alloc : memref<!tpu.dma_semaphore, #tpu.memory_space<semaphore_mem>>
      %dma_start3A_79 = arith.constant 0 : i32
      %dma_start3A_80 = arith.constant 0 : i32
      %dma_start3A_81 = tpu.memref_slice %arg3[%add3A, %dma_start3A_79, %dma_start3A_80] : memref<32x79x128xi32, #tpu.memory_space<hbm>> -> memref<1x79x128xi32, #tpu.memory_space<hbm>>
      %dma_start3A_82 = tpu.memref_squeeze %dma_start3A_81 : memref<1x79x128xi32, #tpu.memory_space<hbm>> -> memref<79x128xi32, #tpu.memory_space<hbm>>
      %dma_start3A_83 = arith.constant 0 : i32
      %dma_start3A_84 = arith.constant 0 : i32
      %dma_start3A_85 = tpu.memref_slice %arg3[%add3A, %dma_start3A_83, %dma_start3A_84] : memref<32x79x128xi32, #tpu.memory_space<hbm>> -> memref<1x79x128xi32, #tpu.memory_space<hbm>>
      %dma_start3A_86 = tpu.memref_squeeze %dma_start3A_85 : memref<1x79x128xi32, #tpu.memory_space<hbm>> -> memref<79x128xi32, #tpu.memory_space<hbm>>
      tpu.enqueue_dma source(%dma_start3A_86 : memref<79x128xi32, #tpu.memory_space<hbm>>) target(%arg7 : memref<79x128xi32, #tpu.memory_space<vmem>>) target_semaphore(%run_scoped3A : memref<!tpu.dma_semaphore, #tpu.memory_space<semaphore_mem>>)
      %dma_wait3A = arith.constant 0 : i32
      %dma_wait3A_87 = arith.constant 0 : i32
      %dma_wait3A_88 = tpu.memref_slice %arg3[%add3A, %dma_wait3A, %dma_wait3A_87] : memref<32x79x128xi32, #tpu.memory_space<hbm>> -> memref<1x79x128xi32, #tpu.memory_space<hbm>>
      %dma_wait3A_89 = tpu.memref_squeeze %dma_wait3A_88 : memref<1x79x128xi32, #tpu.memory_space<hbm>> -> memref<79x128xi32, #tpu.memory_space<hbm>>
      %dma_wait3A_90 = arith.constant 0 : i32
      %dma_wait3A_91 = arith.constant 0 : i32
      %dma_wait3A_92 = tpu.memref_slice %arg3[%add3A, %dma_wait3A_90, %dma_wait3A_91] : memref<32x79x128xi32, #tpu.memory_space<hbm>> -> memref<1x79x128xi32, #tpu.memory_space<hbm>>
      %dma_wait3A_93 = tpu.memref_squeeze %dma_wait3A_92 : memref<1x79x128xi32, #tpu.memory_space<hbm>> -> memref<79x128xi32, #tpu.memory_space<hbm>>
      tpu.wait_dma2 semaphore(%run_scoped3A : memref<!tpu.dma_semaphore, #tpu.memory_space<semaphore_mem>>) src(%dma_wait3A_93 : memref<79x128xi32, #tpu.memory_space<hbm>>) dst(%arg7 : memref<79x128xi32, #tpu.memory_space<vmem>>)
      tpu.yield
    }) : () -> ()
    "tpu.region"() ({
      %run_scoped3A = tpu.sem_alloc : memref<!tpu.dma_semaphore, #tpu.memory_space<semaphore_mem>>
      %dma_start3A_79 = arith.constant 0 : i32
      %dma_start3A_80 = arith.constant 0 : i32
      %dma_start3A_81 = tpu.memref_slice %arg5[%add3A, %dma_start3A_79, %dma_start3A_80] : memref<32x79x128xf32, #tpu.memory_space<hbm>> -> memref<1x79x128xf32, #tpu.memory_space<hbm>>
      %dma_start3A_82 = tpu.memref_squeeze %dma_start3A_81 : memref<1x79x128xf32, #tpu.memory_space<hbm>> -> memref<79x128xf32, #tpu.memory_space<hbm>>
      %dma_start3A_83 = arith.constant 0 : i32
      %dma_start3A_84 = arith.constant 0 : i32
      %dma_start3A_85 = tpu.memref_slice %arg5[%add3A, %dma_start3A_83, %dma_start3A_84] : memref<32x79x128xf32, #tpu.memory_space<hbm>> -> memref<1x79x128xf32, #tpu.memory_space<hbm>>
      %dma_start3A_86 = tpu.memref_squeeze %dma_start3A_85 : memref<1x79x128xf32, #tpu.memory_space<hbm>> -> memref<79x128xf32, #tpu.memory_space<hbm>>
      tpu.enqueue_dma source(%dma_start3A_86 : memref<79x128xf32, #tpu.memory_space<hbm>>) target(%arg8 : memref<79x128xf32, #tpu.memory_space<vmem>>) target_semaphore(%run_scoped3A : memref<!tpu.dma_semaphore, #tpu.memory_space<semaphore_mem>>)
      %dma_wait3A = arith.constant 0 : i32
      %dma_wait3A_87 = arith.constant 0 : i32
      %dma_wait3A_88 = tpu.memref_slice %arg5[%add3A, %dma_wait3A, %dma_wait3A_87] : memref<32x79x128xf32, #tpu.memory_space<hbm>> -> memref<1x79x128xf32, #tpu.memory_space<hbm>>
      %dma_wait3A_89 = tpu.memref_squeeze %dma_wait3A_88 : memref<1x79x128xf32, #tpu.memory_space<hbm>> -> memref<79x128xf32, #tpu.memory_space<hbm>>
      %dma_wait3A_90 = arith.constant 0 : i32
      %dma_wait3A_91 = arith.constant 0 : i32
      %dma_wait3A_92 = tpu.memref_slice %arg5[%add3A, %dma_wait3A_90, %dma_wait3A_91] : memref<32x79x128xf32, #tpu.memory_space<hbm>> -> memref<1x79x128xf32, #tpu.memory_space<hbm>>
      %dma_wait3A_93 = tpu.memref_squeeze %dma_wait3A_92 : memref<1x79x128xf32, #tpu.memory_space<hbm>> -> memref<79x128xf32, #tpu.memory_space<hbm>>
      tpu.wait_dma2 semaphore(%run_scoped3A : memref<!tpu.dma_semaphore, #tpu.memory_space<semaphore_mem>>) src(%dma_wait3A_93 : memref<79x128xf32, #tpu.memory_space<hbm>>) dst(%arg8 : memref<79x128xf32, #tpu.memory_space<vmem>>)
      tpu.yield
    }) : () -> ()
    %scan3A = arith.constant 0 : i32
    %scan3A_1 = arith.constant 0 : i32
    %scan3A_2 = arith.constant 64 : i32
    %scan3A_3 = arith.addi %scan3A_1, %scan3A_2 : i32
    %scan3A_4 = arith.constant 1 : i32
    %scan3A_5 = scf.for %scan3A_79 = %scan3A_1 to %scan3A_3 step %scan3A_4 iter_args(%scan3A_80 = %scan3A) -> (i32)  : i32 {
      %broadcast_in_dim3A = arith.constant 0.000000e+00 : f32
      %broadcast_in_dim3A_81 = vector.broadcast %broadcast_in_dim3A : f32 to vector<16xf32>
      %swap3A = arith.index_cast %scan3A_79 : i32 to index
      %swap3A_82 = arith.constant 0 : index
      %swap3A_83 = tpu.vector_load %arg11[%swap3A, %swap3A_82] {strides = array<i32>} : memref<64x128xf32, #tpu.memory_space<vmem>>, vector<1x16xf32>,
      %swap3A_84 = vector.shape_cast %swap3A_83 : vector<1x16xf32> to vector<16xf32>
      %swap3A_85 = vector.shape_cast %broadcast_in_dim3A_81 : vector<16xf32> to vector<1x16xf32>
      tpu.vector_store %arg11[%swap3A, %swap3A_82], %swap3A_85 {strides = array<i32>} : memref<64x128xf32, #tpu.memory_space<vmem>>, vector<1x16xf32>,
      %broadcast_in_dim3A_86 = arith.constant 0.000000e+00 : f32
      %broadcast_in_dim3A_87 = vector.broadcast %broadcast_in_dim3A_86 : f32 to vector<16xf32>
      %swap3A_88 = arith.index_cast %scan3A_79 : i32 to index
      %swap3A_89 = arith.constant 16 : index
      %swap3A_90 = tpu.vector_load %arg11[%swap3A_88, %swap3A_89] {strides = array<i32>} : memref<64x128xf32, #tpu.memory_space<vmem>>, vector<1x16xf32>,
      %swap3A_91 = vector.shape_cast %swap3A_90 : vector<1x16xf32> to vector<16xf32>
      %swap3A_92 = vector.shape_cast %broadcast_in_dim3A_87 : vector<16xf32> to vector<1x16xf32>
      tpu.vector_store %arg11[%swap3A_88, %swap3A_89], %swap3A_92 {strides = array<i32>} : memref<64x128xf32, #tpu.memory_space<vmem>>, vector<1x16xf32>,
      %broadcast_in_dim3A_93 = arith.constant 0.000000e+00 : f32
      %broadcast_in_dim3A_94 = vector.broadcast %broadcast_in_dim3A_93 : f32 to vector<16xf32>
      %swap3A_95 = arith.index_cast %scan3A_79 : i32 to index
      %swap3A_96 = arith.constant 32 : index
      %swap3A_97 = tpu.vector_load %arg11[%swap3A_95, %swap3A_96] {strides = array<i32>} : memref<64x128xf32, #tpu.memory_space<vmem>>, vector<1x16xf32>,
      %swap3A_98 = vector.shape_cast %swap3A_97 : vector<1x16xf32> to vector<16xf32>
      %swap3A_99 = vector.shape_cast %broadcast_in_dim3A_94 : vector<16xf32> to vector<1x16xf32>
      tpu.vector_store %arg11[%swap3A_95, %swap3A_96], %swap3A_99 {strides = array<i32>} : memref<64x128xf32, #tpu.memory_space<vmem>>, vector<1x16xf32>,
      %broadcast_in_dim3A_100 = arith.constant 0.000000e+00 : f32
      %broadcast_in_dim3A_101 = vector.broadcast %broadcast_in_dim3A_100 : f32 to vector<16xf32>
      %swap3A_102 = arith.index_cast %scan3A_79 : i32 to index
      %swap3A_103 = arith.constant 48 : index
      %swap3A_104 = tpu.vector_load %arg11[%swap3A_102, %swap3A_103] {strides = array<i32>} : memref<64x128xf32, #tpu.memory_space<vmem>>, vector<1x16xf32>,
      %swap3A_105 = vector.shape_cast %swap3A_104 : vector<1x16xf32> to vector<16xf32>
      %swap3A_106 = vector.shape_cast %broadcast_in_dim3A_101 : vector<16xf32> to vector<1x16xf32>
      tpu.vector_store %arg11[%swap3A_102, %swap3A_103], %swap3A_106 {strides = array<i32>} : memref<64x128xf32, #tpu.memory_space<vmem>>, vector<1x16xf32>,
      %broadcast_in_dim3A_107 = arith.constant 0.000000e+00 : f32
      %broadcast_in_dim3A_108 = vector.broadcast %broadcast_in_dim3A_107 : f32 to vector<16xf32>
      %swap3A_109 = arith.index_cast %scan3A_79 : i32 to index
      %swap3A_110 = arith.constant 64 : index
      %swap3A_111 = tpu.vector_load %arg11[%swap3A_109, %swap3A_110] {strides = array<i32>} : memref<64x128xf32, #tpu.memory_space<vmem>>, vector<1x16xf32>,
      %swap3A_112 = vector.shape_cast %swap3A_111 : vector<1x16xf32> to vector<16xf32>
      %swap3A_113 = vector.shape_cast %broadcast_in_dim3A_108 : vector<16xf32> to vector<1x16xf32>
      tpu.vector_store %arg11[%swap3A_109, %swap3A_110], %swap3A_113 {strides = array<i32>} : memref<64x128xf32, #tpu.memory_space<vmem>>, vector<1x16xf32>,
      %broadcast_in_dim3A_114 = arith.constant 0.000000e+00 : f32
      %broadcast_in_dim3A_115 = vector.broadcast %broadcast_in_dim3A_114 : f32 to vector<16xf32>
      %swap3A_116 = arith.index_cast %scan3A_79 : i32 to index
      %swap3A_117 = arith.constant 80 : index
      %swap3A_118 = tpu.vector_load %arg11[%swap3A_116, %swap3A_117] {strides = array<i32>} : memref<64x128xf32, #tpu.memory_space<vmem>>, vector<1x16xf32>,
      %swap3A_119 = vector.shape_cast %swap3A_118 : vector<1x16xf32> to vector<16xf32>
      %swap3A_120 = vector.shape_cast %broadcast_in_dim3A_115 : vector<16xf32> to vector<1x16xf32>
      tpu.vector_store %arg11[%swap3A_116, %swap3A_117], %swap3A_120 {strides = array<i32>} : memref<64x128xf32, #tpu.memory_space<vmem>>, vector<1x16xf32>,
      %broadcast_in_dim3A_121 = arith.constant 0.000000e+00 : f32
      %broadcast_in_dim3A_122 = vector.broadcast %broadcast_in_dim3A_121 : f32 to vector<16xf32>
      %swap3A_123 = arith.index_cast %scan3A_79 : i32 to index
      %swap3A_124 = arith.constant 96 : index
      %swap3A_125 = tpu.vector_load %arg11[%swap3A_123, %swap3A_124] {strides = array<i32>} : memref<64x128xf32, #tpu.memory_space<vmem>>, vector<1x16xf32>,
      %swap3A_126 = vector.shape_cast %swap3A_125 : vector<1x16xf32> to vector<16xf32>
      %swap3A_127 = vector.shape_cast %broadcast_in_dim3A_122 : vector<16xf32> to vector<1x16xf32>
      tpu.vector_store %arg11[%swap3A_123, %swap3A_124], %swap3A_127 {strides = array<i32>} : memref<64x128xf32, #tpu.memory_space<vmem>>, vector<1x16xf32>,
      %broadcast_in_dim3A_128 = arith.constant 0.000000e+00 : f32
      %broadcast_in_dim3A_129 = vector.broadcast %broadcast_in_dim3A_128 : f32 to vector<16xf32>
      %swap3A_130 = arith.index_cast %scan3A_79 : i32 to index
      %swap3A_131 = arith.constant 112 : index
      %swap3A_132 = tpu.vector_load %arg11[%swap3A_130, %swap3A_131] {strides = array<i32>} : memref<64x128xf32, #tpu.memory_space<vmem>>, vector<1x16xf32>,
      %swap3A_133 = vector.shape_cast %swap3A_132 : vector<1x16xf32> to vector<16xf32>
      %swap3A_134 = vector.shape_cast %broadcast_in_dim3A_129 : vector<16xf32> to vector<1x16xf32>
      tpu.vector_store %arg11[%swap3A_130, %swap3A_131], %swap3A_134 {strides = array<i32>} : memref<64x128xf32, #tpu.memory_space<vmem>>, vector<1x16xf32>,
      %scan3A_135 = arith.constant 0 : i32
      scf.yield %scan3A_135 : i32
    }
    %scan3A_6 = arith.constant 64 : i32
    %mul3A_7 = arith.constant 640 : i32
    %mul3A_8 = arith.muli %arg1, %mul3A_7 : i32
    %add3A_9 = arith.constant 0 : i32
    %add3A_10 = arith.addi %mul3A_8, %add3A_9 : i32
    "tpu.region"() ({
      %run_scoped3A = tpu.sem_alloc : memref<!tpu.dma_semaphore, #tpu.memory_space<semaphore_mem>>
      %dma_start3A_79 = arith.constant 0 : i32
      %dma_start3A_80 = tpu.memref_slice %arg13[%add3A_10, %dma_start3A_79] : memref<10240x128xf32, #tpu.memory_space<vmem_shared>> -> memref<64x128xf32, #tpu.memory_space<vmem_shared>>
      %dma_start3A_81 = arith.constant 0 : i32
      %dma_start3A_82 = tpu.memref_slice %arg13[%add3A_10, %dma_start3A_81] : memref<10240x128xf32, #tpu.memory_space<vmem_shared>> -> memref<64x128xf32, #tpu.memory_space<vmem_shared>>
      tpu.enqueue_dma source(%arg11 : memref<64x128xf32, #tpu.memory_space<vmem>>) target(%dma_start3A_82 : memref<64x128xf32, #tpu.memory_space<vmem_shared>>) target_semaphore(%run_scoped3A : memref<!tpu.dma_semaphore, #tpu.memory_space<semaphore_mem>>)
      %dma_wait3A = arith.constant 0 : i32
      %dma_wait3A_83 = tpu.memref_slice %arg13[%add3A_10, %dma_wait3A] : memref<10240x128xf32, #tpu.memory_space<vmem_shared>> -> memref<64x128xf32, #tpu.memory_space<vmem_shared>>
      %dma_wait3A_84 = arith.constant 0 : i32
      %dma_wait3A_85 = tpu.memref_slice %arg13[%add3A_10, %dma_wait3A_84] : memref<10240x128xf32, #tpu.memory_space<vmem_shared>> -> memref<64x128xf32, #tpu.memory_space<vmem_shared>>
      tpu.wait_dma2 semaphore(%run_scoped3A : memref<!tpu.dma_semaphore, #tpu.memory_space<semaphore_mem>>) src(%arg11 : memref<64x128xf32, #tpu.memory_space<vmem>>) dst(%dma_wait3A_85 : memref<64x128xf32, #tpu.memory_space<vmem_shared>>)
      tpu.yield
    }) : () -> ()
    %mul3A_11 = arith.constant 640 : i32
    %mul3A_12 = arith.muli %arg1, %mul3A_11 : i32
    %add3A_13 = arith.constant 64 : i32
    %add3A_14 = arith.addi %mul3A_12, %add3A_13 : i32
    "tpu.region"() ({
      %run_scoped3A = tpu.sem_alloc : memref<!tpu.dma_semaphore, #tpu.memory_space<semaphore_mem>>
      %dma_start3A_79 = arith.constant 0 : i32
      %dma_start3A_80 = tpu.memref_slice %arg13[%add3A_14, %dma_start3A_79] : memref<10240x128xf32, #tpu.memory_space<vmem_shared>> -> memref<64x128xf32, #tpu.memory_space<vmem_shared>>
      %dma_start3A_81 = arith.constant 0 : i32
      %dma_start3A_82 = tpu.memref_slice %arg13[%add3A_14, %dma_start3A_81] : memref<10240x128xf32, #tpu.memory_space<vmem_shared>> -> memref<64x128xf32, #tpu.memory_space<vmem_shared>>
      tpu.enqueue_dma source(%arg11 : memref<64x128xf32, #tpu.memory_space<vmem>>) target(%dma_start3A_82 : memref<64x128xf32, #tpu.memory_space<vmem_shared>>) target_semaphore(%run_scoped3A : memref<!tpu.dma_semaphore, #tpu.memory_space<semaphore_mem>>)
      %dma_wait3A = arith.constant 0 : i32
      %dma_wait3A_83 = tpu.memref_slice %arg13[%add3A_14, %dma_wait3A] : memref<10240x128xf32, #tpu.memory_space<vmem_shared>> -> memref<64x128xf32, #tpu.memory_space<vmem_shared>>
      %dma_wait3A_84 = arith.constant 0 : i32
      %dma_wait3A_85 = tpu.memref_slice %arg13[%add3A_14, %dma_wait3A_84] : memref<10240x128xf32, #tpu.memory_space<vmem_shared>> -> memref<64x128xf32, #tpu.memory_space<vmem_shared>>
      tpu.wait_dma2 semaphore(%run_scoped3A : memref<!tpu.dma_semaphore, #tpu.memory_space<semaphore_mem>>) src(%arg11 : memref<64x128xf32, #tpu.memory_space<vmem>>) dst(%dma_wait3A_85 : memref<64x128xf32, #tpu.memory_space<vmem_shared>>)
      tpu.yield
    }) : () -> ()
    %mul3A_15 = arith.constant 640 : i32
    %mul3A_16 = arith.muli %arg1, %mul3A_15 : i32
    %add3A_17 = arith.constant 128 : i32
    %add3A_18 = arith.addi %mul3A_16, %add3A_17 : i32
    "tpu.region"() ({
      %run_scoped3A = tpu.sem_alloc : memref<!tpu.dma_semaphore, #tpu.memory_space<semaphore_mem>>
      %dma_start3A_79 = arith.constant 0 : i32
      %dma_start3A_80 = tpu.memref_slice %arg13[%add3A_18, %dma_start3A_79] : memref<10240x128xf32, #tpu.memory_space<vmem_shared>> -> memref<64x128xf32, #tpu.memory_space<vmem_shared>>
      %dma_start3A_81 = arith.constant 0 : i32
      %dma_start3A_82 = tpu.memref_slice %arg13[%add3A_18, %dma_start3A_81] : memref<10240x128xf32, #tpu.memory_space<vmem_shared>> -> memref<64x128xf32, #tpu.memory_space<vmem_shared>>
      tpu.enqueue_dma source(%arg11 : memref<64x128xf32, #tpu.memory_space<vmem>>) target(%dma_start3A_82 : memref<64x128xf32, #tpu.memory_space<vmem_shared>>) target_semaphore(%run_scoped3A : memref<!tpu.dma_semaphore, #tpu.memory_space<semaphore_mem>>)
      %dma_wait3A = arith.constant 0 : i32
      %dma_wait3A_83 = tpu.memref_slice %arg13[%add3A_18, %dma_wait3A] : memref<10240x128xf32, #tpu.memory_space<vmem_shared>> -> memref<64x128xf32, #tpu.memory_space<vmem_shared>>
      %dma_wait3A_84 = arith.constant 0 : i32
      %dma_wait3A_85 = tpu.memref_slice %arg13[%add3A_18, %dma_wait3A_84] : memref<10240x128xf32, #tpu.memory_space<vmem_shared>> -> memref<64x128xf32, #tpu.memory_space<vmem_shared>>
      tpu.wait_dma2 semaphore(%run_scoped3A : memref<!tpu.dma_semaphore, #tpu.memory_space<semaphore_mem>>) src(%arg11 : memref<64x128xf32, #tpu.memory_space<vmem>>) dst(%dma_wait3A_85 : memref<64x128xf32, #tpu.memory_space<vmem_shared>>)
      tpu.yield
    }) : () -> ()
    %mul3A_19 = arith.constant 640 : i32
    %mul3A_20 = arith.muli %arg1, %mul3A_19 : i32
    %add3A_21 = arith.constant 192 : i32
    %add3A_22 = arith.addi %mul3A_20, %add3A_21 : i32
    "tpu.region"() ({
      %run_scoped3A = tpu.sem_alloc : memref<!tpu.dma_semaphore, #tpu.memory_space<semaphore_mem>>
      %dma_start3A_79 = arith.constant 0 : i32
      %dma_start3A_80 = tpu.memref_slice %arg13[%add3A_22, %dma_start3A_79] : memref<10240x128xf32, #tpu.memory_space<vmem_shared>> -> memref<64x128xf32, #tpu.memory_space<vmem_shared>>
      %dma_start3A_81 = arith.constant 0 : i32
      %dma_start3A_82 = tpu.memref_slice %arg13[%add3A_22, %dma_start3A_81] : memref<10240x128xf32, #tpu.memory_space<vmem_shared>> -> memref<64x128xf32, #tpu.memory_space<vmem_shared>>
      tpu.enqueue_dma source(%arg11 : memref<64x128xf32, #tpu.memory_space<vmem>>) target(%dma_start3A_82 : memref<64x128xf32, #tpu.memory_space<vmem_shared>>) target_semaphore(%run_scoped3A : memref<!tpu.dma_semaphore, #tpu.memory_space<semaphore_mem>>)
      %dma_wait3A = arith.constant 0 : i32
      %dma_wait3A_83 = tpu.memref_slice %arg13[%add3A_22, %dma_wait3A] : memref<10240x128xf32, #tpu.memory_space<vmem_shared>> -> memref<64x128xf32, #tpu.memory_space<vmem_shared>>
      %dma_wait3A_84 = arith.constant 0 : i32
      %dma_wait3A_85 = tpu.memref_slice %arg13[%add3A_22, %dma_wait3A_84] : memref<10240x128xf32, #tpu.memory_space<vmem_shared>> -> memref<64x128xf32, #tpu.memory_space<vmem_shared>>
      tpu.wait_dma2 semaphore(%run_scoped3A : memref<!tpu.dma_semaphore, #tpu.memory_space<semaphore_mem>>) src(%arg11 : memref<64x128xf32, #tpu.memory_space<vmem>>) dst(%dma_wait3A_85 : memref<64x128xf32, #tpu.memory_space<vmem_shared>>)
      tpu.yield
    }) : () -> ()
    %mul3A_23 = arith.constant 640 : i32
    %mul3A_24 = arith.muli %arg1, %mul3A_23 : i32
    %add3A_25 = arith.constant 256 : i32
    %add3A_26 = arith.addi %mul3A_24, %add3A_25 : i32
    "tpu.region"() ({
      %run_scoped3A = tpu.sem_alloc : memref<!tpu.dma_semaphore, #tpu.memory_space<semaphore_mem>>
      %dma_start3A_79 = arith.constant 0 : i32
      %dma_start3A_80 = tpu.memref_slice %arg13[%add3A_26, %dma_start3A_79] : memref<10240x128xf32, #tpu.memory_space<vmem_shared>> -> memref<64x128xf32, #tpu.memory_space<vmem_shared>>
      %dma_start3A_81 = arith.constant 0 : i32
      %dma_start3A_82 = tpu.memref_slice %arg13[%add3A_26, %dma_start3A_81] : memref<10240x128xf32, #tpu.memory_space<vmem_shared>> -> memref<64x128xf32, #tpu.memory_space<vmem_shared>>
      tpu.enqueue_dma source(%arg11 : memref<64x128xf32, #tpu.memory_space<vmem>>) target(%dma_start3A_82 : memref<64x128xf32, #tpu.memory_space<vmem_shared>>) target_semaphore(%run_scoped3A : memref<!tpu.dma_semaphore, #tpu.memory_space<semaphore_mem>>)
      %dma_wait3A = arith.constant 0 : i32
      %dma_wait3A_83 = tpu.memref_slice %arg13[%add3A_26, %dma_wait3A] : memref<10240x128xf32, #tpu.memory_space<vmem_shared>> -> memref<64x128xf32, #tpu.memory_space<vmem_shared>>
      %dma_wait3A_84 = arith.constant 0 : i32
      %dma_wait3A_85 = tpu.memref_slice %arg13[%add3A_26, %dma_wait3A_84] : memref<10240x128xf32, #tpu.memory_space<vmem_shared>> -> memref<64x128xf32, #tpu.memory_space<vmem_shared>>
      tpu.wait_dma2 semaphore(%run_scoped3A : memref<!tpu.dma_semaphore, #tpu.memory_space<semaphore_mem>>) src(%arg11 : memref<64x128xf32, #tpu.memory_space<vmem>>) dst(%dma_wait3A_85 : memref<64x128xf32, #tpu.memory_space<vmem_shared>>)
      tpu.yield
    }) : () -> ()
    %mul3A_27 = arith.constant 640 : i32
    %mul3A_28 = arith.muli %arg1, %mul3A_27 : i32
    %add3A_29 = arith.constant 320 : i32
    %add3A_30 = arith.addi %mul3A_28, %add3A_29 : i32
    "tpu.region"() ({
      %run_scoped3A = tpu.sem_alloc : memref<!tpu.dma_semaphore, #tpu.memory_space<semaphore_mem>>
      %dma_start3A_79 = arith.constant 0 : i32
      %dma_start3A_80 = tpu.memref_slice %arg13[%add3A_30, %dma_start3A_79] : memref<10240x128xf32, #tpu.memory_space<vmem_shared>> -> memref<64x128xf32, #tpu.memory_space<vmem_shared>>
      %dma_start3A_81 = arith.constant 0 : i32
      %dma_start3A_82 = tpu.memref_slice %arg13[%add3A_30, %dma_start3A_81] : memref<10240x128xf32, #tpu.memory_space<vmem_shared>> -> memref<64x128xf32, #tpu.memory_space<vmem_shared>>
      tpu.enqueue_dma source(%arg11 : memref<64x128xf32, #tpu.memory_space<vmem>>) target(%dma_start3A_82 : memref<64x128xf32, #tpu.memory_space<vmem_shared>>) target_semaphore(%run_scoped3A : memref<!tpu.dma_semaphore, #tpu.memory_space<semaphore_mem>>)
      %dma_wait3A = arith.constant 0 : i32
      %dma_wait3A_83 = tpu.memref_slice %arg13[%add3A_30, %dma_wait3A] : memref<10240x128xf32, #tpu.memory_space<vmem_shared>> -> memref<64x128xf32, #tpu.memory_space<vmem_shared>>
      %dma_wait3A_84 = arith.constant 0 : i32
      %dma_wait3A_85 = tpu.memref_slice %arg13[%add3A_30, %dma_wait3A_84] : memref<10240x128xf32, #tpu.memory_space<vmem_shared>> -> memref<64x128xf32, #tpu.memory_space<vmem_shared>>
      tpu.wait_dma2 semaphore(%run_scoped3A : memref<!tpu.dma_semaphore, #tpu.memory_space<semaphore_mem>>) src(%arg11 : memref<64x128xf32, #tpu.memory_space<vmem>>) dst(%dma_wait3A_85 : memref<64x128xf32, #tpu.memory_space<vmem_shared>>)
      tpu.yield
    }) : () -> ()
    %mul3A_31 = arith.constant 640 : i32
    %mul3A_32 = arith.muli %arg1, %mul3A_31 : i32
    %add3A_33 = arith.constant 384 : i32
    %add3A_34 = arith.addi %mul3A_32, %add3A_33 : i32
    "tpu.region"() ({
      %run_scoped3A = tpu.sem_alloc : memref<!tpu.dma_semaphore, #tpu.memory_space<semaphore_mem>>
      %dma_start3A_79 = arith.constant 0 : i32
      %dma_start3A_80 = tpu.memref_slice %arg13[%add3A_34, %dma_start3A_79] : memref<10240x128xf32, #tpu.memory_space<vmem_shared>> -> memref<64x128xf32, #tpu.memory_space<vmem_shared>>
      %dma_start3A_81 = arith.constant 0 : i32
      %dma_start3A_82 = tpu.memref_slice %arg13[%add3A_34, %dma_start3A_81] : memref<10240x128xf32, #tpu.memory_space<vmem_shared>> -> memref<64x128xf32, #tpu.memory_space<vmem_shared>>
      tpu.enqueue_dma source(%arg11 : memref<64x128xf32, #tpu.memory_space<vmem>>) target(%dma_start3A_82 : memref<64x128xf32, #tpu.memory_space<vmem_shared>>) target_semaphore(%run_scoped3A : memref<!tpu.dma_semaphore, #tpu.memory_space<semaphore_mem>>)
      %dma_wait3A = arith.constant 0 : i32
      %dma_wait3A_83 = tpu.memref_slice %arg13[%add3A_34, %dma_wait3A] : memref<10240x128xf32, #tpu.memory_space<vmem_shared>> -> memref<64x128xf32, #tpu.memory_space<vmem_shared>>
      %dma_wait3A_84 = arith.constant 0 : i32
      %dma_wait3A_85 = tpu.memref_slice %arg13[%add3A_34, %dma_wait3A_84] : memref<10240x128xf32, #tpu.memory_space<vmem_shared>> -> memref<64x128xf32, #tpu.memory_space<vmem_shared>>
      tpu.wait_dma2 semaphore(%run_scoped3A : memref<!tpu.dma_semaphore, #tpu.memory_space<semaphore_mem>>) src(%arg11 : memref<64x128xf32, #tpu.memory_space<vmem>>) dst(%dma_wait3A_85 : memref<64x128xf32, #tpu.memory_space<vmem_shared>>)
      tpu.yield
    }) : () -> ()
    %mul3A_35 = arith.constant 640 : i32
    %mul3A_36 = arith.muli %arg1, %mul3A_35 : i32
    %add3A_37 = arith.constant 448 : i32
    %add3A_38 = arith.addi %mul3A_36, %add3A_37 : i32
    "tpu.region"() ({
      %run_scoped3A = tpu.sem_alloc : memref<!tpu.dma_semaphore, #tpu.memory_space<semaphore_mem>>
      %dma_start3A_79 = arith.constant 0 : i32
      %dma_start3A_80 = tpu.memref_slice %arg13[%add3A_38, %dma_start3A_79] : memref<10240x128xf32, #tpu.memory_space<vmem_shared>> -> memref<64x128xf32, #tpu.memory_space<vmem_shared>>
      %dma_start3A_81 = arith.constant 0 : i32
      %dma_start3A_82 = tpu.memref_slice %arg13[%add3A_38, %dma_start3A_81] : memref<10240x128xf32, #tpu.memory_space<vmem_shared>> -> memref<64x128xf32, #tpu.memory_space<vmem_shared>>
      tpu.enqueue_dma source(%arg11 : memref<64x128xf32, #tpu.memory_space<vmem>>) target(%dma_start3A_82 : memref<64x128xf32, #tpu.memory_space<vmem_shared>>) target_semaphore(%run_scoped3A : memref<!tpu.dma_semaphore, #tpu.memory_space<semaphore_mem>>)
      %dma_wait3A = arith.constant 0 : i32
      %dma_wait3A_83 = tpu.memref_slice %arg13[%add3A_38, %dma_wait3A] : memref<10240x128xf32, #tpu.memory_space<vmem_shared>> -> memref<64x128xf32, #tpu.memory_space<vmem_shared>>
      %dma_wait3A_84 = arith.constant 0 : i32
      %dma_wait3A_85 = tpu.memref_slice %arg13[%add3A_38, %dma_wait3A_84] : memref<10240x128xf32, #tpu.memory_space<vmem_shared>> -> memref<64x128xf32, #tpu.memory_space<vmem_shared>>
      tpu.wait_dma2 semaphore(%run_scoped3A : memref<!tpu.dma_semaphore, #tpu.memory_space<semaphore_mem>>) src(%arg11 : memref<64x128xf32, #tpu.memory_space<vmem>>) dst(%dma_wait3A_85 : memref<64x128xf32, #tpu.memory_space<vmem_shared>>)
      tpu.yield
    }) : () -> ()
    %mul3A_39 = arith.constant 640 : i32
    %mul3A_40 = arith.muli %arg1, %mul3A_39 : i32
    %add3A_41 = arith.constant 512 : i32
    %add3A_42 = arith.addi %mul3A_40, %add3A_41 : i32
    "tpu.region"() ({
      %run_scoped3A = tpu.sem_alloc : memref<!tpu.dma_semaphore, #tpu.memory_space<semaphore_mem>>
      %dma_start3A_79 = arith.constant 0 : i32
      %dma_start3A_80 = tpu.memref_slice %arg13[%add3A_42, %dma_start3A_79] : memref<10240x128xf32, #tpu.memory_space<vmem_shared>> -> memref<64x128xf32, #tpu.memory_space<vmem_shared>>
      %dma_start3A_81 = arith.constant 0 : i32
      %dma_start3A_82 = tpu.memref_slice %arg13[%add3A_42, %dma_start3A_81] : memref<10240x128xf32, #tpu.memory_space<vmem_shared>> -> memref<64x128xf32, #tpu.memory_space<vmem_shared>>
      tpu.enqueue_dma source(%arg11 : memref<64x128xf32, #tpu.memory_space<vmem>>) target(%dma_start3A_82 : memref<64x128xf32, #tpu.memory_space<vmem_shared>>) target_semaphore(%run_scoped3A : memref<!tpu.dma_semaphore, #tpu.memory_space<semaphore_mem>>)
      %dma_wait3A = arith.constant 0 : i32
      %dma_wait3A_83 = tpu.memref_slice %arg13[%add3A_42, %dma_wait3A] : memref<10240x128xf32, #tpu.memory_space<vmem_shared>> -> memref<64x128xf32, #tpu.memory_space<vmem_shared>>
      %dma_wait3A_84 = arith.constant 0 : i32
      %dma_wait3A_85 = tpu.memref_slice %arg13[%add3A_42, %dma_wait3A_84] : memref<10240x128xf32, #tpu.memory_space<vmem_shared>> -> memref<64x128xf32, #tpu.memory_space<vmem_shared>>
      tpu.wait_dma2 semaphore(%run_scoped3A : memref<!tpu.dma_semaphore, #tpu.memory_space<semaphore_mem>>) src(%arg11 : memref<64x128xf32, #tpu.memory_space<vmem>>) dst(%dma_wait3A_85 : memref<64x128xf32, #tpu.memory_space<vmem_shared>>)
      tpu.yield
    }) : () -> ()
    %mul3A_43 = arith.constant 640 : i32
    %mul3A_44 = arith.muli %arg1, %mul3A_43 : i32
    %add3A_45 = arith.constant 576 : i32
    %add3A_46 = arith.addi %mul3A_44, %add3A_45 : i32
    "tpu.region"() ({
      %run_scoped3A = tpu.sem_alloc : memref<!tpu.dma_semaphore, #tpu.memory_space<semaphore_mem>>
      %dma_start3A_79 = arith.constant 0 : i32
      %dma_start3A_80 = tpu.memref_slice %arg13[%add3A_46, %dma_start3A_79] : memref<10240x128xf32, #tpu.memory_space<vmem_shared>> -> memref<64x128xf32, #tpu.memory_space<vmem_shared>>
      %dma_start3A_81 = arith.constant 0 : i32
      %dma_start3A_82 = tpu.memref_slice %arg13[%add3A_46, %dma_start3A_81] : memref<10240x128xf32, #tpu.memory_space<vmem_shared>> -> memref<64x128xf32, #tpu.memory_space<vmem_shared>>
      tpu.enqueue_dma source(%arg11 : memref<64x128xf32, #tpu.memory_space<vmem>>) target(%dma_start3A_82 : memref<64x128xf32, #tpu.memory_space<vmem_shared>>) target_semaphore(%run_scoped3A : memref<!tpu.dma_semaphore, #tpu.memory_space<semaphore_mem>>)
      %dma_wait3A = arith.constant 0 : i32
      %dma_wait3A_83 = tpu.memref_slice %arg13[%add3A_46, %dma_wait3A] : memref<10240x128xf32, #tpu.memory_space<vmem_shared>> -> memref<64x128xf32, #tpu.memory_space<vmem_shared>>
      %dma_wait3A_84 = arith.constant 0 : i32
      %dma_wait3A_85 = tpu.memref_slice %arg13[%add3A_46, %dma_wait3A_84] : memref<10240x128xf32, #tpu.memory_space<vmem_shared>> -> memref<64x128xf32, #tpu.memory_space<vmem_shared>>
      tpu.wait_dma2 semaphore(%run_scoped3A : memref<!tpu.dma_semaphore, #tpu.memory_space<semaphore_mem>>) src(%arg11 : memref<64x128xf32, #tpu.memory_space<vmem>>) dst(%dma_wait3A_85 : memref<64x128xf32, #tpu.memory_space<vmem_shared>>)
      tpu.yield
    }) : () -> ()
    %barrier3A = arith.constant 0 : index
    tpu.barrier barrier_id(%barrier3A)
    %dma_start3A = arith.constant 0 : i32
    %dma_start3A_47 = arith.constant 0 : i32
    %dma_start3A_48 = tpu.memref_slice %arg4[%add3A, %dma_start3A, %dma_start3A_47] : memref<32x158x64xi32, #tpu.memory_space<hbm>> -> memref<1x1x64xi32, #tpu.memory_space<hbm>>
    %dma_start3A_49 = tpu.memref_squeeze %dma_start3A_48 : memref<1x1x64xi32, #tpu.memory_space<hbm>> -> memref<64xi32, #tpu.memory_space<hbm>>
    %dma_start3A_50 = arith.constant 0 : i32
    %dma_start3A_51 = tpu.memref_slice %arg4[%add3A, %dma_start3A, %dma_start3A_50] : memref<32x158x64xi32, #tpu.memory_space<hbm>> -> memref<1x1x64xi32, #tpu.memory_space<hbm>>
    %dma_start3A_52 = tpu.memref_squeeze %dma_start3A_51 : memref<1x1x64xi32, #tpu.memory_space<hbm>> -> memref<64xi32, #tpu.memory_space<hbm>>
    tpu.enqueue_dma source(%dma_start3A_52 : memref<64xi32, #tpu.memory_space<hbm>>) target(%arg9 : memref<64xi32, #tpu.memory_space<vmem>>) target_semaphore(%arg14 : memref<!tpu.dma_semaphore, #tpu.memory_space<semaphore_mem>>)
    %dma_start3A_53 = arith.constant 1 : i32
    %dma_start3A_54 = arith.constant 0 : i32
    %dma_start3A_55 = tpu.memref_slice %arg4[%add3A, %dma_start3A_53, %dma_start3A_54] : memref<32x158x64xi32, #tpu.memory_space<hbm>> -> memref<1x1x64xi32, #tpu.memory_space<hbm>>
    %dma_start3A_56 = tpu.memref_squeeze %dma_start3A_55 : memref<1x1x64xi32, #tpu.memory_space<hbm>> -> memref<64xi32, #tpu.memory_space<hbm>>
    %dma_start3A_57 = arith.constant 0 : i32
    %dma_start3A_58 = tpu.memref_slice %arg4[%add3A, %dma_start3A_53, %dma_start3A_57] : memref<32x158x64xi32, #tpu.memory_space<hbm>> -> memref<1x1x64xi32, #tpu.memory_space<hbm>>
    %dma_start3A_59 = tpu.memref_squeeze %dma_start3A_58 : memref<1x1x64xi32, #tpu.memory_space<hbm>> -> memref<64xi32, #tpu.memory_space<hbm>>
    tpu.enqueue_dma source(%dma_start3A_59 : memref<64xi32, #tpu.memory_space<hbm>>) target(%arg10 : memref<64xi32, #tpu.memory_space<vmem>>) target_semaphore(%arg15 : memref<!tpu.dma_semaphore, #tpu.memory_space<semaphore_mem>>)
    %dma_start3A_60 = arith.constant 0 : i32
    %dma_start3A_61 = arith.constant 0 : i32
    %dma_start3A_62 = tpu.memref_slice %arg7[%dma_start3A_60, %dma_start3A_61] : memref<79x128xi32, #tpu.memory_space<vmem>> -> memref<1x64xi32, #tpu.memory_space<vmem>>
    %dma_start3A_63 = tpu.memref_squeeze %dma_start3A_62 : memref<1x64xi32, #tpu.memory_space<vmem>> -> memref<64xi32, #tpu.memory_space<vmem>>
    %dma_start3A_64 = arith.constant 0 : i32
    %dma_start3A_65 = arith.constant 0 : i32
    %dma_start3A_66 = tpu.memref_slice %arg2[%dma_start3A_64, %dma_start3A_65] : memref<80000x128xf32, #tpu.memory_space<hbm>> -> memref<80000x128xf32, #tpu.memory_space<hbm>>
    tpu.enqueue_indirect_dma source(%dma_start3A_66 : memref<80000x128xf32, #tpu.memory_space<hbm>>) target(%arg11 : memref<64x128xf32, #tpu.memory_space<vmem>>) offsets(%dma_start3A_63 : memref<64xi32, #tpu.memory_space<vmem>>) semaphore(%arg16 : memref<!tpu.dma_semaphore, #tpu.memory_space<semaphore_mem>>)
    %scan3A_67 = arith.constant 0 : i32
    %scan3A_68 = arith.constant 0 : i32
    %scan3A_69 = arith.constant 79 : i32
    %scan3A_70 = arith.addi %scan3A_68, %scan3A_69 : i32
    %scan3A_71 = arith.constant 1 : i32
    %scan3A_72 = scf.for %scan3A_79 = %scan3A_68 to %scan3A_70 step %scan3A_71 iter_args(%scan3A_80 = %scan3A_67) -> (i32)  : i32 {
      %mul3A_81 = arith.constant 2 : i32
      %mul3A_82 = arith.muli %scan3A_79, %mul3A_81 : i32
      %add3A_83 = arith.constant 0 : i32
      %add3A_84 = arith.addi %mul3A_82, %add3A_83 : i32
      %add3A_85 = arith.constant 1 : i32
      %add3A_86 = arith.addi %add3A_84, %add3A_85 : i32
      %lt3A = arith.constant 158 : i32
      %lt3A_87 = arith.cmpi slt, %add3A_86, %lt3A : i32
      %convert_element_type3A = arith.extui %lt3A_87 : i1 to i32
      %cond3A = arith.constant 0 : i32
      %cond3A_88 = arith.cmpi ne, %convert_element_type3A, %cond3A : i32
      scf.if %cond3A_88 {
        %dma_start3A_152 = arith.constant 64 : i32
        %dma_start3A_153 = tpu.memref_slice %arg7[%scan3A_79, %dma_start3A_152] : memref<79x128xi32, #tpu.memory_space<vmem>> -> memref<1x64xi32, #tpu.memory_space<vmem>>
        %dma_start3A_154 = tpu.memref_squeeze %dma_start3A_153 : memref<1x64xi32, #tpu.memory_space<vmem>> -> memref<64xi32, #tpu.memory_space<vmem>>
        %dma_start3A_155 = arith.constant 0 : i32
        %dma_start3A_156 = arith.constant 0 : i32
        %dma_start3A_157 = tpu.memref_slice %arg2[%dma_start3A_155, %dma_start3A_156] : memref<80000x128xf32, #tpu.memory_space<hbm>> -> memref<80000x128xf32, #tpu.memory_space<hbm>>
        tpu.enqueue_indirect_dma source(%dma_start3A_157 : memref<80000x128xf32, #tpu.memory_space<hbm>>) target(%arg12 : memref<64x128xf32, #tpu.memory_space<vmem>>) offsets(%dma_start3A_154 : memref<64xi32, #tpu.memory_space<vmem>>) semaphore(%arg17 : memref<!tpu.dma_semaphore, #tpu.memory_space<semaphore_mem>>)
      } else {
      }
      %dma_wait3A = arith.constant 0 : i32
      %dma_wait3A_89 = tpu.memref_slice %arg7[%scan3A_79, %dma_wait3A] : memref<79x128xi32, #tpu.memory_space<vmem>> -> memref<1x64xi32, #tpu.memory_space<vmem>>
      %dma_wait3A_90 = tpu.memref_squeeze %dma_wait3A_89 : memref<1x64xi32, #tpu.memory_space<vmem>> -> memref<64xi32, #tpu.memory_space<vmem>>
      %dma_wait3A_91 = arith.constant 0 : i32
      %dma_wait3A_92 = arith.constant 0 : i32
      %dma_wait3A_93 = tpu.memref_slice %arg2[%dma_wait3A_91, %dma_wait3A_92] : memref<80000x128xf32, #tpu.memory_space<hbm>> -> memref<80000x128xf32, #tpu.memory_space<hbm>>
      tpu.wait_indirect_dma semaphore(%arg16 : memref<!tpu.dma_semaphore, #tpu.memory_space<semaphore_mem>>) src(%dma_wait3A_93 : memref<80000x128xf32, #tpu.memory_space<hbm>>) dst(%arg11 : memref<64x128xf32, #tpu.memory_space<vmem>>)
      %scan3A_94 = arith.constant 0 : i32
      %scan3A_95 = arith.constant 0 : i32
      %scan3A_96 = arith.constant 4 : i32
      %scan3A_97 = arith.addi %scan3A_95, %scan3A_96 : i32
      %scan3A_98 = arith.constant 1 : i32
      %scan3A_99 = scf.for %scan3A_152 = %scan3A_95 to %scan3A_97 step %scan3A_98 iter_args(%scan3A_153 = %scan3A_94) -> (i32)  : i32 {
        %mul3A_154 = arith.constant 16 : i32
        %mul3A_155 = arith.muli %scan3A_152, %mul3A_154 : i32
        %add3A_156 = arith.constant 0 : i32
        %add3A_157 = arith.addi %add3A_156, %mul3A_155 : i32
        %get3A = arith.index_cast %scan3A_79 : i32 to index
        %get3A_158 = arith.index_cast %add3A_157 : i32 to index
        %get3A_159 = tpu.vector_load %arg8[%get3A, %get3A_158] {strides = array<i32>} : memref<79x128xf32, #tpu.memory_space<vmem>>, vector<1x16xf32>,
        %get3A_160 = vector.shape_cast %get3A_159 : vector<1x16xf32> to vector<16xf32>
        %mul3A_161 = arith.constant 16 : i32
        %mul3A_162 = arith.muli %scan3A_152, %mul3A_161 : i32
        %add3A_163 = arith.constant 0 : i32
        %add3A_164 = arith.addi %mul3A_162, %add3A_163 : i32
        %slice3A = vector.extract_strided_slice %get3A_160 {offsets = [0], sizes = [1], strides = [1]} : vector<16xf32> to vector<1xf32>
        %squeeze3A = vector.extract %slice3A[0] : f32 from vector<1xf32>
        %get3A_165 = arith.index_cast %add3A_164 : i32 to index
        %get3A_166 = arith.constant 0 : index
        %get3A_167 = tpu.vector_load %arg11[%get3A_165, %get3A_166] {strides = array<i32>} : memref<64x128xf32, #tpu.memory_space<vmem>>, vector<1x16xf32>,
        %get3A_168 = vector.shape_cast %get3A_167 : vector<1x16xf32> to vector<16xf32>
        %mul3A_169 = vector.broadcast %squeeze3A : f32 to vector<16xf32>
        %mul3A_170 = arith.mulf %get3A_168, %mul3A_169 : vector<16xf32>
        %swap3A = arith.index_cast %add3A_164 : i32 to index
        %swap3A_171 = arith.constant 0 : index
        %swap3A_172 = tpu.vector_load %arg11[%swap3A, %swap3A_171] {strides = array<i32>} : memref<64x128xf32, #tpu.memory_space<vmem>>, vector<1x16xf32>,
        %swap3A_173 = vector.shape_cast %swap3A_172 : vector<1x16xf32> to vector<16xf32>
        %swap3A_174 = vector.shape_cast %mul3A_170 : vector<16xf32> to vector<1x16xf32>
        tpu.vector_store %arg11[%swap3A, %swap3A_171], %swap3A_174 {strides = array<i32>} : memref<64x128xf32, #tpu.memory_space<vmem>>, vector<1x16xf32>,
        %get3A_175 = arith.index_cast %add3A_164 : i32 to index
        %get3A_176 = arith.constant 16 : index
        %get3A_177 = tpu.vector_load %arg11[%get3A_175, %get3A_176] {strides = array<i32>} : memref<64x128xf32, #tpu.memory_space<vmem>>, vector<1x16xf32>,
        %get3A_178 = vector.shape_cast %get3A_177 : vector<1x16xf32> to vector<16xf32>
        %mul3A_179 = vector.broadcast %squeeze3A : f32 to vector<16xf32>
        %mul3A_180 = arith.mulf %get3A_178, %mul3A_179 : vector<16xf32>
        %swap3A_181 = arith.index_cast %add3A_164 : i32 to index
        %swap3A_182 = arith.constant 16 : index
        %swap3A_183 = tpu.vector_load %arg11[%swap3A_181, %swap3A_182] {strides = array<i32>} : memref<64x128xf32, #tpu.memory_space<vmem>>, vector<1x16xf32>,
        %swap3A_184 = vector.shape_cast %swap3A_183 : vector<1x16xf32> to vector<16xf32>
        %swap3A_185 = vector.shape_cast %mul3A_180 : vector<16xf32> to vector<1x16xf32>
        tpu.vector_store %arg11[%swap3A_181, %swap3A_182], %swap3A_185 {strides = array<i32>} : memref<64x128xf32, #tpu.memory_space<vmem>>, vector<1x16xf32>,
        %get3A_186 = arith.index_cast %add3A_164 : i32 to index
        %get3A_187 = arith.constant 32 : index
        %get3A_188 = tpu.vector_load %arg11[%get3A_186, %get3A_187] {strides = array<i32>} : memref<64x128xf32, #tpu.memory_space<vmem>>, vector<1x16xf32>,
        %get3A_189 = vector.shape_cast %get3A_188 : vector<1x16xf32> to vector<16xf32>
        %mul3A_190 = vector.broadcast %squeeze3A : f32 to vector<16xf32>
        %mul3A_191 = arith.mulf %get3A_189, %mul3A_190 : vector<16xf32>
        %swap3A_192 = arith.index_cast %add3A_164 : i32 to index
        %swap3A_193 = arith.constant 32 : index
        %swap3A_194 = tpu.vector_load %arg11[%swap3A_192, %swap3A_193] {strides = array<i32>} : memref<64x128xf32, #tpu.memory_space<vmem>>, vector<1x16xf32>,
        %swap3A_195 = vector.shape_cast %swap3A_194 : vector<1x16xf32> to vector<16xf32>
        %swap3A_196 = vector.shape_cast %mul3A_191 : vector<16xf32> to vector<1x16xf32>
        tpu.vector_store %arg11[%swap3A_192, %swap3A_193], %swap3A_196 {strides = array<i32>} : memref<64x128xf32, #tpu.memory_space<vmem>>, vector<1x16xf32>,
        %get3A_197 = arith.index_cast %add3A_164 : i32 to index
        %get3A_198 = arith.constant 48 : index
        %get3A_199 = tpu.vector_load %arg11[%get3A_197, %get3A_198] {strides = array<i32>} : memref<64x128xf32, #tpu.memory_space<vmem>>, vector<1x16xf32>,
        %get3A_200 = vector.shape_cast %get3A_199 : vector<1x16xf32> to vector<16xf32>
        %mul3A_201 = vector.broadcast %squeeze3A : f32 to vector<16xf32>
        %mul3A_202 = arith.mulf %get3A_200, %mul3A_201 : vector<16xf32>
        %swap3A_203 = arith.index_cast %add3A_164 : i32 to index
        %swap3A_204 = arith.constant 48 : index
        %swap3A_205 = tpu.vector_load %arg11[%swap3A_203, %swap3A_204] {strides = array<i32>} : memref<64x128xf32, #tpu.memory_space<vmem>>, vector<1x16xf32>,
        %swap3A_206 = vector.shape_cast %swap3A_205 : vector<1x16xf32> to vector<16xf32>
        %swap3A_207 = vector.shape_cast %mul3A_202 : vector<16xf32> to vector<1x16xf32>
        tpu.vector_store %arg11[%swap3A_203, %swap3A_204], %swap3A_207 {strides = array<i32>} : memref<64x128xf32, #tpu.memory_space<vmem>>, vector<1x16xf32>,
        %get3A_208 = arith.index_cast %add3A_164 : i32 to index
        %get3A_209 = arith.constant 64 : index
        %get3A_210 = tpu.vector_load %arg11[%get3A_208, %get3A_209] {strides = array<i32>} : memref<64x128xf32, #tpu.memory_space<vmem>>, vector<1x16xf32>,
        %get3A_211 = vector.shape_cast %get3A_210 : vector<1x16xf32> to vector<16xf32>
        %mul3A_212 = vector.broadcast %squeeze3A : f32 to vector<16xf32>
        %mul3A_213 = arith.mulf %get3A_211, %mul3A_212 : vector<16xf32>
        %swap3A_214 = arith.index_cast %add3A_164 : i32 to index
        %swap3A_215 = arith.constant 64 : index
        %swap3A_216 = tpu.vector_load %arg11[%swap3A_214, %swap3A_215] {strides = array<i32>} : memref<64x128xf32, #tpu.memory_space<vmem>>, vector<1x16xf32>,
        %swap3A_217 = vector.shape_cast %swap3A_216 : vector<1x16xf32> to vector<16xf32>
        %swap3A_218 = vector.shape_cast %mul3A_213 : vector<16xf32> to vector<1x16xf32>
        tpu.vector_store %arg11[%swap3A_214, %swap3A_215], %swap3A_218 {strides = array<i32>} : memref<64x128xf32, #tpu.memory_space<vmem>>, vector<1x16xf32>,
        %get3A_219 = arith.index_cast %add3A_164 : i32 to index
        %get3A_220 = arith.constant 80 : index
        %get3A_221 = tpu.vector_load %arg11[%get3A_219, %get3A_220] {strides = array<i32>} : memref<64x128xf32, #tpu.memory_space<vmem>>, vector<1x16xf32>,
        %get3A_222 = vector.shape_cast %get3A_221 : vector<1x16xf32> to vector<16xf32>
        %mul3A_223 = vector.broadcast %squeeze3A : f32 to vector<16xf32>
        %mul3A_224 = arith.mulf %get3A_222, %mul3A_223 : vector<16xf32>
        %swap3A_225 = arith.index_cast %add3A_164 : i32 to index
        %swap3A_226 = arith.constant 80 : index
        %swap3A_227 = tpu.vector_load %arg11[%swap3A_225, %swap3A_226] {strides = array<i32>} : memref<64x128xf32, #tpu.memory_space<vmem>>, vector<1x16xf32>,
        %swap3A_228 = vector.shape_cast %swap3A_227 : vector<1x16xf32> to vector<16xf32>
        %swap3A_229 = vector.shape_cast %mul3A_224 : vector<16xf32> to vector<1x16xf32>
        tpu.vector_store %arg11[%swap3A_225, %swap3A_226], %swap3A_229 {strides = array<i32>} : memref<64x128xf32, #tpu.memory_space<vmem>>, vector<1x16xf32>,
        %get3A_230 = arith.index_cast %add3A_164 : i32 to index
        %get3A_231 = arith.constant 96 : index
        %get3A_232 = tpu.vector_load %arg11[%get3A_230, %get3A_231] {strides = array<i32>} : memref<64x128xf32, #tpu.memory_space<vmem>>, vector<1x16xf32>,
        %get3A_233 = vector.shape_cast %get3A_232 : vector<1x16xf32> to vector<16xf32>
        %mul3A_234 = vector.broadcast %squeeze3A : f32 to vector<16xf32>
        %mul3A_235 = arith.mulf %get3A_233, %mul3A_234 : vector<16xf32>
        %swap3A_236 = arith.index_cast %add3A_164 : i32 to index
        %swap3A_237 = arith.constant 96 : index
        %swap3A_238 = tpu.vector_load %arg11[%swap3A_236, %swap3A_237] {strides = array<i32>} : memref<64x128xf32, #tpu.memory_space<vmem>>, vector<1x16xf32>,
        %swap3A_239 = vector.shape_cast %swap3A_238 : vector<1x16xf32> to vector<16xf32>
        %swap3A_240 = vector.shape_cast %mul3A_235 : vector<16xf32> to vector<1x16xf32>
        tpu.vector_store %arg11[%swap3A_236, %swap3A_237], %swap3A_240 {strides = array<i32>} : memref<64x128xf32, #tpu.memory_space<vmem>>, vector<1x16xf32>,
        %get3A_241 = arith.index_cast %add3A_164 : i32 to index
        %get3A_242 = arith.constant 112 : index
        %get3A_243 = tpu.vector_load %arg11[%get3A_241, %get3A_242] {strides = array<i32>} : memref<64x128xf32, #tpu.memory_space<vmem>>, vector<1x16xf32>,
        %get3A_244 = vector.shape_cast %get3A_243 : vector<1x16xf32> to vector<16xf32>
        %mul3A_245 = vector.broadcast %squeeze3A : f32 to vector<16xf32>
        %mul3A_246 = arith.mulf %get3A_244, %mul3A_245 : vector<16xf32>
        %swap3A_247 = arith.index_cast %add3A_164 : i32 to index
        %swap3A_248 = arith.constant 112 : index
        %swap3A_249 = tpu.vector_load %arg11[%swap3A_247, %swap3A_248] {strides = array<i32>} : memref<64x128xf32, #tpu.memory_space<vmem>>, vector<1x16xf32>,
        %swap3A_250 = vector.shape_cast %swap3A_249 : vector<1x16xf32> to vector<16xf32>
        %swap3A_251 = vector.shape_cast %mul3A_246 : vector<16xf32> to vector<1x16xf32>
        tpu.vector_store %arg11[%swap3A_247, %swap3A_248], %swap3A_251 {strides = array<i32>} : memref<64x128xf32, #tpu.memory_space<vmem>>, vector<1x16xf32>,
        %mul3A_252 = arith.constant 16 : i32
        %mul3A_253 = arith.muli %scan3A_152, %mul3A_252 : i32
        %add3A_254 = arith.constant 1 : i32
        %add3A_255 = arith.addi %mul3A_253, %add3A_254 : i32
        %slice3A_256 = vector.extract_strided_slice %get3A_160 {offsets = [1], sizes = [1], strides = [1]} : vector<16xf32> to vector<1xf32>
        %squeeze3A_257 = vector.extract %slice3A_256[0] : f32 from vector<1xf32>
        %get3A_258 = arith.index_cast %add3A_255 : i32 to index
        %get3A_259 = arith.constant 0 : index
        %get3A_260 = tpu.vector_load %arg11[%get3A_258, %get3A_259] {strides = array<i32>} : memref<64x128xf32, #tpu.memory_space<vmem>>, vector<1x16xf32>,
        %get3A_261 = vector.shape_cast %get3A_260 : vector<1x16xf32> to vector<16xf32>
        %mul3A_262 = vector.broadcast %squeeze3A_257 : f32 to vector<16xf32>
        %mul3A_263 = arith.mulf %get3A_261, %mul3A_262 : vector<16xf32>
        %swap3A_264 = arith.index_cast %add3A_255 : i32 to index
        %swap3A_265 = arith.constant 0 : index
        %swap3A_266 = tpu.vector_load %arg11[%swap3A_264, %swap3A_265] {strides = array<i32>} : memref<64x128xf32, #tpu.memory_space<vmem>>, vector<1x16xf32>,
        %swap3A_267 = vector.shape_cast %swap3A_266 : vector<1x16xf32> to vector<16xf32>
        %swap3A_268 = vector.shape_cast %mul3A_263 : vector<16xf32> to vector<1x16xf32>
        tpu.vector_store %arg11[%swap3A_264, %swap3A_265], %swap3A_268 {strides = array<i32>} : memref<64x128xf32, #tpu.memory_space<vmem>>, vector<1x16xf32>,
        %get3A_269 = arith.index_cast %add3A_255 : i32 to index
        %get3A_270 = arith.constant 16 : index
        %get3A_271 = tpu.vector_load %arg11[%get3A_269, %get3A_270] {strides = array<i32>} : memref<64x128xf32, #tpu.memory_space<vmem>>, vector<1x16xf32>,
        %get3A_272 = vector.shape_cast %get3A_271 : vector<1x16xf32> to vector<16xf32>
        %mul3A_273 = vector.broadcast %squeeze3A_257 : f32 to vector<16xf32>
        %mul3A_274 = arith.mulf %get3A_272, %mul3A_273 : vector<16xf32>
        %swap3A_275 = arith.index_cast %add3A_255 : i32 to index
        %swap3A_276 = arith.constant 16 : index
        %swap3A_277 = tpu.vector_load %arg11[%swap3A_275, %swap3A_276] {strides = array<i32>} : memref<64x128xf32, #tpu.memory_space<vmem>>, vector<1x16xf32>,
        %swap3A_278 = vector.shape_cast %swap3A_277 : vector<1x16xf32> to vector<16xf32>
        %swap3A_279 = vector.shape_cast %mul3A_274 : vector<16xf32> to vector<1x16xf32>
        tpu.vector_store %arg11[%swap3A_275, %swap3A_276], %swap3A_279 {strides = array<i32>} : memref<64x128xf32, #tpu.memory_space<vmem>>, vector<1x16xf32>,
        %get3A_280 = arith.index_cast %add3A_255 : i32 to index
        %get3A_281 = arith.constant 32 : index
        %get3A_282 = tpu.vector_load %arg11[%get3A_280, %get3A_281] {strides = array<i32>} : memref<64x128xf32, #tpu.memory_space<vmem>>, vector<1x16xf32>,
        %get3A_283 = vector.shape_cast %get3A_282 : vector<1x16xf32> to vector<16xf32>
        %mul3A_284 = vector.broadcast %squeeze3A_257 : f32 to vector<16xf32>
        %mul3A_285 = arith.mulf %get3A_283, %mul3A_284 : vector<16xf32>
        %swap3A_286 = arith.index_cast %add3A_255 : i32 to index
        %swap3A_287 = arith.constant 32 : index
        %swap3A_288 = tpu.vector_load %arg11[%swap3A_286, %swap3A_287] {strides = array<i32>} : memref<64x128xf32, #tpu.memory_space<vmem>>, vector<1x16xf32>,
        %swap3A_289 = vector.shape_cast %swap3A_288 : vector<1x16xf32> to vector<16xf32>
        %swap3A_290 = vector.shape_cast %mul3A_285 : vector<16xf32> to vector<1x16xf32>
        tpu.vector_store %arg11[%swap3A_286, %swap3A_287], %swap3A_290 {strides = array<i32>} : memref<64x128xf32, #tpu.memory_space<vmem>>, vector<1x16xf32>,
        %get3A_291 = arith.index_cast %add3A_255 : i32 to index
        %get3A_292 = arith.constant 48 : index
        %get3A_293 = tpu.vector_load %arg11[%get3A_291, %get3A_292] {strides = array<i32>} : memref<64x128xf32, #tpu.memory_space<vmem>>, vector<1x16xf32>,
        %get3A_294 = vector.shape_cast %get3A_293 : vector<1x16xf32> to vector<16xf32>
        %mul3A_295 = vector.broadcast %squeeze3A_257 : f32 to vector<16xf32>
        %mul3A_296 = arith.mulf %get3A_294, %mul3A_295 : vector<16xf32>
        %swap3A_297 = arith.index_cast %add3A_255 : i32 to index
        %swap3A_298 = arith.constant 48 : index
        %swap3A_299 = tpu.vector_load %arg11[%swap3A_297, %swap3A_298] {strides = array<i32>} : memref<64x128xf32, #tpu.memory_space<vmem>>, vector<1x16xf32>,
        %swap3A_300 = vector.shape_cast %swap3A_299 : vector<1x16xf32> to vector<16xf32>
        %swap3A_301 = vector.shape_cast %mul3A_296 : vector<16xf32> to vector<1x16xf32>
        tpu.vector_store %arg11[%swap3A_297, %swap3A_298], %swap3A_301 {strides = array<i32>} : memref<64x128xf32, #tpu.memory_space<vmem>>, vector<1x16xf32>,
        %get3A_302 = arith.index_cast %add3A_255 : i32 to index
        %get3A_303 = arith.constant 64 : index
        %get3A_304 = tpu.vector_load %arg11[%get3A_302, %get3A_303] {strides = array<i32>} : memref<64x128xf32, #tpu.memory_space<vmem>>, vector<1x16xf32>,
        %get3A_305 = vector.shape_cast %get3A_304 : vector<1x16xf32> to vector<16xf32>
        %mul3A_306 = vector.broadcast %squeeze3A_257 : f32 to vector<16xf32>
        %mul3A_307 = arith.mulf %get3A_305, %mul3A_306 : vector<16xf32>
        %swap3A_308 = arith.index_cast %add3A_255 : i32 to index
        %swap3A_309 = arith.constant 64 : index
        %swap3A_310 = tpu.vector_load %arg11[%swap3A_308, %swap3A_309] {strides = array<i32>} : memref<64x128xf32, #tpu.memory_space<vmem>>, vector<1x16xf32>,
        %swap3A_311 = vector.shape_cast %swap3A_310 : vector<1x16xf32> to vector<16xf32>
        %swap3A_312 = vector.shape_cast %mul3A_307 : vector<16xf32> to vector<1x16xf32>
        tpu.vector_store %arg11[%swap3A_308, %swap3A_309], %swap3A_312 {strides = array<i32>} : memref<64x128xf32, #tpu.memory_space<vmem>>, vector<1x16xf32>,
        %get3A_313 = arith.index_cast %add3A_255 : i32 to index
        %get3A_314 = arith.constant 80 : index
        %get3A_315 = tpu.vector_load %arg11[%get3A_313, %get3A_314] {strides = array<i32>} : memref<64x128xf32, #tpu.memory_space<vmem>>, vector<1x16xf32>,
        %get3A_316 = vector.shape_cast %get3A_315 : vector<1x16xf32> to vector<16xf32>
        %mul3A_317 = vector.broadcast %squeeze3A_257 : f32 to vector<16xf32>
        %mul3A_318 = arith.mulf %get3A_316, %mul3A_317 : vector<16xf32>
        %swap3A_319 = arith.index_cast %add3A_255 : i32 to index
        %swap3A_320 = arith.constant 80 : index
        %swap3A_321 = tpu.vector_load %arg11[%swap3A_319, %swap3A_320] {strides = array<i32>} : memref<64x128xf32, #tpu.memory_space<vmem>>, vector<1x16xf32>,
        %swap3A_322 = vector.shape_cast %swap3A_321 : vector<1x16xf32> to vector<16xf32>
        %swap3A_323 = vector.shape_cast %mul3A_318 : vector<16xf32> to vector<1x16xf32>
        tpu.vector_store %arg11[%swap3A_319, %swap3A_320], %swap3A_323 {strides = array<i32>} : memref<64x128xf32, #tpu.memory_space<vmem>>, vector<1x16xf32>,
        %get3A_324 = arith.index_cast %add3A_255 : i32 to index
        %get3A_325 = arith.constant 96 : index
        %get3A_326 = tpu.vector_load %arg11[%get3A_324, %get3A_325] {strides = array<i32>} : memref<64x128xf32, #tpu.memory_space<vmem>>, vector<1x16xf32>,
        %get3A_327 = vector.shape_cast %get3A_326 : vector<1x16xf32> to vector<16xf32>
        %mul3A_328 = vector.broadcast %squeeze3A_257 : f32 to vector<16xf32>
        %mul3A_329 = arith.mulf %get3A_327, %mul3A_328 : vector<16xf32>
        %swap3A_330 = arith.index_cast %add3A_255 : i32 to index
        %swap3A_331 = arith.constant 96 : index
        %swap3A_332 = tpu.vector_load %arg11[%swap3A_330, %swap3A_331] {strides = array<i32>} : memref<64x128xf32, #tpu.memory_space<vmem>>, vector<1x16xf32>,
        %swap3A_333 = vector.shape_cast %swap3A_332 : vector<1x16xf32> to vector<16xf32>
        %swap3A_334 = vector.shape_cast %mul3A_329 : vector<16xf32> to vector<1x16xf32>
        tpu.vector_store %arg11[%swap3A_330, %swap3A_331], %swap3A_334 {strides = array<i32>} : memref<64x128xf32, #tpu.memory_space<vmem>>, vector<1x16xf32>,
        %get3A_335 = arith.index_cast %add3A_255 : i32 to index
        %get3A_336 = arith.constant 112 : index
        %get3A_337 = tpu.vector_load %arg11[%get3A_335, %get3A_336] {strides = array<i32>} : memref<64x128xf32, #tpu.memory_space<vmem>>, vector<1x16xf32>,
        %get3A_338 = vector.shape_cast %get3A_337 : vector<1x16xf32> to vector<16xf32>
        %mul3A_339 = vector.broadcast %squeeze3A_257 : f32 to vector<16xf32>
        %mul3A_340 = arith.mulf %get3A_338, %mul3A_339 : vector<16xf32>
        %swap3A_341 = arith.index_cast %add3A_255 : i32 to index
        %swap3A_342 = arith.constant 112 : index
        %swap3A_343 = tpu.vector_load %arg11[%swap3A_341, %swap3A_342] {strides = array<i32>} : memref<64x128xf32, #tpu.memory_space<vmem>>, vector<1x16xf32>,
        %swap3A_344 = vector.shape_cast %swap3A_343 : vector<1x16xf32> to vector<16xf32>
        %swap3A_345 = vector.shape_cast %mul3A_340 : vector<16xf32> to vector<1x16xf32>
        tpu.vector_store %arg11[%swap3A_341, %swap3A_342], %swap3A_345 {strides = array<i32>} : memref<64x128xf32, #tpu.memory_space<vmem>>, vector<1x16xf32>,
        %mul3A_346 = arith.constant 16 : i32
        %mul3A_347 = arith.muli %scan3A_152, %mul3A_346 : i32
        %add3A_348 = arith.constant 2 : i32
        %add3A_349 = arith.addi %mul3A_347, %add3A_348 : i32
        %slice3A_350 = vector.extract_strided_slice %get3A_160 {offsets = [2], sizes = [1], strides = [1]} : vector<16xf32> to vector<1xf32>
        %squeeze3A_351 = vector.extract %slice3A_350[0] : f32 from vector<1xf32>
        %get3A_352 = arith.index_cast %add3A_349 : i32 to index
        %get3A_353 = arith.constant 0 : index
        %get3A_354 = tpu.vector_load %arg11[%get3A_352, %get3A_353] {strides = array<i32>} : memref<64x128xf32, #tpu.memory_space<vmem>>, vector<1x16xf32>,
        %get3A_355 = vector.shape_cast %get3A_354 : vector<1x16xf32> to vector<16xf32>
        %mul3A_356 = vector.broadcast %squeeze3A_351 : f32 to vector<16xf32>
        %mul3A_357 = arith.mulf %get3A_355, %mul3A_356 : vector<16xf32>
        %swap3A_358 = arith.index_cast %add3A_349 : i32 to index
        %swap3A_359 = arith.constant 0 : index
        %swap3A_360 = tpu.vector_load %arg11[%swap3A_358, %swap3A_359] {strides = array<i32>} : memref<64x128xf32, #tpu.memory_space<vmem>>, vector<1x16xf32>,
        %swap3A_361 = vector.shape_cast %swap3A_360 : vector<1x16xf32> to vector<16xf32>
        %swap3A_362 = vector.shape_cast %mul3A_357 : vector<16xf32> to vector<1x16xf32>
        tpu.vector_store %arg11[%swap3A_358, %swap3A_359], %swap3A_362 {strides = array<i32>} : memref<64x128xf32, #tpu.memory_space<vmem>>, vector<1x16xf32>,
        %get3A_363 = arith.index_cast %add3A_349 : i32 to index
        %get3A_364 = arith.constant 16 : index
        %get3A_365 = tpu.vector_load %arg11[%get3A_363, %get3A_364] {strides = array<i32>} : memref<64x128xf32, #tpu.memory_space<vmem>>, vector<1x16xf32>,
        %get3A_366 = vector.shape_cast %get3A_365 : vector<1x16xf32> to vector<16xf32>
        %mul3A_367 = vector.broadcast %squeeze3A_351 : f32 to vector<16xf32>
        %mul3A_368 = arith.mulf %get3A_366, %mul3A_367 : vector<16xf32>
        %swap3A_369 = arith.index_cast %add3A_349 : i32 to index
        %swap3A_370 = arith.constant 16 : index
        %swap3A_371 = tpu.vector_load %arg11[%swap3A_369, %swap3A_370] {strides = array<i32>} : memref<64x128xf32, #tpu.memory_space<vmem>>, vector<1x16xf32>,
        %swap3A_372 = vector.shape_cast %swap3A_371 : vector<1x16xf32> to vector<16xf32>
        %swap3A_373 = vector.shape_cast %mul3A_368 : vector<16xf32> to vector<1x16xf32>
        tpu.vector_store %arg11[%swap3A_369, %swap3A_370], %swap3A_373 {strides = array<i32>} : memref<64x128xf32, #tpu.memory_space<vmem>>, vector<1x16xf32>,
        %get3A_374 = arith.index_cast %add3A_349 : i32 to index
        %get3A_375 = arith.constant 32 : index
        %get3A_376 = tpu.vector_load %arg11[%get3A_374, %get3A_375] {strides = array<i32>} : memref<64x128xf32, #tpu.memory_space<vmem>>, vector<1x16xf32>,
        %get3A_377 = vector.shape_cast %get3A_376 : vector<1x16xf32> to vector<16xf32>
        %mul3A_378 = vector.broadcast %squeeze3A_351 : f32 to vector<16xf32>
        %mul3A_379 = arith.mulf %get3A_377, %mul3A_378 : vector<16xf32>
        %swap3A_380 = arith.index_cast %add3A_349 : i32 to index
        %swap3A_381 = arith.constant 32 : index
        %swap3A_382 = tpu.vector_load %arg11[%swap3A_380, %swap3A_381] {strides = array<i32>} : memref<64x128xf32, #tpu.memory_space<vmem>>, vector<1x16xf32>,
        %swap3A_383 = vector.shape_cast %swap3A_382 : vector<1x16xf32> to vector<16xf32>
        %swap3A_384 = vector.shape_cast %mul3A_379 : vector<16xf32> to vector<1x16xf32>
        tpu.vector_store %arg11[%swap3A_380, %swap3A_381], %swap3A_384 {strides = array<i32>} : memref<64x128xf32, #tpu.memory_space<vmem>>, vector<1x16xf32>,
        %get3A_385 = arith.index_cast %add3A_349 : i32 to index
        %get3A_386 = arith.constant 48 : index
        %get3A_387 = tpu.vector_load %arg11[%get3A_385, %get3A_386] {strides = array<i32>} : memref<64x128xf32, #tpu.memory_space<vmem>>, vector<1x16xf32>,
        %get3A_388 = vector.shape_cast %get3A_387 : vector<1x16xf32> to vector<16xf32>
        %mul3A_389 = vector.broadcast %squeeze3A_351 : f32 to vector<16xf32>
        %mul3A_390 = arith.mulf %get3A_388, %mul3A_389 : vector<16xf32>
        %swap3A_391 = arith.index_cast %add3A_349 : i32 to index
        %swap3A_392 = arith.constant 48 : index
        %swap3A_393 = tpu.vector_load %arg11[%swap3A_391, %swap3A_392] {strides = array<i32>} : memref<64x128xf32, #tpu.memory_space<vmem>>, vector<1x16xf32>,
        %swap3A_394 = vector.shape_cast %swap3A_393 : vector<1x16xf32> to vector<16xf32>
        %swap3A_395 = vector.shape_cast %mul3A_390 : vector<16xf32> to vector<1x16xf32>
        tpu.vector_store %arg11[%swap3A_391, %swap3A_392], %swap3A_395 {strides = array<i32>} : memref<64x128xf32, #tpu.memory_space<vmem>>, vector<1x16xf32>,
        %get3A_396 = arith.index_cast %add3A_349 : i32 to index
        %get3A_397 = arith.constant 64 : index
        %get3A_398 = tpu.vector_load %arg11[%get3A_396, %get3A_397] {strides = array<i32>} : memref<64x128xf32, #tpu.memory_space<vmem>>, vector<1x16xf32>,
        %get3A_399 = vector.shape_cast %get3A_398 : vector<1x16xf32> to vector<16xf32>
        %mul3A_400 = vector.broadcast %squeeze3A_351 : f32 to vector<16xf32>
        %mul3A_401 = arith.mulf %get3A_399, %mul3A_400 : vector<16xf32>
        %swap3A_402 = arith.index_cast %add3A_349 : i32 to index
        %swap3A_403 = arith.constant 64 : index
        %swap3A_404 = tpu.vector_load %arg11[%swap3A_402, %swap3A_403] {strides = array<i32>} : memref<64x128xf32, #tpu.memory_space<vmem>>, vector<1x16xf32>,
        %swap3A_405 = vector.shape_cast %swap3A_404 : vector<1x16xf32> to vector<16xf32>
        %swap3A_406 = vector.shape_cast %mul3A_401 : vector<16xf32> to vector<1x16xf32>
        tpu.vector_store %arg11[%swap3A_402, %swap3A_403], %swap3A_406 {strides = array<i32>} : memref<64x128xf32, #tpu.memory_space<vmem>>, vector<1x16xf32>,
        %get3A_407 = arith.index_cast %add3A_349 : i32 to index
        %get3A_408 = arith.constant 80 : index
        %get3A_409 = tpu.vector_load %arg11[%get3A_407, %get3A_408] {strides = array<i32>} : memref<64x128xf32, #tpu.memory_space<vmem>>, vector<1x16xf32>,
        %get3A_410 = vector.shape_cast %get3A_409 : vector<1x16xf32> to vector<16xf32>
        %mul3A_411 = vector.broadcast %squeeze3A_351 : f32 to vector<16xf32>
        %mul3A_412 = arith.mulf %get3A_410, %mul3A_411 : vector<16xf32>
        %swap3A_413 = arith.index_cast %add3A_349 : i32 to index
        %swap3A_414 = arith.constant 80 : index
        %swap3A_415 = tpu.vector_load %arg11[%swap3A_413, %swap3A_414] {strides = array<i32>} : memref<64x128xf32, #tpu.memory_space<vmem>>, vector<1x16xf32>,
        %swap3A_416 = vector.shape_cast %swap3A_415 : vector<1x16xf32> to vector<16xf32>
        %swap3A_417 = vector.shape_cast %mul3A_412 : vector<16xf32> to vector<1x16xf32>
        tpu.vector_store %arg11[%swap3A_413, %swap3A_414], %swap3A_417 {strides = array<i32>} : memref<64x128xf32, #tpu.memory_space<vmem>>, vector<1x16xf32>,
        %get3A_418 = arith.index_cast %add3A_349 : i32 to index
        %get3A_419 = arith.constant 96 : index
        %get3A_420 = tpu.vector_load %arg11[%get3A_418, %get3A_419] {strides = array<i32>} : memref<64x128xf32, #tpu.memory_space<vmem>>, vector<1x16xf32>,
        %get3A_421 = vector.shape_cast %get3A_420 : vector<1x16xf32> to vector<16xf32>
        %mul3A_422 = vector.broadcast %squeeze3A_351 : f32 to vector<16xf32>
        %mul3A_423 = arith.mulf %get3A_421, %mul3A_422 : vector<16xf32>
        %swap3A_424 = arith.index_cast %add3A_349 : i32 to index
        %swap3A_425 = arith.constant 96 : index
        %swap3A_426 = tpu.vector_load %arg11[%swap3A_424, %swap3A_425] {strides = array<i32>} : memref<64x128xf32, #tpu.memory_space<vmem>>, vector<1x16xf32>,
        %swap3A_427 = vector.shape_cast %swap3A_426 : vector<1x16xf32> to vector<16xf32>
        %swap3A_428 = vector.shape_cast %mul3A_423 : vector<16xf32> to vector<1x16xf32>
        tpu.vector_store %arg11[%swap3A_424, %swap3A_425], %swap3A_428 {strides = array<i32>} : memref<64x128xf32, #tpu.memory_space<vmem>>, vector<1x16xf32>,
        %get3A_429 = arith.index_cast %add3A_349 : i32 to index
        %get3A_430 = arith.constant 112 : index
        %get3A_431 = tpu.vector_load %arg11[%get3A_429, %get3A_430] {strides = array<i32>} : memref<64x128xf32, #tpu.memory_space<vmem>>, vector<1x16xf32>,
        %get3A_432 = vector.shape_cast %get3A_431 : vector<1x16xf32> to vector<16xf32>
        %mul3A_433 = vector.broadcast %squeeze3A_351 : f32 to vector<16xf32>
        %mul3A_434 = arith.mulf %get3A_432, %mul3A_433 : vector<16xf32>
        %swap3A_435 = arith.index_cast %add3A_349 : i32 to index
        %swap3A_436 = arith.constant 112 : index
        %swap3A_437 = tpu.vector_load %arg11[%swap3A_435, %swap3A_436] {strides = array<i32>} : memref<64x128xf32, #tpu.memory_space<vmem>>, vector<1x16xf32>,
        %swap3A_438 = vector.shape_cast %swap3A_437 : vector<1x16xf32> to vector<16xf32>
        %swap3A_439 = vector.shape_cast %mul3A_434 : vector<16xf32> to vector<1x16xf32>
        tpu.vector_store %arg11[%swap3A_435, %swap3A_436], %swap3A_439 {strides = array<i32>} : memref<64x128xf32, #tpu.memory_space<vmem>>, vector<1x16xf32>,
        %mul3A_440 = arith.constant 16 : i32
        %mul3A_441 = arith.muli %scan3A_152, %mul3A_440 : i32
        %add3A_442 = arith.constant 3 : i32
        %add3A_443 = arith.addi %mul3A_441, %add3A_442 : i32
        %slice3A_444 = vector.extract_strided_slice %get3A_160 {offsets = [3], sizes = [1], strides = [1]} : vector<16xf32> to vector<1xf32>
        %squeeze3A_445 = vector.extract %slice3A_444[0] : f32 from vector<1xf32>
        %get3A_446 = arith.index_cast %add3A_443 : i32 to index
        %get3A_447 = arith.constant 0 : index
        %get3A_448 = tpu.vector_load %arg11[%get3A_446, %get3A_447] {strides = array<i32>} : memref<64x128xf32, #tpu.memory_space<vmem>>, vector<1x16xf32>,
        %get3A_449 = vector.shape_cast %get3A_448 : vector<1x16xf32> to vector<16xf32>
        %mul3A_450 = vector.broadcast %squeeze3A_445 : f32 to vector<16xf32>
        %mul3A_451 = arith.mulf %get3A_449, %mul3A_450 : vector<16xf32>
        %swap3A_452 = arith.index_cast %add3A_443 : i32 to index
        %swap3A_453 = arith.constant 0 : index
        %swap3A_454 = tpu.vector_load %arg11[%swap3A_452, %swap3A_453] {strides = array<i32>} : memref<64x128xf32, #tpu.memory_space<vmem>>, vector<1x16xf32>,
        %swap3A_455 = vector.shape_cast %swap3A_454 : vector<1x16xf32> to vector<16xf32>
        %swap3A_456 = vector.shape_cast %mul3A_451 : vector<16xf32> to vector<1x16xf32>
        tpu.vector_store %arg11[%swap3A_452, %swap3A_453], %swap3A_456 {strides = array<i32>} : memref<64x128xf32, #tpu.memory_space<vmem>>, vector<1x16xf32>,
        %get3A_457 = arith.index_cast %add3A_443 : i32 to index
        %get3A_458 = arith.constant 16 : index
        %get3A_459 = tpu.vector_load %arg11[%get3A_457, %get3A_458] {strides = array<i32>} : memref<64x128xf32, #tpu.memory_space<vmem>>, vector<1x16xf32>,
        %get3A_460 = vector.shape_cast %get3A_459 : vector<1x16xf32> to vector<16xf32>
        %mul3A_461 = vector.broadcast %squeeze3A_445 : f32 to vector<16xf32>
        %mul3A_462 = arith.mulf %get3A_460, %mul3A_461 : vector<16xf32>
        %swap3A_463 = arith.index_cast %add3A_443 : i32 to index
        %swap3A_464 = arith.constant 16 : index
        %swap3A_465 = tpu.vector_load %arg11[%swap3A_463, %swap3A_464] {strides = array<i32>} : memref<64x128xf32, #tpu.memory_space<vmem>>, vector<1x16xf32>,
        %swap3A_466 = vector.shape_cast %swap3A_465 : vector<1x16xf32> to vector<16xf32>
        %swap3A_467 = vector.shape_cast %mul3A_462 : vector<16xf32> to vector<1x16xf32>
        tpu.vector_store %arg11[%swap3A_463, %swap3A_464], %swap3A_467 {strides = array<i32>} : memref<64x128xf32, #tpu.memory_space<vmem>>, vector<1x16xf32>,
        %get3A_468 = arith.index_cast %add3A_443 : i32 to index
        %get3A_469 = arith.constant 32 : index
        %get3A_470 = tpu.vector_load %arg11[%get3A_468, %get3A_469] {strides = array<i32>} : memref<64x128xf32, #tpu.memory_space<vmem>>, vector<1x16xf32>,
        %get3A_471 = vector.shape_cast %get3A_470 : vector<1x16xf32> to vector<16xf32>
        %mul3A_472 = vector.broadcast %squeeze3A_445 : f32 to vector<16xf32>
        %mul3A_473 = arith.mulf %get3A_471, %mul3A_472 : vector<16xf32>
        %swap3A_474 = arith.index_cast %add3A_443 : i32 to index
        %swap3A_475 = arith.constant 32 : index
        %swap3A_476 = tpu.vector_load %arg11[%swap3A_474, %swap3A_475] {strides = array<i32>} : memref<64x128xf32, #tpu.memory_space<vmem>>, vector<1x16xf32>,
        %swap3A_477 = vector.shape_cast %swap3A_476 : vector<1x16xf32> to vector<16xf32>
        %swap3A_478 = vector.shape_cast %mul3A_473 : vector<16xf32> to vector<1x16xf32>
        tpu.vector_store %arg11[%swap3A_474, %swap3A_475], %swap3A_478 {strides = array<i32>} : memref<64x128xf32, #tpu.memory_space<vmem>>, vector<1x16xf32>,
        %get3A_479 = arith.index_cast %add3A_443 : i32 to index
        %get3A_480 = arith.constant 48 : index
        %get3A_481 = tpu.vector_load %arg11[%get3A_479, %get3A_480] {strides = array<i32>} : memref<64x128xf32, #tpu.memory_space<vmem>>, vector<1x16xf32>,
        %get3A_482 = vector.shape_cast %get3A_481 : vector<1x16xf32> to vector<16xf32>
        %mul3A_483 = vector.broadcast %squeeze3A_445 : f32 to vector<16xf32>
        %mul3A_484 = arith.mulf %get3A_482, %mul3A_483 : vector<16xf32>
        %swap3A_485 = arith.index_cast %add3A_443 : i32 to index
        %swap3A_486 = arith.constant 48 : index
        %swap3A_487 = tpu.vector_load %arg11[%swap3A_485, %swap3A_486] {strides = array<i32>} : memref<64x128xf32, #tpu.memory_space<vmem>>, vector<1x16xf32>,
        %swap3A_488 = vector.shape_cast %swap3A_487 : vector<1x16xf32> to vector<16xf32>
        %swap3A_489 = vector.shape_cast %mul3A_484 : vector<16xf32> to vector<1x16xf32>
        tpu.vector_store %arg11[%swap3A_485, %swap3A_486], %swap3A_489 {strides = array<i32>} : memref<64x128xf32, #tpu.memory_space<vmem>>, vector<1x16xf32>,
        %get3A_490 = arith.index_cast %add3A_443 : i32 to index
        %get3A_491 = arith.constant 64 : index
        %get3A_492 = tpu.vector_load %arg11[%get3A_490, %get3A_491] {strides = array<i32>} : memref<64x128xf32, #tpu.memory_space<vmem>>, vector<1x16xf32>,
        %get3A_493 = vector.shape_cast %get3A_492 : vector<1x16xf32> to vector<16xf32>
        %mul3A_494 = vector.broadcast %squeeze3A_445 : f32 to vector<16xf32>
        %mul3A_495 = arith.mulf %get3A_493, %mul3A_494 : vector<16xf32>
        %swap3A_496 = arith.index_cast %add3A_443 : i32 to index
        %swap3A_497 = arith.constant 64 : index
        %swap3A_498 = tpu.vector_load %arg11[%swap3A_496, %swap3A_497] {strides = array<i32>} : memref<64x128xf32, #tpu.memory_space<vmem>>, vector<1x16xf32>,
        %swap3A_499 = vector.shape_cast %swap3A_498 : vector<1x16xf32> to vector<16xf32>
        %swap3A_500 = vector.shape_cast %mul3A_495 : vector<16xf32> to vector<1x16xf32>
        tpu.vector_store %arg11[%swap3A_496, %swap3A_497], %swap3A_500 {strides = array<i32>} : memref<64x128xf32, #tpu.memory_space<vmem>>, vector<1x16xf32>,
        %get3A_501 = arith.index_cast %add3A_443 : i32 to index
        %get3A_502 = arith.constant 80 : index
        %get3A_503 = tpu.vector_load %arg11[%get3A_501, %get3A_502] {strides = array<i32>} : memref<64x128xf32, #tpu.memory_space<vmem>>, vector<1x16xf32>,
        %get3A_504 = vector.shape_cast %get3A_503 : vector<1x16xf32> to vector<16xf32>
        %mul3A_505 = vector.broadcast %squeeze3A_445 : f32 to vector<16xf32>
        %mul3A_506 = arith.mulf %get3A_504, %mul3A_505 : vector<16xf32>
        %swap3A_507 = arith.index_cast %add3A_443 : i32 to index
        %swap3A_508 = arith.constant 80 : index
        %swap3A_509 = tpu.vector_load %arg11[%swap3A_507, %swap3A_508] {strides = array<i32>} : memref<64x128xf32, #tpu.memory_space<vmem>>, vector<1x16xf32>,
        %swap3A_510 = vector.shape_cast %swap3A_509 : vector<1x16xf32> to vector<16xf32>
        %swap3A_511 = vector.shape_cast %mul3A_506 : vector<16xf32> to vector<1x16xf32>
        tpu.vector_store %arg11[%swap3A_507, %swap3A_508], %swap3A_511 {strides = array<i32>} : memref<64x128xf32, #tpu.memory_space<vmem>>, vector<1x16xf32>,
        %get3A_512 = arith.index_cast %add3A_443 : i32 to index
        %get3A_513 = arith.constant 96 : index
        %get3A_514 = tpu.vector_load %arg11[%get3A_512, %get3A_513] {strides = array<i32>} : memref<64x128xf32, #tpu.memory_space<vmem>>, vector<1x16xf32>,
        %get3A_515 = vector.shape_cast %get3A_514 : vector<1x16xf32> to vector<16xf32>
        %mul3A_516 = vector.broadcast %squeeze3A_445 : f32 to vector<16xf32>
        %mul3A_517 = arith.mulf %get3A_515, %mul3A_516 : vector<16xf32>
        %swap3A_518 = arith.index_cast %add3A_443 : i32 to index
        %swap3A_519 = arith.constant 96 : index
        %swap3A_520 = tpu.vector_load %arg11[%swap3A_518, %swap3A_519] {strides = array<i32>} : memref<64x128xf32, #tpu.memory_space<vmem>>, vector<1x16xf32>,
        %swap3A_521 = vector.shape_cast %swap3A_520 : vector<1x16xf32> to vector<16xf32>
        %swap3A_522 = vector.shape_cast %mul3A_517 : vector<16xf32> to vector<1x16xf32>
        tpu.vector_store %arg11[%swap3A_518, %swap3A_519], %swap3A_522 {strides = array<i32>} : memref<64x128xf32, #tpu.memory_space<vmem>>, vector<1x16xf32>,
        %get3A_523 = arith.index_cast %add3A_443 : i32 to index
        %get3A_524 = arith.constant 112 : index
        %get3A_525 = tpu.vector_load %arg11[%get3A_523, %get3A_524] {strides = array<i32>} : memref<64x128xf32, #tpu.memory_space<vmem>>, vector<1x16xf32>,
        %get3A_526 = vector.shape_cast %get3A_525 : vector<1x16xf32> to vector<16xf32>
        %mul3A_527 = vector.broadcast %squeeze3A_445 : f32 to vector<16xf32>
        %mul3A_528 = arith.mulf %get3A_526, %mul3A_527 : vector<16xf32>
        %swap3A_529 = arith.index_cast %add3A_443 : i32 to index
        %swap3A_530 = arith.constant 112 : index
        %swap3A_531 = tpu.vector_load %arg11[%swap3A_529, %swap3A_530] {strides = array<i32>} : memref<64x128xf32, #tpu.memory_space<vmem>>, vector<1x16xf32>,
        %swap3A_532 = vector.shape_cast %swap3A_531 : vector<1x16xf32> to vector<16xf32>
        %swap3A_533 = vector.shape_cast %mul3A_528 : vector<16xf32> to vector<1x16xf32>
        tpu.vector_store %arg11[%swap3A_529, %swap3A_530], %swap3A_533 {strides = array<i32>} : memref<64x128xf32, #tpu.memory_space<vmem>>, vector<1x16xf32>,
        %mul3A_534 = arith.constant 16 : i32
        %mul3A_535 = arith.muli %scan3A_152, %mul3A_534 : i32
        %add3A_536 = arith.constant 4 : i32
        %add3A_537 = arith.addi %mul3A_535, %add3A_536 : i32
        %slice3A_538 = vector.extract_strided_slice %get3A_160 {offsets = [4], sizes = [1], strides = [1]} : vector<16xf32> to vector<1xf32>
        %squeeze3A_539 = vector.extract %slice3A_538[0] : f32 from vector<1xf32>
        %get3A_540 = arith.index_cast %add3A_537 : i32 to index
        %get3A_541 = arith.constant 0 : index
        %get3A_542 = tpu.vector_load %arg11[%get3A_540, %get3A_541] {strides = array<i32>} : memref<64x128xf32, #tpu.memory_space<vmem>>, vector<1x16xf32>,
        %get3A_543 = vector.shape_cast %get3A_542 : vector<1x16xf32> to vector<16xf32>
        %mul3A_544 = vector.broadcast %squeeze3A_539 : f32 to vector<16xf32>
        %mul3A_545 = arith.mulf %get3A_543, %mul3A_544 : vector<16xf32>
        %swap3A_546 = arith.index_cast %add3A_537 : i32 to index
        %swap3A_547 = arith.constant 0 : index
        %swap3A_548 = tpu.vector_load %arg11[%swap3A_546, %swap3A_547] {strides = array<i32>} : memref<64x128xf32, #tpu.memory_space<vmem>>, vector<1x16xf32>,
        %swap3A_549 = vector.shape_cast %swap3A_548 : vector<1x16xf32> to vector<16xf32>
        %swap3A_550 = vector.shape_cast %mul3A_545 : vector<16xf32> to vector<1x16xf32>
        tpu.vector_store %arg11[%swap3A_546, %swap3A_547], %swap3A_550 {strides = array<i32>} : memref<64x128xf32, #tpu.memory_space<vmem>>, vector<1x16xf32>,
        %get3A_551 = arith.index_cast %add3A_537 : i32 to index
        %get3A_552 = arith.constant 16 : index
        %get3A_553 = tpu.vector_load %arg11[%get3A_551, %get3A_552] {strides = array<i32>} : memref<64x128xf32, #tpu.memory_space<vmem>>, vector<1x16xf32>,
        %get3A_554 = vector.shape_cast %get3A_553 : vector<1x16xf32> to vector<16xf32>
        %mul3A_555 = vector.broadcast %squeeze3A_539 : f32 to vector<16xf32>
        %mul3A_556 = arith.mulf %get3A_554, %mul3A_555 : vector<16xf32>
        %swap3A_557 = arith.index_cast %add3A_537 : i32 to index
        %swap3A_558 = arith.constant 16 : index
        %swap3A_559 = tpu.vector_load %arg11[%swap3A_557, %swap3A_558] {strides = array<i32>} : memref<64x128xf32, #tpu.memory_space<vmem>>, vector<1x16xf32>,
        %swap3A_560 = vector.shape_cast %swap3A_559 : vector<1x16xf32> to vector<16xf32>
        %swap3A_561 = vector.shape_cast %mul3A_556 : vector<16xf32> to vector<1x16xf32>
        tpu.vector_store %arg11[%swap3A_557, %swap3A_558], %swap3A_561 {strides = array<i32>} : memref<64x128xf32, #tpu.memory_space<vmem>>, vector<1x16xf32>,
        %get3A_562 = arith.index_cast %add3A_537 : i32 to index
        %get3A_563 = arith.constant 32 : index
        %get3A_564 = tpu.vector_load %arg11[%get3A_562, %get3A_563] {strides = array<i32>} : memref<64x128xf32, #tpu.memory_space<vmem>>, vector<1x16xf32>,
        %get3A_565 = vector.shape_cast %get3A_564 : vector<1x16xf32> to vector<16xf32>
        %mul3A_566 = vector.broadcast %squeeze3A_539 : f32 to vector<16xf32>
        %mul3A_567 = arith.mulf %get3A_565, %mul3A_566 : vector<16xf32>
        %swap3A_568 = arith.index_cast %add3A_537 : i32 to index
        %swap3A_569 = arith.constant 32 : index
        %swap3A_570 = tpu.vector_load %arg11[%swap3A_568, %swap3A_569] {strides = array<i32>} : memref<64x128xf32, #tpu.memory_space<vmem>>, vector<1x16xf32>,
        %swap3A_571 = vector.shape_cast %swap3A_570 : vector<1x16xf32> to vector<16xf32>
        %swap3A_572 = vector.shape_cast %mul3A_567 : vector<16xf32> to vector<1x16xf32>
        tpu.vector_store %arg11[%swap3A_568, %swap3A_569], %swap3A_572 {strides = array<i32>} : memref<64x128xf32, #tpu.memory_space<vmem>>, vector<1x16xf32>,
        %get3A_573 = arith.index_cast %add3A_537 : i32 to index
        %get3A_574 = arith.constant 48 : index
        %get3A_575 = tpu.vector_load %arg11[%get3A_573, %get3A_574] {strides = array<i32>} : memref<64x128xf32, #tpu.memory_space<vmem>>, vector<1x16xf32>,
        %get3A_576 = vector.shape_cast %get3A_575 : vector<1x16xf32> to vector<16xf32>
        %mul3A_577 = vector.broadcast %squeeze3A_539 : f32 to vector<16xf32>
        %mul3A_578 = arith.mulf %get3A_576, %mul3A_577 : vector<16xf32>
        %swap3A_579 = arith.index_cast %add3A_537 : i32 to index
        %swap3A_580 = arith.constant 48 : index
        %swap3A_581 = tpu.vector_load %arg11[%swap3A_579, %swap3A_580] {strides = array<i32>} : memref<64x128xf32, #tpu.memory_space<vmem>>, vector<1x16xf32>,
        %swap3A_582 = vector.shape_cast %swap3A_581 : vector<1x16xf32> to vector<16xf32>
        %swap3A_583 = vector.shape_cast %mul3A_578 : vector<16xf32> to vector<1x16xf32>
        tpu.vector_store %arg11[%swap3A_579, %swap3A_580], %swap3A_583 {strides = array<i32>} : memref<64x128xf32, #tpu.memory_space<vmem>>, vector<1x16xf32>,
        %get3A_584 = arith.index_cast %add3A_537 : i32 to index
        %get3A_585 = arith.constant 64 : index
        %get3A_586 = tpu.vector_load %arg11[%get3A_584, %get3A_585] {strides = array<i32>} : memref<64x128xf32, #tpu.memory_space<vmem>>, vector<1x16xf32>,
        %get3A_587 = vector.shape_cast %get3A_586 : vector<1x16xf32> to vector<16xf32>
        %mul3A_588 = vector.broadcast %squeeze3A_539 : f32 to vector<16xf32>
        %mul3A_589 = arith.mulf %get3A_587, %mul3A_588 : vector<16xf32>
        %swap3A_590 = arith.index_cast %add3A_537 : i32 to index
        %swap3A_591 = arith.constant 64 : index
        %swap3A_592 = tpu.vector_load %arg11[%swap3A_590, %swap3A_591] {strides = array<i32>} : memref<64x128xf32, #tpu.memory_space<vmem>>, vector<1x16xf32>,
        %swap3A_593 = vector.shape_cast %swap3A_592 : vector<1x16xf32> to vector<16xf32>
        %swap3A_594 = vector.shape_cast %mul3A_589 : vector<16xf32> to vector<1x16xf32>
        tpu.vector_store %arg11[%swap3A_590, %swap3A_591], %swap3A_594 {strides = array<i32>} : memref<64x128xf32, #tpu.memory_space<vmem>>, vector<1x16xf32>,
        %get3A_595 = arith.index_cast %add3A_537 : i32 to index
        %get3A_596 = arith.constant 80 : index
        %get3A_597 = tpu.vector_load %arg11[%get3A_595, %get3A_596] {strides = array<i32>} : memref<64x128xf32, #tpu.memory_space<vmem>>, vector<1x16xf32>,
        %get3A_598 = vector.shape_cast %get3A_597 : vector<1x16xf32> to vector<16xf32>
        %mul3A_599 = vector.broadcast %squeeze3A_539 : f32 to vector<16xf32>
        %mul3A_600 = arith.mulf %get3A_598, %mul3A_599 : vector<16xf32>
        %swap3A_601 = arith.index_cast %add3A_537 : i32 to index
        %swap3A_602 = arith.constant 80 : index
        %swap3A_603 = tpu.vector_load %arg11[%swap3A_601, %swap3A_602] {strides = array<i32>} : memref<64x128xf32, #tpu.memory_space<vmem>>, vector<1x16xf32>,
        %swap3A_604 = vector.shape_cast %swap3A_603 : vector<1x16xf32> to vector<16xf32>
        %swap3A_605 = vector.shape_cast %mul3A_600 : vector<16xf32> to vector<1x16xf32>
        tpu.vector_store %arg11[%swap3A_601, %swap3A_602], %swap3A_605 {strides = array<i32>} : memref<64x128xf32, #tpu.memory_space<vmem>>, vector<1x16xf32>,
        %get3A_606 = arith.index_cast %add3A_537 : i32 to index
        %get3A_607 = arith.constant 96 : index
        %get3A_608 = tpu.vector_load %arg11[%get3A_606, %get3A_607] {strides = array<i32>} : memref<64x128xf32, #tpu.memory_space<vmem>>, vector<1x16xf32>,
        %get3A_609 = vector.shape_cast %get3A_608 : vector<1x16xf32> to vector<16xf32>
        %mul3A_610 = vector.broadcast %squeeze3A_539 : f32 to vector<16xf32>
        %mul3A_611 = arith.mulf %get3A_609, %mul3A_610 : vector<16xf32>
        %swap3A_612 = arith.index_cast %add3A_537 : i32 to index
        %swap3A_613 = arith.constant 96 : index
        %swap3A_614 = tpu.vector_load %arg11[%swap3A_612, %swap3A_613] {strides = array<i32>} : memref<64x128xf32, #tpu.memory_space<vmem>>, vector<1x16xf32>,
        %swap3A_615 = vector.shape_cast %swap3A_614 : vector<1x16xf32> to vector<16xf32>
        %swap3A_616 = vector.shape_cast %mul3A_611 : vector<16xf32> to vector<1x16xf32>
        tpu.vector_store %arg11[%swap3A_612, %swap3A_613], %swap3A_616 {strides = array<i32>} : memref<64x128xf32, #tpu.memory_space<vmem>>, vector<1x16xf32>,
        %get3A_617 = arith.index_cast %add3A_537 : i32 to index
        %get3A_618 = arith.constant 112 : index
        %get3A_619 = tpu.vector_load %arg11[%get3A_617, %get3A_618] {strides = array<i32>} : memref<64x128xf32, #tpu.memory_space<vmem>>, vector<1x16xf32>,
        %get3A_620 = vector.shape_cast %get3A_619 : vector<1x16xf32> to vector<16xf32>
        %mul3A_621 = vector.broadcast %squeeze3A_539 : f32 to vector<16xf32>
        %mul3A_622 = arith.mulf %get3A_620, %mul3A_621 : vector<16xf32>
        %swap3A_623 = arith.index_cast %add3A_537 : i32 to index
        %swap3A_624 = arith.constant 112 : index
        %swap3A_625 = tpu.vector_load %arg11[%swap3A_623, %swap3A_624] {strides = array<i32>} : memref<64x128xf32, #tpu.memory_space<vmem>>, vector<1x16xf32>,
        %swap3A_626 = vector.shape_cast %swap3A_625 : vector<1x16xf32> to vector<16xf32>
        %swap3A_627 = vector.shape_cast %mul3A_622 : vector<16xf32> to vector<1x16xf32>
        tpu.vector_store %arg11[%swap3A_623, %swap3A_624], %swap3A_627 {strides = array<i32>} : memref<64x128xf32, #tpu.memory_space<vmem>>, vector<1x16xf32>,
        %mul3A_628 = arith.constant 16 : i32
        %mul3A_629 = arith.muli %scan3A_152, %mul3A_628 : i32
        %add3A_630 = arith.constant 5 : i32
        %add3A_631 = arith.addi %mul3A_629, %add3A_630 : i32
        %slice3A_632 = vector.extract_strided_slice %get3A_160 {offsets = [5], sizes = [1], strides = [1]} : vector<16xf32> to vector<1xf32>
        %squeeze3A_633 = vector.extract %slice3A_632[0] : f32 from vector<1xf32>
        %get3A_634 = arith.index_cast %add3A_631 : i32 to index
        %get3A_635 = arith.constant 0 : index
        %get3A_636 = tpu.vector_load %arg11[%get3A_634, %get3A_635] {strides = array<i32>} : memref<64x128xf32, #tpu.memory_space<vmem>>, vector<1x16xf32>,
        %get3A_637 = vector.shape_cast %get3A_636 : vector<1x16xf32> to vector<16xf32>
        %mul3A_638 = vector.broadcast %squeeze3A_633 : f32 to vector<16xf32>
        %mul3A_639 = arith.mulf %get3A_637, %mul3A_638 : vector<16xf32>
        %swap3A_640 = arith.index_cast %add3A_631 : i32 to index
        %swap3A_641 = arith.constant 0 : index
        %swap3A_642 = tpu.vector_load %arg11[%swap3A_640, %swap3A_641] {strides = array<i32>} : memref<64x128xf32, #tpu.memory_space<vmem>>, vector<1x16xf32>,
        %swap3A_643 = vector.shape_cast %swap3A_642 : vector<1x16xf32> to vector<16xf32>
        %swap3A_644 = vector.shape_cast %mul3A_639 : vector<16xf32> to vector<1x16xf32>
        tpu.vector_store %arg11[%swap3A_640, %swap3A_641], %swap3A_644 {strides = array<i32>} : memref<64x128xf32, #tpu.memory_space<vmem>>, vector<1x16xf32>,
        %get3A_645 = arith.index_cast %add3A_631 : i32 to index
        %get3A_646 = arith.constant 16 : index
        %get3A_647 = tpu.vector_load %arg11[%get3A_645, %get3A_646] {strides = array<i32>} : memref<64x128xf32, #tpu.memory_space<vmem>>, vector<1x16xf32>,
        %get3A_648 = vector.shape_cast %get3A_647 : vector<1x16xf32> to vector<16xf32>
        %mul3A_649 = vector.broadcast %squeeze3A_633 : f32 to vector<16xf32>
        %mul3A_650 = arith.mulf %get3A_648, %mul3A_649 : vector<16xf32>
        %swap3A_651 = arith.index_cast %add3A_631 : i32 to index
        %swap3A_652 = arith.constant 16 : index
        %swap3A_653 = tpu.vector_load %arg11[%swap3A_651, %swap3A_652] {strides = array<i32>} : memref<64x128xf32, #tpu.memory_space<vmem>>, vector<1x16xf32>,
        %swap3A_654 = vector.shape_cast %swap3A_653 : vector<1x16xf32> to vector<16xf32>
        %swap3A_655 = vector.shape_cast %mul3A_650 : vector<16xf32> to vector<1x16xf32>
        tpu.vector_store %arg11[%swap3A_651, %swap3A_652], %swap3A_655 {strides = array<i32>} : memref<64x128xf32, #tpu.memory_space<vmem>>, vector<1x16xf32>,
        %get3A_656 = arith.index_cast %add3A_631 : i32 to index
        %get3A_657 = arith.constant 32 : index
        %get3A_658 = tpu.vector_load %arg11[%get3A_656, %get3A_657] {strides = array<i32>} : memref<64x128xf32, #tpu.memory_space<vmem>>, vector<1x16xf32>,
        %get3A_659 = vector.shape_cast %get3A_658 : vector<1x16xf32> to vector<16xf32>
        %mul3A_660 = vector.broadcast %squeeze3A_633 : f32 to vector<16xf32>
        %mul3A_661 = arith.mulf %get3A_659, %mul3A_660 : vector<16xf32>
        %swap3A_662 = arith.index_cast %add3A_631 : i32 to index
        %swap3A_663 = arith.constant 32 : index
        %swap3A_664 = tpu.vector_load %arg11[%swap3A_662, %swap3A_663] {strides = array<i32>} : memref<64x128xf32, #tpu.memory_space<vmem>>, vector<1x16xf32>,
        %swap3A_665 = vector.shape_cast %swap3A_664 : vector<1x16xf32> to vector<16xf32>
        %swap3A_666 = vector.shape_cast %mul3A_661 : vector<16xf32> to vector<1x16xf32>
        tpu.vector_store %arg11[%swap3A_662, %swap3A_663], %swap3A_666 {strides = array<i32>} : memref<64x128xf32, #tpu.memory_space<vmem>>, vector<1x16xf32>,
        %get3A_667 = arith.index_cast %add3A_631 : i32 to index
        %get3A_668 = arith.constant 48 : index
        %get3A_669 = tpu.vector_load %arg11[%get3A_667, %get3A_668] {strides = array<i32>} : memref<64x128xf32, #tpu.memory_space<vmem>>, vector<1x16xf32>,
        %get3A_670 = vector.shape_cast %get3A_669 : vector<1x16xf32> to vector<16xf32>
        %mul3A_671 = vector.broadcast %squeeze3A_633 : f32 to vector<16xf32>
        %mul3A_672 = arith.mulf %get3A_670, %mul3A_671 : vector<16xf32>
        %swap3A_673 = arith.index_cast %add3A_631 : i32 to index
        %swap3A_674 = arith.constant 48 : index
        %swap3A_675 = tpu.vector_load %arg11[%swap3A_673, %swap3A_674] {strides = array<i32>} : memref<64x128xf32, #tpu.memory_space<vmem>>, vector<1x16xf32>,
        %swap3A_676 = vector.shape_cast %swap3A_675 : vector<1x16xf32> to vector<16xf32>
        %swap3A_677 = vector.shape_cast %mul3A_672 : vector<16xf32> to vector<1x16xf32>
        tpu.vector_store %arg11[%swap3A_673, %swap3A_674], %swap3A_677 {strides = array<i32>} : memref<64x128xf32, #tpu.memory_space<vmem>>, vector<1x16xf32>,
        %get3A_678 = arith.index_cast %add3A_631 : i32 to index
        %get3A_679 = arith.constant 64 : index
        %get3A_680 = tpu.vector_load %arg11[%get3A_678, %get3A_679] {strides = array<i32>} : memref<64x128xf32, #tpu.memory_space<vmem>>, vector<1x16xf32>,
        %get3A_681 = vector.shape_cast %get3A_680 : vector<1x16xf32> to vector<16xf32>
        %mul3A_682 = vector.broadcast %squeeze3A_633 : f32 to vector<16xf32>
        %mul3A_683 = arith.mulf %get3A_681, %mul3A_682 : vector<16xf32>
        %swap3A_684 = arith.index_cast %add3A_631 : i32 to index
        %swap3A_685 = arith.constant 64 : index
        %swap3A_686 = tpu.vector_load %arg11[%swap3A_684, %swap3A_685] {strides = array<i32>} : memref<64x128xf32, #tpu.memory_space<vmem>>, vector<1x16xf32>,
        %swap3A_687 = vector.shape_cast %swap3A_686 : vector<1x16xf32> to vector<16xf32>
        %swap3A_688 = vector.shape_cast %mul3A_683 : vector<16xf32> to vector<1x16xf32>
        tpu.vector_store %arg11[%swap3A_684, %swap3A_685], %swap3A_688 {strides = array<i32>} : memref<64x128xf32, #tpu.memory_space<vmem>>, vector<1x16xf32>,
        %get3A_689 = arith.index_cast %add3A_631 : i32 to index
        %get3A_690 = arith.constant 80 : index
        %get3A_691 = tpu.vector_load %arg11[%get3A_689, %get3A_690] {strides = array<i32>} : memref<64x128xf32, #tpu.memory_space<vmem>>, vector<1x16xf32>,
        %get3A_692 = vector.shape_cast %get3A_691 : vector<1x16xf32> to vector<16xf32>
        %mul3A_693 = vector.broadcast %squeeze3A_633 : f32 to vector<16xf32>
        %mul3A_694 = arith.mulf %get3A_692, %mul3A_693 : vector<16xf32>
        %swap3A_695 = arith.index_cast %add3A_631 : i32 to index
        %swap3A_696 = arith.constant 80 : index
        %swap3A_697 = tpu.vector_load %arg11[%swap3A_695, %swap3A_696] {strides = array<i32>} : memref<64x128xf32, #tpu.memory_space<vmem>>, vector<1x16xf32>,
        %swap3A_698 = vector.shape_cast %swap3A_697 : vector<1x16xf32> to vector<16xf32>
        %swap3A_699 = vector.shape_cast %mul3A_694 : vector<16xf32> to vector<1x16xf32>
        tpu.vector_store %arg11[%swap3A_695, %swap3A_696], %swap3A_699 {strides = array<i32>} : memref<64x128xf32, #tpu.memory_space<vmem>>, vector<1x16xf32>,
        %get3A_700 = arith.index_cast %add3A_631 : i32 to index
        %get3A_701 = arith.constant 96 : index
        %get3A_702 = tpu.vector_load %arg11[%get3A_700, %get3A_701] {strides = array<i32>} : memref<64x128xf32, #tpu.memory_space<vmem>>, vector<1x16xf32>,
        %get3A_703 = vector.shape_cast %get3A_702 : vector<1x16xf32> to vector<16xf32>
        %mul3A_704 = vector.broadcast %squeeze3A_633 : f32 to vector<16xf32>
        %mul3A_705 = arith.mulf %get3A_703, %mul3A_704 : vector<16xf32>
        %swap3A_706 = arith.index_cast %add3A_631 : i32 to index
        %swap3A_707 = arith.constant 96 : index
        %swap3A_708 = tpu.vector_load %arg11[%swap3A_706, %swap3A_707] {strides = array<i32>} : memref<64x128xf32, #tpu.memory_space<vmem>>, vector<1x16xf32>,
        %swap3A_709 = vector.shape_cast %swap3A_708 : vector<1x16xf32> to vector<16xf32>
        %swap3A_710 = vector.shape_cast %mul3A_705 : vector<16xf32> to vector<1x16xf32>
        tpu.vector_store %arg11[%swap3A_706, %swap3A_707], %swap3A_710 {strides = array<i32>} : memref<64x128xf32, #tpu.memory_space<vmem>>, vector<1x16xf32>,
        %get3A_711 = arith.index_cast %add3A_631 : i32 to index
        %get3A_712 = arith.constant 112 : index
        %get3A_713 = tpu.vector_load %arg11[%get3A_711, %get3A_712] {strides = array<i32>} : memref<64x128xf32, #tpu.memory_space<vmem>>, vector<1x16xf32>,
        %get3A_714 = vector.shape_cast %get3A_713 : vector<1x16xf32> to vector<16xf32>
        %mul3A_715 = vector.broadcast %squeeze3A_633 : f32 to vector<16xf32>
        %mul3A_716 = arith.mulf %get3A_714, %mul3A_715 : vector<16xf32>
        %swap3A_717 = arith.index_cast %add3A_631 : i32 to index
        %swap3A_718 = arith.constant 112 : index
        %swap3A_719 = tpu.vector_load %arg11[%swap3A_717, %swap3A_718] {strides = array<i32>} : memref<64x128xf32, #tpu.memory_space<vmem>>, vector<1x16xf32>,
        %swap3A_720 = vector.shape_cast %swap3A_719 : vector<1x16xf32> to vector<16xf32>
        %swap3A_721 = vector.shape_cast %mul3A_716 : vector<16xf32> to vector<1x16xf32>
        tpu.vector_store %arg11[%swap3A_717, %swap3A_718], %swap3A_721 {strides = array<i32>} : memref<64x128xf32, #tpu.memory_space<vmem>>, vector<1x16xf32>,
        %mul3A_722 = arith.constant 16 : i32
        %mul3A_723 = arith.muli %scan3A_152, %mul3A_722 : i32
        %add3A_724 = arith.constant 6 : i32
        %add3A_725 = arith.addi %mul3A_723, %add3A_724 : i32
        %slice3A_726 = vector.extract_strided_slice %get3A_160 {offsets = [6], sizes = [1], strides = [1]} : vector<16xf32> to vector<1xf32>
        %squeeze3A_727 = vector.extract %slice3A_726[0] : f32 from vector<1xf32>
        %get3A_728 = arith.index_cast %add3A_725 : i32 to index
        %get3A_729 = arith.constant 0 : index
        %get3A_730 = tpu.vector_load %arg11[%get3A_728, %get3A_729] {strides = array<i32>} : memref<64x128xf32, #tpu.memory_space<vmem>>, vector<1x16xf32>,
        %get3A_731 = vector.shape_cast %get3A_730 : vector<1x16xf32> to vector<16xf32>
        %mul3A_732 = vector.broadcast %squeeze3A_727 : f32 to vector<16xf32>
        %mul3A_733 = arith.mulf %get3A_731, %mul3A_732 : vector<16xf32>
        %swap3A_734 = arith.index_cast %add3A_725 : i32 to index
        %swap3A_735 = arith.constant 0 : index
        %swap3A_736 = tpu.vector_load %arg11[%swap3A_734, %swap3A_735] {strides = array<i32>} : memref<64x128xf32, #tpu.memory_space<vmem>>, vector<1x16xf32>,
        %swap3A_737 = vector.shape_cast %swap3A_736 : vector<1x16xf32> to vector<16xf32>
        %swap3A_738 = vector.shape_cast %mul3A_733 : vector<16xf32> to vector<1x16xf32>
        tpu.vector_store %arg11[%swap3A_734, %swap3A_735], %swap3A_738 {strides = array<i32>} : memref<64x128xf32, #tpu.memory_space<vmem>>, vector<1x16xf32>,
        %get3A_739 = arith.index_cast %add3A_725 : i32 to index
        %get3A_740 = arith.constant 16 : index
        %get3A_741 = tpu.vector_load %arg11[%get3A_739, %get3A_740] {strides = array<i32>} : memref<64x128xf32, #tpu.memory_space<vmem>>, vector<1x16xf32>,
        %get3A_742 = vector.shape_cast %get3A_741 : vector<1x16xf32> to vector<16xf32>
        %mul3A_743 = vector.broadcast %squeeze3A_727 : f32 to vector<16xf32>
        %mul3A_744 = arith.mulf %get3A_742, %mul3A_743 : vector<16xf32>
        %swap3A_745 = arith.index_cast %add3A_725 : i32 to index
        %swap3A_746 = arith.constant 16 : index
        %swap3A_747 = tpu.vector_load %arg11[%swap3A_745, %swap3A_746] {strides = array<i32>} : memref<64x128xf32, #tpu.memory_space<vmem>>, vector<1x16xf32>,
        %swap3A_748 = vector.shape_cast %swap3A_747 : vector<1x16xf32> to vector<16xf32>
        %swap3A_749 = vector.shape_cast %mul3A_744 : vector<16xf32> to vector<1x16xf32>
        tpu.vector_store %arg11[%swap3A_745, %swap3A_746], %swap3A_749 {strides = array<i32>} : memref<64x128xf32, #tpu.memory_space<vmem>>, vector<1x16xf32>,
        %get3A_750 = arith.index_cast %add3A_725 : i32 to index
        %get3A_751 = arith.constant 32 : index
        %get3A_752 = tpu.vector_load %arg11[%get3A_750, %get3A_751] {strides = array<i32>} : memref<64x128xf32, #tpu.memory_space<vmem>>, vector<1x16xf32>,
        %get3A_753 = vector.shape_cast %get3A_752 : vector<1x16xf32> to vector<16xf32>
        %mul3A_754 = vector.broadcast %squeeze3A_727 : f32 to vector<16xf32>
        %mul3A_755 = arith.mulf %get3A_753, %mul3A_754 : vector<16xf32>
        %swap3A_756 = arith.index_cast %add3A_725 : i32 to index
        %swap3A_757 = arith.constant 32 : index
        %swap3A_758 = tpu.vector_load %arg11[%swap3A_756, %swap3A_757] {strides = array<i32>} : memref<64x128xf32, #tpu.memory_space<vmem>>, vector<1x16xf32>,
        %swap3A_759 = vector.shape_cast %swap3A_758 : vector<1x16xf32> to vector<16xf32>
        %swap3A_760 = vector.shape_cast %mul3A_755 : vector<16xf32> to vector<1x16xf32>
        tpu.vector_store %arg11[%swap3A_756, %swap3A_757], %swap3A_760 {strides = array<i32>} : memref<64x128xf32, #tpu.memory_space<vmem>>, vector<1x16xf32>,
        %get3A_761 = arith.index_cast %add3A_725 : i32 to index
        %get3A_762 = arith.constant 48 : index
        %get3A_763 = tpu.vector_load %arg11[%get3A_761, %get3A_762] {strides = array<i32>} : memref<64x128xf32, #tpu.memory_space<vmem>>, vector<1x16xf32>,
        %get3A_764 = vector.shape_cast %get3A_763 : vector<1x16xf32> to vector<16xf32>
        %mul3A_765 = vector.broadcast %squeeze3A_727 : f32 to vector<16xf32>
        %mul3A_766 = arith.mulf %get3A_764, %mul3A_765 : vector<16xf32>
        %swap3A_767 = arith.index_cast %add3A_725 : i32 to index
        %swap3A_768 = arith.constant 48 : index
        %swap3A_769 = tpu.vector_load %arg11[%swap3A_767, %swap3A_768] {strides = array<i32>} : memref<64x128xf32, #tpu.memory_space<vmem>>, vector<1x16xf32>,
        %swap3A_770 = vector.shape_cast %swap3A_769 : vector<1x16xf32> to vector<16xf32>
        %swap3A_771 = vector.shape_cast %mul3A_766 : vector<16xf32> to vector<1x16xf32>
        tpu.vector_store %arg11[%swap3A_767, %swap3A_768], %swap3A_771 {strides = array<i32>} : memref<64x128xf32, #tpu.memory_space<vmem>>, vector<1x16xf32>,
        %get3A_772 = arith.index_cast %add3A_725 : i32 to index
        %get3A_773 = arith.constant 64 : index
        %get3A_774 = tpu.vector_load %arg11[%get3A_772, %get3A_773] {strides = array<i32>} : memref<64x128xf32, #tpu.memory_space<vmem>>, vector<1x16xf32>,
        %get3A_775 = vector.shape_cast %get3A_774 : vector<1x16xf32> to vector<16xf32>
        %mul3A_776 = vector.broadcast %squeeze3A_727 : f32 to vector<16xf32>
        %mul3A_777 = arith.mulf %get3A_775, %mul3A_776 : vector<16xf32>
        %swap3A_778 = arith.index_cast %add3A_725 : i32 to index
        %swap3A_779 = arith.constant 64 : index
        %swap3A_780 = tpu.vector_load %arg11[%swap3A_778, %swap3A_779] {strides = array<i32>} : memref<64x128xf32, #tpu.memory_space<vmem>>, vector<1x16xf32>,
        %swap3A_781 = vector.shape_cast %swap3A_780 : vector<1x16xf32> to vector<16xf32>
        %swap3A_782 = vector.shape_cast %mul3A_777 : vector<16xf32> to vector<1x16xf32>
        tpu.vector_store %arg11[%swap3A_778, %swap3A_779], %swap3A_782 {strides = array<i32>} : memref<64x128xf32, #tpu.memory_space<vmem>>, vector<1x16xf32>,
        %get3A_783 = arith.index_cast %add3A_725 : i32 to index
        %get3A_784 = arith.constant 80 : index
        %get3A_785 = tpu.vector_load %arg11[%get3A_783, %get3A_784] {strides = array<i32>} : memref<64x128xf32, #tpu.memory_space<vmem>>, vector<1x16xf32>,
        %get3A_786 = vector.shape_cast %get3A_785 : vector<1x16xf32> to vector<16xf32>
        %mul3A_787 = vector.broadcast %squeeze3A_727 : f32 to vector<16xf32>
        %mul3A_788 = arith.mulf %get3A_786, %mul3A_787 : vector<16xf32>
        %swap3A_789 = arith.index_cast %add3A_725 : i32 to index
        %swap3A_790 = arith.constant 80 : index
        %swap3A_791 = tpu.vector_load %arg11[%swap3A_789, %swap3A_790] {strides = array<i32>} : memref<64x128xf32, #tpu.memory_space<vmem>>, vector<1x16xf32>,
        %swap3A_792 = vector.shape_cast %swap3A_791 : vector<1x16xf32> to vector<16xf32>
        %swap3A_793 = vector.shape_cast %mul3A_788 : vector<16xf32> to vector<1x16xf32>
        tpu.vector_store %arg11[%swap3A_789, %swap3A_790], %swap3A_793 {strides = array<i32>} : memref<64x128xf32, #tpu.memory_space<vmem>>, vector<1x16xf32>,
        %get3A_794 = arith.index_cast %add3A_725 : i32 to index
        %get3A_795 = arith.constant 96 : index
        %get3A_796 = tpu.vector_load %arg11[%get3A_794, %get3A_795] {strides = array<i32>} : memref<64x128xf32, #tpu.memory_space<vmem>>, vector<1x16xf32>,
        %get3A_797 = vector.shape_cast %get3A_796 : vector<1x16xf32> to vector<16xf32>
        %mul3A_798 = vector.broadcast %squeeze3A_727 : f32 to vector<16xf32>
        %mul3A_799 = arith.mulf %get3A_797, %mul3A_798 : vector<16xf32>
        %swap3A_800 = arith.index_cast %add3A_725 : i32 to index
        %swap3A_801 = arith.constant 96 : index
        %swap3A_802 = tpu.vector_load %arg11[%swap3A_800, %swap3A_801] {strides = array<i32>} : memref<64x128xf32, #tpu.memory_space<vmem>>, vector<1x16xf32>,
        %swap3A_803 = vector.shape_cast %swap3A_802 : vector<1x16xf32> to vector<16xf32>
        %swap3A_804 = vector.shape_cast %mul3A_799 : vector<16xf32> to vector<1x16xf32>
        tpu.vector_store %arg11[%swap3A_800, %swap3A_801], %swap3A_804 {strides = array<i32>} : memref<64x128xf32, #tpu.memory_space<vmem>>, vector<1x16xf32>,
        %get3A_805 = arith.index_cast %add3A_725 : i32 to index
        %get3A_806 = arith.constant 112 : index
        %get3A_807 = tpu.vector_load %arg11[%get3A_805, %get3A_806] {strides = array<i32>} : memref<64x128xf32, #tpu.memory_space<vmem>>, vector<1x16xf32>,
        %get3A_808 = vector.shape_cast %get3A_807 : vector<1x16xf32> to vector<16xf32>
        %mul3A_809 = vector.broadcast %squeeze3A_727 : f32 to vector<16xf32>
        %mul3A_810 = arith.mulf %get3A_808, %mul3A_809 : vector<16xf32>
        %swap3A_811 = arith.index_cast %add3A_725 : i32 to index
        %swap3A_812 = arith.constant 112 : index
        %swap3A_813 = tpu.vector_load %arg11[%swap3A_811, %swap3A_812] {strides = array<i32>} : memref<64x128xf32, #tpu.memory_space<vmem>>, vector<1x16xf32>,
        %swap3A_814 = vector.shape_cast %swap3A_813 : vector<1x16xf32> to vector<16xf32>
        %swap3A_815 = vector.shape_cast %mul3A_810 : vector<16xf32> to vector<1x16xf32>
        tpu.vector_store %arg11[%swap3A_811, %swap3A_812], %swap3A_815 {strides = array<i32>} : memref<64x128xf32, #tpu.memory_space<vmem>>, vector<1x16xf32>,
        %mul3A_816 = arith.constant 16 : i32
        %mul3A_817 = arith.muli %scan3A_152, %mul3A_816 : i32
        %add3A_818 = arith.constant 7 : i32
        %add3A_819 = arith.addi %mul3A_817, %add3A_818 : i32
        %slice3A_820 = vector.extract_strided_slice %get3A_160 {offsets = [7], sizes = [1], strides = [1]} : vector<16xf32> to vector<1xf32>
        %squeeze3A_821 = vector.extract %slice3A_820[0] : f32 from vector<1xf32>
        %get3A_822 = arith.index_cast %add3A_819 : i32 to index
        %get3A_823 = arith.constant 0 : index
        %get3A_824 = tpu.vector_load %arg11[%get3A_822, %get3A_823] {strides = array<i32>} : memref<64x128xf32, #tpu.memory_space<vmem>>, vector<1x16xf32>,
        %get3A_825 = vector.shape_cast %get3A_824 : vector<1x16xf32> to vector<16xf32>
        %mul3A_826 = vector.broadcast %squeeze3A_821 : f32 to vector<16xf32>
        %mul3A_827 = arith.mulf %get3A_825, %mul3A_826 : vector<16xf32>
        %swap3A_828 = arith.index_cast %add3A_819 : i32 to index
        %swap3A_829 = arith.constant 0 : index
        %swap3A_830 = tpu.vector_load %arg11[%swap3A_828, %swap3A_829] {strides = array<i32>} : memref<64x128xf32, #tpu.memory_space<vmem>>, vector<1x16xf32>,
        %swap3A_831 = vector.shape_cast %swap3A_830 : vector<1x16xf32> to vector<16xf32>
        %swap3A_832 = vector.shape_cast %mul3A_827 : vector<16xf32> to vector<1x16xf32>
        tpu.vector_store %arg11[%swap3A_828, %swap3A_829], %swap3A_832 {strides = array<i32>} : memref<64x128xf32, #tpu.memory_space<vmem>>, vector<1x16xf32>,
        %get3A_833 = arith.index_cast %add3A_819 : i32 to index
        %get3A_834 = arith.constant 16 : index
        %get3A_835 = tpu.vector_load %arg11[%get3A_833, %get3A_834] {strides = array<i32>} : memref<64x128xf32, #tpu.memory_space<vmem>>, vector<1x16xf32>,
        %get3A_836 = vector.shape_cast %get3A_835 : vector<1x16xf32> to vector<16xf32>
        %mul3A_837 = vector.broadcast %squeeze3A_821 : f32 to vector<16xf32>
        %mul3A_838 = arith.mulf %get3A_836, %mul3A_837 : vector<16xf32>
        %swap3A_839 = arith.index_cast %add3A_819 : i32 to index
        %swap3A_840 = arith.constant 16 : index
        %swap3A_841 = tpu.vector_load %arg11[%swap3A_839, %swap3A_840] {strides = array<i32>} : memref<64x128xf32, #tpu.memory_space<vmem>>, vector<1x16xf32>,
        %swap3A_842 = vector.shape_cast %swap3A_841 : vector<1x16xf32> to vector<16xf32>
        %swap3A_843 = vector.shape_cast %mul3A_838 : vector<16xf32> to vector<1x16xf32>
        tpu.vector_store %arg11[%swap3A_839, %swap3A_840], %swap3A_843 {strides = array<i32>} : memref<64x128xf32, #tpu.memory_space<vmem>>, vector<1x16xf32>,
        %get3A_844 = arith.index_cast %add3A_819 : i32 to index
        %get3A_845 = arith.constant 32 : index
        %get3A_846 = tpu.vector_load %arg11[%get3A_844, %get3A_845] {strides = array<i32>} : memref<64x128xf32, #tpu.memory_space<vmem>>, vector<1x16xf32>,
        %get3A_847 = vector.shape_cast %get3A_846 : vector<1x16xf32> to vector<16xf32>
        %mul3A_848 = vector.broadcast %squeeze3A_821 : f32 to vector<16xf32>
        %mul3A_849 = arith.mulf %get3A_847, %mul3A_848 : vector<16xf32>
        %swap3A_850 = arith.index_cast %add3A_819 : i32 to index
        %swap3A_851 = arith.constant 32 : index
        %swap3A_852 = tpu.vector_load %arg11[%swap3A_850, %swap3A_851] {strides = array<i32>} : memref<64x128xf32, #tpu.memory_space<vmem>>, vector<1x16xf32>,
        %swap3A_853 = vector.shape_cast %swap3A_852 : vector<1x16xf32> to vector<16xf32>
        %swap3A_854 = vector.shape_cast %mul3A_849 : vector<16xf32> to vector<1x16xf32>
        tpu.vector_store %arg11[%swap3A_850, %swap3A_851], %swap3A_854 {strides = array<i32>} : memref<64x128xf32, #tpu.memory_space<vmem>>, vector<1x16xf32>,
        %get3A_855 = arith.index_cast %add3A_819 : i32 to index
        %get3A_856 = arith.constant 48 : index
        %get3A_857 = tpu.vector_load %arg11[%get3A_855, %get3A_856] {strides = array<i32>} : memref<64x128xf32, #tpu.memory_space<vmem>>, vector<1x16xf32>,
        %get3A_858 = vector.shape_cast %get3A_857 : vector<1x16xf32> to vector<16xf32>
        %mul3A_859 = vector.broadcast %squeeze3A_821 : f32 to vector<16xf32>
        %mul3A_860 = arith.mulf %get3A_858, %mul3A_859 : vector<16xf32>
        %swap3A_861 = arith.index_cast %add3A_819 : i32 to index
        %swap3A_862 = arith.constant 48 : index
        %swap3A_863 = tpu.vector_load %arg11[%swap3A_861, %swap3A_862] {strides = array<i32>} : memref<64x128xf32, #tpu.memory_space<vmem>>, vector<1x16xf32>,
        %swap3A_864 = vector.shape_cast %swap3A_863 : vector<1x16xf32> to vector<16xf32>
        %swap3A_865 = vector.shape_cast %mul3A_860 : vector<16xf32> to vector<1x16xf32>
        tpu.vector_store %arg11[%swap3A_861, %swap3A_862], %swap3A_865 {strides = array<i32>} : memref<64x128xf32, #tpu.memory_space<vmem>>, vector<1x16xf32>,
        %get3A_866 = arith.index_cast %add3A_819 : i32 to index
        %get3A_867 = arith.constant 64 : index
        %get3A_868 = tpu.vector_load %arg11[%get3A_866, %get3A_867] {strides = array<i32>} : memref<64x128xf32, #tpu.memory_space<vmem>>, vector<1x16xf32>,
        %get3A_869 = vector.shape_cast %get3A_868 : vector<1x16xf32> to vector<16xf32>
        %mul3A_870 = vector.broadcast %squeeze3A_821 : f32 to vector<16xf32>
        %mul3A_871 = arith.mulf %get3A_869, %mul3A_870 : vector<16xf32>
        %swap3A_872 = arith.index_cast %add3A_819 : i32 to index
        %swap3A_873 = arith.constant 64 : index
        %swap3A_874 = tpu.vector_load %arg11[%swap3A_872, %swap3A_873] {strides = array<i32>} : memref<64x128xf32, #tpu.memory_space<vmem>>, vector<1x16xf32>,
        %swap3A_875 = vector.shape_cast %swap3A_874 : vector<1x16xf32> to vector<16xf32>
        %swap3A_876 = vector.shape_cast %mul3A_871 : vector<16xf32> to vector<1x16xf32>
        tpu.vector_store %arg11[%swap3A_872, %swap3A_873], %swap3A_876 {strides = array<i32>} : memref<64x128xf32, #tpu.memory_space<vmem>>, vector<1x16xf32>,
        %get3A_877 = arith.index_cast %add3A_819 : i32 to index
        %get3A_878 = arith.constant 80 : index
        %get3A_879 = tpu.vector_load %arg11[%get3A_877, %get3A_878] {strides = array<i32>} : memref<64x128xf32, #tpu.memory_space<vmem>>, vector<1x16xf32>,
        %get3A_880 = vector.shape_cast %get3A_879 : vector<1x16xf32> to vector<16xf32>
        %mul3A_881 = vector.broadcast %squeeze3A_821 : f32 to vector<16xf32>
        %mul3A_882 = arith.mulf %get3A_880, %mul3A_881 : vector<16xf32>
        %swap3A_883 = arith.index_cast %add3A_819 : i32 to index
        %swap3A_884 = arith.constant 80 : index
        %swap3A_885 = tpu.vector_load %arg11[%swap3A_883, %swap3A_884] {strides = array<i32>} : memref<64x128xf32, #tpu.memory_space<vmem>>, vector<1x16xf32>,
        %swap3A_886 = vector.shape_cast %swap3A_885 : vector<1x16xf32> to vector<16xf32>
        %swap3A_887 = vector.shape_cast %mul3A_882 : vector<16xf32> to vector<1x16xf32>
        tpu.vector_store %arg11[%swap3A_883, %swap3A_884], %swap3A_887 {strides = array<i32>} : memref<64x128xf32, #tpu.memory_space<vmem>>, vector<1x16xf32>,
        %get3A_888 = arith.index_cast %add3A_819 : i32 to index
        %get3A_889 = arith.constant 96 : index
        %get3A_890 = tpu.vector_load %arg11[%get3A_888, %get3A_889] {strides = array<i32>} : memref<64x128xf32, #tpu.memory_space<vmem>>, vector<1x16xf32>,
        %get3A_891 = vector.shape_cast %get3A_890 : vector<1x16xf32> to vector<16xf32>
        %mul3A_892 = vector.broadcast %squeeze3A_821 : f32 to vector<16xf32>
        %mul3A_893 = arith.mulf %get3A_891, %mul3A_892 : vector<16xf32>
        %swap3A_894 = arith.index_cast %add3A_819 : i32 to index
        %swap3A_895 = arith.constant 96 : index
        %swap3A_896 = tpu.vector_load %arg11[%swap3A_894, %swap3A_895] {strides = array<i32>} : memref<64x128xf32, #tpu.memory_space<vmem>>, vector<1x16xf32>,
        %swap3A_897 = vector.shape_cast %swap3A_896 : vector<1x16xf32> to vector<16xf32>
        %swap3A_898 = vector.shape_cast %mul3A_893 : vector<16xf32> to vector<1x16xf32>
        tpu.vector_store %arg11[%swap3A_894, %swap3A_895], %swap3A_898 {strides = array<i32>} : memref<64x128xf32, #tpu.memory_space<vmem>>, vector<1x16xf32>,
        %get3A_899 = arith.index_cast %add3A_819 : i32 to index
        %get3A_900 = arith.constant 112 : index
        %get3A_901 = tpu.vector_load %arg11[%get3A_899, %get3A_900] {strides = array<i32>} : memref<64x128xf32, #tpu.memory_space<vmem>>, vector<1x16xf32>,
        %get3A_902 = vector.shape_cast %get3A_901 : vector<1x16xf32> to vector<16xf32>
        %mul3A_903 = vector.broadcast %squeeze3A_821 : f32 to vector<16xf32>
        %mul3A_904 = arith.mulf %get3A_902, %mul3A_903 : vector<16xf32>
        %swap3A_905 = arith.index_cast %add3A_819 : i32 to index
        %swap3A_906 = arith.constant 112 : index
        %swap3A_907 = tpu.vector_load %arg11[%swap3A_905, %swap3A_906] {strides = array<i32>} : memref<64x128xf32, #tpu.memory_space<vmem>>, vector<1x16xf32>,
        %swap3A_908 = vector.shape_cast %swap3A_907 : vector<1x16xf32> to vector<16xf32>
        %swap3A_909 = vector.shape_cast %mul3A_904 : vector<16xf32> to vector<1x16xf32>
        tpu.vector_store %arg11[%swap3A_905, %swap3A_906], %swap3A_909 {strides = array<i32>} : memref<64x128xf32, #tpu.memory_space<vmem>>, vector<1x16xf32>,
        %mul3A_910 = arith.constant 16 : i32
        %mul3A_911 = arith.muli %scan3A_152, %mul3A_910 : i32
        %add3A_912 = arith.constant 8 : i32
        %add3A_913 = arith.addi %mul3A_911, %add3A_912 : i32
        %slice3A_914 = vector.extract_strided_slice %get3A_160 {offsets = [8], sizes = [1], strides = [1]} : vector<16xf32> to vector<1xf32>
        %squeeze3A_915 = vector.extract %slice3A_914[0] : f32 from vector<1xf32>
        %get3A_916 = arith.index_cast %add3A_913 : i32 to index
        %get3A_917 = arith.constant 0 : index
        %get3A_918 = tpu.vector_load %arg11[%get3A_916, %get3A_917] {strides = array<i32>} : memref<64x128xf32, #tpu.memory_space<vmem>>, vector<1x16xf32>,
        %get3A_919 = vector.shape_cast %get3A_918 : vector<1x16xf32> to vector<16xf32>
        %mul3A_920 = vector.broadcast %squeeze3A_915 : f32 to vector<16xf32>
        %mul3A_921 = arith.mulf %get3A_919, %mul3A_920 : vector<16xf32>
        %swap3A_922 = arith.index_cast %add3A_913 : i32 to index
        %swap3A_923 = arith.constant 0 : index
        %swap3A_924 = tpu.vector_load %arg11[%swap3A_922, %swap3A_923] {strides = array<i32>} : memref<64x128xf32, #tpu.memory_space<vmem>>, vector<1x16xf32>,
        %swap3A_925 = vector.shape_cast %swap3A_924 : vector<1x16xf32> to vector<16xf32>
        %swap3A_926 = vector.shape_cast %mul3A_921 : vector<16xf32> to vector<1x16xf32>
        tpu.vector_store %arg11[%swap3A_922, %swap3A_923], %swap3A_926 {strides = array<i32>} : memref<64x128xf32, #tpu.memory_space<vmem>>, vector<1x16xf32>,
        %get3A_927 = arith.index_cast %add3A_913 : i32 to index
        %get3A_928 = arith.constant 16 : index
        %get3A_929 = tpu.vector_load %arg11[%get3A_927, %get3A_928] {strides = array<i32>} : memref<64x128xf32, #tpu.memory_space<vmem>>, vector<1x16xf32>,
        %get3A_930 = vector.shape_cast %get3A_929 : vector<1x16xf32> to vector<16xf32>
        %mul3A_931 = vector.broadcast %squeeze3A_915 : f32 to vector<16xf32>
        %mul3A_932 = arith.mulf %get3A_930, %mul3A_931 : vector<16xf32>
        %swap3A_933 = arith.index_cast %add3A_913 : i32 to index
        %swap3A_934 = arith.constant 16 : index
        %swap3A_935 = tpu.vector_load %arg11[%swap3A_933, %swap3A_934] {strides = array<i32>} : memref<64x128xf32, #tpu.memory_space<vmem>>, vector<1x16xf32>,
        %swap3A_936 = vector.shape_cast %swap3A_935 : vector<1x16xf32> to vector<16xf32>
        %swap3A_937 = vector.shape_cast %mul3A_932 : vector<16xf32> to vector<1x16xf32>
        tpu.vector_store %arg11[%swap3A_933, %swap3A_934], %swap3A_937 {strides = array<i32>} : memref<64x128xf32, #tpu.memory_space<vmem>>, vector<1x16xf32>,
        %get3A_938 = arith.index_cast %add3A_913 : i32 to index
        %get3A_939 = arith.constant 32 : index
        %get3A_940 = tpu.vector_load %arg11[%get3A_938, %get3A_939] {strides = array<i32>} : memref<64x128xf32, #tpu.memory_space<vmem>>, vector<1x16xf32>,
        %get3A_941 = vector.shape_cast %get3A_940 : vector<1x16xf32> to vector<16xf32>
        %mul3A_942 = vector.broadcast %squeeze3A_915 : f32 to vector<16xf32>
        %mul3A_943 = arith.mulf %get3A_941, %mul3A_942 : vector<16xf32>
        %swap3A_944 = arith.index_cast %add3A_913 : i32 to index
        %swap3A_945 = arith.constant 32 : index
        %swap3A_946 = tpu.vector_load %arg11[%swap3A_944, %swap3A_945] {strides = array<i32>} : memref<64x128xf32, #tpu.memory_space<vmem>>, vector<1x16xf32>,
        %swap3A_947 = vector.shape_cast %swap3A_946 : vector<1x16xf32> to vector<16xf32>
        %swap3A_948 = vector.shape_cast %mul3A_943 : vector<16xf32> to vector<1x16xf32>
        tpu.vector_store %arg11[%swap3A_944, %swap3A_945], %swap3A_948 {strides = array<i32>} : memref<64x128xf32, #tpu.memory_space<vmem>>, vector<1x16xf32>,
        %get3A_949 = arith.index_cast %add3A_913 : i32 to index
        %get3A_950 = arith.constant 48 : index
        %get3A_951 = tpu.vector_load %arg11[%get3A_949, %get3A_950] {strides = array<i32>} : memref<64x128xf32, #tpu.memory_space<vmem>>, vector<1x16xf32>,
        %get3A_952 = vector.shape_cast %get3A_951 : vector<1x16xf32> to vector<16xf32>
        %mul3A_953 = vector.broadcast %squeeze3A_915 : f32 to vector<16xf32>
        %mul3A_954 = arith.mulf %get3A_952, %mul3A_953 : vector<16xf32>
        %swap3A_955 = arith.index_cast %add3A_913 : i32 to index
        %swap3A_956 = arith.constant 48 : index
        %swap3A_957 = tpu.vector_load %arg11[%swap3A_955, %swap3A_956] {strides = array<i32>} : memref<64x128xf32, #tpu.memory_space<vmem>>, vector<1x16xf32>,
        %swap3A_958 = vector.shape_cast %swap3A_957 : vector<1x16xf32> to vector<16xf32>
        %swap3A_959 = vector.shape_cast %mul3A_954 : vector<16xf32> to vector<1x16xf32>
        tpu.vector_store %arg11[%swap3A_955, %swap3A_956], %swap3A_959 {strides = array<i32>} : memref<64x128xf32, #tpu.memory_space<vmem>>, vector<1x16xf32>,
        %get3A_960 = arith.index_cast %add3A_913 : i32 to index
        %get3A_961 = arith.constant 64 : index
        %get3A_962 = tpu.vector_load %arg11[%get3A_960, %get3A_961] {strides = array<i32>} : memref<64x128xf32, #tpu.memory_space<vmem>>, vector<1x16xf32>,
        %get3A_963 = vector.shape_cast %get3A_962 : vector<1x16xf32> to vector<16xf32>
        %mul3A_964 = vector.broadcast %squeeze3A_915 : f32 to vector<16xf32>
        %mul3A_965 = arith.mulf %get3A_963, %mul3A_964 : vector<16xf32>
        %swap3A_966 = arith.index_cast %add3A_913 : i32 to index
        %swap3A_967 = arith.constant 64 : index
        %swap3A_968 = tpu.vector_load %arg11[%swap3A_966, %swap3A_967] {strides = array<i32>} : memref<64x128xf32, #tpu.memory_space<vmem>>, vector<1x16xf32>,
        %swap3A_969 = vector.shape_cast %swap3A_968 : vector<1x16xf32> to vector<16xf32>
        %swap3A_970 = vector.shape_cast %mul3A_965 : vector<16xf32> to vector<1x16xf32>
        tpu.vector_store %arg11[%swap3A_966, %swap3A_967], %swap3A_970 {strides = array<i32>} : memref<64x128xf32, #tpu.memory_space<vmem>>, vector<1x16xf32>,
        %get3A_971 = arith.index_cast %add3A_913 : i32 to index
        %get3A_972 = arith.constant 80 : index
        %get3A_973 = tpu.vector_load %arg11[%get3A_971, %get3A_972] {strides = array<i32>} : memref<64x128xf32, #tpu.memory_space<vmem>>, vector<1x16xf32>,
        %get3A_974 = vector.shape_cast %get3A_973 : vector<1x16xf32> to vector<16xf32>
        %mul3A_975 = vector.broadcast %squeeze3A_915 : f32 to vector<16xf32>
        %mul3A_976 = arith.mulf %get3A_974, %mul3A_975 : vector<16xf32>
        %swap3A_977 = arith.index_cast %add3A_913 : i32 to index
        %swap3A_978 = arith.constant 80 : index
        %swap3A_979 = tpu.vector_load %arg11[%swap3A_977, %swap3A_978] {strides = array<i32>} : memref<64x128xf32, #tpu.memory_space<vmem>>, vector<1x16xf32>,
        %swap3A_980 = vector.shape_cast %swap3A_979 : vector<1x16xf32> to vector<16xf32>
        %swap3A_981 = vector.shape_cast %mul3A_976 : vector<16xf32> to vector<1x16xf32>
        tpu.vector_store %arg11[%swap3A_977, %swap3A_978], %swap3A_981 {strides = array<i32>} : memref<64x128xf32, #tpu.memory_space<vmem>>, vector<1x16xf32>,
        %get3A_982 = arith.index_cast %add3A_913 : i32 to index
        %get3A_983 = arith.constant 96 : index
        %get3A_984 = tpu.vector_load %arg11[%get3A_982, %get3A_983] {strides = array<i32>} : memref<64x128xf32, #tpu.memory_space<vmem>>, vector<1x16xf32>,
        %get3A_985 = vector.shape_cast %get3A_984 : vector<1x16xf32> to vector<16xf32>
        %mul3A_986 = vector.broadcast %squeeze3A_915 : f32 to vector<16xf32>
        %mul3A_987 = arith.mulf %get3A_985, %mul3A_986 : vector<16xf32>
        %swap3A_988 = arith.index_cast %add3A_913 : i32 to index
        %swap3A_989 = arith.constant 96 : index
        %swap3A_990 = tpu.vector_load %arg11[%swap3A_988, %swap3A_989] {strides = array<i32>} : memref<64x128xf32, #tpu.memory_space<vmem>>, vector<1x16xf32>,
        %swap3A_991 = vector.shape_cast %swap3A_990 : vector<1x16xf32> to vector<16xf32>
        %swap3A_992 = vector.shape_cast %mul3A_987 : vector<16xf32> to vector<1x16xf32>
        tpu.vector_store %arg11[%swap3A_988, %swap3A_989], %swap3A_992 {strides = array<i32>} : memref<64x128xf32, #tpu.memory_space<vmem>>, vector<1x16xf32>,
        %get3A_993 = arith.index_cast %add3A_913 : i32 to index
        %get3A_994 = arith.constant 112 : index
        %get3A_995 = tpu.vector_load %arg11[%get3A_993, %get3A_994] {strides = array<i32>} : memref<64x128xf32, #tpu.memory_space<vmem>>, vector<1x16xf32>,
        %get3A_996 = vector.shape_cast %get3A_995 : vector<1x16xf32> to vector<16xf32>
        %mul3A_997 = vector.broadcast %squeeze3A_915 : f32 to vector<16xf32>
        %mul3A_998 = arith.mulf %get3A_996, %mul3A_997 : vector<16xf32>
        %swap3A_999 = arith.index_cast %add3A_913 : i32 to index
        %swap3A_1000 = arith.constant 112 : index
        %swap3A_1001 = tpu.vector_load %arg11[%swap3A_999, %swap3A_1000] {strides = array<i32>} : memref<64x128xf32, #tpu.memory_space<vmem>>, vector<1x16xf32>,
        %swap3A_1002 = vector.shape_cast %swap3A_1001 : vector<1x16xf32> to vector<16xf32>
        %swap3A_1003 = vector.shape_cast %mul3A_998 : vector<16xf32> to vector<1x16xf32>
        tpu.vector_store %arg11[%swap3A_999, %swap3A_1000], %swap3A_1003 {strides = array<i32>} : memref<64x128xf32, #tpu.memory_space<vmem>>, vector<1x16xf32>,
        %mul3A_1004 = arith.constant 16 : i32
        %mul3A_1005 = arith.muli %scan3A_152, %mul3A_1004 : i32
        %add3A_1006 = arith.constant 9 : i32
        %add3A_1007 = arith.addi %mul3A_1005, %add3A_1006 : i32
        %slice3A_1008 = vector.extract_strided_slice %get3A_160 {offsets = [9], sizes = [1], strides = [1]} : vector<16xf32> to vector<1xf32>
        %squeeze3A_1009 = vector.extract %slice3A_1008[0] : f32 from vector<1xf32>
        %get3A_1010 = arith.index_cast %add3A_1007 : i32 to index
        %get3A_1011 = arith.constant 0 : index
        %get3A_1012 = tpu.vector_load %arg11[%get3A_1010, %get3A_1011] {strides = array<i32>} : memref<64x128xf32, #tpu.memory_space<vmem>>, vector<1x16xf32>,
        %get3A_1013 = vector.shape_cast %get3A_1012 : vector<1x16xf32> to vector<16xf32>
        %mul3A_1014 = vector.broadcast %squeeze3A_1009 : f32 to vector<16xf32>
        %mul3A_1015 = arith.mulf %get3A_1013, %mul3A_1014 : vector<16xf32>
        %swap3A_1016 = arith.index_cast %add3A_1007 : i32 to index
        %swap3A_1017 = arith.constant 0 : index
        %swap3A_1018 = tpu.vector_load %arg11[%swap3A_1016, %swap3A_1017] {strides = array<i32>} : memref<64x128xf32, #tpu.memory_space<vmem>>, vector<1x16xf32>,
        %swap3A_1019 = vector.shape_cast %swap3A_1018 : vector<1x16xf32> to vector<16xf32>
        %swap3A_1020 = vector.shape_cast %mul3A_1015 : vector<16xf32> to vector<1x16xf32>
        tpu.vector_store %arg11[%swap3A_1016, %swap3A_1017], %swap3A_1020 {strides = array<i32>} : memref<64x128xf32, #tpu.memory_space<vmem>>, vector<1x16xf32>,
        %get3A_1021 = arith.index_cast %add3A_1007 : i32 to index
        %get3A_1022 = arith.constant 16 : index
        %get3A_1023 = tpu.vector_load %arg11[%get3A_1021, %get3A_1022] {strides = array<i32>} : memref<64x128xf32, #tpu.memory_space<vmem>>, vector<1x16xf32>,
        %get3A_1024 = vector.shape_cast %get3A_1023 : vector<1x16xf32> to vector<16xf32>
        %mul3A_1025 = vector.broadcast %squeeze3A_1009 : f32 to vector<16xf32>
        %mul3A_1026 = arith.mulf %get3A_1024, %mul3A_1025 : vector<16xf32>
        %swap3A_1027 = arith.index_cast %add3A_1007 : i32 to index
        %swap3A_1028 = arith.constant 16 : index
        %swap3A_1029 = tpu.vector_load %arg11[%swap3A_1027, %swap3A_1028] {strides = array<i32>} : memref<64x128xf32, #tpu.memory_space<vmem>>, vector<1x16xf32>,
        %swap3A_1030 = vector.shape_cast %swap3A_1029 : vector<1x16xf32> to vector<16xf32>
        %swap3A_1031 = vector.shape_cast %mul3A_1026 : vector<16xf32> to vector<1x16xf32>
        tpu.vector_store %arg11[%swap3A_1027, %swap3A_1028], %swap3A_1031 {strides = array<i32>} : memref<64x128xf32, #tpu.memory_space<vmem>>, vector<1x16xf32>,
        %get3A_1032 = arith.index_cast %add3A_1007 : i32 to index
        %get3A_1033 = arith.constant 32 : index
        %get3A_1034 = tpu.vector_load %arg11[%get3A_1032, %get3A_1033] {strides = array<i32>} : memref<64x128xf32, #tpu.memory_space<vmem>>, vector<1x16xf32>,
        %get3A_1035 = vector.shape_cast %get3A_1034 : vector<1x16xf32> to vector<16xf32>
        %mul3A_1036 = vector.broadcast %squeeze3A_1009 : f32 to vector<16xf32>
        %mul3A_1037 = arith.mulf %get3A_1035, %mul3A_1036 : vector<16xf32>
        %swap3A_1038 = arith.index_cast %add3A_1007 : i32 to index
        %swap3A_1039 = arith.constant 32 : index
        %swap3A_1040 = tpu.vector_load %arg11[%swap3A_1038, %swap3A_1039] {strides = array<i32>} : memref<64x128xf32, #tpu.memory_space<vmem>>, vector<1x16xf32>,
        %swap3A_1041 = vector.shape_cast %swap3A_1040 : vector<1x16xf32> to vector<16xf32>
        %swap3A_1042 = vector.shape_cast %mul3A_1037 : vector<16xf32> to vector<1x16xf32>
        tpu.vector_store %arg11[%swap3A_1038, %swap3A_1039], %swap3A_1042 {strides = array<i32>} : memref<64x128xf32, #tpu.memory_space<vmem>>, vector<1x16xf32>,
        %get3A_1043 = arith.index_cast %add3A_1007 : i32 to index
        %get3A_1044 = arith.constant 48 : index
        %get3A_1045 = tpu.vector_load %arg11[%get3A_1043, %get3A_1044] {strides = array<i32>} : memref<64x128xf32, #tpu.memory_space<vmem>>, vector<1x16xf32>,
        %get3A_1046 = vector.shape_cast %get3A_1045 : vector<1x16xf32> to vector<16xf32>
        %mul3A_1047 = vector.broadcast %squeeze3A_1009 : f32 to vector<16xf32>
        %mul3A_1048 = arith.mulf %get3A_1046, %mul3A_1047 : vector<16xf32>
        %swap3A_1049 = arith.index_cast %add3A_1007 : i32 to index
        %swap3A_1050 = arith.constant 48 : index
        %swap3A_1051 = tpu.vector_load %arg11[%swap3A_1049, %swap3A_1050] {strides = array<i32>} : memref<64x128xf32, #tpu.memory_space<vmem>>, vector<1x16xf32>,
        %swap3A_1052 = vector.shape_cast %swap3A_1051 : vector<1x16xf32> to vector<16xf32>
        %swap3A_1053 = vector.shape_cast %mul3A_1048 : vector<16xf32> to vector<1x16xf32>
        tpu.vector_store %arg11[%swap3A_1049, %swap3A_1050], %swap3A_1053 {strides = array<i32>} : memref<64x128xf32, #tpu.memory_space<vmem>>, vector<1x16xf32>,
        %get3A_1054 = arith.index_cast %add3A_1007 : i32 to index
        %get3A_1055 = arith.constant 64 : index
        %get3A_1056 = tpu.vector_load %arg11[%get3A_1054, %get3A_1055] {strides = array<i32>} : memref<64x128xf32, #tpu.memory_space<vmem>>, vector<1x16xf32>,
        %get3A_1057 = vector.shape_cast %get3A_1056 : vector<1x16xf32> to vector<16xf32>
        %mul3A_1058 = vector.broadcast %squeeze3A_1009 : f32 to vector<16xf32>
        %mul3A_1059 = arith.mulf %get3A_1057, %mul3A_1058 : vector<16xf32>
        %swap3A_1060 = arith.index_cast %add3A_1007 : i32 to index
        %swap3A_1061 = arith.constant 64 : index
        %swap3A_1062 = tpu.vector_load %arg11[%swap3A_1060, %swap3A_1061] {strides = array<i32>} : memref<64x128xf32, #tpu.memory_space<vmem>>, vector<1x16xf32>,
        %swap3A_1063 = vector.shape_cast %swap3A_1062 : vector<1x16xf32> to vector<16xf32>
        %swap3A_1064 = vector.shape_cast %mul3A_1059 : vector<16xf32> to vector<1x16xf32>
        tpu.vector_store %arg11[%swap3A_1060, %swap3A_1061], %swap3A_1064 {strides = array<i32>} : memref<64x128xf32, #tpu.memory_space<vmem>>, vector<1x16xf32>,
        %get3A_1065 = arith.index_cast %add3A_1007 : i32 to index
        %get3A_1066 = arith.constant 80 : index
        %get3A_1067 = tpu.vector_load %arg11[%get3A_1065, %get3A_1066] {strides = array<i32>} : memref<64x128xf32, #tpu.memory_space<vmem>>, vector<1x16xf32>,
        %get3A_1068 = vector.shape_cast %get3A_1067 : vector<1x16xf32> to vector<16xf32>
        %mul3A_1069 = vector.broadcast %squeeze3A_1009 : f32 to vector<16xf32>
        %mul3A_1070 = arith.mulf %get3A_1068, %mul3A_1069 : vector<16xf32>
        %swap3A_1071 = arith.index_cast %add3A_1007 : i32 to index
        %swap3A_1072 = arith.constant 80 : index
        %swap3A_1073 = tpu.vector_load %arg11[%swap3A_1071, %swap3A_1072] {strides = array<i32>} : memref<64x128xf32, #tpu.memory_space<vmem>>, vector<1x16xf32>,
        %swap3A_1074 = vector.shape_cast %swap3A_1073 : vector<1x16xf32> to vector<16xf32>
        %swap3A_1075 = vector.shape_cast %mul3A_1070 : vector<16xf32> to vector<1x16xf32>
        tpu.vector_store %arg11[%swap3A_1071, %swap3A_1072], %swap3A_1075 {strides = array<i32>} : memref<64x128xf32, #tpu.memory_space<vmem>>, vector<1x16xf32>,
        %get3A_1076 = arith.index_cast %add3A_1007 : i32 to index
        %get3A_1077 = arith.constant 96 : index
        %get3A_1078 = tpu.vector_load %arg11[%get3A_1076, %get3A_1077] {strides = array<i32>} : memref<64x128xf32, #tpu.memory_space<vmem>>, vector<1x16xf32>,
        %get3A_1079 = vector.shape_cast %get3A_1078 : vector<1x16xf32> to vector<16xf32>
        %mul3A_1080 = vector.broadcast %squeeze3A_1009 : f32 to vector<16xf32>
        %mul3A_1081 = arith.mulf %get3A_1079, %mul3A_1080 : vector<16xf32>
        %swap3A_1082 = arith.index_cast %add3A_1007 : i32 to index
        %swap3A_1083 = arith.constant 96 : index
        %swap3A_1084 = tpu.vector_load %arg11[%swap3A_1082, %swap3A_1083] {strides = array<i32>} : memref<64x128xf32, #tpu.memory_space<vmem>>, vector<1x16xf32>,
        %swap3A_1085 = vector.shape_cast %swap3A_1084 : vector<1x16xf32> to vector<16xf32>
        %swap3A_1086 = vector.shape_cast %mul3A_1081 : vector<16xf32> to vector<1x16xf32>
        tpu.vector_store %arg11[%swap3A_1082, %swap3A_1083], %swap3A_1086 {strides = array<i32>} : memref<64x128xf32, #tpu.memory_space<vmem>>, vector<1x16xf32>,
        %get3A_1087 = arith.index_cast %add3A_1007 : i32 to index
        %get3A_1088 = arith.constant 112 : index
        %get3A_1089 = tpu.vector_load %arg11[%get3A_1087, %get3A_1088] {strides = array<i32>} : memref<64x128xf32, #tpu.memory_space<vmem>>, vector<1x16xf32>,
        %get3A_1090 = vector.shape_cast %get3A_1089 : vector<1x16xf32> to vector<16xf32>
        %mul3A_1091 = vector.broadcast %squeeze3A_1009 : f32 to vector<16xf32>
        %mul3A_1092 = arith.mulf %get3A_1090, %mul3A_1091 : vector<16xf32>
        %swap3A_1093 = arith.index_cast %add3A_1007 : i32 to index
        %swap3A_1094 = arith.constant 112 : index
        %swap3A_1095 = tpu.vector_load %arg11[%swap3A_1093, %swap3A_1094] {strides = array<i32>} : memref<64x128xf32, #tpu.memory_space<vmem>>, vector<1x16xf32>,
        %swap3A_1096 = vector.shape_cast %swap3A_1095 : vector<1x16xf32> to vector<16xf32>
        %swap3A_1097 = vector.shape_cast %mul3A_1092 : vector<16xf32> to vector<1x16xf32>
        tpu.vector_store %arg11[%swap3A_1093, %swap3A_1094], %swap3A_1097 {strides = array<i32>} : memref<64x128xf32, #tpu.memory_space<vmem>>, vector<1x16xf32>,
        %mul3A_1098 = arith.constant 16 : i32
        %mul3A_1099 = arith.muli %scan3A_152, %mul3A_1098 : i32
        %add3A_1100 = arith.constant 10 : i32
        %add3A_1101 = arith.addi %mul3A_1099, %add3A_1100 : i32
        %slice3A_1102 = vector.extract_strided_slice %get3A_160 {offsets = [10], sizes = [1], strides = [1]} : vector<16xf32> to vector<1xf32>
        %squeeze3A_1103 = vector.extract %slice3A_1102[0] : f32 from vector<1xf32>
        %get3A_1104 = arith.index_cast %add3A_1101 : i32 to index
        %get3A_1105 = arith.constant 0 : index
        %get3A_1106 = tpu.vector_load %arg11[%get3A_1104, %get3A_1105] {strides = array<i32>} : memref<64x128xf32, #tpu.memory_space<vmem>>, vector<1x16xf32>,
        %get3A_1107 = vector.shape_cast %get3A_1106 : vector<1x16xf32> to vector<16xf32>
        %mul3A_1108 = vector.broadcast %squeeze3A_1103 : f32 to vector<16xf32>
        %mul3A_1109 = arith.mulf %get3A_1107, %mul3A_1108 : vector<16xf32>
        %swap3A_1110 = arith.index_cast %add3A_1101 : i32 to index
        %swap3A_1111 = arith.constant 0 : index
        %swap3A_1112 = tpu.vector_load %arg11[%swap3A_1110, %swap3A_1111] {strides = array<i32>} : memref<64x128xf32, #tpu.memory_space<vmem>>, vector<1x16xf32>,
        %swap3A_1113 = vector.shape_cast %swap3A_1112 : vector<1x16xf32> to vector<16xf32>
        %swap3A_1114 = vector.shape_cast %mul3A_1109 : vector<16xf32> to vector<1x16xf32>
        tpu.vector_store %arg11[%swap3A_1110, %swap3A_1111], %swap3A_1114 {strides = array<i32>} : memref<64x128xf32, #tpu.memory_space<vmem>>, vector<1x16xf32>,
        %get3A_1115 = arith.index_cast %add3A_1101 : i32 to index
        %get3A_1116 = arith.constant 16 : index
        %get3A_1117 = tpu.vector_load %arg11[%get3A_1115, %get3A_1116] {strides = array<i32>} : memref<64x128xf32, #tpu.memory_space<vmem>>, vector<1x16xf32>,
        %get3A_1118 = vector.shape_cast %get3A_1117 : vector<1x16xf32> to vector<16xf32>
        %mul3A_1119 = vector.broadcast %squeeze3A_1103 : f32 to vector<16xf32>
        %mul3A_1120 = arith.mulf %get3A_1118, %mul3A_1119 : vector<16xf32>
        %swap3A_1121 = arith.index_cast %add3A_1101 : i32 to index
        %swap3A_1122 = arith.constant 16 : index
        %swap3A_1123 = tpu.vector_load %arg11[%swap3A_1121, %swap3A_1122] {strides = array<i32>} : memref<64x128xf32, #tpu.memory_space<vmem>>, vector<1x16xf32>,
        %swap3A_1124 = vector.shape_cast %swap3A_1123 : vector<1x16xf32> to vector<16xf32>
        %swap3A_1125 = vector.shape_cast %mul3A_1120 : vector<16xf32> to vector<1x16xf32>
        tpu.vector_store %arg11[%swap3A_1121, %swap3A_1122], %swap3A_1125 {strides = array<i32>} : memref<64x128xf32, #tpu.memory_space<vmem>>, vector<1x16xf32>,
        %get3A_1126 = arith.index_cast %add3A_1101 : i32 to index
        %get3A_1127 = arith.constant 32 : index
        %get3A_1128 = tpu.vector_load %arg11[%get3A_1126, %get3A_1127] {strides = array<i32>} : memref<64x128xf32, #tpu.memory_space<vmem>>, vector<1x16xf32>,
        %get3A_1129 = vector.shape_cast %get3A_1128 : vector<1x16xf32> to vector<16xf32>
        %mul3A_1130 = vector.broadcast %squeeze3A_1103 : f32 to vector<16xf32>
        %mul3A_1131 = arith.mulf %get3A_1129, %mul3A_1130 : vector<16xf32>
        %swap3A_1132 = arith.index_cast %add3A_1101 : i32 to index
        %swap3A_1133 = arith.constant 32 : index
        %swap3A_1134 = tpu.vector_load %arg11[%swap3A_1132, %swap3A_1133] {strides = array<i32>} : memref<64x128xf32, #tpu.memory_space<vmem>>, vector<1x16xf32>,
        %swap3A_1135 = vector.shape_cast %swap3A_1134 : vector<1x16xf32> to vector<16xf32>
        %swap3A_1136 = vector.shape_cast %mul3A_1131 : vector<16xf32> to vector<1x16xf32>
        tpu.vector_store %arg11[%swap3A_1132, %swap3A_1133], %swap3A_1136 {strides = array<i32>} : memref<64x128xf32, #tpu.memory_space<vmem>>, vector<1x16xf32>,
        %get3A_1137 = arith.index_cast %add3A_1101 : i32 to index
        %get3A_1138 = arith.constant 48 : index
        %get3A_1139 = tpu.vector_load %arg11[%get3A_1137, %get3A_1138] {strides = array<i32>} : memref<64x128xf32, #tpu.memory_space<vmem>>, vector<1x16xf32>,
        %get3A_1140 = vector.shape_cast %get3A_1139 : vector<1x16xf32> to vector<16xf32>
        %mul3A_1141 = vector.broadcast %squeeze3A_1103 : f32 to vector<16xf32>
        %mul3A_1142 = arith.mulf %get3A_1140, %mul3A_1141 : vector<16xf32>
        %swap3A_1143 = arith.index_cast %add3A_1101 : i32 to index
        %swap3A_1144 = arith.constant 48 : index
        %swap3A_1145 = tpu.vector_load %arg11[%swap3A_1143, %swap3A_1144] {strides = array<i32>} : memref<64x128xf32, #tpu.memory_space<vmem>>, vector<1x16xf32>,
        %swap3A_1146 = vector.shape_cast %swap3A_1145 : vector<1x16xf32> to vector<16xf32>
        %swap3A_1147 = vector.shape_cast %mul3A_1142 : vector<16xf32> to vector<1x16xf32>
        tpu.vector_store %arg11[%swap3A_1143, %swap3A_1144], %swap3A_1147 {strides = array<i32>} : memref<64x128xf32, #tpu.memory_space<vmem>>, vector<1x16xf32>,
        %get3A_1148 = arith.index_cast %add3A_1101 : i32 to index
        %get3A_1149 = arith.constant 64 : index
        %get3A_1150 = tpu.vector_load %arg11[%get3A_1148, %get3A_1149] {strides = array<i32>} : memref<64x128xf32, #tpu.memory_space<vmem>>, vector<1x16xf32>,
        %get3A_1151 = vector.shape_cast %get3A_1150 : vector<1x16xf32> to vector<16xf32>
        %mul3A_1152 = vector.broadcast %squeeze3A_1103 : f32 to vector<16xf32>
        %mul3A_1153 = arith.mulf %get3A_1151, %mul3A_1152 : vector<16xf32>
        %swap3A_1154 = arith.index_cast %add3A_1101 : i32 to index
        %swap3A_1155 = arith.constant 64 : index
        %swap3A_1156 = tpu.vector_load %arg11[%swap3A_1154, %swap3A_1155] {strides = array<i32>} : memref<64x128xf32, #tpu.memory_space<vmem>>, vector<1x16xf32>,
        %swap3A_1157 = vector.shape_cast %swap3A_1156 : vector<1x16xf32> to vector<16xf32>
        %swap3A_1158 = vector.shape_cast %mul3A_1153 : vector<16xf32> to vector<1x16xf32>
        tpu.vector_store %arg11[%swap3A_1154, %swap3A_1155], %swap3A_1158 {strides = array<i32>} : memref<64x128xf32, #tpu.memory_space<vmem>>, vector<1x16xf32>,
        %get3A_1159 = arith.index_cast %add3A_1101 : i32 to index
        %get3A_1160 = arith.constant 80 : index
        %get3A_1161 = tpu.vector_load %arg11[%get3A_1159, %get3A_1160] {strides = array<i32>} : memref<64x128xf32, #tpu.memory_space<vmem>>, vector<1x16xf32>,
        %get3A_1162 = vector.shape_cast %get3A_1161 : vector<1x16xf32> to vector<16xf32>
        %mul3A_1163 = vector.broadcast %squeeze3A_1103 : f32 to vector<16xf32>
        %mul3A_1164 = arith.mulf %get3A_1162, %mul3A_1163 : vector<16xf32>
        %swap3A_1165 = arith.index_cast %add3A_1101 : i32 to index
        %swap3A_1166 = arith.constant 80 : index
        %swap3A_1167 = tpu.vector_load %arg11[%swap3A_1165, %swap3A_1166] {strides = array<i32>} : memref<64x128xf32, #tpu.memory_space<vmem>>, vector<1x16xf32>,
        %swap3A_1168 = vector.shape_cast %swap3A_1167 : vector<1x16xf32> to vector<16xf32>
        %swap3A_1169 = vector.shape_cast %mul3A_1164 : vector<16xf32> to vector<1x16xf32>
        tpu.vector_store %arg11[%swap3A_1165, %swap3A_1166], %swap3A_1169 {strides = array<i32>} : memref<64x128xf32, #tpu.memory_space<vmem>>, vector<1x16xf32>,
        %get3A_1170 = arith.index_cast %add3A_1101 : i32 to index
        %get3A_1171 = arith.constant 96 : index
        %get3A_1172 = tpu.vector_load %arg11[%get3A_1170, %get3A_1171] {strides = array<i32>} : memref<64x128xf32, #tpu.memory_space<vmem>>, vector<1x16xf32>,
        %get3A_1173 = vector.shape_cast %get3A_1172 : vector<1x16xf32> to vector<16xf32>
        %mul3A_1174 = vector.broadcast %squeeze3A_1103 : f32 to vector<16xf32>
        %mul3A_1175 = arith.mulf %get3A_1173, %mul3A_1174 : vector<16xf32>
        %swap3A_1176 = arith.index_cast %add3A_1101 : i32 to index
        %swap3A_1177 = arith.constant 96 : index
        %swap3A_1178 = tpu.vector_load %arg11[%swap3A_1176, %swap3A_1177] {strides = array<i32>} : memref<64x128xf32, #tpu.memory_space<vmem>>, vector<1x16xf32>,
        %swap3A_1179 = vector.shape_cast %swap3A_1178 : vector<1x16xf32> to vector<16xf32>
        %swap3A_1180 = vector.shape_cast %mul3A_1175 : vector<16xf32> to vector<1x16xf32>
        tpu.vector_store %arg11[%swap3A_1176, %swap3A_1177], %swap3A_1180 {strides = array<i32>} : memref<64x128xf32, #tpu.memory_space<vmem>>, vector<1x16xf32>,
        %get3A_1181 = arith.index_cast %add3A_1101 : i32 to index
        %get3A_1182 = arith.constant 112 : index
        %get3A_1183 = tpu.vector_load %arg11[%get3A_1181, %get3A_1182] {strides = array<i32>} : memref<64x128xf32, #tpu.memory_space<vmem>>, vector<1x16xf32>,
        %get3A_1184 = vector.shape_cast %get3A_1183 : vector<1x16xf32> to vector<16xf32>
        %mul3A_1185 = vector.broadcast %squeeze3A_1103 : f32 to vector<16xf32>
        %mul3A_1186 = arith.mulf %get3A_1184, %mul3A_1185 : vector<16xf32>
        %swap3A_1187 = arith.index_cast %add3A_1101 : i32 to index
        %swap3A_1188 = arith.constant 112 : index
        %swap3A_1189 = tpu.vector_load %arg11[%swap3A_1187, %swap3A_1188] {strides = array<i32>} : memref<64x128xf32, #tpu.memory_space<vmem>>, vector<1x16xf32>,
        %swap3A_1190 = vector.shape_cast %swap3A_1189 : vector<1x16xf32> to vector<16xf32>
        %swap3A_1191 = vector.shape_cast %mul3A_1186 : vector<16xf32> to vector<1x16xf32>
        tpu.vector_store %arg11[%swap3A_1187, %swap3A_1188], %swap3A_1191 {strides = array<i32>} : memref<64x128xf32, #tpu.memory_space<vmem>>, vector<1x16xf32>,
        %mul3A_1192 = arith.constant 16 : i32
        %mul3A_1193 = arith.muli %scan3A_152, %mul3A_1192 : i32
        %add3A_1194 = arith.constant 11 : i32
        %add3A_1195 = arith.addi %mul3A_1193, %add3A_1194 : i32
        %slice3A_1196 = vector.extract_strided_slice %get3A_160 {offsets = [11], sizes = [1], strides = [1]} : vector<16xf32> to vector<1xf32>
        %squeeze3A_1197 = vector.extract %slice3A_1196[0] : f32 from vector<1xf32>
        %get3A_1198 = arith.index_cast %add3A_1195 : i32 to index
        %get3A_1199 = arith.constant 0 : index
        %get3A_1200 = tpu.vector_load %arg11[%get3A_1198, %get3A_1199] {strides = array<i32>} : memref<64x128xf32, #tpu.memory_space<vmem>>, vector<1x16xf32>,
        %get3A_1201 = vector.shape_cast %get3A_1200 : vector<1x16xf32> to vector<16xf32>
        %mul3A_1202 = vector.broadcast %squeeze3A_1197 : f32 to vector<16xf32>
        %mul3A_1203 = arith.mulf %get3A_1201, %mul3A_1202 : vector<16xf32>
        %swap3A_1204 = arith.index_cast %add3A_1195 : i32 to index
        %swap3A_1205 = arith.constant 0 : index
        %swap3A_1206 = tpu.vector_load %arg11[%swap3A_1204, %swap3A_1205] {strides = array<i32>} : memref<64x128xf32, #tpu.memory_space<vmem>>, vector<1x16xf32>,
        %swap3A_1207 = vector.shape_cast %swap3A_1206 : vector<1x16xf32> to vector<16xf32>
        %swap3A_1208 = vector.shape_cast %mul3A_1203 : vector<16xf32> to vector<1x16xf32>
        tpu.vector_store %arg11[%swap3A_1204, %swap3A_1205], %swap3A_1208 {strides = array<i32>} : memref<64x128xf32, #tpu.memory_space<vmem>>, vector<1x16xf32>,
        %get3A_1209 = arith.index_cast %add3A_1195 : i32 to index
        %get3A_1210 = arith.constant 16 : index
        %get3A_1211 = tpu.vector_load %arg11[%get3A_1209, %get3A_1210] {strides = array<i32>} : memref<64x128xf32, #tpu.memory_space<vmem>>, vector<1x16xf32>,
        %get3A_1212 = vector.shape_cast %get3A_1211 : vector<1x16xf32> to vector<16xf32>
        %mul3A_1213 = vector.broadcast %squeeze3A_1197 : f32 to vector<16xf32>
        %mul3A_1214 = arith.mulf %get3A_1212, %mul3A_1213 : vector<16xf32>
        %swap3A_1215 = arith.index_cast %add3A_1195 : i32 to index
        %swap3A_1216 = arith.constant 16 : index
        %swap3A_1217 = tpu.vector_load %arg11[%swap3A_1215, %swap3A_1216] {strides = array<i32>} : memref<64x128xf32, #tpu.memory_space<vmem>>, vector<1x16xf32>,
        %swap3A_1218 = vector.shape_cast %swap3A_1217 : vector<1x16xf32> to vector<16xf32>
        %swap3A_1219 = vector.shape_cast %mul3A_1214 : vector<16xf32> to vector<1x16xf32>
        tpu.vector_store %arg11[%swap3A_1215, %swap3A_1216], %swap3A_1219 {strides = array<i32>} : memref<64x128xf32, #tpu.memory_space<vmem>>, vector<1x16xf32>,
        %get3A_1220 = arith.index_cast %add3A_1195 : i32 to index
        %get3A_1221 = arith.constant 32 : index
        %get3A_1222 = tpu.vector_load %arg11[%get3A_1220, %get3A_1221] {strides = array<i32>} : memref<64x128xf32, #tpu.memory_space<vmem>>, vector<1x16xf32>,
        %get3A_1223 = vector.shape_cast %get3A_1222 : vector<1x16xf32> to vector<16xf32>
        %mul3A_1224 = vector.broadcast %squeeze3A_1197 : f32 to vector<16xf32>
        %mul3A_1225 = arith.mulf %get3A_1223, %mul3A_1224 : vector<16xf32>
        %swap3A_1226 = arith.index_cast %add3A_1195 : i32 to index
        %swap3A_1227 = arith.constant 32 : index
        %swap3A_1228 = tpu.vector_load %arg11[%swap3A_1226, %swap3A_1227] {strides = array<i32>} : memref<64x128xf32, #tpu.memory_space<vmem>>, vector<1x16xf32>,
        %swap3A_1229 = vector.shape_cast %swap3A_1228 : vector<1x16xf32> to vector<16xf32>
        %swap3A_1230 = vector.shape_cast %mul3A_1225 : vector<16xf32> to vector<1x16xf32>
        tpu.vector_store %arg11[%swap3A_1226, %swap3A_1227], %swap3A_1230 {strides = array<i32>} : memref<64x128xf32, #tpu.memory_space<vmem>>, vector<1x16xf32>,
        %get3A_1231 = arith.index_cast %add3A_1195 : i32 to index
        %get3A_1232 = arith.constant 48 : index
        %get3A_1233 = tpu.vector_load %arg11[%get3A_1231, %get3A_1232] {strides = array<i32>} : memref<64x128xf32, #tpu.memory_space<vmem>>, vector<1x16xf32>,
        %get3A_1234 = vector.shape_cast %get3A_1233 : vector<1x16xf32> to vector<16xf32>
        %mul3A_1235 = vector.broadcast %squeeze3A_1197 : f32 to vector<16xf32>
        %mul3A_1236 = arith.mulf %get3A_1234, %mul3A_1235 : vector<16xf32>
        %swap3A_1237 = arith.index_cast %add3A_1195 : i32 to index
        %swap3A_1238 = arith.constant 48 : index
        %swap3A_1239 = tpu.vector_load %arg11[%swap3A_1237, %swap3A_1238] {strides = array<i32>} : memref<64x128xf32, #tpu.memory_space<vmem>>, vector<1x16xf32>,
        %swap3A_1240 = vector.shape_cast %swap3A_1239 : vector<1x16xf32> to vector<16xf32>
        %swap3A_1241 = vector.shape_cast %mul3A_1236 : vector<16xf32> to vector<1x16xf32>
        tpu.vector_store %arg11[%swap3A_1237, %swap3A_1238], %swap3A_1241 {strides = array<i32>} : memref<64x128xf32, #tpu.memory_space<vmem>>, vector<1x16xf32>,
        %get3A_1242 = arith.index_cast %add3A_1195 : i32 to index
        %get3A_1243 = arith.constant 64 : index
        %get3A_1244 = tpu.vector_load %arg11[%get3A_1242, %get3A_1243] {strides = array<i32>} : memref<64x128xf32, #tpu.memory_space<vmem>>, vector<1x16xf32>,
        %get3A_1245 = vector.shape_cast %get3A_1244 : vector<1x16xf32> to vector<16xf32>
        %mul3A_1246 = vector.broadcast %squeeze3A_1197 : f32 to vector<16xf32>
        %mul3A_1247 = arith.mulf %get3A_1245, %mul3A_1246 : vector<16xf32>
        %swap3A_1248 = arith.index_cast %add3A_1195 : i32 to index
        %swap3A_1249 = arith.constant 64 : index
        %swap3A_1250 = tpu.vector_load %arg11[%swap3A_1248, %swap3A_1249] {strides = array<i32>} : memref<64x128xf32, #tpu.memory_space<vmem>>, vector<1x16xf32>,
        %swap3A_1251 = vector.shape_cast %swap3A_1250 : vector<1x16xf32> to vector<16xf32>
        %swap3A_1252 = vector.shape_cast %mul3A_1247 : vector<16xf32> to vector<1x16xf32>
        tpu.vector_store %arg11[%swap3A_1248, %swap3A_1249], %swap3A_1252 {strides = array<i32>} : memref<64x128xf32, #tpu.memory_space<vmem>>, vector<1x16xf32>,
        %get3A_1253 = arith.index_cast %add3A_1195 : i32 to index
        %get3A_1254 = arith.constant 80 : index
        %get3A_1255 = tpu.vector_load %arg11[%get3A_1253, %get3A_1254] {strides = array<i32>} : memref<64x128xf32, #tpu.memory_space<vmem>>, vector<1x16xf32>,
        %get3A_1256 = vector.shape_cast %get3A_1255 : vector<1x16xf32> to vector<16xf32>
        %mul3A_1257 = vector.broadcast %squeeze3A_1197 : f32 to vector<16xf32>
        %mul3A_1258 = arith.mulf %get3A_1256, %mul3A_1257 : vector<16xf32>
        %swap3A_1259 = arith.index_cast %add3A_1195 : i32 to index
        %swap3A_1260 = arith.constant 80 : index
        %swap3A_1261 = tpu.vector_load %arg11[%swap3A_1259, %swap3A_1260] {strides = array<i32>} : memref<64x128xf32, #tpu.memory_space<vmem>>, vector<1x16xf32>,
        %swap3A_1262 = vector.shape_cast %swap3A_1261 : vector<1x16xf32> to vector<16xf32>
        %swap3A_1263 = vector.shape_cast %mul3A_1258 : vector<16xf32> to vector<1x16xf32>
        tpu.vector_store %arg11[%swap3A_1259, %swap3A_1260], %swap3A_1263 {strides = array<i32>} : memref<64x128xf32, #tpu.memory_space<vmem>>, vector<1x16xf32>,
        %get3A_1264 = arith.index_cast %add3A_1195 : i32 to index
        %get3A_1265 = arith.constant 96 : index
        %get3A_1266 = tpu.vector_load %arg11[%get3A_1264, %get3A_1265] {strides = array<i32>} : memref<64x128xf32, #tpu.memory_space<vmem>>, vector<1x16xf32>,
        %get3A_1267 = vector.shape_cast %get3A_1266 : vector<1x16xf32> to vector<16xf32>
        %mul3A_1268 = vector.broadcast %squeeze3A_1197 : f32 to vector<16xf32>
        %mul3A_1269 = arith.mulf %get3A_1267, %mul3A_1268 : vector<16xf32>
        %swap3A_1270 = arith.index_cast %add3A_1195 : i32 to index
        %swap3A_1271 = arith.constant 96 : index
        %swap3A_1272 = tpu.vector_load %arg11[%swap3A_1270, %swap3A_1271] {strides = array<i32>} : memref<64x128xf32, #tpu.memory_space<vmem>>, vector<1x16xf32>,
        %swap3A_1273 = vector.shape_cast %swap3A_1272 : vector<1x16xf32> to vector<16xf32>
        %swap3A_1274 = vector.shape_cast %mul3A_1269 : vector<16xf32> to vector<1x16xf32>
        tpu.vector_store %arg11[%swap3A_1270, %swap3A_1271], %swap3A_1274 {strides = array<i32>} : memref<64x128xf32, #tpu.memory_space<vmem>>, vector<1x16xf32>,
        %get3A_1275 = arith.index_cast %add3A_1195 : i32 to index
        %get3A_1276 = arith.constant 112 : index
        %get3A_1277 = tpu.vector_load %arg11[%get3A_1275, %get3A_1276] {strides = array<i32>} : memref<64x128xf32, #tpu.memory_space<vmem>>, vector<1x16xf32>,
        %get3A_1278 = vector.shape_cast %get3A_1277 : vector<1x16xf32> to vector<16xf32>
        %mul3A_1279 = vector.broadcast %squeeze3A_1197 : f32 to vector<16xf32>
        %mul3A_1280 = arith.mulf %get3A_1278, %mul3A_1279 : vector<16xf32>
        %swap3A_1281 = arith.index_cast %add3A_1195 : i32 to index
        %swap3A_1282 = arith.constant 112 : index
        %swap3A_1283 = tpu.vector_load %arg11[%swap3A_1281, %swap3A_1282] {strides = array<i32>} : memref<64x128xf32, #tpu.memory_space<vmem>>, vector<1x16xf32>,
        %swap3A_1284 = vector.shape_cast %swap3A_1283 : vector<1x16xf32> to vector<16xf32>
        %swap3A_1285 = vector.shape_cast %mul3A_1280 : vector<16xf32> to vector<1x16xf32>
        tpu.vector_store %arg11[%swap3A_1281, %swap3A_1282], %swap3A_1285 {strides = array<i32>} : memref<64x128xf32, #tpu.memory_space<vmem>>, vector<1x16xf32>,
        %mul3A_1286 = arith.constant 16 : i32
        %mul3A_1287 = arith.muli %scan3A_152, %mul3A_1286 : i32
        %add3A_1288 = arith.constant 12 : i32
        %add3A_1289 = arith.addi %mul3A_1287, %add3A_1288 : i32
        %slice3A_1290 = vector.extract_strided_slice %get3A_160 {offsets = [12], sizes = [1], strides = [1]} : vector<16xf32> to vector<1xf32>
        %squeeze3A_1291 = vector.extract %slice3A_1290[0] : f32 from vector<1xf32>
        %get3A_1292 = arith.index_cast %add3A_1289 : i32 to index
        %get3A_1293 = arith.constant 0 : index
        %get3A_1294 = tpu.vector_load %arg11[%get3A_1292, %get3A_1293] {strides = array<i32>} : memref<64x128xf32, #tpu.memory_space<vmem>>, vector<1x16xf32>,
        %get3A_1295 = vector.shape_cast %get3A_1294 : vector<1x16xf32> to vector<16xf32>
        %mul3A_1296 = vector.broadcast %squeeze3A_1291 : f32 to vector<16xf32>
        %mul3A_1297 = arith.mulf %get3A_1295, %mul3A_1296 : vector<16xf32>
        %swap3A_1298 = arith.index_cast %add3A_1289 : i32 to index
        %swap3A_1299 = arith.constant 0 : index
        %swap3A_1300 = tpu.vector_load %arg11[%swap3A_1298, %swap3A_1299] {strides = array<i32>} : memref<64x128xf32, #tpu.memory_space<vmem>>, vector<1x16xf32>,
        %swap3A_1301 = vector.shape_cast %swap3A_1300 : vector<1x16xf32> to vector<16xf32>
        %swap3A_1302 = vector.shape_cast %mul3A_1297 : vector<16xf32> to vector<1x16xf32>
        tpu.vector_store %arg11[%swap3A_1298, %swap3A_1299], %swap3A_1302 {strides = array<i32>} : memref<64x128xf32, #tpu.memory_space<vmem>>, vector<1x16xf32>,
        %get3A_1303 = arith.index_cast %add3A_1289 : i32 to index
        %get3A_1304 = arith.constant 16 : index
        %get3A_1305 = tpu.vector_load %arg11[%get3A_1303, %get3A_1304] {strides = array<i32>} : memref<64x128xf32, #tpu.memory_space<vmem>>, vector<1x16xf32>,
        %get3A_1306 = vector.shape_cast %get3A_1305 : vector<1x16xf32> to vector<16xf32>
        %mul3A_1307 = vector.broadcast %squeeze3A_1291 : f32 to vector<16xf32>
        %mul3A_1308 = arith.mulf %get3A_1306, %mul3A_1307 : vector<16xf32>
        %swap3A_1309 = arith.index_cast %add3A_1289 : i32 to index
        %swap3A_1310 = arith.constant 16 : index
        %swap3A_1311 = tpu.vector_load %arg11[%swap3A_1309, %swap3A_1310] {strides = array<i32>} : memref<64x128xf32, #tpu.memory_space<vmem>>, vector<1x16xf32>,
        %swap3A_1312 = vector.shape_cast %swap3A_1311 : vector<1x16xf32> to vector<16xf32>
        %swap3A_1313 = vector.shape_cast %mul3A_1308 : vector<16xf32> to vector<1x16xf32>
        tpu.vector_store %arg11[%swap3A_1309, %swap3A_1310], %swap3A_1313 {strides = array<i32>} : memref<64x128xf32, #tpu.memory_space<vmem>>, vector<1x16xf32>,
        %get3A_1314 = arith.index_cast %add3A_1289 : i32 to index
        %get3A_1315 = arith.constant 32 : index
        %get3A_1316 = tpu.vector_load %arg11[%get3A_1314, %get3A_1315] {strides = array<i32>} : memref<64x128xf32, #tpu.memory_space<vmem>>, vector<1x16xf32>,
        %get3A_1317 = vector.shape_cast %get3A_1316 : vector<1x16xf32> to vector<16xf32>
        %mul3A_1318 = vector.broadcast %squeeze3A_1291 : f32 to vector<16xf32>
        %mul3A_1319 = arith.mulf %get3A_1317, %mul3A_1318 : vector<16xf32>
        %swap3A_1320 = arith.index_cast %add3A_1289 : i32 to index
        %swap3A_1321 = arith.constant 32 : index
        %swap3A_1322 = tpu.vector_load %arg11[%swap3A_1320, %swap3A_1321] {strides = array<i32>} : memref<64x128xf32, #tpu.memory_space<vmem>>, vector<1x16xf32>,
        %swap3A_1323 = vector.shape_cast %swap3A_1322 : vector<1x16xf32> to vector<16xf32>
        %swap3A_1324 = vector.shape_cast %mul3A_1319 : vector<16xf32> to vector<1x16xf32>
        tpu.vector_store %arg11[%swap3A_1320, %swap3A_1321], %swap3A_1324 {strides = array<i32>} : memref<64x128xf32, #tpu.memory_space<vmem>>, vector<1x16xf32>,
        %get3A_1325 = arith.index_cast %add3A_1289 : i32 to index
        %get3A_1326 = arith.constant 48 : index
        %get3A_1327 = tpu.vector_load %arg11[%get3A_1325, %get3A_1326] {strides = array<i32>} : memref<64x128xf32, #tpu.memory_space<vmem>>, vector<1x16xf32>,
        %get3A_1328 = vector.shape_cast %get3A_1327 : vector<1x16xf32> to vector<16xf32>
        %mul3A_1329 = vector.broadcast %squeeze3A_1291 : f32 to vector<16xf32>
        %mul3A_1330 = arith.mulf %get3A_1328, %mul3A_1329 : vector<16xf32>
        %swap3A_1331 = arith.index_cast %add3A_1289 : i32 to index
        %swap3A_1332 = arith.constant 48 : index
        %swap3A_1333 = tpu.vector_load %arg11[%swap3A_1331, %swap3A_1332] {strides = array<i32>} : memref<64x128xf32, #tpu.memory_space<vmem>>, vector<1x16xf32>,
        %swap3A_1334 = vector.shape_cast %swap3A_1333 : vector<1x16xf32> to vector<16xf32>
        %swap3A_1335 = vector.shape_cast %mul3A_1330 : vector<16xf32> to vector<1x16xf32>
        tpu.vector_store %arg11[%swap3A_1331, %swap3A_1332], %swap3A_1335 {strides = array<i32>} : memref<64x128xf32, #tpu.memory_space<vmem>>, vector<1x16xf32>,
        %get3A_1336 = arith.index_cast %add3A_1289 : i32 to index
        %get3A_1337 = arith.constant 64 : index
        %get3A_1338 = tpu.vector_load %arg11[%get3A_1336, %get3A_1337] {strides = array<i32>} : memref<64x128xf32, #tpu.memory_space<vmem>>, vector<1x16xf32>,
        %get3A_1339 = vector.shape_cast %get3A_1338 : vector<1x16xf32> to vector<16xf32>
        %mul3A_1340 = vector.broadcast %squeeze3A_1291 : f32 to vector<16xf32>
        %mul3A_1341 = arith.mulf %get3A_1339, %mul3A_1340 : vector<16xf32>
        %swap3A_1342 = arith.index_cast %add3A_1289 : i32 to index
        %swap3A_1343 = arith.constant 64 : index
        %swap3A_1344 = tpu.vector_load %arg11[%swap3A_1342, %swap3A_1343] {strides = array<i32>} : memref<64x128xf32, #tpu.memory_space<vmem>>, vector<1x16xf32>,
        %swap3A_1345 = vector.shape_cast %swap3A_1344 : vector<1x16xf32> to vector<16xf32>
        %swap3A_1346 = vector.shape_cast %mul3A_1341 : vector<16xf32> to vector<1x16xf32>
        tpu.vector_store %arg11[%swap3A_1342, %swap3A_1343], %swap3A_1346 {strides = array<i32>} : memref<64x128xf32, #tpu.memory_space<vmem>>, vector<1x16xf32>,
        %get3A_1347 = arith.index_cast %add3A_1289 : i32 to index
        %get3A_1348 = arith.constant 80 : index
        %get3A_1349 = tpu.vector_load %arg11[%get3A_1347, %get3A_1348] {strides = array<i32>} : memref<64x128xf32, #tpu.memory_space<vmem>>, vector<1x16xf32>,
        %get3A_1350 = vector.shape_cast %get3A_1349 : vector<1x16xf32> to vector<16xf32>
        %mul3A_1351 = vector.broadcast %squeeze3A_1291 : f32 to vector<16xf32>
        %mul3A_1352 = arith.mulf %get3A_1350, %mul3A_1351 : vector<16xf32>
        %swap3A_1353 = arith.index_cast %add3A_1289 : i32 to index
        %swap3A_1354 = arith.constant 80 : index
        %swap3A_1355 = tpu.vector_load %arg11[%swap3A_1353, %swap3A_1354] {strides = array<i32>} : memref<64x128xf32, #tpu.memory_space<vmem>>, vector<1x16xf32>,
        %swap3A_1356 = vector.shape_cast %swap3A_1355 : vector<1x16xf32> to vector<16xf32>
        %swap3A_1357 = vector.shape_cast %mul3A_1352 : vector<16xf32> to vector<1x16xf32>
        tpu.vector_store %arg11[%swap3A_1353, %swap3A_1354], %swap3A_1357 {strides = array<i32>} : memref<64x128xf32, #tpu.memory_space<vmem>>, vector<1x16xf32>,
        %get3A_1358 = arith.index_cast %add3A_1289 : i32 to index
        %get3A_1359 = arith.constant 96 : index
        %get3A_1360 = tpu.vector_load %arg11[%get3A_1358, %get3A_1359] {strides = array<i32>} : memref<64x128xf32, #tpu.memory_space<vmem>>, vector<1x16xf32>,
        %get3A_1361 = vector.shape_cast %get3A_1360 : vector<1x16xf32> to vector<16xf32>
        %mul3A_1362 = vector.broadcast %squeeze3A_1291 : f32 to vector<16xf32>
        %mul3A_1363 = arith.mulf %get3A_1361, %mul3A_1362 : vector<16xf32>
        %swap3A_1364 = arith.index_cast %add3A_1289 : i32 to index
        %swap3A_1365 = arith.constant 96 : index
        %swap3A_1366 = tpu.vector_load %arg11[%swap3A_1364, %swap3A_1365] {strides = array<i32>} : memref<64x128xf32, #tpu.memory_space<vmem>>, vector<1x16xf32>,
        %swap3A_1367 = vector.shape_cast %swap3A_1366 : vector<1x16xf32> to vector<16xf32>
        %swap3A_1368 = vector.shape_cast %mul3A_1363 : vector<16xf32> to vector<1x16xf32>
        tpu.vector_store %arg11[%swap3A_1364, %swap3A_1365], %swap3A_1368 {strides = array<i32>} : memref<64x128xf32, #tpu.memory_space<vmem>>, vector<1x16xf32>,
        %get3A_1369 = arith.index_cast %add3A_1289 : i32 to index
        %get3A_1370 = arith.constant 112 : index
        %get3A_1371 = tpu.vector_load %arg11[%get3A_1369, %get3A_1370] {strides = array<i32>} : memref<64x128xf32, #tpu.memory_space<vmem>>, vector<1x16xf32>,
        %get3A_1372 = vector.shape_cast %get3A_1371 : vector<1x16xf32> to vector<16xf32>
        %mul3A_1373 = vector.broadcast %squeeze3A_1291 : f32 to vector<16xf32>
        %mul3A_1374 = arith.mulf %get3A_1372, %mul3A_1373 : vector<16xf32>
        %swap3A_1375 = arith.index_cast %add3A_1289 : i32 to index
        %swap3A_1376 = arith.constant 112 : index
        %swap3A_1377 = tpu.vector_load %arg11[%swap3A_1375, %swap3A_1376] {strides = array<i32>} : memref<64x128xf32, #tpu.memory_space<vmem>>, vector<1x16xf32>,
        %swap3A_1378 = vector.shape_cast %swap3A_1377 : vector<1x16xf32> to vector<16xf32>
        %swap3A_1379 = vector.shape_cast %mul3A_1374 : vector<16xf32> to vector<1x16xf32>
        tpu.vector_store %arg11[%swap3A_1375, %swap3A_1376], %swap3A_1379 {strides = array<i32>} : memref<64x128xf32, #tpu.memory_space<vmem>>, vector<1x16xf32>,
        %mul3A_1380 = arith.constant 16 : i32
        %mul3A_1381 = arith.muli %scan3A_152, %mul3A_1380 : i32
        %add3A_1382 = arith.constant 13 : i32
        %add3A_1383 = arith.addi %mul3A_1381, %add3A_1382 : i32
        %slice3A_1384 = vector.extract_strided_slice %get3A_160 {offsets = [13], sizes = [1], strides = [1]} : vector<16xf32> to vector<1xf32>
        %squeeze3A_1385 = vector.extract %slice3A_1384[0] : f32 from vector<1xf32>
        %get3A_1386 = arith.index_cast %add3A_1383 : i32 to index
        %get3A_1387 = arith.constant 0 : index
        %get3A_1388 = tpu.vector_load %arg11[%get3A_1386, %get3A_1387] {strides = array<i32>} : memref<64x128xf32, #tpu.memory_space<vmem>>, vector<1x16xf32>,
        %get3A_1389 = vector.shape_cast %get3A_1388 : vector<1x16xf32> to vector<16xf32>
        %mul3A_1390 = vector.broadcast %squeeze3A_1385 : f32 to vector<16xf32>
        %mul3A_1391 = arith.mulf %get3A_1389, %mul3A_1390 : vector<16xf32>
        %swap3A_1392 = arith.index_cast %add3A_1383 : i32 to index
        %swap3A_1393 = arith.constant 0 : index
        %swap3A_1394 = tpu.vector_load %arg11[%swap3A_1392, %swap3A_1393] {strides = array<i32>} : memref<64x128xf32, #tpu.memory_space<vmem>>, vector<1x16xf32>,
        %swap3A_1395 = vector.shape_cast %swap3A_1394 : vector<1x16xf32> to vector<16xf32>
        %swap3A_1396 = vector.shape_cast %mul3A_1391 : vector<16xf32> to vector<1x16xf32>
        tpu.vector_store %arg11[%swap3A_1392, %swap3A_1393], %swap3A_1396 {strides = array<i32>} : memref<64x128xf32, #tpu.memory_space<vmem>>, vector<1x16xf32>,
        %get3A_1397 = arith.index_cast %add3A_1383 : i32 to index
        %get3A_1398 = arith.constant 16 : index
        %get3A_1399 = tpu.vector_load %arg11[%get3A_1397, %get3A_1398] {strides = array<i32>} : memref<64x128xf32, #tpu.memory_space<vmem>>, vector<1x16xf32>,
        %get3A_1400 = vector.shape_cast %get3A_1399 : vector<1x16xf32> to vector<16xf32>
        %mul3A_1401 = vector.broadcast %squeeze3A_1385 : f32 to vector<16xf32>
        %mul3A_1402 = arith.mulf %get3A_1400, %mul3A_1401 : vector<16xf32>
        %swap3A_1403 = arith.index_cast %add3A_1383 : i32 to index
        %swap3A_1404 = arith.constant 16 : index
        %swap3A_1405 = tpu.vector_load %arg11[%swap3A_1403, %swap3A_1404] {strides = array<i32>} : memref<64x128xf32, #tpu.memory_space<vmem>>, vector<1x16xf32>,
        %swap3A_1406 = vector.shape_cast %swap3A_1405 : vector<1x16xf32> to vector<16xf32>
        %swap3A_1407 = vector.shape_cast %mul3A_1402 : vector<16xf32> to vector<1x16xf32>
        tpu.vector_store %arg11[%swap3A_1403, %swap3A_1404], %swap3A_1407 {strides = array<i32>} : memref<64x128xf32, #tpu.memory_space<vmem>>, vector<1x16xf32>,
        %get3A_1408 = arith.index_cast %add3A_1383 : i32 to index
        %get3A_1409 = arith.constant 32 : index
        %get3A_1410 = tpu.vector_load %arg11[%get3A_1408, %get3A_1409] {strides = array<i32>} : memref<64x128xf32, #tpu.memory_space<vmem>>, vector<1x16xf32>,
        %get3A_1411 = vector.shape_cast %get3A_1410 : vector<1x16xf32> to vector<16xf32>
        %mul3A_1412 = vector.broadcast %squeeze3A_1385 : f32 to vector<16xf32>
        %mul3A_1413 = arith.mulf %get3A_1411, %mul3A_1412 : vector<16xf32>
        %swap3A_1414 = arith.index_cast %add3A_1383 : i32 to index
        %swap3A_1415 = arith.constant 32 : index
        %swap3A_1416 = tpu.vector_load %arg11[%swap3A_1414, %swap3A_1415] {strides = array<i32>} : memref<64x128xf32, #tpu.memory_space<vmem>>, vector<1x16xf32>,
        %swap3A_1417 = vector.shape_cast %swap3A_1416 : vector<1x16xf32> to vector<16xf32>
        %swap3A_1418 = vector.shape_cast %mul3A_1413 : vector<16xf32> to vector<1x16xf32>
        tpu.vector_store %arg11[%swap3A_1414, %swap3A_1415], %swap3A_1418 {strides = array<i32>} : memref<64x128xf32, #tpu.memory_space<vmem>>, vector<1x16xf32>,
        %get3A_1419 = arith.index_cast %add3A_1383 : i32 to index
        %get3A_1420 = arith.constant 48 : index
        %get3A_1421 = tpu.vector_load %arg11[%get3A_1419, %get3A_1420] {strides = array<i32>} : memref<64x128xf32, #tpu.memory_space<vmem>>, vector<1x16xf32>,
        %get3A_1422 = vector.shape_cast %get3A_1421 : vector<1x16xf32> to vector<16xf32>
        %mul3A_1423 = vector.broadcast %squeeze3A_1385 : f32 to vector<16xf32>
        %mul3A_1424 = arith.mulf %get3A_1422, %mul3A_1423 : vector<16xf32>
        %swap3A_1425 = arith.index_cast %add3A_1383 : i32 to index
        %swap3A_1426 = arith.constant 48 : index
        %swap3A_1427 = tpu.vector_load %arg11[%swap3A_1425, %swap3A_1426] {strides = array<i32>} : memref<64x128xf32, #tpu.memory_space<vmem>>, vector<1x16xf32>,
        %swap3A_1428 = vector.shape_cast %swap3A_1427 : vector<1x16xf32> to vector<16xf32>
        %swap3A_1429 = vector.shape_cast %mul3A_1424 : vector<16xf32> to vector<1x16xf32>
        tpu.vector_store %arg11[%swap3A_1425, %swap3A_1426], %swap3A_1429 {strides = array<i32>} : memref<64x128xf32, #tpu.memory_space<vmem>>, vector<1x16xf32>,
        %get3A_1430 = arith.index_cast %add3A_1383 : i32 to index
        %get3A_1431 = arith.constant 64 : index
        %get3A_1432 = tpu.vector_load %arg11[%get3A_1430, %get3A_1431] {strides = array<i32>} : memref<64x128xf32, #tpu.memory_space<vmem>>, vector<1x16xf32>,
        %get3A_1433 = vector.shape_cast %get3A_1432 : vector<1x16xf32> to vector<16xf32>
        %mul3A_1434 = vector.broadcast %squeeze3A_1385 : f32 to vector<16xf32>
        %mul3A_1435 = arith.mulf %get3A_1433, %mul3A_1434 : vector<16xf32>
        %swap3A_1436 = arith.index_cast %add3A_1383 : i32 to index
        %swap3A_1437 = arith.constant 64 : index
        %swap3A_1438 = tpu.vector_load %arg11[%swap3A_1436, %swap3A_1437] {strides = array<i32>} : memref<64x128xf32, #tpu.memory_space<vmem>>, vector<1x16xf32>,
        %swap3A_1439 = vector.shape_cast %swap3A_1438 : vector<1x16xf32> to vector<16xf32>
        %swap3A_1440 = vector.shape_cast %mul3A_1435 : vector<16xf32> to vector<1x16xf32>
        tpu.vector_store %arg11[%swap3A_1436, %swap3A_1437], %swap3A_1440 {strides = array<i32>} : memref<64x128xf32, #tpu.memory_space<vmem>>, vector<1x16xf32>,
        %get3A_1441 = arith.index_cast %add3A_1383 : i32 to index
        %get3A_1442 = arith.constant 80 : index
        %get3A_1443 = tpu.vector_load %arg11[%get3A_1441, %get3A_1442] {strides = array<i32>} : memref<64x128xf32, #tpu.memory_space<vmem>>, vector<1x16xf32>,
        %get3A_1444 = vector.shape_cast %get3A_1443 : vector<1x16xf32> to vector<16xf32>
        %mul3A_1445 = vector.broadcast %squeeze3A_1385 : f32 to vector<16xf32>
        %mul3A_1446 = arith.mulf %get3A_1444, %mul3A_1445 : vector<16xf32>
        %swap3A_1447 = arith.index_cast %add3A_1383 : i32 to index
        %swap3A_1448 = arith.constant 80 : index
        %swap3A_1449 = tpu.vector_load %arg11[%swap3A_1447, %swap3A_1448] {strides = array<i32>} : memref<64x128xf32, #tpu.memory_space<vmem>>, vector<1x16xf32>,
        %swap3A_1450 = vector.shape_cast %swap3A_1449 : vector<1x16xf32> to vector<16xf32>
        %swap3A_1451 = vector.shape_cast %mul3A_1446 : vector<16xf32> to vector<1x16xf32>
        tpu.vector_store %arg11[%swap3A_1447, %swap3A_1448], %swap3A_1451 {strides = array<i32>} : memref<64x128xf32, #tpu.memory_space<vmem>>, vector<1x16xf32>,
        %get3A_1452 = arith.index_cast %add3A_1383 : i32 to index
        %get3A_1453 = arith.constant 96 : index
        %get3A_1454 = tpu.vector_load %arg11[%get3A_1452, %get3A_1453] {strides = array<i32>} : memref<64x128xf32, #tpu.memory_space<vmem>>, vector<1x16xf32>,
        %get3A_1455 = vector.shape_cast %get3A_1454 : vector<1x16xf32> to vector<16xf32>
        %mul3A_1456 = vector.broadcast %squeeze3A_1385 : f32 to vector<16xf32>
        %mul3A_1457 = arith.mulf %get3A_1455, %mul3A_1456 : vector<16xf32>
        %swap3A_1458 = arith.index_cast %add3A_1383 : i32 to index
        %swap3A_1459 = arith.constant 96 : index
        %swap3A_1460 = tpu.vector_load %arg11[%swap3A_1458, %swap3A_1459] {strides = array<i32>} : memref<64x128xf32, #tpu.memory_space<vmem>>, vector<1x16xf32>,
        %swap3A_1461 = vector.shape_cast %swap3A_1460 : vector<1x16xf32> to vector<16xf32>
        %swap3A_1462 = vector.shape_cast %mul3A_1457 : vector<16xf32> to vector<1x16xf32>
        tpu.vector_store %arg11[%swap3A_1458, %swap3A_1459], %swap3A_1462 {strides = array<i32>} : memref<64x128xf32, #tpu.memory_space<vmem>>, vector<1x16xf32>,
        %get3A_1463 = arith.index_cast %add3A_1383 : i32 to index
        %get3A_1464 = arith.constant 112 : index
        %get3A_1465 = tpu.vector_load %arg11[%get3A_1463, %get3A_1464] {strides = array<i32>} : memref<64x128xf32, #tpu.memory_space<vmem>>, vector<1x16xf32>,
        %get3A_1466 = vector.shape_cast %get3A_1465 : vector<1x16xf32> to vector<16xf32>
        %mul3A_1467 = vector.broadcast %squeeze3A_1385 : f32 to vector<16xf32>
        %mul3A_1468 = arith.mulf %get3A_1466, %mul3A_1467 : vector<16xf32>
        %swap3A_1469 = arith.index_cast %add3A_1383 : i32 to index
        %swap3A_1470 = arith.constant 112 : index
        %swap3A_1471 = tpu.vector_load %arg11[%swap3A_1469, %swap3A_1470] {strides = array<i32>} : memref<64x128xf32, #tpu.memory_space<vmem>>, vector<1x16xf32>,
        %swap3A_1472 = vector.shape_cast %swap3A_1471 : vector<1x16xf32> to vector<16xf32>
        %swap3A_1473 = vector.shape_cast %mul3A_1468 : vector<16xf32> to vector<1x16xf32>
        tpu.vector_store %arg11[%swap3A_1469, %swap3A_1470], %swap3A_1473 {strides = array<i32>} : memref<64x128xf32, #tpu.memory_space<vmem>>, vector<1x16xf32>,
        %mul3A_1474 = arith.constant 16 : i32
        %mul3A_1475 = arith.muli %scan3A_152, %mul3A_1474 : i32
        %add3A_1476 = arith.constant 14 : i32
        %add3A_1477 = arith.addi %mul3A_1475, %add3A_1476 : i32
        %slice3A_1478 = vector.extract_strided_slice %get3A_160 {offsets = [14], sizes = [1], strides = [1]} : vector<16xf32> to vector<1xf32>
        %squeeze3A_1479 = vector.extract %slice3A_1478[0] : f32 from vector<1xf32>
        %get3A_1480 = arith.index_cast %add3A_1477 : i32 to index
        %get3A_1481 = arith.constant 0 : index
        %get3A_1482 = tpu.vector_load %arg11[%get3A_1480, %get3A_1481] {strides = array<i32>} : memref<64x128xf32, #tpu.memory_space<vmem>>, vector<1x16xf32>,
        %get3A_1483 = vector.shape_cast %get3A_1482 : vector<1x16xf32> to vector<16xf32>
        %mul3A_1484 = vector.broadcast %squeeze3A_1479 : f32 to vector<16xf32>
        %mul3A_1485 = arith.mulf %get3A_1483, %mul3A_1484 : vector<16xf32>
        %swap3A_1486 = arith.index_cast %add3A_1477 : i32 to index
        %swap3A_1487 = arith.constant 0 : index
        %swap3A_1488 = tpu.vector_load %arg11[%swap3A_1486, %swap3A_1487] {strides = array<i32>} : memref<64x128xf32, #tpu.memory_space<vmem>>, vector<1x16xf32>,
        %swap3A_1489 = vector.shape_cast %swap3A_1488 : vector<1x16xf32> to vector<16xf32>
        %swap3A_1490 = vector.shape_cast %mul3A_1485 : vector<16xf32> to vector<1x16xf32>
        tpu.vector_store %arg11[%swap3A_1486, %swap3A_1487], %swap3A_1490 {strides = array<i32>} : memref<64x128xf32, #tpu.memory_space<vmem>>, vector<1x16xf32>,
        %get3A_1491 = arith.index_cast %add3A_1477 : i32 to index
        %get3A_1492 = arith.constant 16 : index
        %get3A_1493 = tpu.vector_load %arg11[%get3A_1491, %get3A_1492] {strides = array<i32>} : memref<64x128xf32, #tpu.memory_space<vmem>>, vector<1x16xf32>,
        %get3A_1494 = vector.shape_cast %get3A_1493 : vector<1x16xf32> to vector<16xf32>
        %mul3A_1495 = vector.broadcast %squeeze3A_1479 : f32 to vector<16xf32>
        %mul3A_1496 = arith.mulf %get3A_1494, %mul3A_1495 : vector<16xf32>
        %swap3A_1497 = arith.index_cast %add3A_1477 : i32 to index
        %swap3A_1498 = arith.constant 16 : index
        %swap3A_1499 = tpu.vector_load %arg11[%swap3A_1497, %swap3A_1498] {strides = array<i32>} : memref<64x128xf32, #tpu.memory_space<vmem>>, vector<1x16xf32>,
        %swap3A_1500 = vector.shape_cast %swap3A_1499 : vector<1x16xf32> to vector<16xf32>
        %swap3A_1501 = vector.shape_cast %mul3A_1496 : vector<16xf32> to vector<1x16xf32>
        tpu.vector_store %arg11[%swap3A_1497, %swap3A_1498], %swap3A_1501 {strides = array<i32>} : memref<64x128xf32, #tpu.memory_space<vmem>>, vector<1x16xf32>,
        %get3A_1502 = arith.index_cast %add3A_1477 : i32 to index
        %get3A_1503 = arith.constant 32 : index
        %get3A_1504 = tpu.vector_load %arg11[%get3A_1502, %get3A_1503] {strides = array<i32>} : memref<64x128xf32, #tpu.memory_space<vmem>>, vector<1x16xf32>,
        %get3A_1505 = vector.shape_cast %get3A_1504 : vector<1x16xf32> to vector<16xf32>
        %mul3A_1506 = vector.broadcast %squeeze3A_1479 : f32 to vector<16xf32>
        %mul3A_1507 = arith.mulf %get3A_1505, %mul3A_1506 : vector<16xf32>
        %swap3A_1508 = arith.index_cast %add3A_1477 : i32 to index
        %swap3A_1509 = arith.constant 32 : index
        %swap3A_1510 = tpu.vector_load %arg11[%swap3A_1508, %swap3A_1509] {strides = array<i32>} : memref<64x128xf32, #tpu.memory_space<vmem>>, vector<1x16xf32>,
        %swap3A_1511 = vector.shape_cast %swap3A_1510 : vector<1x16xf32> to vector<16xf32>
        %swap3A_1512 = vector.shape_cast %mul3A_1507 : vector<16xf32> to vector<1x16xf32>
        tpu.vector_store %arg11[%swap3A_1508, %swap3A_1509], %swap3A_1512 {strides = array<i32>} : memref<64x128xf32, #tpu.memory_space<vmem>>, vector<1x16xf32>,
        %get3A_1513 = arith.index_cast %add3A_1477 : i32 to index
        %get3A_1514 = arith.constant 48 : index
        %get3A_1515 = tpu.vector_load %arg11[%get3A_1513, %get3A_1514] {strides = array<i32>} : memref<64x128xf32, #tpu.memory_space<vmem>>, vector<1x16xf32>,
        %get3A_1516 = vector.shape_cast %get3A_1515 : vector<1x16xf32> to vector<16xf32>
        %mul3A_1517 = vector.broadcast %squeeze3A_1479 : f32 to vector<16xf32>
        %mul3A_1518 = arith.mulf %get3A_1516, %mul3A_1517 : vector<16xf32>
        %swap3A_1519 = arith.index_cast %add3A_1477 : i32 to index
        %swap3A_1520 = arith.constant 48 : index
        %swap3A_1521 = tpu.vector_load %arg11[%swap3A_1519, %swap3A_1520] {strides = array<i32>} : memref<64x128xf32, #tpu.memory_space<vmem>>, vector<1x16xf32>,
        %swap3A_1522 = vector.shape_cast %swap3A_1521 : vector<1x16xf32> to vector<16xf32>
        %swap3A_1523 = vector.shape_cast %mul3A_1518 : vector<16xf32> to vector<1x16xf32>
        tpu.vector_store %arg11[%swap3A_1519, %swap3A_1520], %swap3A_1523 {strides = array<i32>} : memref<64x128xf32, #tpu.memory_space<vmem>>, vector<1x16xf32>,
        %get3A_1524 = arith.index_cast %add3A_1477 : i32 to index
        %get3A_1525 = arith.constant 64 : index
        %get3A_1526 = tpu.vector_load %arg11[%get3A_1524, %get3A_1525] {strides = array<i32>} : memref<64x128xf32, #tpu.memory_space<vmem>>, vector<1x16xf32>,
        %get3A_1527 = vector.shape_cast %get3A_1526 : vector<1x16xf32> to vector<16xf32>
        %mul3A_1528 = vector.broadcast %squeeze3A_1479 : f32 to vector<16xf32>
        %mul3A_1529 = arith.mulf %get3A_1527, %mul3A_1528 : vector<16xf32>
        %swap3A_1530 = arith.index_cast %add3A_1477 : i32 to index
        %swap3A_1531 = arith.constant 64 : index
        %swap3A_1532 = tpu.vector_load %arg11[%swap3A_1530, %swap3A_1531] {strides = array<i32>} : memref<64x128xf32, #tpu.memory_space<vmem>>, vector<1x16xf32>,
        %swap3A_1533 = vector.shape_cast %swap3A_1532 : vector<1x16xf32> to vector<16xf32>
        %swap3A_1534 = vector.shape_cast %mul3A_1529 : vector<16xf32> to vector<1x16xf32>
        tpu.vector_store %arg11[%swap3A_1530, %swap3A_1531], %swap3A_1534 {strides = array<i32>} : memref<64x128xf32, #tpu.memory_space<vmem>>, vector<1x16xf32>,
        %get3A_1535 = arith.index_cast %add3A_1477 : i32 to index
        %get3A_1536 = arith.constant 80 : index
        %get3A_1537 = tpu.vector_load %arg11[%get3A_1535, %get3A_1536] {strides = array<i32>} : memref<64x128xf32, #tpu.memory_space<vmem>>, vector<1x16xf32>,
        %get3A_1538 = vector.shape_cast %get3A_1537 : vector<1x16xf32> to vector<16xf32>
        %mul3A_1539 = vector.broadcast %squeeze3A_1479 : f32 to vector<16xf32>
        %mul3A_1540 = arith.mulf %get3A_1538, %mul3A_1539 : vector<16xf32>
        %swap3A_1541 = arith.index_cast %add3A_1477 : i32 to index
        %swap3A_1542 = arith.constant 80 : index
        %swap3A_1543 = tpu.vector_load %arg11[%swap3A_1541, %swap3A_1542] {strides = array<i32>} : memref<64x128xf32, #tpu.memory_space<vmem>>, vector<1x16xf32>,
        %swap3A_1544 = vector.shape_cast %swap3A_1543 : vector<1x16xf32> to vector<16xf32>
        %swap3A_1545 = vector.shape_cast %mul3A_1540 : vector<16xf32> to vector<1x16xf32>
        tpu.vector_store %arg11[%swap3A_1541, %swap3A_1542], %swap3A_1545 {strides = array<i32>} : memref<64x128xf32, #tpu.memory_space<vmem>>, vector<1x16xf32>,
        %get3A_1546 = arith.index_cast %add3A_1477 : i32 to index
        %get3A_1547 = arith.constant 96 : index
        %get3A_1548 = tpu.vector_load %arg11[%get3A_1546, %get3A_1547] {strides = array<i32>} : memref<64x128xf32, #tpu.memory_space<vmem>>, vector<1x16xf32>,
        %get3A_1549 = vector.shape_cast %get3A_1548 : vector<1x16xf32> to vector<16xf32>
        %mul3A_1550 = vector.broadcast %squeeze3A_1479 : f32 to vector<16xf32>
        %mul3A_1551 = arith.mulf %get3A_1549, %mul3A_1550 : vector<16xf32>
        %swap3A_1552 = arith.index_cast %add3A_1477 : i32 to index
        %swap3A_1553 = arith.constant 96 : index
        %swap3A_1554 = tpu.vector_load %arg11[%swap3A_1552, %swap3A_1553] {strides = array<i32>} : memref<64x128xf32, #tpu.memory_space<vmem>>, vector<1x16xf32>,
        %swap3A_1555 = vector.shape_cast %swap3A_1554 : vector<1x16xf32> to vector<16xf32>
        %swap3A_1556 = vector.shape_cast %mul3A_1551 : vector<16xf32> to vector<1x16xf32>
        tpu.vector_store %arg11[%swap3A_1552, %swap3A_1553], %swap3A_1556 {strides = array<i32>} : memref<64x128xf32, #tpu.memory_space<vmem>>, vector<1x16xf32>,
        %get3A_1557 = arith.index_cast %add3A_1477 : i32 to index
        %get3A_1558 = arith.constant 112 : index
        %get3A_1559 = tpu.vector_load %arg11[%get3A_1557, %get3A_1558] {strides = array<i32>} : memref<64x128xf32, #tpu.memory_space<vmem>>, vector<1x16xf32>,
        %get3A_1560 = vector.shape_cast %get3A_1559 : vector<1x16xf32> to vector<16xf32>
        %mul3A_1561 = vector.broadcast %squeeze3A_1479 : f32 to vector<16xf32>
        %mul3A_1562 = arith.mulf %get3A_1560, %mul3A_1561 : vector<16xf32>
        %swap3A_1563 = arith.index_cast %add3A_1477 : i32 to index
        %swap3A_1564 = arith.constant 112 : index
        %swap3A_1565 = tpu.vector_load %arg11[%swap3A_1563, %swap3A_1564] {strides = array<i32>} : memref<64x128xf32, #tpu.memory_space<vmem>>, vector<1x16xf32>,
        %swap3A_1566 = vector.shape_cast %swap3A_1565 : vector<1x16xf32> to vector<16xf32>
        %swap3A_1567 = vector.shape_cast %mul3A_1562 : vector<16xf32> to vector<1x16xf32>
        tpu.vector_store %arg11[%swap3A_1563, %swap3A_1564], %swap3A_1567 {strides = array<i32>} : memref<64x128xf32, #tpu.memory_space<vmem>>, vector<1x16xf32>,
        %mul3A_1568 = arith.constant 16 : i32
        %mul3A_1569 = arith.muli %scan3A_152, %mul3A_1568 : i32
        %add3A_1570 = arith.constant 15 : i32
        %add3A_1571 = arith.addi %mul3A_1569, %add3A_1570 : i32
        %slice3A_1572 = vector.extract_strided_slice %get3A_160 {offsets = [15], sizes = [1], strides = [1]} : vector<16xf32> to vector<1xf32>
        %squeeze3A_1573 = vector.extract %slice3A_1572[0] : f32 from vector<1xf32>
        %get3A_1574 = arith.index_cast %add3A_1571 : i32 to index
        %get3A_1575 = arith.constant 0 : index
        %get3A_1576 = tpu.vector_load %arg11[%get3A_1574, %get3A_1575] {strides = array<i32>} : memref<64x128xf32, #tpu.memory_space<vmem>>, vector<1x16xf32>,
        %get3A_1577 = vector.shape_cast %get3A_1576 : vector<1x16xf32> to vector<16xf32>
        %mul3A_1578 = vector.broadcast %squeeze3A_1573 : f32 to vector<16xf32>
        %mul3A_1579 = arith.mulf %get3A_1577, %mul3A_1578 : vector<16xf32>
        %swap3A_1580 = arith.index_cast %add3A_1571 : i32 to index
        %swap3A_1581 = arith.constant 0 : index
        %swap3A_1582 = tpu.vector_load %arg11[%swap3A_1580, %swap3A_1581] {strides = array<i32>} : memref<64x128xf32, #tpu.memory_space<vmem>>, vector<1x16xf32>,
        %swap3A_1583 = vector.shape_cast %swap3A_1582 : vector<1x16xf32> to vector<16xf32>
        %swap3A_1584 = vector.shape_cast %mul3A_1579 : vector<16xf32> to vector<1x16xf32>
        tpu.vector_store %arg11[%swap3A_1580, %swap3A_1581], %swap3A_1584 {strides = array<i32>} : memref<64x128xf32, #tpu.memory_space<vmem>>, vector<1x16xf32>,
        %get3A_1585 = arith.index_cast %add3A_1571 : i32 to index
        %get3A_1586 = arith.constant 16 : index
        %get3A_1587 = tpu.vector_load %arg11[%get3A_1585, %get3A_1586] {strides = array<i32>} : memref<64x128xf32, #tpu.memory_space<vmem>>, vector<1x16xf32>,
        %get3A_1588 = vector.shape_cast %get3A_1587 : vector<1x16xf32> to vector<16xf32>
        %mul3A_1589 = vector.broadcast %squeeze3A_1573 : f32 to vector<16xf32>
        %mul3A_1590 = arith.mulf %get3A_1588, %mul3A_1589 : vector<16xf32>
        %swap3A_1591 = arith.index_cast %add3A_1571 : i32 to index
        %swap3A_1592 = arith.constant 16 : index
        %swap3A_1593 = tpu.vector_load %arg11[%swap3A_1591, %swap3A_1592] {strides = array<i32>} : memref<64x128xf32, #tpu.memory_space<vmem>>, vector<1x16xf32>,
        %swap3A_1594 = vector.shape_cast %swap3A_1593 : vector<1x16xf32> to vector<16xf32>
        %swap3A_1595 = vector.shape_cast %mul3A_1590 : vector<16xf32> to vector<1x16xf32>
        tpu.vector_store %arg11[%swap3A_1591, %swap3A_1592], %swap3A_1595 {strides = array<i32>} : memref<64x128xf32, #tpu.memory_space<vmem>>, vector<1x16xf32>,
        %get3A_1596 = arith.index_cast %add3A_1571 : i32 to index
        %get3A_1597 = arith.constant 32 : index
        %get3A_1598 = tpu.vector_load %arg11[%get3A_1596, %get3A_1597] {strides = array<i32>} : memref<64x128xf32, #tpu.memory_space<vmem>>, vector<1x16xf32>,
        %get3A_1599 = vector.shape_cast %get3A_1598 : vector<1x16xf32> to vector<16xf32>
        %mul3A_1600 = vector.broadcast %squeeze3A_1573 : f32 to vector<16xf32>
        %mul3A_1601 = arith.mulf %get3A_1599, %mul3A_1600 : vector<16xf32>
        %swap3A_1602 = arith.index_cast %add3A_1571 : i32 to index
        %swap3A_1603 = arith.constant 32 : index
        %swap3A_1604 = tpu.vector_load %arg11[%swap3A_1602, %swap3A_1603] {strides = array<i32>} : memref<64x128xf32, #tpu.memory_space<vmem>>, vector<1x16xf32>,
        %swap3A_1605 = vector.shape_cast %swap3A_1604 : vector<1x16xf32> to vector<16xf32>
        %swap3A_1606 = vector.shape_cast %mul3A_1601 : vector<16xf32> to vector<1x16xf32>
        tpu.vector_store %arg11[%swap3A_1602, %swap3A_1603], %swap3A_1606 {strides = array<i32>} : memref<64x128xf32, #tpu.memory_space<vmem>>, vector<1x16xf32>,
        %get3A_1607 = arith.index_cast %add3A_1571 : i32 to index
        %get3A_1608 = arith.constant 48 : index
        %get3A_1609 = tpu.vector_load %arg11[%get3A_1607, %get3A_1608] {strides = array<i32>} : memref<64x128xf32, #tpu.memory_space<vmem>>, vector<1x16xf32>,
        %get3A_1610 = vector.shape_cast %get3A_1609 : vector<1x16xf32> to vector<16xf32>
        %mul3A_1611 = vector.broadcast %squeeze3A_1573 : f32 to vector<16xf32>
        %mul3A_1612 = arith.mulf %get3A_1610, %mul3A_1611 : vector<16xf32>
        %swap3A_1613 = arith.index_cast %add3A_1571 : i32 to index
        %swap3A_1614 = arith.constant 48 : index
        %swap3A_1615 = tpu.vector_load %arg11[%swap3A_1613, %swap3A_1614] {strides = array<i32>} : memref<64x128xf32, #tpu.memory_space<vmem>>, vector<1x16xf32>,
        %swap3A_1616 = vector.shape_cast %swap3A_1615 : vector<1x16xf32> to vector<16xf32>
        %swap3A_1617 = vector.shape_cast %mul3A_1612 : vector<16xf32> to vector<1x16xf32>
        tpu.vector_store %arg11[%swap3A_1613, %swap3A_1614], %swap3A_1617 {strides = array<i32>} : memref<64x128xf32, #tpu.memory_space<vmem>>, vector<1x16xf32>,
        %get3A_1618 = arith.index_cast %add3A_1571 : i32 to index
        %get3A_1619 = arith.constant 64 : index
        %get3A_1620 = tpu.vector_load %arg11[%get3A_1618, %get3A_1619] {strides = array<i32>} : memref<64x128xf32, #tpu.memory_space<vmem>>, vector<1x16xf32>,
        %get3A_1621 = vector.shape_cast %get3A_1620 : vector<1x16xf32> to vector<16xf32>
        %mul3A_1622 = vector.broadcast %squeeze3A_1573 : f32 to vector<16xf32>
        %mul3A_1623 = arith.mulf %get3A_1621, %mul3A_1622 : vector<16xf32>
        %swap3A_1624 = arith.index_cast %add3A_1571 : i32 to index
        %swap3A_1625 = arith.constant 64 : index
        %swap3A_1626 = tpu.vector_load %arg11[%swap3A_1624, %swap3A_1625] {strides = array<i32>} : memref<64x128xf32, #tpu.memory_space<vmem>>, vector<1x16xf32>,
        %swap3A_1627 = vector.shape_cast %swap3A_1626 : vector<1x16xf32> to vector<16xf32>
        %swap3A_1628 = vector.shape_cast %mul3A_1623 : vector<16xf32> to vector<1x16xf32>
        tpu.vector_store %arg11[%swap3A_1624, %swap3A_1625], %swap3A_1628 {strides = array<i32>} : memref<64x128xf32, #tpu.memory_space<vmem>>, vector<1x16xf32>,
        %get3A_1629 = arith.index_cast %add3A_1571 : i32 to index
        %get3A_1630 = arith.constant 80 : index
        %get3A_1631 = tpu.vector_load %arg11[%get3A_1629, %get3A_1630] {strides = array<i32>} : memref<64x128xf32, #tpu.memory_space<vmem>>, vector<1x16xf32>,
        %get3A_1632 = vector.shape_cast %get3A_1631 : vector<1x16xf32> to vector<16xf32>
        %mul3A_1633 = vector.broadcast %squeeze3A_1573 : f32 to vector<16xf32>
        %mul3A_1634 = arith.mulf %get3A_1632, %mul3A_1633 : vector<16xf32>
        %swap3A_1635 = arith.index_cast %add3A_1571 : i32 to index
        %swap3A_1636 = arith.constant 80 : index
        %swap3A_1637 = tpu.vector_load %arg11[%swap3A_1635, %swap3A_1636] {strides = array<i32>} : memref<64x128xf32, #tpu.memory_space<vmem>>, vector<1x16xf32>,
        %swap3A_1638 = vector.shape_cast %swap3A_1637 : vector<1x16xf32> to vector<16xf32>
        %swap3A_1639 = vector.shape_cast %mul3A_1634 : vector<16xf32> to vector<1x16xf32>
        tpu.vector_store %arg11[%swap3A_1635, %swap3A_1636], %swap3A_1639 {strides = array<i32>} : memref<64x128xf32, #tpu.memory_space<vmem>>, vector<1x16xf32>,
        %get3A_1640 = arith.index_cast %add3A_1571 : i32 to index
        %get3A_1641 = arith.constant 96 : index
        %get3A_1642 = tpu.vector_load %arg11[%get3A_1640, %get3A_1641] {strides = array<i32>} : memref<64x128xf32, #tpu.memory_space<vmem>>, vector<1x16xf32>,
        %get3A_1643 = vector.shape_cast %get3A_1642 : vector<1x16xf32> to vector<16xf32>
        %mul3A_1644 = vector.broadcast %squeeze3A_1573 : f32 to vector<16xf32>
        %mul3A_1645 = arith.mulf %get3A_1643, %mul3A_1644 : vector<16xf32>
        %swap3A_1646 = arith.index_cast %add3A_1571 : i32 to index
        %swap3A_1647 = arith.constant 96 : index
        %swap3A_1648 = tpu.vector_load %arg11[%swap3A_1646, %swap3A_1647] {strides = array<i32>} : memref<64x128xf32, #tpu.memory_space<vmem>>, vector<1x16xf32>,
        %swap3A_1649 = vector.shape_cast %swap3A_1648 : vector<1x16xf32> to vector<16xf32>
        %swap3A_1650 = vector.shape_cast %mul3A_1645 : vector<16xf32> to vector<1x16xf32>
        tpu.vector_store %arg11[%swap3A_1646, %swap3A_1647], %swap3A_1650 {strides = array<i32>} : memref<64x128xf32, #tpu.memory_space<vmem>>, vector<1x16xf32>,
        %get3A_1651 = arith.index_cast %add3A_1571 : i32 to index
        %get3A_1652 = arith.constant 112 : index
        %get3A_1653 = tpu.vector_load %arg11[%get3A_1651, %get3A_1652] {strides = array<i32>} : memref<64x128xf32, #tpu.memory_space<vmem>>, vector<1x16xf32>,
        %get3A_1654 = vector.shape_cast %get3A_1653 : vector<1x16xf32> to vector<16xf32>
        %mul3A_1655 = vector.broadcast %squeeze3A_1573 : f32 to vector<16xf32>
        %mul3A_1656 = arith.mulf %get3A_1654, %mul3A_1655 : vector<16xf32>
        %swap3A_1657 = arith.index_cast %add3A_1571 : i32 to index
        %swap3A_1658 = arith.constant 112 : index
        %swap3A_1659 = tpu.vector_load %arg11[%swap3A_1657, %swap3A_1658] {strides = array<i32>} : memref<64x128xf32, #tpu.memory_space<vmem>>, vector<1x16xf32>,
        %swap3A_1660 = vector.shape_cast %swap3A_1659 : vector<1x16xf32> to vector<16xf32>
        %swap3A_1661 = vector.shape_cast %mul3A_1656 : vector<16xf32> to vector<1x16xf32>
        tpu.vector_store %arg11[%swap3A_1657, %swap3A_1658], %swap3A_1661 {strides = array<i32>} : memref<64x128xf32, #tpu.memory_space<vmem>>, vector<1x16xf32>,
        %scan3A_1662 = arith.constant 0 : i32
        scf.yield %scan3A_1662 : i32
      }
      %scan3A_100 = arith.constant 4 : i32
      %dma_wait3A_101 = arith.constant 0 : i32
      %dma_wait3A_102 = tpu.memref_slice %arg4[%add3A, %add3A_84, %dma_wait3A_101] : memref<32x158x64xi32, #tpu.memory_space<hbm>> -> memref<1x1x64xi32, #tpu.memory_space<hbm>>
      %dma_wait3A_103 = tpu.memref_squeeze %dma_wait3A_102 : memref<1x1x64xi32, #tpu.memory_space<hbm>> -> memref<64xi32, #tpu.memory_space<hbm>>
      %dma_wait3A_104 = arith.constant 0 : i32
      %dma_wait3A_105 = tpu.memref_slice %arg4[%add3A, %add3A_84, %dma_wait3A_104] : memref<32x158x64xi32, #tpu.memory_space<hbm>> -> memref<1x1x64xi32, #tpu.memory_space<hbm>>
      %dma_wait3A_106 = tpu.memref_squeeze %dma_wait3A_105 : memref<1x1x64xi32, #tpu.memory_space<hbm>> -> memref<64xi32, #tpu.memory_space<hbm>>
      tpu.wait_dma2 semaphore(%arg14 : memref<!tpu.dma_semaphore, #tpu.memory_space<semaphore_mem>>) src(%dma_wait3A_106 : memref<64xi32, #tpu.memory_space<hbm>>) dst(%arg9 : memref<64xi32, #tpu.memory_space<vmem>>)
      "tpu.region"() ({
        %run_scoped3A = tpu.sem_alloc : memref<!tpu.dma_semaphore, #tpu.memory_space<semaphore_mem>>
        %dma_start3A_152 = arith.constant 0 : i32
        %dma_start3A_153 = arith.constant 0 : i32
        %dma_start3A_154 = tpu.memref_slice %arg13[%dma_start3A_152, %dma_start3A_153] : memref<10240x128xf32, #tpu.memory_space<vmem_shared>> -> memref<10240x128xf32, #tpu.memory_space<vmem_shared>>
        tpu.enqueue_indirect_dma source(%arg11 : memref<64x128xf32, #tpu.memory_space<vmem>>) target(%dma_start3A_154 : memref<10240x128xf32, #tpu.memory_space<vmem_shared>>) offsets(%arg9 : memref<64xi32, #tpu.memory_space<vmem>>) semaphore(%run_scoped3A : memref<!tpu.dma_semaphore, #tpu.memory_space<semaphore_mem>>) {add = true}
        %dma_wait3A_155 = arith.constant 0 : i32
        %dma_wait3A_156 = arith.constant 0 : i32
        %dma_wait3A_157 = tpu.memref_slice %arg13[%dma_wait3A_155, %dma_wait3A_156] : memref<10240x128xf32, #tpu.memory_space<vmem_shared>> -> memref<10240x128xf32, #tpu.memory_space<vmem_shared>>
        tpu.wait_indirect_dma semaphore(%run_scoped3A : memref<!tpu.dma_semaphore, #tpu.memory_space<semaphore_mem>>) src(%arg11 : memref<64x128xf32, #tpu.memory_space<vmem>>) dst(%dma_wait3A_157 : memref<10240x128xf32, #tpu.memory_space<vmem_shared>>)
        tpu.yield
      }) : () -> ()
      %add3A_107 = arith.constant 2 : i32
      %add3A_108 = arith.addi %add3A_84, %add3A_107 : i32
      %lt3A_109 = arith.constant 158 : i32
      %lt3A_110 = arith.cmpi slt, %add3A_108, %lt3A_109 : i32
      %convert_element_type3A_111 = arith.extui %lt3A_110 : i1 to i32
      %cond3A_112 = arith.constant 0 : i32
      %cond3A_113 = arith.cmpi ne, %convert_element_type3A_111, %cond3A_112 : i32
      scf.if %cond3A_113 {
        %add3A_152 = arith.constant 2 : i32
        %add3A_153 = arith.addi %add3A_84, %add3A_152 : i32
        %dma_start3A_154 = arith.constant 0 : i32
        %dma_start3A_155 = tpu.memref_slice %arg4[%add3A, %add3A_153, %dma_start3A_154] : memref<32x158x64xi32, #tpu.memory_space<hbm>> -> memref<1x1x64xi32, #tpu.memory_space<hbm>>
        %dma_start3A_156 = tpu.memref_squeeze %dma_start3A_155 : memref<1x1x64xi32, #tpu.memory_space<hbm>> -> memref<64xi32, #tpu.memory_space<hbm>>
        %dma_start3A_157 = arith.constant 0 : i32
        %dma_start3A_158 = tpu.memref_slice %arg4[%add3A, %add3A_153, %dma_start3A_157] : memref<32x158x64xi32, #tpu.memory_space<hbm>> -> memref<1x1x64xi32, #tpu.memory_space<hbm>>
        %dma_start3A_159 = tpu.memref_squeeze %dma_start3A_158 : memref<1x1x64xi32, #tpu.memory_space<hbm>> -> memref<64xi32, #tpu.memory_space<hbm>>
        tpu.enqueue_dma source(%dma_start3A_159 : memref<64xi32, #tpu.memory_space<hbm>>) target(%arg9 : memref<64xi32, #tpu.memory_space<vmem>>) target_semaphore(%arg14 : memref<!tpu.dma_semaphore, #tpu.memory_space<semaphore_mem>>)
      } else {
      }
      %mul3A_114 = arith.constant 2 : i32
      %mul3A_115 = arith.muli %scan3A_79, %mul3A_114 : i32
      %add3A_116 = arith.constant 1 : i32
      %add3A_117 = arith.addi %mul3A_115, %add3A_116 : i32
      %add3A_118 = arith.constant 1 : i32
      %add3A_119 = arith.addi %add3A_117, %add3A_118 : i32
      %lt3A_120 = arith.constant 158 : i32
      %lt3A_121 = arith.cmpi slt, %add3A_119, %lt3A_120 : i32
      %convert_element_type3A_122 = arith.extui %lt3A_121 : i1 to i32
      %cond3A_123 = arith.constant 0 : i32
      %cond3A_124 = arith.cmpi ne, %convert_element_type3A_122, %cond3A_123 : i32
      scf.if %cond3A_124 {
        %add3A_152 = arith.constant 1 : i32
        %add3A_153 = arith.addi %scan3A_79, %add3A_152 : i32
        %dma_start3A_154 = arith.constant 0 : i32
        %dma_start3A_155 = tpu.memref_slice %arg7[%add3A_153, %dma_start3A_154] : memref<79x128xi32, #tpu.memory_space<vmem>> -> memref<1x64xi32, #tpu.memory_space<vmem>>
        %dma_start3A_156 = tpu.memref_squeeze %dma_start3A_155 : memref<1x64xi32, #tpu.memory_space<vmem>> -> memref<64xi32, #tpu.memory_space<vmem>>
        %dma_start3A_157 = arith.constant 0 : i32
        %dma_start3A_158 = arith.constant 0 : i32
        %dma_start3A_159 = tpu.memref_slice %arg2[%dma_start3A_157, %dma_start3A_158] : memref<80000x128xf32, #tpu.memory_space<hbm>> -> memref<80000x128xf32, #tpu.memory_space<hbm>>
        tpu.enqueue_indirect_dma source(%dma_start3A_159 : memref<80000x128xf32, #tpu.memory_space<hbm>>) target(%arg11 : memref<64x128xf32, #tpu.memory_space<vmem>>) offsets(%dma_start3A_156 : memref<64xi32, #tpu.memory_space<vmem>>) semaphore(%arg16 : memref<!tpu.dma_semaphore, #tpu.memory_space<semaphore_mem>>)
      } else {
      }
      %dma_wait3A_125 = arith.constant 64 : i32
      %dma_wait3A_126 = tpu.memref_slice %arg7[%scan3A_79, %dma_wait3A_125] : memref<79x128xi32, #tpu.memory_space<vmem>> -> memref<1x64xi32, #tpu.memory_space<vmem>>
      %dma_wait3A_127 = tpu.memref_squeeze %dma_wait3A_126 : memref<1x64xi32, #tpu.memory_space<vmem>> -> memref<64xi32, #tpu.memory_space<vmem>>
      %dma_wait3A_128 = arith.constant 0 : i32
      %dma_wait3A_129 = arith.constant 0 : i32
      %dma_wait3A_130 = tpu.memref_slice %arg2[%dma_wait3A_128, %dma_wait3A_129] : memref<80000x128xf32, #tpu.memory_space<hbm>> -> memref<80000x128xf32, #tpu.memory_space<hbm>>
      tpu.wait_indirect_dma semaphore(%arg17 : memref<!tpu.dma_semaphore, #tpu.memory_space<semaphore_mem>>) src(%dma_wait3A_130 : memref<80000x128xf32, #tpu.memory_space<hbm>>) dst(%arg12 : memref<64x128xf32, #tpu.memory_space<vmem>>)
      %scan3A_131 = arith.constant 0 : i32
      %scan3A_132 = arith.constant 0 : i32
      %scan3A_133 = arith.constant 4 : i32
      %scan3A_134 = arith.addi %scan3A_132, %scan3A_133 : i32
      %scan3A_135 = arith.constant 1 : i32
      %scan3A_136 = scf.for %scan3A_152 = %scan3A_132 to %scan3A_134 step %scan3A_135 iter_args(%scan3A_153 = %scan3A_131) -> (i32)  : i32 {
        %mul3A_154 = arith.constant 16 : i32
        %mul3A_155 = arith.muli %scan3A_152, %mul3A_154 : i32
        %add3A_156 = arith.constant 64 : i32
        %add3A_157 = arith.addi %add3A_156, %mul3A_155 : i32
        %get3A = arith.index_cast %scan3A_79 : i32 to index
        %get3A_158 = arith.index_cast %add3A_157 : i32 to index
        %get3A_159 = tpu.vector_load %arg8[%get3A, %get3A_158] {strides = array<i32>} : memref<79x128xf32, #tpu.memory_space<vmem>>, vector<1x16xf32>,
        %get3A_160 = vector.shape_cast %get3A_159 : vector<1x16xf32> to vector<16xf32>
        %mul3A_161 = arith.constant 16 : i32
        %mul3A_162 = arith.muli %scan3A_152, %mul3A_161 : i32
        %add3A_163 = arith.constant 0 : i32
        %add3A_164 = arith.addi %mul3A_162, %add3A_163 : i32
        %slice3A = vector.extract_strided_slice %get3A_160 {offsets = [0], sizes = [1], strides = [1]} : vector<16xf32> to vector<1xf32>
        %squeeze3A = vector.extract %slice3A[0] : f32 from vector<1xf32>
        %get3A_165 = arith.index_cast %add3A_164 : i32 to index
        %get3A_166 = arith.constant 0 : index
        %get3A_167 = tpu.vector_load %arg12[%get3A_165, %get3A_166] {strides = array<i32>} : memref<64x128xf32, #tpu.memory_space<vmem>>, vector<1x16xf32>,
        %get3A_168 = vector.shape_cast %get3A_167 : vector<1x16xf32> to vector<16xf32>
        %mul3A_169 = vector.broadcast %squeeze3A : f32 to vector<16xf32>
        %mul3A_170 = arith.mulf %get3A_168, %mul3A_169 : vector<16xf32>
        %swap3A = arith.index_cast %add3A_164 : i32 to index
        %swap3A_171 = arith.constant 0 : index
        %swap3A_172 = tpu.vector_load %arg12[%swap3A, %swap3A_171] {strides = array<i32>} : memref<64x128xf32, #tpu.memory_space<vmem>>, vector<1x16xf32>,
        %swap3A_173 = vector.shape_cast %swap3A_172 : vector<1x16xf32> to vector<16xf32>
        %swap3A_174 = vector.shape_cast %mul3A_170 : vector<16xf32> to vector<1x16xf32>
        tpu.vector_store %arg12[%swap3A, %swap3A_171], %swap3A_174 {strides = array<i32>} : memref<64x128xf32, #tpu.memory_space<vmem>>, vector<1x16xf32>,
        %get3A_175 = arith.index_cast %add3A_164 : i32 to index
        %get3A_176 = arith.constant 16 : index
        %get3A_177 = tpu.vector_load %arg12[%get3A_175, %get3A_176] {strides = array<i32>} : memref<64x128xf32, #tpu.memory_space<vmem>>, vector<1x16xf32>,
        %get3A_178 = vector.shape_cast %get3A_177 : vector<1x16xf32> to vector<16xf32>
        %mul3A_179 = vector.broadcast %squeeze3A : f32 to vector<16xf32>
        %mul3A_180 = arith.mulf %get3A_178, %mul3A_179 : vector<16xf32>
        %swap3A_181 = arith.index_cast %add3A_164 : i32 to index
        %swap3A_182 = arith.constant 16 : index
        %swap3A_183 = tpu.vector_load %arg12[%swap3A_181, %swap3A_182] {strides = array<i32>} : memref<64x128xf32, #tpu.memory_space<vmem>>, vector<1x16xf32>,
        %swap3A_184 = vector.shape_cast %swap3A_183 : vector<1x16xf32> to vector<16xf32>
        %swap3A_185 = vector.shape_cast %mul3A_180 : vector<16xf32> to vector<1x16xf32>
        tpu.vector_store %arg12[%swap3A_181, %swap3A_182], %swap3A_185 {strides = array<i32>} : memref<64x128xf32, #tpu.memory_space<vmem>>, vector<1x16xf32>,
        %get3A_186 = arith.index_cast %add3A_164 : i32 to index
        %get3A_187 = arith.constant 32 : index
        %get3A_188 = tpu.vector_load %arg12[%get3A_186, %get3A_187] {strides = array<i32>} : memref<64x128xf32, #tpu.memory_space<vmem>>, vector<1x16xf32>,
        %get3A_189 = vector.shape_cast %get3A_188 : vector<1x16xf32> to vector<16xf32>
        %mul3A_190 = vector.broadcast %squeeze3A : f32 to vector<16xf32>
        %mul3A_191 = arith.mulf %get3A_189, %mul3A_190 : vector<16xf32>
        %swap3A_192 = arith.index_cast %add3A_164 : i32 to index
        %swap3A_193 = arith.constant 32 : index
        %swap3A_194 = tpu.vector_load %arg12[%swap3A_192, %swap3A_193] {strides = array<i32>} : memref<64x128xf32, #tpu.memory_space<vmem>>, vector<1x16xf32>,
        %swap3A_195 = vector.shape_cast %swap3A_194 : vector<1x16xf32> to vector<16xf32>
        %swap3A_196 = vector.shape_cast %mul3A_191 : vector<16xf32> to vector<1x16xf32>
        tpu.vector_store %arg12[%swap3A_192, %swap3A_193], %swap3A_196 {strides = array<i32>} : memref<64x128xf32, #tpu.memory_space<vmem>>, vector<1x16xf32>,
        %get3A_197 = arith.index_cast %add3A_164 : i32 to index
        %get3A_198 = arith.constant 48 : index
        %get3A_199 = tpu.vector_load %arg12[%get3A_197, %get3A_198] {strides = array<i32>} : memref<64x128xf32, #tpu.memory_space<vmem>>, vector<1x16xf32>,
        %get3A_200 = vector.shape_cast %get3A_199 : vector<1x16xf32> to vector<16xf32>
        %mul3A_201 = vector.broadcast %squeeze3A : f32 to vector<16xf32>
        %mul3A_202 = arith.mulf %get3A_200, %mul3A_201 : vector<16xf32>
        %swap3A_203 = arith.index_cast %add3A_164 : i32 to index
        %swap3A_204 = arith.constant 48 : index
        %swap3A_205 = tpu.vector_load %arg12[%swap3A_203, %swap3A_204] {strides = array<i32>} : memref<64x128xf32, #tpu.memory_space<vmem>>, vector<1x16xf32>,
        %swap3A_206 = vector.shape_cast %swap3A_205 : vector<1x16xf32> to vector<16xf32>
        %swap3A_207 = vector.shape_cast %mul3A_202 : vector<16xf32> to vector<1x16xf32>
        tpu.vector_store %arg12[%swap3A_203, %swap3A_204], %swap3A_207 {strides = array<i32>} : memref<64x128xf32, #tpu.memory_space<vmem>>, vector<1x16xf32>,
        %get3A_208 = arith.index_cast %add3A_164 : i32 to index
        %get3A_209 = arith.constant 64 : index
        %get3A_210 = tpu.vector_load %arg12[%get3A_208, %get3A_209] {strides = array<i32>} : memref<64x128xf32, #tpu.memory_space<vmem>>, vector<1x16xf32>,
        %get3A_211 = vector.shape_cast %get3A_210 : vector<1x16xf32> to vector<16xf32>
        %mul3A_212 = vector.broadcast %squeeze3A : f32 to vector<16xf32>
        %mul3A_213 = arith.mulf %get3A_211, %mul3A_212 : vector<16xf32>
        %swap3A_214 = arith.index_cast %add3A_164 : i32 to index
        %swap3A_215 = arith.constant 64 : index
        %swap3A_216 = tpu.vector_load %arg12[%swap3A_214, %swap3A_215] {strides = array<i32>} : memref<64x128xf32, #tpu.memory_space<vmem>>, vector<1x16xf32>,
        %swap3A_217 = vector.shape_cast %swap3A_216 : vector<1x16xf32> to vector<16xf32>
        %swap3A_218 = vector.shape_cast %mul3A_213 : vector<16xf32> to vector<1x16xf32>
        tpu.vector_store %arg12[%swap3A_214, %swap3A_215], %swap3A_218 {strides = array<i32>} : memref<64x128xf32, #tpu.memory_space<vmem>>, vector<1x16xf32>,
        %get3A_219 = arith.index_cast %add3A_164 : i32 to index
        %get3A_220 = arith.constant 80 : index
        %get3A_221 = tpu.vector_load %arg12[%get3A_219, %get3A_220] {strides = array<i32>} : memref<64x128xf32, #tpu.memory_space<vmem>>, vector<1x16xf32>,
        %get3A_222 = vector.shape_cast %get3A_221 : vector<1x16xf32> to vector<16xf32>
        %mul3A_223 = vector.broadcast %squeeze3A : f32 to vector<16xf32>
        %mul3A_224 = arith.mulf %get3A_222, %mul3A_223 : vector<16xf32>
        %swap3A_225 = arith.index_cast %add3A_164 : i32 to index
        %swap3A_226 = arith.constant 80 : index
        %swap3A_227 = tpu.vector_load %arg12[%swap3A_225, %swap3A_226] {strides = array<i32>} : memref<64x128xf32, #tpu.memory_space<vmem>>, vector<1x16xf32>,
        %swap3A_228 = vector.shape_cast %swap3A_227 : vector<1x16xf32> to vector<16xf32>
        %swap3A_229 = vector.shape_cast %mul3A_224 : vector<16xf32> to vector<1x16xf32>
        tpu.vector_store %arg12[%swap3A_225, %swap3A_226], %swap3A_229 {strides = array<i32>} : memref<64x128xf32, #tpu.memory_space<vmem>>, vector<1x16xf32>,
        %get3A_230 = arith.index_cast %add3A_164 : i32 to index
        %get3A_231 = arith.constant 96 : index
        %get3A_232 = tpu.vector_load %arg12[%get3A_230, %get3A_231] {strides = array<i32>} : memref<64x128xf32, #tpu.memory_space<vmem>>, vector<1x16xf32>,
        %get3A_233 = vector.shape_cast %get3A_232 : vector<1x16xf32> to vector<16xf32>
        %mul3A_234 = vector.broadcast %squeeze3A : f32 to vector<16xf32>
        %mul3A_235 = arith.mulf %get3A_233, %mul3A_234 : vector<16xf32>
        %swap3A_236 = arith.index_cast %add3A_164 : i32 to index
        %swap3A_237 = arith.constant 96 : index
        %swap3A_238 = tpu.vector_load %arg12[%swap3A_236, %swap3A_237] {strides = array<i32>} : memref<64x128xf32, #tpu.memory_space<vmem>>, vector<1x16xf32>,
        %swap3A_239 = vector.shape_cast %swap3A_238 : vector<1x16xf32> to vector<16xf32>
        %swap3A_240 = vector.shape_cast %mul3A_235 : vector<16xf32> to vector<1x16xf32>
        tpu.vector_store %arg12[%swap3A_236, %swap3A_237], %swap3A_240 {strides = array<i32>} : memref<64x128xf32, #tpu.memory_space<vmem>>, vector<1x16xf32>,
        %get3A_241 = arith.index_cast %add3A_164 : i32 to index
        %get3A_242 = arith.constant 112 : index
        %get3A_243 = tpu.vector_load %arg12[%get3A_241, %get3A_242] {strides = array<i32>} : memref<64x128xf32, #tpu.memory_space<vmem>>, vector<1x16xf32>,
        %get3A_244 = vector.shape_cast %get3A_243 : vector<1x16xf32> to vector<16xf32>
        %mul3A_245 = vector.broadcast %squeeze3A : f32 to vector<16xf32>
        %mul3A_246 = arith.mulf %get3A_244, %mul3A_245 : vector<16xf32>
        %swap3A_247 = arith.index_cast %add3A_164 : i32 to index
        %swap3A_248 = arith.constant 112 : index
        %swap3A_249 = tpu.vector_load %arg12[%swap3A_247, %swap3A_248] {strides = array<i32>} : memref<64x128xf32, #tpu.memory_space<vmem>>, vector<1x16xf32>,
        %swap3A_250 = vector.shape_cast %swap3A_249 : vector<1x16xf32> to vector<16xf32>
        %swap3A_251 = vector.shape_cast %mul3A_246 : vector<16xf32> to vector<1x16xf32>
        tpu.vector_store %arg12[%swap3A_247, %swap3A_248], %swap3A_251 {strides = array<i32>} : memref<64x128xf32, #tpu.memory_space<vmem>>, vector<1x16xf32>,
        %mul3A_252 = arith.constant 16 : i32
        %mul3A_253 = arith.muli %scan3A_152, %mul3A_252 : i32
        %add3A_254 = arith.constant 1 : i32
        %add3A_255 = arith.addi %mul3A_253, %add3A_254 : i32
        %slice3A_256 = vector.extract_strided_slice %get3A_160 {offsets = [1], sizes = [1], strides = [1]} : vector<16xf32> to vector<1xf32>
        %squeeze3A_257 = vector.extract %slice3A_256[0] : f32 from vector<1xf32>
        %get3A_258 = arith.index_cast %add3A_255 : i32 to index
        %get3A_259 = arith.constant 0 : index
        %get3A_260 = tpu.vector_load %arg12[%get3A_258, %get3A_259] {strides = array<i32>} : memref<64x128xf32, #tpu.memory_space<vmem>>, vector<1x16xf32>,
        %get3A_261 = vector.shape_cast %get3A_260 : vector<1x16xf32> to vector<16xf32>
        %mul3A_262 = vector.broadcast %squeeze3A_257 : f32 to vector<16xf32>
        %mul3A_263 = arith.mulf %get3A_261, %mul3A_262 : vector<16xf32>
        %swap3A_264 = arith.index_cast %add3A_255 : i32 to index
        %swap3A_265 = arith.constant 0 : index
        %swap3A_266 = tpu.vector_load %arg12[%swap3A_264, %swap3A_265] {strides = array<i32>} : memref<64x128xf32, #tpu.memory_space<vmem>>, vector<1x16xf32>,
        %swap3A_267 = vector.shape_cast %swap3A_266 : vector<1x16xf32> to vector<16xf32>
        %swap3A_268 = vector.shape_cast %mul3A_263 : vector<16xf32> to vector<1x16xf32>
        tpu.vector_store %arg12[%swap3A_264, %swap3A_265], %swap3A_268 {strides = array<i32>} : memref<64x128xf32, #tpu.memory_space<vmem>>, vector<1x16xf32>,
        %get3A_269 = arith.index_cast %add3A_255 : i32 to index
        %get3A_270 = arith.constant 16 : index
        %get3A_271 = tpu.vector_load %arg12[%get3A_269, %get3A_270] {strides = array<i32>} : memref<64x128xf32, #tpu.memory_space<vmem>>, vector<1x16xf32>,
        %get3A_272 = vector.shape_cast %get3A_271 : vector<1x16xf32> to vector<16xf32>
        %mul3A_273 = vector.broadcast %squeeze3A_257 : f32 to vector<16xf32>
        %mul3A_274 = arith.mulf %get3A_272, %mul3A_273 : vector<16xf32>
        %swap3A_275 = arith.index_cast %add3A_255 : i32 to index
        %swap3A_276 = arith.constant 16 : index
        %swap3A_277 = tpu.vector_load %arg12[%swap3A_275, %swap3A_276] {strides = array<i32>} : memref<64x128xf32, #tpu.memory_space<vmem>>, vector<1x16xf32>,
        %swap3A_278 = vector.shape_cast %swap3A_277 : vector<1x16xf32> to vector<16xf32>
        %swap3A_279 = vector.shape_cast %mul3A_274 : vector<16xf32> to vector<1x16xf32>
        tpu.vector_store %arg12[%swap3A_275, %swap3A_276], %swap3A_279 {strides = array<i32>} : memref<64x128xf32, #tpu.memory_space<vmem>>, vector<1x16xf32>,
        %get3A_280 = arith.index_cast %add3A_255 : i32 to index
        %get3A_281 = arith.constant 32 : index
        %get3A_282 = tpu.vector_load %arg12[%get3A_280, %get3A_281] {strides = array<i32>} : memref<64x128xf32, #tpu.memory_space<vmem>>, vector<1x16xf32>,
        %get3A_283 = vector.shape_cast %get3A_282 : vector<1x16xf32> to vector<16xf32>
        %mul3A_284 = vector.broadcast %squeeze3A_257 : f32 to vector<16xf32>
        %mul3A_285 = arith.mulf %get3A_283, %mul3A_284 : vector<16xf32>
        %swap3A_286 = arith.index_cast %add3A_255 : i32 to index
        %swap3A_287 = arith.constant 32 : index
        %swap3A_288 = tpu.vector_load %arg12[%swap3A_286, %swap3A_287] {strides = array<i32>} : memref<64x128xf32, #tpu.memory_space<vmem>>, vector<1x16xf32>,
        %swap3A_289 = vector.shape_cast %swap3A_288 : vector<1x16xf32> to vector<16xf32>
        %swap3A_290 = vector.shape_cast %mul3A_285 : vector<16xf32> to vector<1x16xf32>
        tpu.vector_store %arg12[%swap3A_286, %swap3A_287], %swap3A_290 {strides = array<i32>} : memref<64x128xf32, #tpu.memory_space<vmem>>, vector<1x16xf32>,
        %get3A_291 = arith.index_cast %add3A_255 : i32 to index
        %get3A_292 = arith.constant 48 : index
        %get3A_293 = tpu.vector_load %arg12[%get3A_291, %get3A_292] {strides = array<i32>} : memref<64x128xf32, #tpu.memory_space<vmem>>, vector<1x16xf32>,
        %get3A_294 = vector.shape_cast %get3A_293 : vector<1x16xf32> to vector<16xf32>
        %mul3A_295 = vector.broadcast %squeeze3A_257 : f32 to vector<16xf32>
        %mul3A_296 = arith.mulf %get3A_294, %mul3A_295 : vector<16xf32>
        %swap3A_297 = arith.index_cast %add3A_255 : i32 to index
        %swap3A_298 = arith.constant 48 : index
        %swap3A_299 = tpu.vector_load %arg12[%swap3A_297, %swap3A_298] {strides = array<i32>} : memref<64x128xf32, #tpu.memory_space<vmem>>, vector<1x16xf32>,
        %swap3A_300 = vector.shape_cast %swap3A_299 : vector<1x16xf32> to vector<16xf32>
        %swap3A_301 = vector.shape_cast %mul3A_296 : vector<16xf32> to vector<1x16xf32>
        tpu.vector_store %arg12[%swap3A_297, %swap3A_298], %swap3A_301 {strides = array<i32>} : memref<64x128xf32, #tpu.memory_space<vmem>>, vector<1x16xf32>,
        %get3A_302 = arith.index_cast %add3A_255 : i32 to index
        %get3A_303 = arith.constant 64 : index
        %get3A_304 = tpu.vector_load %arg12[%get3A_302, %get3A_303] {strides = array<i32>} : memref<64x128xf32, #tpu.memory_space<vmem>>, vector<1x16xf32>,
        %get3A_305 = vector.shape_cast %get3A_304 : vector<1x16xf32> to vector<16xf32>
        %mul3A_306 = vector.broadcast %squeeze3A_257 : f32 to vector<16xf32>
        %mul3A_307 = arith.mulf %get3A_305, %mul3A_306 : vector<16xf32>
        %swap3A_308 = arith.index_cast %add3A_255 : i32 to index
        %swap3A_309 = arith.constant 64 : index
        %swap3A_310 = tpu.vector_load %arg12[%swap3A_308, %swap3A_309] {strides = array<i32>} : memref<64x128xf32, #tpu.memory_space<vmem>>, vector<1x16xf32>,
        %swap3A_311 = vector.shape_cast %swap3A_310 : vector<1x16xf32> to vector<16xf32>
        %swap3A_312 = vector.shape_cast %mul3A_307 : vector<16xf32> to vector<1x16xf32>
        tpu.vector_store %arg12[%swap3A_308, %swap3A_309], %swap3A_312 {strides = array<i32>} : memref<64x128xf32, #tpu.memory_space<vmem>>, vector<1x16xf32>,
        %get3A_313 = arith.index_cast %add3A_255 : i32 to index
        %get3A_314 = arith.constant 80 : index
        %get3A_315 = tpu.vector_load %arg12[%get3A_313, %get3A_314] {strides = array<i32>} : memref<64x128xf32, #tpu.memory_space<vmem>>, vector<1x16xf32>,
        %get3A_316 = vector.shape_cast %get3A_315 : vector<1x16xf32> to vector<16xf32>
        %mul3A_317 = vector.broadcast %squeeze3A_257 : f32 to vector<16xf32>
        %mul3A_318 = arith.mulf %get3A_316, %mul3A_317 : vector<16xf32>
        %swap3A_319 = arith.index_cast %add3A_255 : i32 to index
        %swap3A_320 = arith.constant 80 : index
        %swap3A_321 = tpu.vector_load %arg12[%swap3A_319, %swap3A_320] {strides = array<i32>} : memref<64x128xf32, #tpu.memory_space<vmem>>, vector<1x16xf32>,
        %swap3A_322 = vector.shape_cast %swap3A_321 : vector<1x16xf32> to vector<16xf32>
        %swap3A_323 = vector.shape_cast %mul3A_318 : vector<16xf32> to vector<1x16xf32>
        tpu.vector_store %arg12[%swap3A_319, %swap3A_320], %swap3A_323 {strides = array<i32>} : memref<64x128xf32, #tpu.memory_space<vmem>>, vector<1x16xf32>,
        %get3A_324 = arith.index_cast %add3A_255 : i32 to index
        %get3A_325 = arith.constant 96 : index
        %get3A_326 = tpu.vector_load %arg12[%get3A_324, %get3A_325] {strides = array<i32>} : memref<64x128xf32, #tpu.memory_space<vmem>>, vector<1x16xf32>,
        %get3A_327 = vector.shape_cast %get3A_326 : vector<1x16xf32> to vector<16xf32>
        %mul3A_328 = vector.broadcast %squeeze3A_257 : f32 to vector<16xf32>
        %mul3A_329 = arith.mulf %get3A_327, %mul3A_328 : vector<16xf32>
        %swap3A_330 = arith.index_cast %add3A_255 : i32 to index
        %swap3A_331 = arith.constant 96 : index
        %swap3A_332 = tpu.vector_load %arg12[%swap3A_330, %swap3A_331] {strides = array<i32>} : memref<64x128xf32, #tpu.memory_space<vmem>>, vector<1x16xf32>,
        %swap3A_333 = vector.shape_cast %swap3A_332 : vector<1x16xf32> to vector<16xf32>
        %swap3A_334 = vector.shape_cast %mul3A_329 : vector<16xf32> to vector<1x16xf32>
        tpu.vector_store %arg12[%swap3A_330, %swap3A_331], %swap3A_334 {strides = array<i32>} : memref<64x128xf32, #tpu.memory_space<vmem>>, vector<1x16xf32>,
        %get3A_335 = arith.index_cast %add3A_255 : i32 to index
        %get3A_336 = arith.constant 112 : index
        %get3A_337 = tpu.vector_load %arg12[%get3A_335, %get3A_336] {strides = array<i32>} : memref<64x128xf32, #tpu.memory_space<vmem>>, vector<1x16xf32>,
        %get3A_338 = vector.shape_cast %get3A_337 : vector<1x16xf32> to vector<16xf32>
        %mul3A_339 = vector.broadcast %squeeze3A_257 : f32 to vector<16xf32>
        %mul3A_340 = arith.mulf %get3A_338, %mul3A_339 : vector<16xf32>
        %swap3A_341 = arith.index_cast %add3A_255 : i32 to index
        %swap3A_342 = arith.constant 112 : index
        %swap3A_343 = tpu.vector_load %arg12[%swap3A_341, %swap3A_342] {strides = array<i32>} : memref<64x128xf32, #tpu.memory_space<vmem>>, vector<1x16xf32>,
        %swap3A_344 = vector.shape_cast %swap3A_343 : vector<1x16xf32> to vector<16xf32>
        %swap3A_345 = vector.shape_cast %mul3A_340 : vector<16xf32> to vector<1x16xf32>
        tpu.vector_store %arg12[%swap3A_341, %swap3A_342], %swap3A_345 {strides = array<i32>} : memref<64x128xf32, #tpu.memory_space<vmem>>, vector<1x16xf32>,
        %mul3A_346 = arith.constant 16 : i32
        %mul3A_347 = arith.muli %scan3A_152, %mul3A_346 : i32
        %add3A_348 = arith.constant 2 : i32
        %add3A_349 = arith.addi %mul3A_347, %add3A_348 : i32
        %slice3A_350 = vector.extract_strided_slice %get3A_160 {offsets = [2], sizes = [1], strides = [1]} : vector<16xf32> to vector<1xf32>
        %squeeze3A_351 = vector.extract %slice3A_350[0] : f32 from vector<1xf32>
        %get3A_352 = arith.index_cast %add3A_349 : i32 to index
        %get3A_353 = arith.constant 0 : index
        %get3A_354 = tpu.vector_load %arg12[%get3A_352, %get3A_353] {strides = array<i32>} : memref<64x128xf32, #tpu.memory_space<vmem>>, vector<1x16xf32>,
        %get3A_355 = vector.shape_cast %get3A_354 : vector<1x16xf32> to vector<16xf32>
        %mul3A_356 = vector.broadcast %squeeze3A_351 : f32 to vector<16xf32>
        %mul3A_357 = arith.mulf %get3A_355, %mul3A_356 : vector<16xf32>
        %swap3A_358 = arith.index_cast %add3A_349 : i32 to index
        %swap3A_359 = arith.constant 0 : index
        %swap3A_360 = tpu.vector_load %arg12[%swap3A_358, %swap3A_359] {strides = array<i32>} : memref<64x128xf32, #tpu.memory_space<vmem>>, vector<1x16xf32>,
        %swap3A_361 = vector.shape_cast %swap3A_360 : vector<1x16xf32> to vector<16xf32>
        %swap3A_362 = vector.shape_cast %mul3A_357 : vector<16xf32> to vector<1x16xf32>
        tpu.vector_store %arg12[%swap3A_358, %swap3A_359], %swap3A_362 {strides = array<i32>} : memref<64x128xf32, #tpu.memory_space<vmem>>, vector<1x16xf32>,
        %get3A_363 = arith.index_cast %add3A_349 : i32 to index
        %get3A_364 = arith.constant 16 : index
        %get3A_365 = tpu.vector_load %arg12[%get3A_363, %get3A_364] {strides = array<i32>} : memref<64x128xf32, #tpu.memory_space<vmem>>, vector<1x16xf32>,
        %get3A_366 = vector.shape_cast %get3A_365 : vector<1x16xf32> to vector<16xf32>
        %mul3A_367 = vector.broadcast %squeeze3A_351 : f32 to vector<16xf32>
        %mul3A_368 = arith.mulf %get3A_366, %mul3A_367 : vector<16xf32>
        %swap3A_369 = arith.index_cast %add3A_349 : i32 to index
        %swap3A_370 = arith.constant 16 : index
        %swap3A_371 = tpu.vector_load %arg12[%swap3A_369, %swap3A_370] {strides = array<i32>} : memref<64x128xf32, #tpu.memory_space<vmem>>, vector<1x16xf32>,
        %swap3A_372 = vector.shape_cast %swap3A_371 : vector<1x16xf32> to vector<16xf32>
        %swap3A_373 = vector.shape_cast %mul3A_368 : vector<16xf32> to vector<1x16xf32>
        tpu.vector_store %arg12[%swap3A_369, %swap3A_370], %swap3A_373 {strides = array<i32>} : memref<64x128xf32, #tpu.memory_space<vmem>>, vector<1x16xf32>,
        %get3A_374 = arith.index_cast %add3A_349 : i32 to index
        %get3A_375 = arith.constant 32 : index
        %get3A_376 = tpu.vector_load %arg12[%get3A_374, %get3A_375] {strides = array<i32>} : memref<64x128xf32, #tpu.memory_space<vmem>>, vector<1x16xf32>,
        %get3A_377 = vector.shape_cast %get3A_376 : vector<1x16xf32> to vector<16xf32>
        %mul3A_378 = vector.broadcast %squeeze3A_351 : f32 to vector<16xf32>
        %mul3A_379 = arith.mulf %get3A_377, %mul3A_378 : vector<16xf32>
        %swap3A_380 = arith.index_cast %add3A_349 : i32 to index
        %swap3A_381 = arith.constant 32 : index
        %swap3A_382 = tpu.vector_load %arg12[%swap3A_380, %swap3A_381] {strides = array<i32>} : memref<64x128xf32, #tpu.memory_space<vmem>>, vector<1x16xf32>,
        %swap3A_383 = vector.shape_cast %swap3A_382 : vector<1x16xf32> to vector<16xf32>
        %swap3A_384 = vector.shape_cast %mul3A_379 : vector<16xf32> to vector<1x16xf32>
        tpu.vector_store %arg12[%swap3A_380, %swap3A_381], %swap3A_384 {strides = array<i32>} : memref<64x128xf32, #tpu.memory_space<vmem>>, vector<1x16xf32>,
        %get3A_385 = arith.index_cast %add3A_349 : i32 to index
        %get3A_386 = arith.constant 48 : index
        %get3A_387 = tpu.vector_load %arg12[%get3A_385, %get3A_386] {strides = array<i32>} : memref<64x128xf32, #tpu.memory_space<vmem>>, vector<1x16xf32>,
        %get3A_388 = vector.shape_cast %get3A_387 : vector<1x16xf32> to vector<16xf32>
        %mul3A_389 = vector.broadcast %squeeze3A_351 : f32 to vector<16xf32>
        %mul3A_390 = arith.mulf %get3A_388, %mul3A_389 : vector<16xf32>
        %swap3A_391 = arith.index_cast %add3A_349 : i32 to index
        %swap3A_392 = arith.constant 48 : index
        %swap3A_393 = tpu.vector_load %arg12[%swap3A_391, %swap3A_392] {strides = array<i32>} : memref<64x128xf32, #tpu.memory_space<vmem>>, vector<1x16xf32>,
        %swap3A_394 = vector.shape_cast %swap3A_393 : vector<1x16xf32> to vector<16xf32>
        %swap3A_395 = vector.shape_cast %mul3A_390 : vector<16xf32> to vector<1x16xf32>
        tpu.vector_store %arg12[%swap3A_391, %swap3A_392], %swap3A_395 {strides = array<i32>} : memref<64x128xf32, #tpu.memory_space<vmem>>, vector<1x16xf32>,
        %get3A_396 = arith.index_cast %add3A_349 : i32 to index
        %get3A_397 = arith.constant 64 : index
        %get3A_398 = tpu.vector_load %arg12[%get3A_396, %get3A_397] {strides = array<i32>} : memref<64x128xf32, #tpu.memory_space<vmem>>, vector<1x16xf32>,
        %get3A_399 = vector.shape_cast %get3A_398 : vector<1x16xf32> to vector<16xf32>
        %mul3A_400 = vector.broadcast %squeeze3A_351 : f32 to vector<16xf32>
        %mul3A_401 = arith.mulf %get3A_399, %mul3A_400 : vector<16xf32>
        %swap3A_402 = arith.index_cast %add3A_349 : i32 to index
        %swap3A_403 = arith.constant 64 : index
        %swap3A_404 = tpu.vector_load %arg12[%swap3A_402, %swap3A_403] {strides = array<i32>} : memref<64x128xf32, #tpu.memory_space<vmem>>, vector<1x16xf32>,
        %swap3A_405 = vector.shape_cast %swap3A_404 : vector<1x16xf32> to vector<16xf32>
        %swap3A_406 = vector.shape_cast %mul3A_401 : vector<16xf32> to vector<1x16xf32>
        tpu.vector_store %arg12[%swap3A_402, %swap3A_403], %swap3A_406 {strides = array<i32>} : memref<64x128xf32, #tpu.memory_space<vmem>>, vector<1x16xf32>,
        %get3A_407 = arith.index_cast %add3A_349 : i32 to index
        %get3A_408 = arith.constant 80 : index
        %get3A_409 = tpu.vector_load %arg12[%get3A_407, %get3A_408] {strides = array<i32>} : memref<64x128xf32, #tpu.memory_space<vmem>>, vector<1x16xf32>,
        %get3A_410 = vector.shape_cast %get3A_409 : vector<1x16xf32> to vector<16xf32>
        %mul3A_411 = vector.broadcast %squeeze3A_351 : f32 to vector<16xf32>
        %mul3A_412 = arith.mulf %get3A_410, %mul3A_411 : vector<16xf32>
        %swap3A_413 = arith.index_cast %add3A_349 : i32 to index
        %swap3A_414 = arith.constant 80 : index
        %swap3A_415 = tpu.vector_load %arg12[%swap3A_413, %swap3A_414] {strides = array<i32>} : memref<64x128xf32, #tpu.memory_space<vmem>>, vector<1x16xf32>,
        %swap3A_416 = vector.shape_cast %swap3A_415 : vector<1x16xf32> to vector<16xf32>
        %swap3A_417 = vector.shape_cast %mul3A_412 : vector<16xf32> to vector<1x16xf32>
        tpu.vector_store %arg12[%swap3A_413, %swap3A_414], %swap3A_417 {strides = array<i32>} : memref<64x128xf32, #tpu.memory_space<vmem>>, vector<1x16xf32>,
        %get3A_418 = arith.index_cast %add3A_349 : i32 to index
        %get3A_419 = arith.constant 96 : index
        %get3A_420 = tpu.vector_load %arg12[%get3A_418, %get3A_419] {strides = array<i32>} : memref<64x128xf32, #tpu.memory_space<vmem>>, vector<1x16xf32>,
        %get3A_421 = vector.shape_cast %get3A_420 : vector<1x16xf32> to vector<16xf32>
        %mul3A_422 = vector.broadcast %squeeze3A_351 : f32 to vector<16xf32>
        %mul3A_423 = arith.mulf %get3A_421, %mul3A_422 : vector<16xf32>
        %swap3A_424 = arith.index_cast %add3A_349 : i32 to index
        %swap3A_425 = arith.constant 96 : index
        %swap3A_426 = tpu.vector_load %arg12[%swap3A_424, %swap3A_425] {strides = array<i32>} : memref<64x128xf32, #tpu.memory_space<vmem>>, vector<1x16xf32>,
        %swap3A_427 = vector.shape_cast %swap3A_426 : vector<1x16xf32> to vector<16xf32>
        %swap3A_428 = vector.shape_cast %mul3A_423 : vector<16xf32> to vector<1x16xf32>
        tpu.vector_store %arg12[%swap3A_424, %swap3A_425], %swap3A_428 {strides = array<i32>} : memref<64x128xf32, #tpu.memory_space<vmem>>, vector<1x16xf32>,
        %get3A_429 = arith.index_cast %add3A_349 : i32 to index
        %get3A_430 = arith.constant 112 : index
        %get3A_431 = tpu.vector_load %arg12[%get3A_429, %get3A_430] {strides = array<i32>} : memref<64x128xf32, #tpu.memory_space<vmem>>, vector<1x16xf32>,
        %get3A_432 = vector.shape_cast %get3A_431 : vector<1x16xf32> to vector<16xf32>
        %mul3A_433 = vector.broadcast %squeeze3A_351 : f32 to vector<16xf32>
        %mul3A_434 = arith.mulf %get3A_432, %mul3A_433 : vector<16xf32>
        %swap3A_435 = arith.index_cast %add3A_349 : i32 to index
        %swap3A_436 = arith.constant 112 : index
        %swap3A_437 = tpu.vector_load %arg12[%swap3A_435, %swap3A_436] {strides = array<i32>} : memref<64x128xf32, #tpu.memory_space<vmem>>, vector<1x16xf32>,
        %swap3A_438 = vector.shape_cast %swap3A_437 : vector<1x16xf32> to vector<16xf32>
        %swap3A_439 = vector.shape_cast %mul3A_434 : vector<16xf32> to vector<1x16xf32>
        tpu.vector_store %arg12[%swap3A_435, %swap3A_436], %swap3A_439 {strides = array<i32>} : memref<64x128xf32, #tpu.memory_space<vmem>>, vector<1x16xf32>,
        %mul3A_440 = arith.constant 16 : i32
        %mul3A_441 = arith.muli %scan3A_152, %mul3A_440 : i32
        %add3A_442 = arith.constant 3 : i32
        %add3A_443 = arith.addi %mul3A_441, %add3A_442 : i32
        %slice3A_444 = vector.extract_strided_slice %get3A_160 {offsets = [3], sizes = [1], strides = [1]} : vector<16xf32> to vector<1xf32>
        %squeeze3A_445 = vector.extract %slice3A_444[0] : f32 from vector<1xf32>
        %get3A_446 = arith.index_cast %add3A_443 : i32 to index
        %get3A_447 = arith.constant 0 : index
        %get3A_448 = tpu.vector_load %arg12[%get3A_446, %get3A_447] {strides = array<i32>} : memref<64x128xf32, #tpu.memory_space<vmem>>, vector<1x16xf32>,
        %get3A_449 = vector.shape_cast %get3A_448 : vector<1x16xf32> to vector<16xf32>
        %mul3A_450 = vector.broadcast %squeeze3A_445 : f32 to vector<16xf32>
        %mul3A_451 = arith.mulf %get3A_449, %mul3A_450 : vector<16xf32>
        %swap3A_452 = arith.index_cast %add3A_443 : i32 to index
        %swap3A_453 = arith.constant 0 : index
        %swap3A_454 = tpu.vector_load %arg12[%swap3A_452, %swap3A_453] {strides = array<i32>} : memref<64x128xf32, #tpu.memory_space<vmem>>, vector<1x16xf32>,
        %swap3A_455 = vector.shape_cast %swap3A_454 : vector<1x16xf32> to vector<16xf32>
        %swap3A_456 = vector.shape_cast %mul3A_451 : vector<16xf32> to vector<1x16xf32>
        tpu.vector_store %arg12[%swap3A_452, %swap3A_453], %swap3A_456 {strides = array<i32>} : memref<64x128xf32, #tpu.memory_space<vmem>>, vector<1x16xf32>,
        %get3A_457 = arith.index_cast %add3A_443 : i32 to index
        %get3A_458 = arith.constant 16 : index
        %get3A_459 = tpu.vector_load %arg12[%get3A_457, %get3A_458] {strides = array<i32>} : memref<64x128xf32, #tpu.memory_space<vmem>>, vector<1x16xf32>,
        %get3A_460 = vector.shape_cast %get3A_459 : vector<1x16xf32> to vector<16xf32>
        %mul3A_461 = vector.broadcast %squeeze3A_445 : f32 to vector<16xf32>
        %mul3A_462 = arith.mulf %get3A_460, %mul3A_461 : vector<16xf32>
        %swap3A_463 = arith.index_cast %add3A_443 : i32 to index
        %swap3A_464 = arith.constant 16 : index
        %swap3A_465 = tpu.vector_load %arg12[%swap3A_463, %swap3A_464] {strides = array<i32>} : memref<64x128xf32, #tpu.memory_space<vmem>>, vector<1x16xf32>,
        %swap3A_466 = vector.shape_cast %swap3A_465 : vector<1x16xf32> to vector<16xf32>
        %swap3A_467 = vector.shape_cast %mul3A_462 : vector<16xf32> to vector<1x16xf32>
        tpu.vector_store %arg12[%swap3A_463, %swap3A_464], %swap3A_467 {strides = array<i32>} : memref<64x128xf32, #tpu.memory_space<vmem>>, vector<1x16xf32>,
        %get3A_468 = arith.index_cast %add3A_443 : i32 to index
        %get3A_469 = arith.constant 32 : index
        %get3A_470 = tpu.vector_load %arg12[%get3A_468, %get3A_469] {strides = array<i32>} : memref<64x128xf32, #tpu.memory_space<vmem>>, vector<1x16xf32>,
        %get3A_471 = vector.shape_cast %get3A_470 : vector<1x16xf32> to vector<16xf32>
        %mul3A_472 = vector.broadcast %squeeze3A_445 : f32 to vector<16xf32>
        %mul3A_473 = arith.mulf %get3A_471, %mul3A_472 : vector<16xf32>
        %swap3A_474 = arith.index_cast %add3A_443 : i32 to index
        %swap3A_475 = arith.constant 32 : index
        %swap3A_476 = tpu.vector_load %arg12[%swap3A_474, %swap3A_475] {strides = array<i32>} : memref<64x128xf32, #tpu.memory_space<vmem>>, vector<1x16xf32>,
        %swap3A_477 = vector.shape_cast %swap3A_476 : vector<1x16xf32> to vector<16xf32>
        %swap3A_478 = vector.shape_cast %mul3A_473 : vector<16xf32> to vector<1x16xf32>
        tpu.vector_store %arg12[%swap3A_474, %swap3A_475], %swap3A_478 {strides = array<i32>} : memref<64x128xf32, #tpu.memory_space<vmem>>, vector<1x16xf32>,
        %get3A_479 = arith.index_cast %add3A_443 : i32 to index
        %get3A_480 = arith.constant 48 : index
        %get3A_481 = tpu.vector_load %arg12[%get3A_479, %get3A_480] {strides = array<i32>} : memref<64x128xf32, #tpu.memory_space<vmem>>, vector<1x16xf32>,
        %get3A_482 = vector.shape_cast %get3A_481 : vector<1x16xf32> to vector<16xf32>
        %mul3A_483 = vector.broadcast %squeeze3A_445 : f32 to vector<16xf32>
        %mul3A_484 = arith.mulf %get3A_482, %mul3A_483 : vector<16xf32>
        %swap3A_485 = arith.index_cast %add3A_443 : i32 to index
        %swap3A_486 = arith.constant 48 : index
        %swap3A_487 = tpu.vector_load %arg12[%swap3A_485, %swap3A_486] {strides = array<i32>} : memref<64x128xf32, #tpu.memory_space<vmem>>, vector<1x16xf32>,
        %swap3A_488 = vector.shape_cast %swap3A_487 : vector<1x16xf32> to vector<16xf32>
        %swap3A_489 = vector.shape_cast %mul3A_484 : vector<16xf32> to vector<1x16xf32>
        tpu.vector_store %arg12[%swap3A_485, %swap3A_486], %swap3A_489 {strides = array<i32>} : memref<64x128xf32, #tpu.memory_space<vmem>>, vector<1x16xf32>,
        %get3A_490 = arith.index_cast %add3A_443 : i32 to index
        %get3A_491 = arith.constant 64 : index
        %get3A_492 = tpu.vector_load %arg12[%get3A_490, %get3A_491] {strides = array<i32>} : memref<64x128xf32, #tpu.memory_space<vmem>>, vector<1x16xf32>,
        %get3A_493 = vector.shape_cast %get3A_492 : vector<1x16xf32> to vector<16xf32>
        %mul3A_494 = vector.broadcast %squeeze3A_445 : f32 to vector<16xf32>
        %mul3A_495 = arith.mulf %get3A_493, %mul3A_494 : vector<16xf32>
        %swap3A_496 = arith.index_cast %add3A_443 : i32 to index
        %swap3A_497 = arith.constant 64 : index
        %swap3A_498 = tpu.vector_load %arg12[%swap3A_496, %swap3A_497] {strides = array<i32>} : memref<64x128xf32, #tpu.memory_space<vmem>>, vector<1x16xf32>,
        %swap3A_499 = vector.shape_cast %swap3A_498 : vector<1x16xf32> to vector<16xf32>
        %swap3A_500 = vector.shape_cast %mul3A_495 : vector<16xf32> to vector<1x16xf32>
        tpu.vector_store %arg12[%swap3A_496, %swap3A_497], %swap3A_500 {strides = array<i32>} : memref<64x128xf32, #tpu.memory_space<vmem>>, vector<1x16xf32>,
        %get3A_501 = arith.index_cast %add3A_443 : i32 to index
        %get3A_502 = arith.constant 80 : index
        %get3A_503 = tpu.vector_load %arg12[%get3A_501, %get3A_502] {strides = array<i32>} : memref<64x128xf32, #tpu.memory_space<vmem>>, vector<1x16xf32>,
        %get3A_504 = vector.shape_cast %get3A_503 : vector<1x16xf32> to vector<16xf32>
        %mul3A_505 = vector.broadcast %squeeze3A_445 : f32 to vector<16xf32>
        %mul3A_506 = arith.mulf %get3A_504, %mul3A_505 : vector<16xf32>
        %swap3A_507 = arith.index_cast %add3A_443 : i32 to index
        %swap3A_508 = arith.constant 80 : index
        %swap3A_509 = tpu.vector_load %arg12[%swap3A_507, %swap3A_508] {strides = array<i32>} : memref<64x128xf32, #tpu.memory_space<vmem>>, vector<1x16xf32>,
        %swap3A_510 = vector.shape_cast %swap3A_509 : vector<1x16xf32> to vector<16xf32>
        %swap3A_511 = vector.shape_cast %mul3A_506 : vector<16xf32> to vector<1x16xf32>
        tpu.vector_store %arg12[%swap3A_507, %swap3A_508], %swap3A_511 {strides = array<i32>} : memref<64x128xf32, #tpu.memory_space<vmem>>, vector<1x16xf32>,
        %get3A_512 = arith.index_cast %add3A_443 : i32 to index
        %get3A_513 = arith.constant 96 : index
        %get3A_514 = tpu.vector_load %arg12[%get3A_512, %get3A_513] {strides = array<i32>} : memref<64x128xf32, #tpu.memory_space<vmem>>, vector<1x16xf32>,
        %get3A_515 = vector.shape_cast %get3A_514 : vector<1x16xf32> to vector<16xf32>
        %mul3A_516 = vector.broadcast %squeeze3A_445 : f32 to vector<16xf32>
        %mul3A_517 = arith.mulf %get3A_515, %mul3A_516 : vector<16xf32>
        %swap3A_518 = arith.index_cast %add3A_443 : i32 to index
        %swap3A_519 = arith.constant 96 : index
        %swap3A_520 = tpu.vector_load %arg12[%swap3A_518, %swap3A_519] {strides = array<i32>} : memref<64x128xf32, #tpu.memory_space<vmem>>, vector<1x16xf32>,
        %swap3A_521 = vector.shape_cast %swap3A_520 : vector<1x16xf32> to vector<16xf32>
        %swap3A_522 = vector.shape_cast %mul3A_517 : vector<16xf32> to vector<1x16xf32>
        tpu.vector_store %arg12[%swap3A_518, %swap3A_519], %swap3A_522 {strides = array<i32>} : memref<64x128xf32, #tpu.memory_space<vmem>>, vector<1x16xf32>,
        %get3A_523 = arith.index_cast %add3A_443 : i32 to index
        %get3A_524 = arith.constant 112 : index
        %get3A_525 = tpu.vector_load %arg12[%get3A_523, %get3A_524] {strides = array<i32>} : memref<64x128xf32, #tpu.memory_space<vmem>>, vector<1x16xf32>,
        %get3A_526 = vector.shape_cast %get3A_525 : vector<1x16xf32> to vector<16xf32>
        %mul3A_527 = vector.broadcast %squeeze3A_445 : f32 to vector<16xf32>
        %mul3A_528 = arith.mulf %get3A_526, %mul3A_527 : vector<16xf32>
        %swap3A_529 = arith.index_cast %add3A_443 : i32 to index
        %swap3A_530 = arith.constant 112 : index
        %swap3A_531 = tpu.vector_load %arg12[%swap3A_529, %swap3A_530] {strides = array<i32>} : memref<64x128xf32, #tpu.memory_space<vmem>>, vector<1x16xf32>,
        %swap3A_532 = vector.shape_cast %swap3A_531 : vector<1x16xf32> to vector<16xf32>
        %swap3A_533 = vector.shape_cast %mul3A_528 : vector<16xf32> to vector<1x16xf32>
        tpu.vector_store %arg12[%swap3A_529, %swap3A_530], %swap3A_533 {strides = array<i32>} : memref<64x128xf32, #tpu.memory_space<vmem>>, vector<1x16xf32>,
        %mul3A_534 = arith.constant 16 : i32
        %mul3A_535 = arith.muli %scan3A_152, %mul3A_534 : i32
        %add3A_536 = arith.constant 4 : i32
        %add3A_537 = arith.addi %mul3A_535, %add3A_536 : i32
        %slice3A_538 = vector.extract_strided_slice %get3A_160 {offsets = [4], sizes = [1], strides = [1]} : vector<16xf32> to vector<1xf32>
        %squeeze3A_539 = vector.extract %slice3A_538[0] : f32 from vector<1xf32>
        %get3A_540 = arith.index_cast %add3A_537 : i32 to index
        %get3A_541 = arith.constant 0 : index
        %get3A_542 = tpu.vector_load %arg12[%get3A_540, %get3A_541] {strides = array<i32>} : memref<64x128xf32, #tpu.memory_space<vmem>>, vector<1x16xf32>,
        %get3A_543 = vector.shape_cast %get3A_542 : vector<1x16xf32> to vector<16xf32>
        %mul3A_544 = vector.broadcast %squeeze3A_539 : f32 to vector<16xf32>
        %mul3A_545 = arith.mulf %get3A_543, %mul3A_544 : vector<16xf32>
        %swap3A_546 = arith.index_cast %add3A_537 : i32 to index
        %swap3A_547 = arith.constant 0 : index
        %swap3A_548 = tpu.vector_load %arg12[%swap3A_546, %swap3A_547] {strides = array<i32>} : memref<64x128xf32, #tpu.memory_space<vmem>>, vector<1x16xf32>,
        %swap3A_549 = vector.shape_cast %swap3A_548 : vector<1x16xf32> to vector<16xf32>
        %swap3A_550 = vector.shape_cast %mul3A_545 : vector<16xf32> to vector<1x16xf32>
        tpu.vector_store %arg12[%swap3A_546, %swap3A_547], %swap3A_550 {strides = array<i32>} : memref<64x128xf32, #tpu.memory_space<vmem>>, vector<1x16xf32>,
        %get3A_551 = arith.index_cast %add3A_537 : i32 to index
        %get3A_552 = arith.constant 16 : index
        %get3A_553 = tpu.vector_load %arg12[%get3A_551, %get3A_552] {strides = array<i32>} : memref<64x128xf32, #tpu.memory_space<vmem>>, vector<1x16xf32>,
        %get3A_554 = vector.shape_cast %get3A_553 : vector<1x16xf32> to vector<16xf32>
        %mul3A_555 = vector.broadcast %squeeze3A_539 : f32 to vector<16xf32>
        %mul3A_556 = arith.mulf %get3A_554, %mul3A_555 : vector<16xf32>
        %swap3A_557 = arith.index_cast %add3A_537 : i32 to index
        %swap3A_558 = arith.constant 16 : index
        %swap3A_559 = tpu.vector_load %arg12[%swap3A_557, %swap3A_558] {strides = array<i32>} : memref<64x128xf32, #tpu.memory_space<vmem>>, vector<1x16xf32>,
        %swap3A_560 = vector.shape_cast %swap3A_559 : vector<1x16xf32> to vector<16xf32>
        %swap3A_561 = vector.shape_cast %mul3A_556 : vector<16xf32> to vector<1x16xf32>
        tpu.vector_store %arg12[%swap3A_557, %swap3A_558], %swap3A_561 {strides = array<i32>} : memref<64x128xf32, #tpu.memory_space<vmem>>, vector<1x16xf32>,
        %get3A_562 = arith.index_cast %add3A_537 : i32 to index
        %get3A_563 = arith.constant 32 : index
        %get3A_564 = tpu.vector_load %arg12[%get3A_562, %get3A_563] {strides = array<i32>} : memref<64x128xf32, #tpu.memory_space<vmem>>, vector<1x16xf32>,
        %get3A_565 = vector.shape_cast %get3A_564 : vector<1x16xf32> to vector<16xf32>
        %mul3A_566 = vector.broadcast %squeeze3A_539 : f32 to vector<16xf32>
        %mul3A_567 = arith.mulf %get3A_565, %mul3A_566 : vector<16xf32>
        %swap3A_568 = arith.index_cast %add3A_537 : i32 to index
        %swap3A_569 = arith.constant 32 : index
        %swap3A_570 = tpu.vector_load %arg12[%swap3A_568, %swap3A_569] {strides = array<i32>} : memref<64x128xf32, #tpu.memory_space<vmem>>, vector<1x16xf32>,
        %swap3A_571 = vector.shape_cast %swap3A_570 : vector<1x16xf32> to vector<16xf32>
        %swap3A_572 = vector.shape_cast %mul3A_567 : vector<16xf32> to vector<1x16xf32>
        tpu.vector_store %arg12[%swap3A_568, %swap3A_569], %swap3A_572 {strides = array<i32>} : memref<64x128xf32, #tpu.memory_space<vmem>>, vector<1x16xf32>,
        %get3A_573 = arith.index_cast %add3A_537 : i32 to index
        %get3A_574 = arith.constant 48 : index
        %get3A_575 = tpu.vector_load %arg12[%get3A_573, %get3A_574] {strides = array<i32>} : memref<64x128xf32, #tpu.memory_space<vmem>>, vector<1x16xf32>,
        %get3A_576 = vector.shape_cast %get3A_575 : vector<1x16xf32> to vector<16xf32>
        %mul3A_577 = vector.broadcast %squeeze3A_539 : f32 to vector<16xf32>
        %mul3A_578 = arith.mulf %get3A_576, %mul3A_577 : vector<16xf32>
        %swap3A_579 = arith.index_cast %add3A_537 : i32 to index
        %swap3A_580 = arith.constant 48 : index
        %swap3A_581 = tpu.vector_load %arg12[%swap3A_579, %swap3A_580] {strides = array<i32>} : memref<64x128xf32, #tpu.memory_space<vmem>>, vector<1x16xf32>,
        %swap3A_582 = vector.shape_cast %swap3A_581 : vector<1x16xf32> to vector<16xf32>
        %swap3A_583 = vector.shape_cast %mul3A_578 : vector<16xf32> to vector<1x16xf32>
        tpu.vector_store %arg12[%swap3A_579, %swap3A_580], %swap3A_583 {strides = array<i32>} : memref<64x128xf32, #tpu.memory_space<vmem>>, vector<1x16xf32>,
        %get3A_584 = arith.index_cast %add3A_537 : i32 to index
        %get3A_585 = arith.constant 64 : index
        %get3A_586 = tpu.vector_load %arg12[%get3A_584, %get3A_585] {strides = array<i32>} : memref<64x128xf32, #tpu.memory_space<vmem>>, vector<1x16xf32>,
        %get3A_587 = vector.shape_cast %get3A_586 : vector<1x16xf32> to vector<16xf32>
        %mul3A_588 = vector.broadcast %squeeze3A_539 : f32 to vector<16xf32>
        %mul3A_589 = arith.mulf %get3A_587, %mul3A_588 : vector<16xf32>
        %swap3A_590 = arith.index_cast %add3A_537 : i32 to index
        %swap3A_591 = arith.constant 64 : index
        %swap3A_592 = tpu.vector_load %arg12[%swap3A_590, %swap3A_591] {strides = array<i32>} : memref<64x128xf32, #tpu.memory_space<vmem>>, vector<1x16xf32>,
        %swap3A_593 = vector.shape_cast %swap3A_592 : vector<1x16xf32> to vector<16xf32>
        %swap3A_594 = vector.shape_cast %mul3A_589 : vector<16xf32> to vector<1x16xf32>
        tpu.vector_store %arg12[%swap3A_590, %swap3A_591], %swap3A_594 {strides = array<i32>} : memref<64x128xf32, #tpu.memory_space<vmem>>, vector<1x16xf32>,
        %get3A_595 = arith.index_cast %add3A_537 : i32 to index
        %get3A_596 = arith.constant 80 : index
        %get3A_597 = tpu.vector_load %arg12[%get3A_595, %get3A_596] {strides = array<i32>} : memref<64x128xf32, #tpu.memory_space<vmem>>, vector<1x16xf32>,
        %get3A_598 = vector.shape_cast %get3A_597 : vector<1x16xf32> to vector<16xf32>
        %mul3A_599 = vector.broadcast %squeeze3A_539 : f32 to vector<16xf32>
        %mul3A_600 = arith.mulf %get3A_598, %mul3A_599 : vector<16xf32>
        %swap3A_601 = arith.index_cast %add3A_537 : i32 to index
        %swap3A_602 = arith.constant 80 : index
        %swap3A_603 = tpu.vector_load %arg12[%swap3A_601, %swap3A_602] {strides = array<i32>} : memref<64x128xf32, #tpu.memory_space<vmem>>, vector<1x16xf32>,
        %swap3A_604 = vector.shape_cast %swap3A_603 : vector<1x16xf32> to vector<16xf32>
        %swap3A_605 = vector.shape_cast %mul3A_600 : vector<16xf32> to vector<1x16xf32>
        tpu.vector_store %arg12[%swap3A_601, %swap3A_602], %swap3A_605 {strides = array<i32>} : memref<64x128xf32, #tpu.memory_space<vmem>>, vector<1x16xf32>,
        %get3A_606 = arith.index_cast %add3A_537 : i32 to index
        %get3A_607 = arith.constant 96 : index
        %get3A_608 = tpu.vector_load %arg12[%get3A_606, %get3A_607] {strides = array<i32>} : memref<64x128xf32, #tpu.memory_space<vmem>>, vector<1x16xf32>,
        %get3A_609 = vector.shape_cast %get3A_608 : vector<1x16xf32> to vector<16xf32>
        %mul3A_610 = vector.broadcast %squeeze3A_539 : f32 to vector<16xf32>
        %mul3A_611 = arith.mulf %get3A_609, %mul3A_610 : vector<16xf32>
        %swap3A_612 = arith.index_cast %add3A_537 : i32 to index
        %swap3A_613 = arith.constant 96 : index
        %swap3A_614 = tpu.vector_load %arg12[%swap3A_612, %swap3A_613] {strides = array<i32>} : memref<64x128xf32, #tpu.memory_space<vmem>>, vector<1x16xf32>,
        %swap3A_615 = vector.shape_cast %swap3A_614 : vector<1x16xf32> to vector<16xf32>
        %swap3A_616 = vector.shape_cast %mul3A_611 : vector<16xf32> to vector<1x16xf32>
        tpu.vector_store %arg12[%swap3A_612, %swap3A_613], %swap3A_616 {strides = array<i32>} : memref<64x128xf32, #tpu.memory_space<vmem>>, vector<1x16xf32>,
        %get3A_617 = arith.index_cast %add3A_537 : i32 to index
        %get3A_618 = arith.constant 112 : index
        %get3A_619 = tpu.vector_load %arg12[%get3A_617, %get3A_618] {strides = array<i32>} : memref<64x128xf32, #tpu.memory_space<vmem>>, vector<1x16xf32>,
        %get3A_620 = vector.shape_cast %get3A_619 : vector<1x16xf32> to vector<16xf32>
        %mul3A_621 = vector.broadcast %squeeze3A_539 : f32 to vector<16xf32>
        %mul3A_622 = arith.mulf %get3A_620, %mul3A_621 : vector<16xf32>
        %swap3A_623 = arith.index_cast %add3A_537 : i32 to index
        %swap3A_624 = arith.constant 112 : index
        %swap3A_625 = tpu.vector_load %arg12[%swap3A_623, %swap3A_624] {strides = array<i32>} : memref<64x128xf32, #tpu.memory_space<vmem>>, vector<1x16xf32>,
        %swap3A_626 = vector.shape_cast %swap3A_625 : vector<1x16xf32> to vector<16xf32>
        %swap3A_627 = vector.shape_cast %mul3A_622 : vector<16xf32> to vector<1x16xf32>
        tpu.vector_store %arg12[%swap3A_623, %swap3A_624], %swap3A_627 {strides = array<i32>} : memref<64x128xf32, #tpu.memory_space<vmem>>, vector<1x16xf32>,
        %mul3A_628 = arith.constant 16 : i32
        %mul3A_629 = arith.muli %scan3A_152, %mul3A_628 : i32
        %add3A_630 = arith.constant 5 : i32
        %add3A_631 = arith.addi %mul3A_629, %add3A_630 : i32
        %slice3A_632 = vector.extract_strided_slice %get3A_160 {offsets = [5], sizes = [1], strides = [1]} : vector<16xf32> to vector<1xf32>
        %squeeze3A_633 = vector.extract %slice3A_632[0] : f32 from vector<1xf32>
        %get3A_634 = arith.index_cast %add3A_631 : i32 to index
        %get3A_635 = arith.constant 0 : index
        %get3A_636 = tpu.vector_load %arg12[%get3A_634, %get3A_635] {strides = array<i32>} : memref<64x128xf32, #tpu.memory_space<vmem>>, vector<1x16xf32>,
        %get3A_637 = vector.shape_cast %get3A_636 : vector<1x16xf32> to vector<16xf32>
        %mul3A_638 = vector.broadcast %squeeze3A_633 : f32 to vector<16xf32>
        %mul3A_639 = arith.mulf %get3A_637, %mul3A_638 : vector<16xf32>
        %swap3A_640 = arith.index_cast %add3A_631 : i32 to index
        %swap3A_641 = arith.constant 0 : index
        %swap3A_642 = tpu.vector_load %arg12[%swap3A_640, %swap3A_641] {strides = array<i32>} : memref<64x128xf32, #tpu.memory_space<vmem>>, vector<1x16xf32>,
        %swap3A_643 = vector.shape_cast %swap3A_642 : vector<1x16xf32> to vector<16xf32>
        %swap3A_644 = vector.shape_cast %mul3A_639 : vector<16xf32> to vector<1x16xf32>
        tpu.vector_store %arg12[%swap3A_640, %swap3A_641], %swap3A_644 {strides = array<i32>} : memref<64x128xf32, #tpu.memory_space<vmem>>, vector<1x16xf32>,
        %get3A_645 = arith.index_cast %add3A_631 : i32 to index
        %get3A_646 = arith.constant 16 : index
        %get3A_647 = tpu.vector_load %arg12[%get3A_645, %get3A_646] {strides = array<i32>} : memref<64x128xf32, #tpu.memory_space<vmem>>, vector<1x16xf32>,
        %get3A_648 = vector.shape_cast %get3A_647 : vector<1x16xf32> to vector<16xf32>
        %mul3A_649 = vector.broadcast %squeeze3A_633 : f32 to vector<16xf32>
        %mul3A_650 = arith.mulf %get3A_648, %mul3A_649 : vector<16xf32>
        %swap3A_651 = arith.index_cast %add3A_631 : i32 to index
        %swap3A_652 = arith.constant 16 : index
        %swap3A_653 = tpu.vector_load %arg12[%swap3A_651, %swap3A_652] {strides = array<i32>} : memref<64x128xf32, #tpu.memory_space<vmem>>, vector<1x16xf32>,
        %swap3A_654 = vector.shape_cast %swap3A_653 : vector<1x16xf32> to vector<16xf32>
        %swap3A_655 = vector.shape_cast %mul3A_650 : vector<16xf32> to vector<1x16xf32>
        tpu.vector_store %arg12[%swap3A_651, %swap3A_652], %swap3A_655 {strides = array<i32>} : memref<64x128xf32, #tpu.memory_space<vmem>>, vector<1x16xf32>,
        %get3A_656 = arith.index_cast %add3A_631 : i32 to index
        %get3A_657 = arith.constant 32 : index
        %get3A_658 = tpu.vector_load %arg12[%get3A_656, %get3A_657] {strides = array<i32>} : memref<64x128xf32, #tpu.memory_space<vmem>>, vector<1x16xf32>,
        %get3A_659 = vector.shape_cast %get3A_658 : vector<1x16xf32> to vector<16xf32>
        %mul3A_660 = vector.broadcast %squeeze3A_633 : f32 to vector<16xf32>
        %mul3A_661 = arith.mulf %get3A_659, %mul3A_660 : vector<16xf32>
        %swap3A_662 = arith.index_cast %add3A_631 : i32 to index
        %swap3A_663 = arith.constant 32 : index
        %swap3A_664 = tpu.vector_load %arg12[%swap3A_662, %swap3A_663] {strides = array<i32>} : memref<64x128xf32, #tpu.memory_space<vmem>>, vector<1x16xf32>,
        %swap3A_665 = vector.shape_cast %swap3A_664 : vector<1x16xf32> to vector<16xf32>
        %swap3A_666 = vector.shape_cast %mul3A_661 : vector<16xf32> to vector<1x16xf32>
        tpu.vector_store %arg12[%swap3A_662, %swap3A_663], %swap3A_666 {strides = array<i32>} : memref<64x128xf32, #tpu.memory_space<vmem>>, vector<1x16xf32>,
        %get3A_667 = arith.index_cast %add3A_631 : i32 to index
        %get3A_668 = arith.constant 48 : index
        %get3A_669 = tpu.vector_load %arg12[%get3A_667, %get3A_668] {strides = array<i32>} : memref<64x128xf32, #tpu.memory_space<vmem>>, vector<1x16xf32>,
        %get3A_670 = vector.shape_cast %get3A_669 : vector<1x16xf32> to vector<16xf32>
        %mul3A_671 = vector.broadcast %squeeze3A_633 : f32 to vector<16xf32>
        %mul3A_672 = arith.mulf %get3A_670, %mul3A_671 : vector<16xf32>
        %swap3A_673 = arith.index_cast %add3A_631 : i32 to index
        %swap3A_674 = arith.constant 48 : index
        %swap3A_675 = tpu.vector_load %arg12[%swap3A_673, %swap3A_674] {strides = array<i32>} : memref<64x128xf32, #tpu.memory_space<vmem>>, vector<1x16xf32>,
        %swap3A_676 = vector.shape_cast %swap3A_675 : vector<1x16xf32> to vector<16xf32>
        %swap3A_677 = vector.shape_cast %mul3A_672 : vector<16xf32> to vector<1x16xf32>
        tpu.vector_store %arg12[%swap3A_673, %swap3A_674], %swap3A_677 {strides = array<i32>} : memref<64x128xf32, #tpu.memory_space<vmem>>, vector<1x16xf32>,
        %get3A_678 = arith.index_cast %add3A_631 : i32 to index
        %get3A_679 = arith.constant 64 : index
        %get3A_680 = tpu.vector_load %arg12[%get3A_678, %get3A_679] {strides = array<i32>} : memref<64x128xf32, #tpu.memory_space<vmem>>, vector<1x16xf32>,
        %get3A_681 = vector.shape_cast %get3A_680 : vector<1x16xf32> to vector<16xf32>
        %mul3A_682 = vector.broadcast %squeeze3A_633 : f32 to vector<16xf32>
        %mul3A_683 = arith.mulf %get3A_681, %mul3A_682 : vector<16xf32>
        %swap3A_684 = arith.index_cast %add3A_631 : i32 to index
        %swap3A_685 = arith.constant 64 : index
        %swap3A_686 = tpu.vector_load %arg12[%swap3A_684, %swap3A_685] {strides = array<i32>} : memref<64x128xf32, #tpu.memory_space<vmem>>, vector<1x16xf32>,
        %swap3A_687 = vector.shape_cast %swap3A_686 : vector<1x16xf32> to vector<16xf32>
        %swap3A_688 = vector.shape_cast %mul3A_683 : vector<16xf32> to vector<1x16xf32>
        tpu.vector_store %arg12[%swap3A_684, %swap3A_685], %swap3A_688 {strides = array<i32>} : memref<64x128xf32, #tpu.memory_space<vmem>>, vector<1x16xf32>,
        %get3A_689 = arith.index_cast %add3A_631 : i32 to index
        %get3A_690 = arith.constant 80 : index
        %get3A_691 = tpu.vector_load %arg12[%get3A_689, %get3A_690] {strides = array<i32>} : memref<64x128xf32, #tpu.memory_space<vmem>>, vector<1x16xf32>,
        %get3A_692 = vector.shape_cast %get3A_691 : vector<1x16xf32> to vector<16xf32>
        %mul3A_693 = vector.broadcast %squeeze3A_633 : f32 to vector<16xf32>
        %mul3A_694 = arith.mulf %get3A_692, %mul3A_693 : vector<16xf32>
        %swap3A_695 = arith.index_cast %add3A_631 : i32 to index
        %swap3A_696 = arith.constant 80 : index
        %swap3A_697 = tpu.vector_load %arg12[%swap3A_695, %swap3A_696] {strides = array<i32>} : memref<64x128xf32, #tpu.memory_space<vmem>>, vector<1x16xf32>,
        %swap3A_698 = vector.shape_cast %swap3A_697 : vector<1x16xf32> to vector<16xf32>
        %swap3A_699 = vector.shape_cast %mul3A_694 : vector<16xf32> to vector<1x16xf32>
        tpu.vector_store %arg12[%swap3A_695, %swap3A_696], %swap3A_699 {strides = array<i32>} : memref<64x128xf32, #tpu.memory_space<vmem>>, vector<1x16xf32>,
        %get3A_700 = arith.index_cast %add3A_631 : i32 to index
        %get3A_701 = arith.constant 96 : index
        %get3A_702 = tpu.vector_load %arg12[%get3A_700, %get3A_701] {strides = array<i32>} : memref<64x128xf32, #tpu.memory_space<vmem>>, vector<1x16xf32>,
        %get3A_703 = vector.shape_cast %get3A_702 : vector<1x16xf32> to vector<16xf32>
        %mul3A_704 = vector.broadcast %squeeze3A_633 : f32 to vector<16xf32>
        %mul3A_705 = arith.mulf %get3A_703, %mul3A_704 : vector<16xf32>
        %swap3A_706 = arith.index_cast %add3A_631 : i32 to index
        %swap3A_707 = arith.constant 96 : index
        %swap3A_708 = tpu.vector_load %arg12[%swap3A_706, %swap3A_707] {strides = array<i32>} : memref<64x128xf32, #tpu.memory_space<vmem>>, vector<1x16xf32>,
        %swap3A_709 = vector.shape_cast %swap3A_708 : vector<1x16xf32> to vector<16xf32>
        %swap3A_710 = vector.shape_cast %mul3A_705 : vector<16xf32> to vector<1x16xf32>
        tpu.vector_store %arg12[%swap3A_706, %swap3A_707], %swap3A_710 {strides = array<i32>} : memref<64x128xf32, #tpu.memory_space<vmem>>, vector<1x16xf32>,
        %get3A_711 = arith.index_cast %add3A_631 : i32 to index
        %get3A_712 = arith.constant 112 : index
        %get3A_713 = tpu.vector_load %arg12[%get3A_711, %get3A_712] {strides = array<i32>} : memref<64x128xf32, #tpu.memory_space<vmem>>, vector<1x16xf32>,
        %get3A_714 = vector.shape_cast %get3A_713 : vector<1x16xf32> to vector<16xf32>
        %mul3A_715 = vector.broadcast %squeeze3A_633 : f32 to vector<16xf32>
        %mul3A_716 = arith.mulf %get3A_714, %mul3A_715 : vector<16xf32>
        %swap3A_717 = arith.index_cast %add3A_631 : i32 to index
        %swap3A_718 = arith.constant 112 : index
        %swap3A_719 = tpu.vector_load %arg12[%swap3A_717, %swap3A_718] {strides = array<i32>} : memref<64x128xf32, #tpu.memory_space<vmem>>, vector<1x16xf32>,
        %swap3A_720 = vector.shape_cast %swap3A_719 : vector<1x16xf32> to vector<16xf32>
        %swap3A_721 = vector.shape_cast %mul3A_716 : vector<16xf32> to vector<1x16xf32>
        tpu.vector_store %arg12[%swap3A_717, %swap3A_718], %swap3A_721 {strides = array<i32>} : memref<64x128xf32, #tpu.memory_space<vmem>>, vector<1x16xf32>,
        %mul3A_722 = arith.constant 16 : i32
        %mul3A_723 = arith.muli %scan3A_152, %mul3A_722 : i32
        %add3A_724 = arith.constant 6 : i32
        %add3A_725 = arith.addi %mul3A_723, %add3A_724 : i32
        %slice3A_726 = vector.extract_strided_slice %get3A_160 {offsets = [6], sizes = [1], strides = [1]} : vector<16xf32> to vector<1xf32>
        %squeeze3A_727 = vector.extract %slice3A_726[0] : f32 from vector<1xf32>
        %get3A_728 = arith.index_cast %add3A_725 : i32 to index
        %get3A_729 = arith.constant 0 : index
        %get3A_730 = tpu.vector_load %arg12[%get3A_728, %get3A_729] {strides = array<i32>} : memref<64x128xf32, #tpu.memory_space<vmem>>, vector<1x16xf32>,
        %get3A_731 = vector.shape_cast %get3A_730 : vector<1x16xf32> to vector<16xf32>
        %mul3A_732 = vector.broadcast %squeeze3A_727 : f32 to vector<16xf32>
        %mul3A_733 = arith.mulf %get3A_731, %mul3A_732 : vector<16xf32>
        %swap3A_734 = arith.index_cast %add3A_725 : i32 to index
        %swap3A_735 = arith.constant 0 : index
        %swap3A_736 = tpu.vector_load %arg12[%swap3A_734, %swap3A_735] {strides = array<i32>} : memref<64x128xf32, #tpu.memory_space<vmem>>, vector<1x16xf32>,
        %swap3A_737 = vector.shape_cast %swap3A_736 : vector<1x16xf32> to vector<16xf32>
        %swap3A_738 = vector.shape_cast %mul3A_733 : vector<16xf32> to vector<1x16xf32>
        tpu.vector_store %arg12[%swap3A_734, %swap3A_735], %swap3A_738 {strides = array<i32>} : memref<64x128xf32, #tpu.memory_space<vmem>>, vector<1x16xf32>,
        %get3A_739 = arith.index_cast %add3A_725 : i32 to index
        %get3A_740 = arith.constant 16 : index
        %get3A_741 = tpu.vector_load %arg12[%get3A_739, %get3A_740] {strides = array<i32>} : memref<64x128xf32, #tpu.memory_space<vmem>>, vector<1x16xf32>,
        %get3A_742 = vector.shape_cast %get3A_741 : vector<1x16xf32> to vector<16xf32>
        %mul3A_743 = vector.broadcast %squeeze3A_727 : f32 to vector<16xf32>
        %mul3A_744 = arith.mulf %get3A_742, %mul3A_743 : vector<16xf32>
        %swap3A_745 = arith.index_cast %add3A_725 : i32 to index
        %swap3A_746 = arith.constant 16 : index
        %swap3A_747 = tpu.vector_load %arg12[%swap3A_745, %swap3A_746] {strides = array<i32>} : memref<64x128xf32, #tpu.memory_space<vmem>>, vector<1x16xf32>,
        %swap3A_748 = vector.shape_cast %swap3A_747 : vector<1x16xf32> to vector<16xf32>
        %swap3A_749 = vector.shape_cast %mul3A_744 : vector<16xf32> to vector<1x16xf32>
        tpu.vector_store %arg12[%swap3A_745, %swap3A_746], %swap3A_749 {strides = array<i32>} : memref<64x128xf32, #tpu.memory_space<vmem>>, vector<1x16xf32>,
        %get3A_750 = arith.index_cast %add3A_725 : i32 to index
        %get3A_751 = arith.constant 32 : index
        %get3A_752 = tpu.vector_load %arg12[%get3A_750, %get3A_751] {strides = array<i32>} : memref<64x128xf32, #tpu.memory_space<vmem>>, vector<1x16xf32>,
        %get3A_753 = vector.shape_cast %get3A_752 : vector<1x16xf32> to vector<16xf32>
        %mul3A_754 = vector.broadcast %squeeze3A_727 : f32 to vector<16xf32>
        %mul3A_755 = arith.mulf %get3A_753, %mul3A_754 : vector<16xf32>
        %swap3A_756 = arith.index_cast %add3A_725 : i32 to index
        %swap3A_757 = arith.constant 32 : index
        %swap3A_758 = tpu.vector_load %arg12[%swap3A_756, %swap3A_757] {strides = array<i32>} : memref<64x128xf32, #tpu.memory_space<vmem>>, vector<1x16xf32>,
        %swap3A_759 = vector.shape_cast %swap3A_758 : vector<1x16xf32> to vector<16xf32>
        %swap3A_760 = vector.shape_cast %mul3A_755 : vector<16xf32> to vector<1x16xf32>
        tpu.vector_store %arg12[%swap3A_756, %swap3A_757], %swap3A_760 {strides = array<i32>} : memref<64x128xf32, #tpu.memory_space<vmem>>, vector<1x16xf32>,
        %get3A_761 = arith.index_cast %add3A_725 : i32 to index
        %get3A_762 = arith.constant 48 : index
        %get3A_763 = tpu.vector_load %arg12[%get3A_761, %get3A_762] {strides = array<i32>} : memref<64x128xf32, #tpu.memory_space<vmem>>, vector<1x16xf32>,
        %get3A_764 = vector.shape_cast %get3A_763 : vector<1x16xf32> to vector<16xf32>
        %mul3A_765 = vector.broadcast %squeeze3A_727 : f32 to vector<16xf32>
        %mul3A_766 = arith.mulf %get3A_764, %mul3A_765 : vector<16xf32>
        %swap3A_767 = arith.index_cast %add3A_725 : i32 to index
        %swap3A_768 = arith.constant 48 : index
        %swap3A_769 = tpu.vector_load %arg12[%swap3A_767, %swap3A_768] {strides = array<i32>} : memref<64x128xf32, #tpu.memory_space<vmem>>, vector<1x16xf32>,
        %swap3A_770 = vector.shape_cast %swap3A_769 : vector<1x16xf32> to vector<16xf32>
        %swap3A_771 = vector.shape_cast %mul3A_766 : vector<16xf32> to vector<1x16xf32>
        tpu.vector_store %arg12[%swap3A_767, %swap3A_768], %swap3A_771 {strides = array<i32>} : memref<64x128xf32, #tpu.memory_space<vmem>>, vector<1x16xf32>,
        %get3A_772 = arith.index_cast %add3A_725 : i32 to index
        %get3A_773 = arith.constant 64 : index
        %get3A_774 = tpu.vector_load %arg12[%get3A_772, %get3A_773] {strides = array<i32>} : memref<64x128xf32, #tpu.memory_space<vmem>>, vector<1x16xf32>,
        %get3A_775 = vector.shape_cast %get3A_774 : vector<1x16xf32> to vector<16xf32>
        %mul3A_776 = vector.broadcast %squeeze3A_727 : f32 to vector<16xf32>
        %mul3A_777 = arith.mulf %get3A_775, %mul3A_776 : vector<16xf32>
        %swap3A_778 = arith.index_cast %add3A_725 : i32 to index
        %swap3A_779 = arith.constant 64 : index
        %swap3A_780 = tpu.vector_load %arg12[%swap3A_778, %swap3A_779] {strides = array<i32>} : memref<64x128xf32, #tpu.memory_space<vmem>>, vector<1x16xf32>,
        %swap3A_781 = vector.shape_cast %swap3A_780 : vector<1x16xf32> to vector<16xf32>
        %swap3A_782 = vector.shape_cast %mul3A_777 : vector<16xf32> to vector<1x16xf32>
        tpu.vector_store %arg12[%swap3A_778, %swap3A_779], %swap3A_782 {strides = array<i32>} : memref<64x128xf32, #tpu.memory_space<vmem>>, vector<1x16xf32>,
        %get3A_783 = arith.index_cast %add3A_725 : i32 to index
        %get3A_784 = arith.constant 80 : index
        %get3A_785 = tpu.vector_load %arg12[%get3A_783, %get3A_784] {strides = array<i32>} : memref<64x128xf32, #tpu.memory_space<vmem>>, vector<1x16xf32>,
        %get3A_786 = vector.shape_cast %get3A_785 : vector<1x16xf32> to vector<16xf32>
        %mul3A_787 = vector.broadcast %squeeze3A_727 : f32 to vector<16xf32>
        %mul3A_788 = arith.mulf %get3A_786, %mul3A_787 : vector<16xf32>
        %swap3A_789 = arith.index_cast %add3A_725 : i32 to index
        %swap3A_790 = arith.constant 80 : index
        %swap3A_791 = tpu.vector_load %arg12[%swap3A_789, %swap3A_790] {strides = array<i32>} : memref<64x128xf32, #tpu.memory_space<vmem>>, vector<1x16xf32>,
        %swap3A_792 = vector.shape_cast %swap3A_791 : vector<1x16xf32> to vector<16xf32>
        %swap3A_793 = vector.shape_cast %mul3A_788 : vector<16xf32> to vector<1x16xf32>
        tpu.vector_store %arg12[%swap3A_789, %swap3A_790], %swap3A_793 {strides = array<i32>} : memref<64x128xf32, #tpu.memory_space<vmem>>, vector<1x16xf32>,
        %get3A_794 = arith.index_cast %add3A_725 : i32 to index
        %get3A_795 = arith.constant 96 : index
        %get3A_796 = tpu.vector_load %arg12[%get3A_794, %get3A_795] {strides = array<i32>} : memref<64x128xf32, #tpu.memory_space<vmem>>, vector<1x16xf32>,
        %get3A_797 = vector.shape_cast %get3A_796 : vector<1x16xf32> to vector<16xf32>
        %mul3A_798 = vector.broadcast %squeeze3A_727 : f32 to vector<16xf32>
        %mul3A_799 = arith.mulf %get3A_797, %mul3A_798 : vector<16xf32>
        %swap3A_800 = arith.index_cast %add3A_725 : i32 to index
        %swap3A_801 = arith.constant 96 : index
        %swap3A_802 = tpu.vector_load %arg12[%swap3A_800, %swap3A_801] {strides = array<i32>} : memref<64x128xf32, #tpu.memory_space<vmem>>, vector<1x16xf32>,
        %swap3A_803 = vector.shape_cast %swap3A_802 : vector<1x16xf32> to vector<16xf32>
        %swap3A_804 = vector.shape_cast %mul3A_799 : vector<16xf32> to vector<1x16xf32>
        tpu.vector_store %arg12[%swap3A_800, %swap3A_801], %swap3A_804 {strides = array<i32>} : memref<64x128xf32, #tpu.memory_space<vmem>>, vector<1x16xf32>,
        %get3A_805 = arith.index_cast %add3A_725 : i32 to index
        %get3A_806 = arith.constant 112 : index
        %get3A_807 = tpu.vector_load %arg12[%get3A_805, %get3A_806] {strides = array<i32>} : memref<64x128xf32, #tpu.memory_space<vmem>>, vector<1x16xf32>,
        %get3A_808 = vector.shape_cast %get3A_807 : vector<1x16xf32> to vector<16xf32>
        %mul3A_809 = vector.broadcast %squeeze3A_727 : f32 to vector<16xf32>
        %mul3A_810 = arith.mulf %get3A_808, %mul3A_809 : vector<16xf32>
        %swap3A_811 = arith.index_cast %add3A_725 : i32 to index
        %swap3A_812 = arith.constant 112 : index
        %swap3A_813 = tpu.vector_load %arg12[%swap3A_811, %swap3A_812] {strides = array<i32>} : memref<64x128xf32, #tpu.memory_space<vmem>>, vector<1x16xf32>,
        %swap3A_814 = vector.shape_cast %swap3A_813 : vector<1x16xf32> to vector<16xf32>
        %swap3A_815 = vector.shape_cast %mul3A_810 : vector<16xf32> to vector<1x16xf32>
        tpu.vector_store %arg12[%swap3A_811, %swap3A_812], %swap3A_815 {strides = array<i32>} : memref<64x128xf32, #tpu.memory_space<vmem>>, vector<1x16xf32>,
        %mul3A_816 = arith.constant 16 : i32
        %mul3A_817 = arith.muli %scan3A_152, %mul3A_816 : i32
        %add3A_818 = arith.constant 7 : i32
        %add3A_819 = arith.addi %mul3A_817, %add3A_818 : i32
        %slice3A_820 = vector.extract_strided_slice %get3A_160 {offsets = [7], sizes = [1], strides = [1]} : vector<16xf32> to vector<1xf32>
        %squeeze3A_821 = vector.extract %slice3A_820[0] : f32 from vector<1xf32>
        %get3A_822 = arith.index_cast %add3A_819 : i32 to index
        %get3A_823 = arith.constant 0 : index
        %get3A_824 = tpu.vector_load %arg12[%get3A_822, %get3A_823] {strides = array<i32>} : memref<64x128xf32, #tpu.memory_space<vmem>>, vector<1x16xf32>,
        %get3A_825 = vector.shape_cast %get3A_824 : vector<1x16xf32> to vector<16xf32>
        %mul3A_826 = vector.broadcast %squeeze3A_821 : f32 to vector<16xf32>
        %mul3A_827 = arith.mulf %get3A_825, %mul3A_826 : vector<16xf32>
        %swap3A_828 = arith.index_cast %add3A_819 : i32 to index
        %swap3A_829 = arith.constant 0 : index
        %swap3A_830 = tpu.vector_load %arg12[%swap3A_828, %swap3A_829] {strides = array<i32>} : memref<64x128xf32, #tpu.memory_space<vmem>>, vector<1x16xf32>,
        %swap3A_831 = vector.shape_cast %swap3A_830 : vector<1x16xf32> to vector<16xf32>
        %swap3A_832 = vector.shape_cast %mul3A_827 : vector<16xf32> to vector<1x16xf32>
        tpu.vector_store %arg12[%swap3A_828, %swap3A_829], %swap3A_832 {strides = array<i32>} : memref<64x128xf32, #tpu.memory_space<vmem>>, vector<1x16xf32>,
        %get3A_833 = arith.index_cast %add3A_819 : i32 to index
        %get3A_834 = arith.constant 16 : index
        %get3A_835 = tpu.vector_load %arg12[%get3A_833, %get3A_834] {strides = array<i32>} : memref<64x128xf32, #tpu.memory_space<vmem>>, vector<1x16xf32>,
        %get3A_836 = vector.shape_cast %get3A_835 : vector<1x16xf32> to vector<16xf32>
        %mul3A_837 = vector.broadcast %squeeze3A_821 : f32 to vector<16xf32>
        %mul3A_838 = arith.mulf %get3A_836, %mul3A_837 : vector<16xf32>
        %swap3A_839 = arith.index_cast %add3A_819 : i32 to index
        %swap3A_840 = arith.constant 16 : index
        %swap3A_841 = tpu.vector_load %arg12[%swap3A_839, %swap3A_840] {strides = array<i32>} : memref<64x128xf32, #tpu.memory_space<vmem>>, vector<1x16xf32>,
        %swap3A_842 = vector.shape_cast %swap3A_841 : vector<1x16xf32> to vector<16xf32>
        %swap3A_843 = vector.shape_cast %mul3A_838 : vector<16xf32> to vector<1x16xf32>
        tpu.vector_store %arg12[%swap3A_839, %swap3A_840], %swap3A_843 {strides = array<i32>} : memref<64x128xf32, #tpu.memory_space<vmem>>, vector<1x16xf32>,
        %get3A_844 = arith.index_cast %add3A_819 : i32 to index
        %get3A_845 = arith.constant 32 : index
        %get3A_846 = tpu.vector_load %arg12[%get3A_844, %get3A_845] {strides = array<i32>} : memref<64x128xf32, #tpu.memory_space<vmem>>, vector<1x16xf32>,
        %get3A_847 = vector.shape_cast %get3A_846 : vector<1x16xf32> to vector<16xf32>
        %mul3A_848 = vector.broadcast %squeeze3A_821 : f32 to vector<16xf32>
        %mul3A_849 = arith.mulf %get3A_847, %mul3A_848 : vector<16xf32>
        %swap3A_850 = arith.index_cast %add3A_819 : i32 to index
        %swap3A_851 = arith.constant 32 : index
        %swap3A_852 = tpu.vector_load %arg12[%swap3A_850, %swap3A_851] {strides = array<i32>} : memref<64x128xf32, #tpu.memory_space<vmem>>, vector<1x16xf32>,
        %swap3A_853 = vector.shape_cast %swap3A_852 : vector<1x16xf32> to vector<16xf32>
        %swap3A_854 = vector.shape_cast %mul3A_849 : vector<16xf32> to vector<1x16xf32>
        tpu.vector_store %arg12[%swap3A_850, %swap3A_851], %swap3A_854 {strides = array<i32>} : memref<64x128xf32, #tpu.memory_space<vmem>>, vector<1x16xf32>,
        %get3A_855 = arith.index_cast %add3A_819 : i32 to index
        %get3A_856 = arith.constant 48 : index
        %get3A_857 = tpu.vector_load %arg12[%get3A_855, %get3A_856] {strides = array<i32>} : memref<64x128xf32, #tpu.memory_space<vmem>>, vector<1x16xf32>,
        %get3A_858 = vector.shape_cast %get3A_857 : vector<1x16xf32> to vector<16xf32>
        %mul3A_859 = vector.broadcast %squeeze3A_821 : f32 to vector<16xf32>
        %mul3A_860 = arith.mulf %get3A_858, %mul3A_859 : vector<16xf32>
        %swap3A_861 = arith.index_cast %add3A_819 : i32 to index
        %swap3A_862 = arith.constant 48 : index
        %swap3A_863 = tpu.vector_load %arg12[%swap3A_861, %swap3A_862] {strides = array<i32>} : memref<64x128xf32, #tpu.memory_space<vmem>>, vector<1x16xf32>,
        %swap3A_864 = vector.shape_cast %swap3A_863 : vector<1x16xf32> to vector<16xf32>
        %swap3A_865 = vector.shape_cast %mul3A_860 : vector<16xf32> to vector<1x16xf32>
        tpu.vector_store %arg12[%swap3A_861, %swap3A_862], %swap3A_865 {strides = array<i32>} : memref<64x128xf32, #tpu.memory_space<vmem>>, vector<1x16xf32>,
        %get3A_866 = arith.index_cast %add3A_819 : i32 to index
        %get3A_867 = arith.constant 64 : index
        %get3A_868 = tpu.vector_load %arg12[%get3A_866, %get3A_867] {strides = array<i32>} : memref<64x128xf32, #tpu.memory_space<vmem>>, vector<1x16xf32>,
        %get3A_869 = vector.shape_cast %get3A_868 : vector<1x16xf32> to vector<16xf32>
        %mul3A_870 = vector.broadcast %squeeze3A_821 : f32 to vector<16xf32>
        %mul3A_871 = arith.mulf %get3A_869, %mul3A_870 : vector<16xf32>
        %swap3A_872 = arith.index_cast %add3A_819 : i32 to index
        %swap3A_873 = arith.constant 64 : index
        %swap3A_874 = tpu.vector_load %arg12[%swap3A_872, %swap3A_873] {strides = array<i32>} : memref<64x128xf32, #tpu.memory_space<vmem>>, vector<1x16xf32>,
        %swap3A_875 = vector.shape_cast %swap3A_874 : vector<1x16xf32> to vector<16xf32>
        %swap3A_876 = vector.shape_cast %mul3A_871 : vector<16xf32> to vector<1x16xf32>
        tpu.vector_store %arg12[%swap3A_872, %swap3A_873], %swap3A_876 {strides = array<i32>} : memref<64x128xf32, #tpu.memory_space<vmem>>, vector<1x16xf32>,
        %get3A_877 = arith.index_cast %add3A_819 : i32 to index
        %get3A_878 = arith.constant 80 : index
        %get3A_879 = tpu.vector_load %arg12[%get3A_877, %get3A_878] {strides = array<i32>} : memref<64x128xf32, #tpu.memory_space<vmem>>, vector<1x16xf32>,
        %get3A_880 = vector.shape_cast %get3A_879 : vector<1x16xf32> to vector<16xf32>
        %mul3A_881 = vector.broadcast %squeeze3A_821 : f32 to vector<16xf32>
        %mul3A_882 = arith.mulf %get3A_880, %mul3A_881 : vector<16xf32>
        %swap3A_883 = arith.index_cast %add3A_819 : i32 to index
        %swap3A_884 = arith.constant 80 : index
        %swap3A_885 = tpu.vector_load %arg12[%swap3A_883, %swap3A_884] {strides = array<i32>} : memref<64x128xf32, #tpu.memory_space<vmem>>, vector<1x16xf32>,
        %swap3A_886 = vector.shape_cast %swap3A_885 : vector<1x16xf32> to vector<16xf32>
        %swap3A_887 = vector.shape_cast %mul3A_882 : vector<16xf32> to vector<1x16xf32>
        tpu.vector_store %arg12[%swap3A_883, %swap3A_884], %swap3A_887 {strides = array<i32>} : memref<64x128xf32, #tpu.memory_space<vmem>>, vector<1x16xf32>,
        %get3A_888 = arith.index_cast %add3A_819 : i32 to index
        %get3A_889 = arith.constant 96 : index
        %get3A_890 = tpu.vector_load %arg12[%get3A_888, %get3A_889] {strides = array<i32>} : memref<64x128xf32, #tpu.memory_space<vmem>>, vector<1x16xf32>,
        %get3A_891 = vector.shape_cast %get3A_890 : vector<1x16xf32> to vector<16xf32>
        %mul3A_892 = vector.broadcast %squeeze3A_821 : f32 to vector<16xf32>
        %mul3A_893 = arith.mulf %get3A_891, %mul3A_892 : vector<16xf32>
        %swap3A_894 = arith.index_cast %add3A_819 : i32 to index
        %swap3A_895 = arith.constant 96 : index
        %swap3A_896 = tpu.vector_load %arg12[%swap3A_894, %swap3A_895] {strides = array<i32>} : memref<64x128xf32, #tpu.memory_space<vmem>>, vector<1x16xf32>,
        %swap3A_897 = vector.shape_cast %swap3A_896 : vector<1x16xf32> to vector<16xf32>
        %swap3A_898 = vector.shape_cast %mul3A_893 : vector<16xf32> to vector<1x16xf32>
        tpu.vector_store %arg12[%swap3A_894, %swap3A_895], %swap3A_898 {strides = array<i32>} : memref<64x128xf32, #tpu.memory_space<vmem>>, vector<1x16xf32>,
        %get3A_899 = arith.index_cast %add3A_819 : i32 to index
        %get3A_900 = arith.constant 112 : index
        %get3A_901 = tpu.vector_load %arg12[%get3A_899, %get3A_900] {strides = array<i32>} : memref<64x128xf32, #tpu.memory_space<vmem>>, vector<1x16xf32>,
        %get3A_902 = vector.shape_cast %get3A_901 : vector<1x16xf32> to vector<16xf32>
        %mul3A_903 = vector.broadcast %squeeze3A_821 : f32 to vector<16xf32>
        %mul3A_904 = arith.mulf %get3A_902, %mul3A_903 : vector<16xf32>
        %swap3A_905 = arith.index_cast %add3A_819 : i32 to index
        %swap3A_906 = arith.constant 112 : index
        %swap3A_907 = tpu.vector_load %arg12[%swap3A_905, %swap3A_906] {strides = array<i32>} : memref<64x128xf32, #tpu.memory_space<vmem>>, vector<1x16xf32>,
        %swap3A_908 = vector.shape_cast %swap3A_907 : vector<1x16xf32> to vector<16xf32>
        %swap3A_909 = vector.shape_cast %mul3A_904 : vector<16xf32> to vector<1x16xf32>
        tpu.vector_store %arg12[%swap3A_905, %swap3A_906], %swap3A_909 {strides = array<i32>} : memref<64x128xf32, #tpu.memory_space<vmem>>, vector<1x16xf32>,
        %mul3A_910 = arith.constant 16 : i32
        %mul3A_911 = arith.muli %scan3A_152, %mul3A_910 : i32
        %add3A_912 = arith.constant 8 : i32
        %add3A_913 = arith.addi %mul3A_911, %add3A_912 : i32
        %slice3A_914 = vector.extract_strided_slice %get3A_160 {offsets = [8], sizes = [1], strides = [1]} : vector<16xf32> to vector<1xf32>
        %squeeze3A_915 = vector.extract %slice3A_914[0] : f32 from vector<1xf32>
        %get3A_916 = arith.index_cast %add3A_913 : i32 to index
        %get3A_917 = arith.constant 0 : index
        %get3A_918 = tpu.vector_load %arg12[%get3A_916, %get3A_917] {strides = array<i32>} : memref<64x128xf32, #tpu.memory_space<vmem>>, vector<1x16xf32>,
        %get3A_919 = vector.shape_cast %get3A_918 : vector<1x16xf32> to vector<16xf32>
        %mul3A_920 = vector.broadcast %squeeze3A_915 : f32 to vector<16xf32>
        %mul3A_921 = arith.mulf %get3A_919, %mul3A_920 : vector<16xf32>
        %swap3A_922 = arith.index_cast %add3A_913 : i32 to index
        %swap3A_923 = arith.constant 0 : index
        %swap3A_924 = tpu.vector_load %arg12[%swap3A_922, %swap3A_923] {strides = array<i32>} : memref<64x128xf32, #tpu.memory_space<vmem>>, vector<1x16xf32>,
        %swap3A_925 = vector.shape_cast %swap3A_924 : vector<1x16xf32> to vector<16xf32>
        %swap3A_926 = vector.shape_cast %mul3A_921 : vector<16xf32> to vector<1x16xf32>
        tpu.vector_store %arg12[%swap3A_922, %swap3A_923], %swap3A_926 {strides = array<i32>} : memref<64x128xf32, #tpu.memory_space<vmem>>, vector<1x16xf32>,
        %get3A_927 = arith.index_cast %add3A_913 : i32 to index
        %get3A_928 = arith.constant 16 : index
        %get3A_929 = tpu.vector_load %arg12[%get3A_927, %get3A_928] {strides = array<i32>} : memref<64x128xf32, #tpu.memory_space<vmem>>, vector<1x16xf32>,
        %get3A_930 = vector.shape_cast %get3A_929 : vector<1x16xf32> to vector<16xf32>
        %mul3A_931 = vector.broadcast %squeeze3A_915 : f32 to vector<16xf32>
        %mul3A_932 = arith.mulf %get3A_930, %mul3A_931 : vector<16xf32>
        %swap3A_933 = arith.index_cast %add3A_913 : i32 to index
        %swap3A_934 = arith.constant 16 : index
        %swap3A_935 = tpu.vector_load %arg12[%swap3A_933, %swap3A_934] {strides = array<i32>} : memref<64x128xf32, #tpu.memory_space<vmem>>, vector<1x16xf32>,
        %swap3A_936 = vector.shape_cast %swap3A_935 : vector<1x16xf32> to vector<16xf32>
        %swap3A_937 = vector.shape_cast %mul3A_932 : vector<16xf32> to vector<1x16xf32>
        tpu.vector_store %arg12[%swap3A_933, %swap3A_934], %swap3A_937 {strides = array<i32>} : memref<64x128xf32, #tpu.memory_space<vmem>>, vector<1x16xf32>,
        %get3A_938 = arith.index_cast %add3A_913 : i32 to index
        %get3A_939 = arith.constant 32 : index
        %get3A_940 = tpu.vector_load %arg12[%get3A_938, %get3A_939] {strides = array<i32>} : memref<64x128xf32, #tpu.memory_space<vmem>>, vector<1x16xf32>,
        %get3A_941 = vector.shape_cast %get3A_940 : vector<1x16xf32> to vector<16xf32>
        %mul3A_942 = vector.broadcast %squeeze3A_915 : f32 to vector<16xf32>
        %mul3A_943 = arith.mulf %get3A_941, %mul3A_942 : vector<16xf32>
        %swap3A_944 = arith.index_cast %add3A_913 : i32 to index
        %swap3A_945 = arith.constant 32 : index
        %swap3A_946 = tpu.vector_load %arg12[%swap3A_944, %swap3A_945] {strides = array<i32>} : memref<64x128xf32, #tpu.memory_space<vmem>>, vector<1x16xf32>,
        %swap3A_947 = vector.shape_cast %swap3A_946 : vector<1x16xf32> to vector<16xf32>
        %swap3A_948 = vector.shape_cast %mul3A_943 : vector<16xf32> to vector<1x16xf32>
        tpu.vector_store %arg12[%swap3A_944, %swap3A_945], %swap3A_948 {strides = array<i32>} : memref<64x128xf32, #tpu.memory_space<vmem>>, vector<1x16xf32>,
        %get3A_949 = arith.index_cast %add3A_913 : i32 to index
        %get3A_950 = arith.constant 48 : index
        %get3A_951 = tpu.vector_load %arg12[%get3A_949, %get3A_950] {strides = array<i32>} : memref<64x128xf32, #tpu.memory_space<vmem>>, vector<1x16xf32>,
        %get3A_952 = vector.shape_cast %get3A_951 : vector<1x16xf32> to vector<16xf32>
        %mul3A_953 = vector.broadcast %squeeze3A_915 : f32 to vector<16xf32>
        %mul3A_954 = arith.mulf %get3A_952, %mul3A_953 : vector<16xf32>
        %swap3A_955 = arith.index_cast %add3A_913 : i32 to index
        %swap3A_956 = arith.constant 48 : index
        %swap3A_957 = tpu.vector_load %arg12[%swap3A_955, %swap3A_956] {strides = array<i32>} : memref<64x128xf32, #tpu.memory_space<vmem>>, vector<1x16xf32>,
        %swap3A_958 = vector.shape_cast %swap3A_957 : vector<1x16xf32> to vector<16xf32>
        %swap3A_959 = vector.shape_cast %mul3A_954 : vector<16xf32> to vector<1x16xf32>
        tpu.vector_store %arg12[%swap3A_955, %swap3A_956], %swap3A_959 {strides = array<i32>} : memref<64x128xf32, #tpu.memory_space<vmem>>, vector<1x16xf32>,
        %get3A_960 = arith.index_cast %add3A_913 : i32 to index
        %get3A_961 = arith.constant 64 : index
        %get3A_962 = tpu.vector_load %arg12[%get3A_960, %get3A_961] {strides = array<i32>} : memref<64x128xf32, #tpu.memory_space<vmem>>, vector<1x16xf32>,
        %get3A_963 = vector.shape_cast %get3A_962 : vector<1x16xf32> to vector<16xf32>
        %mul3A_964 = vector.broadcast %squeeze3A_915 : f32 to vector<16xf32>
        %mul3A_965 = arith.mulf %get3A_963, %mul3A_964 : vector<16xf32>
        %swap3A_966 = arith.index_cast %add3A_913 : i32 to index
        %swap3A_967 = arith.constant 64 : index
        %swap3A_968 = tpu.vector_load %arg12[%swap3A_966, %swap3A_967] {strides = array<i32>} : memref<64x128xf32, #tpu.memory_space<vmem>>, vector<1x16xf32>,
        %swap3A_969 = vector.shape_cast %swap3A_968 : vector<1x16xf32> to vector<16xf32>
        %swap3A_970 = vector.shape_cast %mul3A_965 : vector<16xf32> to vector<1x16xf32>
        tpu.vector_store %arg12[%swap3A_966, %swap3A_967], %swap3A_970 {strides = array<i32>} : memref<64x128xf32, #tpu.memory_space<vmem>>, vector<1x16xf32>,
        %get3A_971 = arith.index_cast %add3A_913 : i32 to index
        %get3A_972 = arith.constant 80 : index
        %get3A_973 = tpu.vector_load %arg12[%get3A_971, %get3A_972] {strides = array<i32>} : memref<64x128xf32, #tpu.memory_space<vmem>>, vector<1x16xf32>,
        %get3A_974 = vector.shape_cast %get3A_973 : vector<1x16xf32> to vector<16xf32>
        %mul3A_975 = vector.broadcast %squeeze3A_915 : f32 to vector<16xf32>
        %mul3A_976 = arith.mulf %get3A_974, %mul3A_975 : vector<16xf32>
        %swap3A_977 = arith.index_cast %add3A_913 : i32 to index
        %swap3A_978 = arith.constant 80 : index
        %swap3A_979 = tpu.vector_load %arg12[%swap3A_977, %swap3A_978] {strides = array<i32>} : memref<64x128xf32, #tpu.memory_space<vmem>>, vector<1x16xf32>,
        %swap3A_980 = vector.shape_cast %swap3A_979 : vector<1x16xf32> to vector<16xf32>
        %swap3A_981 = vector.shape_cast %mul3A_976 : vector<16xf32> to vector<1x16xf32>
        tpu.vector_store %arg12[%swap3A_977, %swap3A_978], %swap3A_981 {strides = array<i32>} : memref<64x128xf32, #tpu.memory_space<vmem>>, vector<1x16xf32>,
        %get3A_982 = arith.index_cast %add3A_913 : i32 to index
        %get3A_983 = arith.constant 96 : index
        %get3A_984 = tpu.vector_load %arg12[%get3A_982, %get3A_983] {strides = array<i32>} : memref<64x128xf32, #tpu.memory_space<vmem>>, vector<1x16xf32>,
        %get3A_985 = vector.shape_cast %get3A_984 : vector<1x16xf32> to vector<16xf32>
        %mul3A_986 = vector.broadcast %squeeze3A_915 : f32 to vector<16xf32>
        %mul3A_987 = arith.mulf %get3A_985, %mul3A_986 : vector<16xf32>
        %swap3A_988 = arith.index_cast %add3A_913 : i32 to index
        %swap3A_989 = arith.constant 96 : index
        %swap3A_990 = tpu.vector_load %arg12[%swap3A_988, %swap3A_989] {strides = array<i32>} : memref<64x128xf32, #tpu.memory_space<vmem>>, vector<1x16xf32>,
        %swap3A_991 = vector.shape_cast %swap3A_990 : vector<1x16xf32> to vector<16xf32>
        %swap3A_992 = vector.shape_cast %mul3A_987 : vector<16xf32> to vector<1x16xf32>
        tpu.vector_store %arg12[%swap3A_988, %swap3A_989], %swap3A_992 {strides = array<i32>} : memref<64x128xf32, #tpu.memory_space<vmem>>, vector<1x16xf32>,
        %get3A_993 = arith.index_cast %add3A_913 : i32 to index
        %get3A_994 = arith.constant 112 : index
        %get3A_995 = tpu.vector_load %arg12[%get3A_993, %get3A_994] {strides = array<i32>} : memref<64x128xf32, #tpu.memory_space<vmem>>, vector<1x16xf32>,
        %get3A_996 = vector.shape_cast %get3A_995 : vector<1x16xf32> to vector<16xf32>
        %mul3A_997 = vector.broadcast %squeeze3A_915 : f32 to vector<16xf32>
        %mul3A_998 = arith.mulf %get3A_996, %mul3A_997 : vector<16xf32>
        %swap3A_999 = arith.index_cast %add3A_913 : i32 to index
        %swap3A_1000 = arith.constant 112 : index
        %swap3A_1001 = tpu.vector_load %arg12[%swap3A_999, %swap3A_1000] {strides = array<i32>} : memref<64x128xf32, #tpu.memory_space<vmem>>, vector<1x16xf32>,
        %swap3A_1002 = vector.shape_cast %swap3A_1001 : vector<1x16xf32> to vector<16xf32>
        %swap3A_1003 = vector.shape_cast %mul3A_998 : vector<16xf32> to vector<1x16xf32>
        tpu.vector_store %arg12[%swap3A_999, %swap3A_1000], %swap3A_1003 {strides = array<i32>} : memref<64x128xf32, #tpu.memory_space<vmem>>, vector<1x16xf32>,
        %mul3A_1004 = arith.constant 16 : i32
        %mul3A_1005 = arith.muli %scan3A_152, %mul3A_1004 : i32
        %add3A_1006 = arith.constant 9 : i32
        %add3A_1007 = arith.addi %mul3A_1005, %add3A_1006 : i32
        %slice3A_1008 = vector.extract_strided_slice %get3A_160 {offsets = [9], sizes = [1], strides = [1]} : vector<16xf32> to vector<1xf32>
        %squeeze3A_1009 = vector.extract %slice3A_1008[0] : f32 from vector<1xf32>
        %get3A_1010 = arith.index_cast %add3A_1007 : i32 to index
        %get3A_1011 = arith.constant 0 : index
        %get3A_1012 = tpu.vector_load %arg12[%get3A_1010, %get3A_1011] {strides = array<i32>} : memref<64x128xf32, #tpu.memory_space<vmem>>, vector<1x16xf32>,
        %get3A_1013 = vector.shape_cast %get3A_1012 : vector<1x16xf32> to vector<16xf32>
        %mul3A_1014 = vector.broadcast %squeeze3A_1009 : f32 to vector<16xf32>
        %mul3A_1015 = arith.mulf %get3A_1013, %mul3A_1014 : vector<16xf32>
        %swap3A_1016 = arith.index_cast %add3A_1007 : i32 to index
        %swap3A_1017 = arith.constant 0 : index
        %swap3A_1018 = tpu.vector_load %arg12[%swap3A_1016, %swap3A_1017] {strides = array<i32>} : memref<64x128xf32, #tpu.memory_space<vmem>>, vector<1x16xf32>,
        %swap3A_1019 = vector.shape_cast %swap3A_1018 : vector<1x16xf32> to vector<16xf32>
        %swap3A_1020 = vector.shape_cast %mul3A_1015 : vector<16xf32> to vector<1x16xf32>
        tpu.vector_store %arg12[%swap3A_1016, %swap3A_1017], %swap3A_1020 {strides = array<i32>} : memref<64x128xf32, #tpu.memory_space<vmem>>, vector<1x16xf32>,
        %get3A_1021 = arith.index_cast %add3A_1007 : i32 to index
        %get3A_1022 = arith.constant 16 : index
        %get3A_1023 = tpu.vector_load %arg12[%get3A_1021, %get3A_1022] {strides = array<i32>} : memref<64x128xf32, #tpu.memory_space<vmem>>, vector<1x16xf32>,
        %get3A_1024 = vector.shape_cast %get3A_1023 : vector<1x16xf32> to vector<16xf32>
        %mul3A_1025 = vector.broadcast %squeeze3A_1009 : f32 to vector<16xf32>
        %mul3A_1026 = arith.mulf %get3A_1024, %mul3A_1025 : vector<16xf32>
        %swap3A_1027 = arith.index_cast %add3A_1007 : i32 to index
        %swap3A_1028 = arith.constant 16 : index
        %swap3A_1029 = tpu.vector_load %arg12[%swap3A_1027, %swap3A_1028] {strides = array<i32>} : memref<64x128xf32, #tpu.memory_space<vmem>>, vector<1x16xf32>,
        %swap3A_1030 = vector.shape_cast %swap3A_1029 : vector<1x16xf32> to vector<16xf32>
        %swap3A_1031 = vector.shape_cast %mul3A_1026 : vector<16xf32> to vector<1x16xf32>
        tpu.vector_store %arg12[%swap3A_1027, %swap3A_1028], %swap3A_1031 {strides = array<i32>} : memref<64x128xf32, #tpu.memory_space<vmem>>, vector<1x16xf32>,
        %get3A_1032 = arith.index_cast %add3A_1007 : i32 to index
        %get3A_1033 = arith.constant 32 : index
        %get3A_1034 = tpu.vector_load %arg12[%get3A_1032, %get3A_1033] {strides = array<i32>} : memref<64x128xf32, #tpu.memory_space<vmem>>, vector<1x16xf32>,
        %get3A_1035 = vector.shape_cast %get3A_1034 : vector<1x16xf32> to vector<16xf32>
        %mul3A_1036 = vector.broadcast %squeeze3A_1009 : f32 to vector<16xf32>
        %mul3A_1037 = arith.mulf %get3A_1035, %mul3A_1036 : vector<16xf32>
        %swap3A_1038 = arith.index_cast %add3A_1007 : i32 to index
        %swap3A_1039 = arith.constant 32 : index
        %swap3A_1040 = tpu.vector_load %arg12[%swap3A_1038, %swap3A_1039] {strides = array<i32>} : memref<64x128xf32, #tpu.memory_space<vmem>>, vector<1x16xf32>,
        %swap3A_1041 = vector.shape_cast %swap3A_1040 : vector<1x16xf32> to vector<16xf32>
        %swap3A_1042 = vector.shape_cast %mul3A_1037 : vector<16xf32> to vector<1x16xf32>
        tpu.vector_store %arg12[%swap3A_1038, %swap3A_1039], %swap3A_1042 {strides = array<i32>} : memref<64x128xf32, #tpu.memory_space<vmem>>, vector<1x16xf32>,
        %get3A_1043 = arith.index_cast %add3A_1007 : i32 to index
        %get3A_1044 = arith.constant 48 : index
        %get3A_1045 = tpu.vector_load %arg12[%get3A_1043, %get3A_1044] {strides = array<i32>} : memref<64x128xf32, #tpu.memory_space<vmem>>, vector<1x16xf32>,
        %get3A_1046 = vector.shape_cast %get3A_1045 : vector<1x16xf32> to vector<16xf32>
        %mul3A_1047 = vector.broadcast %squeeze3A_1009 : f32 to vector<16xf32>
        %mul3A_1048 = arith.mulf %get3A_1046, %mul3A_1047 : vector<16xf32>
        %swap3A_1049 = arith.index_cast %add3A_1007 : i32 to index
        %swap3A_1050 = arith.constant 48 : index
        %swap3A_1051 = tpu.vector_load %arg12[%swap3A_1049, %swap3A_1050] {strides = array<i32>} : memref<64x128xf32, #tpu.memory_space<vmem>>, vector<1x16xf32>,
        %swap3A_1052 = vector.shape_cast %swap3A_1051 : vector<1x16xf32> to vector<16xf32>
        %swap3A_1053 = vector.shape_cast %mul3A_1048 : vector<16xf32> to vector<1x16xf32>
        tpu.vector_store %arg12[%swap3A_1049, %swap3A_1050], %swap3A_1053 {strides = array<i32>} : memref<64x128xf32, #tpu.memory_space<vmem>>, vector<1x16xf32>,
        %get3A_1054 = arith.index_cast %add3A_1007 : i32 to index
        %get3A_1055 = arith.constant 64 : index
        %get3A_1056 = tpu.vector_load %arg12[%get3A_1054, %get3A_1055] {strides = array<i32>} : memref<64x128xf32, #tpu.memory_space<vmem>>, vector<1x16xf32>,
        %get3A_1057 = vector.shape_cast %get3A_1056 : vector<1x16xf32> to vector<16xf32>
        %mul3A_1058 = vector.broadcast %squeeze3A_1009 : f32 to vector<16xf32>
        %mul3A_1059 = arith.mulf %get3A_1057, %mul3A_1058 : vector<16xf32>
        %swap3A_1060 = arith.index_cast %add3A_1007 : i32 to index
        %swap3A_1061 = arith.constant 64 : index
        %swap3A_1062 = tpu.vector_load %arg12[%swap3A_1060, %swap3A_1061] {strides = array<i32>} : memref<64x128xf32, #tpu.memory_space<vmem>>, vector<1x16xf32>,
        %swap3A_1063 = vector.shape_cast %swap3A_1062 : vector<1x16xf32> to vector<16xf32>
        %swap3A_1064 = vector.shape_cast %mul3A_1059 : vector<16xf32> to vector<1x16xf32>
        tpu.vector_store %arg12[%swap3A_1060, %swap3A_1061], %swap3A_1064 {strides = array<i32>} : memref<64x128xf32, #tpu.memory_space<vmem>>, vector<1x16xf32>,
        %get3A_1065 = arith.index_cast %add3A_1007 : i32 to index
        %get3A_1066 = arith.constant 80 : index
        %get3A_1067 = tpu.vector_load %arg12[%get3A_1065, %get3A_1066] {strides = array<i32>} : memref<64x128xf32, #tpu.memory_space<vmem>>, vector<1x16xf32>,
        %get3A_1068 = vector.shape_cast %get3A_1067 : vector<1x16xf32> to vector<16xf32>
        %mul3A_1069 = vector.broadcast %squeeze3A_1009 : f32 to vector<16xf32>
        %mul3A_1070 = arith.mulf %get3A_1068, %mul3A_1069 : vector<16xf32>
        %swap3A_1071 = arith.index_cast %add3A_1007 : i32 to index
        %swap3A_1072 = arith.constant 80 : index
        %swap3A_1073 = tpu.vector_load %arg12[%swap3A_1071, %swap3A_1072] {strides = array<i32>} : memref<64x128xf32, #tpu.memory_space<vmem>>, vector<1x16xf32>,
        %swap3A_1074 = vector.shape_cast %swap3A_1073 : vector<1x16xf32> to vector<16xf32>
        %swap3A_1075 = vector.shape_cast %mul3A_1070 : vector<16xf32> to vector<1x16xf32>
        tpu.vector_store %arg12[%swap3A_1071, %swap3A_1072], %swap3A_1075 {strides = array<i32>} : memref<64x128xf32, #tpu.memory_space<vmem>>, vector<1x16xf32>,
        %get3A_1076 = arith.index_cast %add3A_1007 : i32 to index
        %get3A_1077 = arith.constant 96 : index
        %get3A_1078 = tpu.vector_load %arg12[%get3A_1076, %get3A_1077] {strides = array<i32>} : memref<64x128xf32, #tpu.memory_space<vmem>>, vector<1x16xf32>,
        %get3A_1079 = vector.shape_cast %get3A_1078 : vector<1x16xf32> to vector<16xf32>
        %mul3A_1080 = vector.broadcast %squeeze3A_1009 : f32 to vector<16xf32>
        %mul3A_1081 = arith.mulf %get3A_1079, %mul3A_1080 : vector<16xf32>
        %swap3A_1082 = arith.index_cast %add3A_1007 : i32 to index
        %swap3A_1083 = arith.constant 96 : index
        %swap3A_1084 = tpu.vector_load %arg12[%swap3A_1082, %swap3A_1083] {strides = array<i32>} : memref<64x128xf32, #tpu.memory_space<vmem>>, vector<1x16xf32>,
        %swap3A_1085 = vector.shape_cast %swap3A_1084 : vector<1x16xf32> to vector<16xf32>
        %swap3A_1086 = vector.shape_cast %mul3A_1081 : vector<16xf32> to vector<1x16xf32>
        tpu.vector_store %arg12[%swap3A_1082, %swap3A_1083], %swap3A_1086 {strides = array<i32>} : memref<64x128xf32, #tpu.memory_space<vmem>>, vector<1x16xf32>,
        %get3A_1087 = arith.index_cast %add3A_1007 : i32 to index
        %get3A_1088 = arith.constant 112 : index
        %get3A_1089 = tpu.vector_load %arg12[%get3A_1087, %get3A_1088] {strides = array<i32>} : memref<64x128xf32, #tpu.memory_space<vmem>>, vector<1x16xf32>,
        %get3A_1090 = vector.shape_cast %get3A_1089 : vector<1x16xf32> to vector<16xf32>
        %mul3A_1091 = vector.broadcast %squeeze3A_1009 : f32 to vector<16xf32>
        %mul3A_1092 = arith.mulf %get3A_1090, %mul3A_1091 : vector<16xf32>
        %swap3A_1093 = arith.index_cast %add3A_1007 : i32 to index
        %swap3A_1094 = arith.constant 112 : index
        %swap3A_1095 = tpu.vector_load %arg12[%swap3A_1093, %swap3A_1094] {strides = array<i32>} : memref<64x128xf32, #tpu.memory_space<vmem>>, vector<1x16xf32>,
        %swap3A_1096 = vector.shape_cast %swap3A_1095 : vector<1x16xf32> to vector<16xf32>
        %swap3A_1097 = vector.shape_cast %mul3A_1092 : vector<16xf32> to vector<1x16xf32>
        tpu.vector_store %arg12[%swap3A_1093, %swap3A_1094], %swap3A_1097 {strides = array<i32>} : memref<64x128xf32, #tpu.memory_space<vmem>>, vector<1x16xf32>,
        %mul3A_1098 = arith.constant 16 : i32
        %mul3A_1099 = arith.muli %scan3A_152, %mul3A_1098 : i32
        %add3A_1100 = arith.constant 10 : i32
        %add3A_1101 = arith.addi %mul3A_1099, %add3A_1100 : i32
        %slice3A_1102 = vector.extract_strided_slice %get3A_160 {offsets = [10], sizes = [1], strides = [1]} : vector<16xf32> to vector<1xf32>
        %squeeze3A_1103 = vector.extract %slice3A_1102[0] : f32 from vector<1xf32>
        %get3A_1104 = arith.index_cast %add3A_1101 : i32 to index
        %get3A_1105 = arith.constant 0 : index
        %get3A_1106 = tpu.vector_load %arg12[%get3A_1104, %get3A_1105] {strides = array<i32>} : memref<64x128xf32, #tpu.memory_space<vmem>>, vector<1x16xf32>,
        %get3A_1107 = vector.shape_cast %get3A_1106 : vector<1x16xf32> to vector<16xf32>
        %mul3A_1108 = vector.broadcast %squeeze3A_1103 : f32 to vector<16xf32>
        %mul3A_1109 = arith.mulf %get3A_1107, %mul3A_1108 : vector<16xf32>
        %swap3A_1110 = arith.index_cast %add3A_1101 : i32 to index
        %swap3A_1111 = arith.constant 0 : index
        %swap3A_1112 = tpu.vector_load %arg12[%swap3A_1110, %swap3A_1111] {strides = array<i32>} : memref<64x128xf32, #tpu.memory_space<vmem>>, vector<1x16xf32>,
        %swap3A_1113 = vector.shape_cast %swap3A_1112 : vector<1x16xf32> to vector<16xf32>
        %swap3A_1114 = vector.shape_cast %mul3A_1109 : vector<16xf32> to vector<1x16xf32>
        tpu.vector_store %arg12[%swap3A_1110, %swap3A_1111], %swap3A_1114 {strides = array<i32>} : memref<64x128xf32, #tpu.memory_space<vmem>>, vector<1x16xf32>,
        %get3A_1115 = arith.index_cast %add3A_1101 : i32 to index
        %get3A_1116 = arith.constant 16 : index
        %get3A_1117 = tpu.vector_load %arg12[%get3A_1115, %get3A_1116] {strides = array<i32>} : memref<64x128xf32, #tpu.memory_space<vmem>>, vector<1x16xf32>,
        %get3A_1118 = vector.shape_cast %get3A_1117 : vector<1x16xf32> to vector<16xf32>
        %mul3A_1119 = vector.broadcast %squeeze3A_1103 : f32 to vector<16xf32>
        %mul3A_1120 = arith.mulf %get3A_1118, %mul3A_1119 : vector<16xf32>
        %swap3A_1121 = arith.index_cast %add3A_1101 : i32 to index
        %swap3A_1122 = arith.constant 16 : index
        %swap3A_1123 = tpu.vector_load %arg12[%swap3A_1121, %swap3A_1122] {strides = array<i32>} : memref<64x128xf32, #tpu.memory_space<vmem>>, vector<1x16xf32>,
        %swap3A_1124 = vector.shape_cast %swap3A_1123 : vector<1x16xf32> to vector<16xf32>
        %swap3A_1125 = vector.shape_cast %mul3A_1120 : vector<16xf32> to vector<1x16xf32>
        tpu.vector_store %arg12[%swap3A_1121, %swap3A_1122], %swap3A_1125 {strides = array<i32>} : memref<64x128xf32, #tpu.memory_space<vmem>>, vector<1x16xf32>,
        %get3A_1126 = arith.index_cast %add3A_1101 : i32 to index
        %get3A_1127 = arith.constant 32 : index
        %get3A_1128 = tpu.vector_load %arg12[%get3A_1126, %get3A_1127] {strides = array<i32>} : memref<64x128xf32, #tpu.memory_space<vmem>>, vector<1x16xf32>,
        %get3A_1129 = vector.shape_cast %get3A_1128 : vector<1x16xf32> to vector<16xf32>
        %mul3A_1130 = vector.broadcast %squeeze3A_1103 : f32 to vector<16xf32>
        %mul3A_1131 = arith.mulf %get3A_1129, %mul3A_1130 : vector<16xf32>
        %swap3A_1132 = arith.index_cast %add3A_1101 : i32 to index
        %swap3A_1133 = arith.constant 32 : index
        %swap3A_1134 = tpu.vector_load %arg12[%swap3A_1132, %swap3A_1133] {strides = array<i32>} : memref<64x128xf32, #tpu.memory_space<vmem>>, vector<1x16xf32>,
        %swap3A_1135 = vector.shape_cast %swap3A_1134 : vector<1x16xf32> to vector<16xf32>
        %swap3A_1136 = vector.shape_cast %mul3A_1131 : vector<16xf32> to vector<1x16xf32>
        tpu.vector_store %arg12[%swap3A_1132, %swap3A_1133], %swap3A_1136 {strides = array<i32>} : memref<64x128xf32, #tpu.memory_space<vmem>>, vector<1x16xf32>,
        %get3A_1137 = arith.index_cast %add3A_1101 : i32 to index
        %get3A_1138 = arith.constant 48 : index
        %get3A_1139 = tpu.vector_load %arg12[%get3A_1137, %get3A_1138] {strides = array<i32>} : memref<64x128xf32, #tpu.memory_space<vmem>>, vector<1x16xf32>,
        %get3A_1140 = vector.shape_cast %get3A_1139 : vector<1x16xf32> to vector<16xf32>
        %mul3A_1141 = vector.broadcast %squeeze3A_1103 : f32 to vector<16xf32>
        %mul3A_1142 = arith.mulf %get3A_1140, %mul3A_1141 : vector<16xf32>
        %swap3A_1143 = arith.index_cast %add3A_1101 : i32 to index
        %swap3A_1144 = arith.constant 48 : index
        %swap3A_1145 = tpu.vector_load %arg12[%swap3A_1143, %swap3A_1144] {strides = array<i32>} : memref<64x128xf32, #tpu.memory_space<vmem>>, vector<1x16xf32>,
        %swap3A_1146 = vector.shape_cast %swap3A_1145 : vector<1x16xf32> to vector<16xf32>
        %swap3A_1147 = vector.shape_cast %mul3A_1142 : vector<16xf32> to vector<1x16xf32>
        tpu.vector_store %arg12[%swap3A_1143, %swap3A_1144], %swap3A_1147 {strides = array<i32>} : memref<64x128xf32, #tpu.memory_space<vmem>>, vector<1x16xf32>,
        %get3A_1148 = arith.index_cast %add3A_1101 : i32 to index
        %get3A_1149 = arith.constant 64 : index
        %get3A_1150 = tpu.vector_load %arg12[%get3A_1148, %get3A_1149] {strides = array<i32>} : memref<64x128xf32, #tpu.memory_space<vmem>>, vector<1x16xf32>,
        %get3A_1151 = vector.shape_cast %get3A_1150 : vector<1x16xf32> to vector<16xf32>
        %mul3A_1152 = vector.broadcast %squeeze3A_1103 : f32 to vector<16xf32>
        %mul3A_1153 = arith.mulf %get3A_1151, %mul3A_1152 : vector<16xf32>
        %swap3A_1154 = arith.index_cast %add3A_1101 : i32 to index
        %swap3A_1155 = arith.constant 64 : index
        %swap3A_1156 = tpu.vector_load %arg12[%swap3A_1154, %swap3A_1155] {strides = array<i32>} : memref<64x128xf32, #tpu.memory_space<vmem>>, vector<1x16xf32>,
        %swap3A_1157 = vector.shape_cast %swap3A_1156 : vector<1x16xf32> to vector<16xf32>
        %swap3A_1158 = vector.shape_cast %mul3A_1153 : vector<16xf32> to vector<1x16xf32>
        tpu.vector_store %arg12[%swap3A_1154, %swap3A_1155], %swap3A_1158 {strides = array<i32>} : memref<64x128xf32, #tpu.memory_space<vmem>>, vector<1x16xf32>,
        %get3A_1159 = arith.index_cast %add3A_1101 : i32 to index
        %get3A_1160 = arith.constant 80 : index
        %get3A_1161 = tpu.vector_load %arg12[%get3A_1159, %get3A_1160] {strides = array<i32>} : memref<64x128xf32, #tpu.memory_space<vmem>>, vector<1x16xf32>,
        %get3A_1162 = vector.shape_cast %get3A_1161 : vector<1x16xf32> to vector<16xf32>
        %mul3A_1163 = vector.broadcast %squeeze3A_1103 : f32 to vector<16xf32>
        %mul3A_1164 = arith.mulf %get3A_1162, %mul3A_1163 : vector<16xf32>
        %swap3A_1165 = arith.index_cast %add3A_1101 : i32 to index
        %swap3A_1166 = arith.constant 80 : index
        %swap3A_1167 = tpu.vector_load %arg12[%swap3A_1165, %swap3A_1166] {strides = array<i32>} : memref<64x128xf32, #tpu.memory_space<vmem>>, vector<1x16xf32>,
        %swap3A_1168 = vector.shape_cast %swap3A_1167 : vector<1x16xf32> to vector<16xf32>
        %swap3A_1169 = vector.shape_cast %mul3A_1164 : vector<16xf32> to vector<1x16xf32>
        tpu.vector_store %arg12[%swap3A_1165, %swap3A_1166], %swap3A_1169 {strides = array<i32>} : memref<64x128xf32, #tpu.memory_space<vmem>>, vector<1x16xf32>,
        %get3A_1170 = arith.index_cast %add3A_1101 : i32 to index
        %get3A_1171 = arith.constant 96 : index
        %get3A_1172 = tpu.vector_load %arg12[%get3A_1170, %get3A_1171] {strides = array<i32>} : memref<64x128xf32, #tpu.memory_space<vmem>>, vector<1x16xf32>,
        %get3A_1173 = vector.shape_cast %get3A_1172 : vector<1x16xf32> to vector<16xf32>
        %mul3A_1174 = vector.broadcast %squeeze3A_1103 : f32 to vector<16xf32>
        %mul3A_1175 = arith.mulf %get3A_1173, %mul3A_1174 : vector<16xf32>
        %swap3A_1176 = arith.index_cast %add3A_1101 : i32 to index
        %swap3A_1177 = arith.constant 96 : index
        %swap3A_1178 = tpu.vector_load %arg12[%swap3A_1176, %swap3A_1177] {strides = array<i32>} : memref<64x128xf32, #tpu.memory_space<vmem>>, vector<1x16xf32>,
        %swap3A_1179 = vector.shape_cast %swap3A_1178 : vector<1x16xf32> to vector<16xf32>
        %swap3A_1180 = vector.shape_cast %mul3A_1175 : vector<16xf32> to vector<1x16xf32>
        tpu.vector_store %arg12[%swap3A_1176, %swap3A_1177], %swap3A_1180 {strides = array<i32>} : memref<64x128xf32, #tpu.memory_space<vmem>>, vector<1x16xf32>,
        %get3A_1181 = arith.index_cast %add3A_1101 : i32 to index
        %get3A_1182 = arith.constant 112 : index
        %get3A_1183 = tpu.vector_load %arg12[%get3A_1181, %get3A_1182] {strides = array<i32>} : memref<64x128xf32, #tpu.memory_space<vmem>>, vector<1x16xf32>,
        %get3A_1184 = vector.shape_cast %get3A_1183 : vector<1x16xf32> to vector<16xf32>
        %mul3A_1185 = vector.broadcast %squeeze3A_1103 : f32 to vector<16xf32>
        %mul3A_1186 = arith.mulf %get3A_1184, %mul3A_1185 : vector<16xf32>
        %swap3A_1187 = arith.index_cast %add3A_1101 : i32 to index
        %swap3A_1188 = arith.constant 112 : index
        %swap3A_1189 = tpu.vector_load %arg12[%swap3A_1187, %swap3A_1188] {strides = array<i32>} : memref<64x128xf32, #tpu.memory_space<vmem>>, vector<1x16xf32>,
        %swap3A_1190 = vector.shape_cast %swap3A_1189 : vector<1x16xf32> to vector<16xf32>
        %swap3A_1191 = vector.shape_cast %mul3A_1186 : vector<16xf32> to vector<1x16xf32>
        tpu.vector_store %arg12[%swap3A_1187, %swap3A_1188], %swap3A_1191 {strides = array<i32>} : memref<64x128xf32, #tpu.memory_space<vmem>>, vector<1x16xf32>,
        %mul3A_1192 = arith.constant 16 : i32
        %mul3A_1193 = arith.muli %scan3A_152, %mul3A_1192 : i32
        %add3A_1194 = arith.constant 11 : i32
        %add3A_1195 = arith.addi %mul3A_1193, %add3A_1194 : i32
        %slice3A_1196 = vector.extract_strided_slice %get3A_160 {offsets = [11], sizes = [1], strides = [1]} : vector<16xf32> to vector<1xf32>
        %squeeze3A_1197 = vector.extract %slice3A_1196[0] : f32 from vector<1xf32>
        %get3A_1198 = arith.index_cast %add3A_1195 : i32 to index
        %get3A_1199 = arith.constant 0 : index
        %get3A_1200 = tpu.vector_load %arg12[%get3A_1198, %get3A_1199] {strides = array<i32>} : memref<64x128xf32, #tpu.memory_space<vmem>>, vector<1x16xf32>,
        %get3A_1201 = vector.shape_cast %get3A_1200 : vector<1x16xf32> to vector<16xf32>
        %mul3A_1202 = vector.broadcast %squeeze3A_1197 : f32 to vector<16xf32>
        %mul3A_1203 = arith.mulf %get3A_1201, %mul3A_1202 : vector<16xf32>
        %swap3A_1204 = arith.index_cast %add3A_1195 : i32 to index
        %swap3A_1205 = arith.constant 0 : index
        %swap3A_1206 = tpu.vector_load %arg12[%swap3A_1204, %swap3A_1205] {strides = array<i32>} : memref<64x128xf32, #tpu.memory_space<vmem>>, vector<1x16xf32>,
        %swap3A_1207 = vector.shape_cast %swap3A_1206 : vector<1x16xf32> to vector<16xf32>
        %swap3A_1208 = vector.shape_cast %mul3A_1203 : vector<16xf32> to vector<1x16xf32>
        tpu.vector_store %arg12[%swap3A_1204, %swap3A_1205], %swap3A_1208 {strides = array<i32>} : memref<64x128xf32, #tpu.memory_space<vmem>>, vector<1x16xf32>,
        %get3A_1209 = arith.index_cast %add3A_1195 : i32 to index
        %get3A_1210 = arith.constant 16 : index
        %get3A_1211 = tpu.vector_load %arg12[%get3A_1209, %get3A_1210] {strides = array<i32>} : memref<64x128xf32, #tpu.memory_space<vmem>>, vector<1x16xf32>,
        %get3A_1212 = vector.shape_cast %get3A_1211 : vector<1x16xf32> to vector<16xf32>
        %mul3A_1213 = vector.broadcast %squeeze3A_1197 : f32 to vector<16xf32>
        %mul3A_1214 = arith.mulf %get3A_1212, %mul3A_1213 : vector<16xf32>
        %swap3A_1215 = arith.index_cast %add3A_1195 : i32 to index
        %swap3A_1216 = arith.constant 16 : index
        %swap3A_1217 = tpu.vector_load %arg12[%swap3A_1215, %swap3A_1216] {strides = array<i32>} : memref<64x128xf32, #tpu.memory_space<vmem>>, vector<1x16xf32>,
        %swap3A_1218 = vector.shape_cast %swap3A_1217 : vector<1x16xf32> to vector<16xf32>
        %swap3A_1219 = vector.shape_cast %mul3A_1214 : vector<16xf32> to vector<1x16xf32>
        tpu.vector_store %arg12[%swap3A_1215, %swap3A_1216], %swap3A_1219 {strides = array<i32>} : memref<64x128xf32, #tpu.memory_space<vmem>>, vector<1x16xf32>,
        %get3A_1220 = arith.index_cast %add3A_1195 : i32 to index
        %get3A_1221 = arith.constant 32 : index
        %get3A_1222 = tpu.vector_load %arg12[%get3A_1220, %get3A_1221] {strides = array<i32>} : memref<64x128xf32, #tpu.memory_space<vmem>>, vector<1x16xf32>,
        %get3A_1223 = vector.shape_cast %get3A_1222 : vector<1x16xf32> to vector<16xf32>
        %mul3A_1224 = vector.broadcast %squeeze3A_1197 : f32 to vector<16xf32>
        %mul3A_1225 = arith.mulf %get3A_1223, %mul3A_1224 : vector<16xf32>
        %swap3A_1226 = arith.index_cast %add3A_1195 : i32 to index
        %swap3A_1227 = arith.constant 32 : index
        %swap3A_1228 = tpu.vector_load %arg12[%swap3A_1226, %swap3A_1227] {strides = array<i32>} : memref<64x128xf32, #tpu.memory_space<vmem>>, vector<1x16xf32>,
        %swap3A_1229 = vector.shape_cast %swap3A_1228 : vector<1x16xf32> to vector<16xf32>
        %swap3A_1230 = vector.shape_cast %mul3A_1225 : vector<16xf32> to vector<1x16xf32>
        tpu.vector_store %arg12[%swap3A_1226, %swap3A_1227], %swap3A_1230 {strides = array<i32>} : memref<64x128xf32, #tpu.memory_space<vmem>>, vector<1x16xf32>,
        %get3A_1231 = arith.index_cast %add3A_1195 : i32 to index
        %get3A_1232 = arith.constant 48 : index
        %get3A_1233 = tpu.vector_load %arg12[%get3A_1231, %get3A_1232] {strides = array<i32>} : memref<64x128xf32, #tpu.memory_space<vmem>>, vector<1x16xf32>,
        %get3A_1234 = vector.shape_cast %get3A_1233 : vector<1x16xf32> to vector<16xf32>
        %mul3A_1235 = vector.broadcast %squeeze3A_1197 : f32 to vector<16xf32>
        %mul3A_1236 = arith.mulf %get3A_1234, %mul3A_1235 : vector<16xf32>
        %swap3A_1237 = arith.index_cast %add3A_1195 : i32 to index
        %swap3A_1238 = arith.constant 48 : index
        %swap3A_1239 = tpu.vector_load %arg12[%swap3A_1237, %swap3A_1238] {strides = array<i32>} : memref<64x128xf32, #tpu.memory_space<vmem>>, vector<1x16xf32>,
        %swap3A_1240 = vector.shape_cast %swap3A_1239 : vector<1x16xf32> to vector<16xf32>
        %swap3A_1241 = vector.shape_cast %mul3A_1236 : vector<16xf32> to vector<1x16xf32>
        tpu.vector_store %arg12[%swap3A_1237, %swap3A_1238], %swap3A_1241 {strides = array<i32>} : memref<64x128xf32, #tpu.memory_space<vmem>>, vector<1x16xf32>,
        %get3A_1242 = arith.index_cast %add3A_1195 : i32 to index
        %get3A_1243 = arith.constant 64 : index
        %get3A_1244 = tpu.vector_load %arg12[%get3A_1242, %get3A_1243] {strides = array<i32>} : memref<64x128xf32, #tpu.memory_space<vmem>>, vector<1x16xf32>,
        %get3A_1245 = vector.shape_cast %get3A_1244 : vector<1x16xf32> to vector<16xf32>
        %mul3A_1246 = vector.broadcast %squeeze3A_1197 : f32 to vector<16xf32>
        %mul3A_1247 = arith.mulf %get3A_1245, %mul3A_1246 : vector<16xf32>
        %swap3A_1248 = arith.index_cast %add3A_1195 : i32 to index
        %swap3A_1249 = arith.constant 64 : index
        %swap3A_1250 = tpu.vector_load %arg12[%swap3A_1248, %swap3A_1249] {strides = array<i32>} : memref<64x128xf32, #tpu.memory_space<vmem>>, vector<1x16xf32>,
        %swap3A_1251 = vector.shape_cast %swap3A_1250 : vector<1x16xf32> to vector<16xf32>
        %swap3A_1252 = vector.shape_cast %mul3A_1247 : vector<16xf32> to vector<1x16xf32>
        tpu.vector_store %arg12[%swap3A_1248, %swap3A_1249], %swap3A_1252 {strides = array<i32>} : memref<64x128xf32, #tpu.memory_space<vmem>>, vector<1x16xf32>,
        %get3A_1253 = arith.index_cast %add3A_1195 : i32 to index
        %get3A_1254 = arith.constant 80 : index
        %get3A_1255 = tpu.vector_load %arg12[%get3A_1253, %get3A_1254] {strides = array<i32>} : memref<64x128xf32, #tpu.memory_space<vmem>>, vector<1x16xf32>,
        %get3A_1256 = vector.shape_cast %get3A_1255 : vector<1x16xf32> to vector<16xf32>
        %mul3A_1257 = vector.broadcast %squeeze3A_1197 : f32 to vector<16xf32>
        %mul3A_1258 = arith.mulf %get3A_1256, %mul3A_1257 : vector<16xf32>
        %swap3A_1259 = arith.index_cast %add3A_1195 : i32 to index
        %swap3A_1260 = arith.constant 80 : index
        %swap3A_1261 = tpu.vector_load %arg12[%swap3A_1259, %swap3A_1260] {strides = array<i32>} : memref<64x128xf32, #tpu.memory_space<vmem>>, vector<1x16xf32>,
        %swap3A_1262 = vector.shape_cast %swap3A_1261 : vector<1x16xf32> to vector<16xf32>
        %swap3A_1263 = vector.shape_cast %mul3A_1258 : vector<16xf32> to vector<1x16xf32>
        tpu.vector_store %arg12[%swap3A_1259, %swap3A_1260], %swap3A_1263 {strides = array<i32>} : memref<64x128xf32, #tpu.memory_space<vmem>>, vector<1x16xf32>,
        %get3A_1264 = arith.index_cast %add3A_1195 : i32 to index
        %get3A_1265 = arith.constant 96 : index
        %get3A_1266 = tpu.vector_load %arg12[%get3A_1264, %get3A_1265] {strides = array<i32>} : memref<64x128xf32, #tpu.memory_space<vmem>>, vector<1x16xf32>,
        %get3A_1267 = vector.shape_cast %get3A_1266 : vector<1x16xf32> to vector<16xf32>
        %mul3A_1268 = vector.broadcast %squeeze3A_1197 : f32 to vector<16xf32>
        %mul3A_1269 = arith.mulf %get3A_1267, %mul3A_1268 : vector<16xf32>
        %swap3A_1270 = arith.index_cast %add3A_1195 : i32 to index
        %swap3A_1271 = arith.constant 96 : index
        %swap3A_1272 = tpu.vector_load %arg12[%swap3A_1270, %swap3A_1271] {strides = array<i32>} : memref<64x128xf32, #tpu.memory_space<vmem>>, vector<1x16xf32>,
        %swap3A_1273 = vector.shape_cast %swap3A_1272 : vector<1x16xf32> to vector<16xf32>
        %swap3A_1274 = vector.shape_cast %mul3A_1269 : vector<16xf32> to vector<1x16xf32>
        tpu.vector_store %arg12[%swap3A_1270, %swap3A_1271], %swap3A_1274 {strides = array<i32>} : memref<64x128xf32, #tpu.memory_space<vmem>>, vector<1x16xf32>,
        %get3A_1275 = arith.index_cast %add3A_1195 : i32 to index
        %get3A_1276 = arith.constant 112 : index
        %get3A_1277 = tpu.vector_load %arg12[%get3A_1275, %get3A_1276] {strides = array<i32>} : memref<64x128xf32, #tpu.memory_space<vmem>>, vector<1x16xf32>,
        %get3A_1278 = vector.shape_cast %get3A_1277 : vector<1x16xf32> to vector<16xf32>
        %mul3A_1279 = vector.broadcast %squeeze3A_1197 : f32 to vector<16xf32>
        %mul3A_1280 = arith.mulf %get3A_1278, %mul3A_1279 : vector<16xf32>
        %swap3A_1281 = arith.index_cast %add3A_1195 : i32 to index
        %swap3A_1282 = arith.constant 112 : index
        %swap3A_1283 = tpu.vector_load %arg12[%swap3A_1281, %swap3A_1282] {strides = array<i32>} : memref<64x128xf32, #tpu.memory_space<vmem>>, vector<1x16xf32>,
        %swap3A_1284 = vector.shape_cast %swap3A_1283 : vector<1x16xf32> to vector<16xf32>
        %swap3A_1285 = vector.shape_cast %mul3A_1280 : vector<16xf32> to vector<1x16xf32>
        tpu.vector_store %arg12[%swap3A_1281, %swap3A_1282], %swap3A_1285 {strides = array<i32>} : memref<64x128xf32, #tpu.memory_space<vmem>>, vector<1x16xf32>,
        %mul3A_1286 = arith.constant 16 : i32
        %mul3A_1287 = arith.muli %scan3A_152, %mul3A_1286 : i32
        %add3A_1288 = arith.constant 12 : i32
        %add3A_1289 = arith.addi %mul3A_1287, %add3A_1288 : i32
        %slice3A_1290 = vector.extract_strided_slice %get3A_160 {offsets = [12], sizes = [1], strides = [1]} : vector<16xf32> to vector<1xf32>
        %squeeze3A_1291 = vector.extract %slice3A_1290[0] : f32 from vector<1xf32>
        %get3A_1292 = arith.index_cast %add3A_1289 : i32 to index
        %get3A_1293 = arith.constant 0 : index
        %get3A_1294 = tpu.vector_load %arg12[%get3A_1292, %get3A_1293] {strides = array<i32>} : memref<64x128xf32, #tpu.memory_space<vmem>>, vector<1x16xf32>,
        %get3A_1295 = vector.shape_cast %get3A_1294 : vector<1x16xf32> to vector<16xf32>
        %mul3A_1296 = vector.broadcast %squeeze3A_1291 : f32 to vector<16xf32>
        %mul3A_1297 = arith.mulf %get3A_1295, %mul3A_1296 : vector<16xf32>
        %swap3A_1298 = arith.index_cast %add3A_1289 : i32 to index
        %swap3A_1299 = arith.constant 0 : index
        %swap3A_1300 = tpu.vector_load %arg12[%swap3A_1298, %swap3A_1299] {strides = array<i32>} : memref<64x128xf32, #tpu.memory_space<vmem>>, vector<1x16xf32>,
        %swap3A_1301 = vector.shape_cast %swap3A_1300 : vector<1x16xf32> to vector<16xf32>
        %swap3A_1302 = vector.shape_cast %mul3A_1297 : vector<16xf32> to vector<1x16xf32>
        tpu.vector_store %arg12[%swap3A_1298, %swap3A_1299], %swap3A_1302 {strides = array<i32>} : memref<64x128xf32, #tpu.memory_space<vmem>>, vector<1x16xf32>,
        %get3A_1303 = arith.index_cast %add3A_1289 : i32 to index
        %get3A_1304 = arith.constant 16 : index
        %get3A_1305 = tpu.vector_load %arg12[%get3A_1303, %get3A_1304] {strides = array<i32>} : memref<64x128xf32, #tpu.memory_space<vmem>>, vector<1x16xf32>,
        %get3A_1306 = vector.shape_cast %get3A_1305 : vector<1x16xf32> to vector<16xf32>
        %mul3A_1307 = vector.broadcast %squeeze3A_1291 : f32 to vector<16xf32>
        %mul3A_1308 = arith.mulf %get3A_1306, %mul3A_1307 : vector<16xf32>
        %swap3A_1309 = arith.index_cast %add3A_1289 : i32 to index
        %swap3A_1310 = arith.constant 16 : index
        %swap3A_1311 = tpu.vector_load %arg12[%swap3A_1309, %swap3A_1310] {strides = array<i32>} : memref<64x128xf32, #tpu.memory_space<vmem>>, vector<1x16xf32>,
        %swap3A_1312 = vector.shape_cast %swap3A_1311 : vector<1x16xf32> to vector<16xf32>
        %swap3A_1313 = vector.shape_cast %mul3A_1308 : vector<16xf32> to vector<1x16xf32>
        tpu.vector_store %arg12[%swap3A_1309, %swap3A_1310], %swap3A_1313 {strides = array<i32>} : memref<64x128xf32, #tpu.memory_space<vmem>>, vector<1x16xf32>,
        %get3A_1314 = arith.index_cast %add3A_1289 : i32 to index
        %get3A_1315 = arith.constant 32 : index
        %get3A_1316 = tpu.vector_load %arg12[%get3A_1314, %get3A_1315] {strides = array<i32>} : memref<64x128xf32, #tpu.memory_space<vmem>>, vector<1x16xf32>,
        %get3A_1317 = vector.shape_cast %get3A_1316 : vector<1x16xf32> to vector<16xf32>
        %mul3A_1318 = vector.broadcast %squeeze3A_1291 : f32 to vector<16xf32>
        %mul3A_1319 = arith.mulf %get3A_1317, %mul3A_1318 : vector<16xf32>
        %swap3A_1320 = arith.index_cast %add3A_1289 : i32 to index
        %swap3A_1321 = arith.constant 32 : index
        %swap3A_1322 = tpu.vector_load %arg12[%swap3A_1320, %swap3A_1321] {strides = array<i32>} : memref<64x128xf32, #tpu.memory_space<vmem>>, vector<1x16xf32>,
        %swap3A_1323 = vector.shape_cast %swap3A_1322 : vector<1x16xf32> to vector<16xf32>
        %swap3A_1324 = vector.shape_cast %mul3A_1319 : vector<16xf32> to vector<1x16xf32>
        tpu.vector_store %arg12[%swap3A_1320, %swap3A_1321], %swap3A_1324 {strides = array<i32>} : memref<64x128xf32, #tpu.memory_space<vmem>>, vector<1x16xf32>,
        %get3A_1325 = arith.index_cast %add3A_1289 : i32 to index
        %get3A_1326 = arith.constant 48 : index
        %get3A_1327 = tpu.vector_load %arg12[%get3A_1325, %get3A_1326] {strides = array<i32>} : memref<64x128xf32, #tpu.memory_space<vmem>>, vector<1x16xf32>,
        %get3A_1328 = vector.shape_cast %get3A_1327 : vector<1x16xf32> to vector<16xf32>
        %mul3A_1329 = vector.broadcast %squeeze3A_1291 : f32 to vector<16xf32>
        %mul3A_1330 = arith.mulf %get3A_1328, %mul3A_1329 : vector<16xf32>
        %swap3A_1331 = arith.index_cast %add3A_1289 : i32 to index
        %swap3A_1332 = arith.constant 48 : index
        %swap3A_1333 = tpu.vector_load %arg12[%swap3A_1331, %swap3A_1332] {strides = array<i32>} : memref<64x128xf32, #tpu.memory_space<vmem>>, vector<1x16xf32>,
        %swap3A_1334 = vector.shape_cast %swap3A_1333 : vector<1x16xf32> to vector<16xf32>
        %swap3A_1335 = vector.shape_cast %mul3A_1330 : vector<16xf32> to vector<1x16xf32>
        tpu.vector_store %arg12[%swap3A_1331, %swap3A_1332], %swap3A_1335 {strides = array<i32>} : memref<64x128xf32, #tpu.memory_space<vmem>>, vector<1x16xf32>,
        %get3A_1336 = arith.index_cast %add3A_1289 : i32 to index
        %get3A_1337 = arith.constant 64 : index
        %get3A_1338 = tpu.vector_load %arg12[%get3A_1336, %get3A_1337] {strides = array<i32>} : memref<64x128xf32, #tpu.memory_space<vmem>>, vector<1x16xf32>,
        %get3A_1339 = vector.shape_cast %get3A_1338 : vector<1x16xf32> to vector<16xf32>
        %mul3A_1340 = vector.broadcast %squeeze3A_1291 : f32 to vector<16xf32>
        %mul3A_1341 = arith.mulf %get3A_1339, %mul3A_1340 : vector<16xf32>
        %swap3A_1342 = arith.index_cast %add3A_1289 : i32 to index
        %swap3A_1343 = arith.constant 64 : index
        %swap3A_1344 = tpu.vector_load %arg12[%swap3A_1342, %swap3A_1343] {strides = array<i32>} : memref<64x128xf32, #tpu.memory_space<vmem>>, vector<1x16xf32>,
        %swap3A_1345 = vector.shape_cast %swap3A_1344 : vector<1x16xf32> to vector<16xf32>
        %swap3A_1346 = vector.shape_cast %mul3A_1341 : vector<16xf32> to vector<1x16xf32>
        tpu.vector_store %arg12[%swap3A_1342, %swap3A_1343], %swap3A_1346 {strides = array<i32>} : memref<64x128xf32, #tpu.memory_space<vmem>>, vector<1x16xf32>,
        %get3A_1347 = arith.index_cast %add3A_1289 : i32 to index
        %get3A_1348 = arith.constant 80 : index
        %get3A_1349 = tpu.vector_load %arg12[%get3A_1347, %get3A_1348] {strides = array<i32>} : memref<64x128xf32, #tpu.memory_space<vmem>>, vector<1x16xf32>,
        %get3A_1350 = vector.shape_cast %get3A_1349 : vector<1x16xf32> to vector<16xf32>
        %mul3A_1351 = vector.broadcast %squeeze3A_1291 : f32 to vector<16xf32>
        %mul3A_1352 = arith.mulf %get3A_1350, %mul3A_1351 : vector<16xf32>
        %swap3A_1353 = arith.index_cast %add3A_1289 : i32 to index
        %swap3A_1354 = arith.constant 80 : index
        %swap3A_1355 = tpu.vector_load %arg12[%swap3A_1353, %swap3A_1354] {strides = array<i32>} : memref<64x128xf32, #tpu.memory_space<vmem>>, vector<1x16xf32>,
        %swap3A_1356 = vector.shape_cast %swap3A_1355 : vector<1x16xf32> to vector<16xf32>
        %swap3A_1357 = vector.shape_cast %mul3A_1352 : vector<16xf32> to vector<1x16xf32>
        tpu.vector_store %arg12[%swap3A_1353, %swap3A_1354], %swap3A_1357 {strides = array<i32>} : memref<64x128xf32, #tpu.memory_space<vmem>>, vector<1x16xf32>,
        %get3A_1358 = arith.index_cast %add3A_1289 : i32 to index
        %get3A_1359 = arith.constant 96 : index
        %get3A_1360 = tpu.vector_load %arg12[%get3A_1358, %get3A_1359] {strides = array<i32>} : memref<64x128xf32, #tpu.memory_space<vmem>>, vector<1x16xf32>,
        %get3A_1361 = vector.shape_cast %get3A_1360 : vector<1x16xf32> to vector<16xf32>
        %mul3A_1362 = vector.broadcast %squeeze3A_1291 : f32 to vector<16xf32>
        %mul3A_1363 = arith.mulf %get3A_1361, %mul3A_1362 : vector<16xf32>
        %swap3A_1364 = arith.index_cast %add3A_1289 : i32 to index
        %swap3A_1365 = arith.constant 96 : index
        %swap3A_1366 = tpu.vector_load %arg12[%swap3A_1364, %swap3A_1365] {strides = array<i32>} : memref<64x128xf32, #tpu.memory_space<vmem>>, vector<1x16xf32>,
        %swap3A_1367 = vector.shape_cast %swap3A_1366 : vector<1x16xf32> to vector<16xf32>
        %swap3A_1368 = vector.shape_cast %mul3A_1363 : vector<16xf32> to vector<1x16xf32>
        tpu.vector_store %arg12[%swap3A_1364, %swap3A_1365], %swap3A_1368 {strides = array<i32>} : memref<64x128xf32, #tpu.memory_space<vmem>>, vector<1x16xf32>,
        %get3A_1369 = arith.index_cast %add3A_1289 : i32 to index
        %get3A_1370 = arith.constant 112 : index
        %get3A_1371 = tpu.vector_load %arg12[%get3A_1369, %get3A_1370] {strides = array<i32>} : memref<64x128xf32, #tpu.memory_space<vmem>>, vector<1x16xf32>,
        %get3A_1372 = vector.shape_cast %get3A_1371 : vector<1x16xf32> to vector<16xf32>
        %mul3A_1373 = vector.broadcast %squeeze3A_1291 : f32 to vector<16xf32>
        %mul3A_1374 = arith.mulf %get3A_1372, %mul3A_1373 : vector<16xf32>
        %swap3A_1375 = arith.index_cast %add3A_1289 : i32 to index
        %swap3A_1376 = arith.constant 112 : index
        %swap3A_1377 = tpu.vector_load %arg12[%swap3A_1375, %swap3A_1376] {strides = array<i32>} : memref<64x128xf32, #tpu.memory_space<vmem>>, vector<1x16xf32>,
        %swap3A_1378 = vector.shape_cast %swap3A_1377 : vector<1x16xf32> to vector<16xf32>
        %swap3A_1379 = vector.shape_cast %mul3A_1374 : vector<16xf32> to vector<1x16xf32>
        tpu.vector_store %arg12[%swap3A_1375, %swap3A_1376], %swap3A_1379 {strides = array<i32>} : memref<64x128xf32, #tpu.memory_space<vmem>>, vector<1x16xf32>,
        %mul3A_1380 = arith.constant 16 : i32
        %mul3A_1381 = arith.muli %scan3A_152, %mul3A_1380 : i32
        %add3A_1382 = arith.constant 13 : i32
        %add3A_1383 = arith.addi %mul3A_1381, %add3A_1382 : i32
        %slice3A_1384 = vector.extract_strided_slice %get3A_160 {offsets = [13], sizes = [1], strides = [1]} : vector<16xf32> to vector<1xf32>
        %squeeze3A_1385 = vector.extract %slice3A_1384[0] : f32 from vector<1xf32>
        %get3A_1386 = arith.index_cast %add3A_1383 : i32 to index
        %get3A_1387 = arith.constant 0 : index
        %get3A_1388 = tpu.vector_load %arg12[%get3A_1386, %get3A_1387] {strides = array<i32>} : memref<64x128xf32, #tpu.memory_space<vmem>>, vector<1x16xf32>,
        %get3A_1389 = vector.shape_cast %get3A_1388 : vector<1x16xf32> to vector<16xf32>
        %mul3A_1390 = vector.broadcast %squeeze3A_1385 : f32 to vector<16xf32>
        %mul3A_1391 = arith.mulf %get3A_1389, %mul3A_1390 : vector<16xf32>
        %swap3A_1392 = arith.index_cast %add3A_1383 : i32 to index
        %swap3A_1393 = arith.constant 0 : index
        %swap3A_1394 = tpu.vector_load %arg12[%swap3A_1392, %swap3A_1393] {strides = array<i32>} : memref<64x128xf32, #tpu.memory_space<vmem>>, vector<1x16xf32>,
        %swap3A_1395 = vector.shape_cast %swap3A_1394 : vector<1x16xf32> to vector<16xf32>
        %swap3A_1396 = vector.shape_cast %mul3A_1391 : vector<16xf32> to vector<1x16xf32>
        tpu.vector_store %arg12[%swap3A_1392, %swap3A_1393], %swap3A_1396 {strides = array<i32>} : memref<64x128xf32, #tpu.memory_space<vmem>>, vector<1x16xf32>,
        %get3A_1397 = arith.index_cast %add3A_1383 : i32 to index
        %get3A_1398 = arith.constant 16 : index
        %get3A_1399 = tpu.vector_load %arg12[%get3A_1397, %get3A_1398] {strides = array<i32>} : memref<64x128xf32, #tpu.memory_space<vmem>>, vector<1x16xf32>,
        %get3A_1400 = vector.shape_cast %get3A_1399 : vector<1x16xf32> to vector<16xf32>
        %mul3A_1401 = vector.broadcast %squeeze3A_1385 : f32 to vector<16xf32>
        %mul3A_1402 = arith.mulf %get3A_1400, %mul3A_1401 : vector<16xf32>
        %swap3A_1403 = arith.index_cast %add3A_1383 : i32 to index
        %swap3A_1404 = arith.constant 16 : index
        %swap3A_1405 = tpu.vector_load %arg12[%swap3A_1403, %swap3A_1404] {strides = array<i32>} : memref<64x128xf32, #tpu.memory_space<vmem>>, vector<1x16xf32>,
        %swap3A_1406 = vector.shape_cast %swap3A_1405 : vector<1x16xf32> to vector<16xf32>
        %swap3A_1407 = vector.shape_cast %mul3A_1402 : vector<16xf32> to vector<1x16xf32>
        tpu.vector_store %arg12[%swap3A_1403, %swap3A_1404], %swap3A_1407 {strides = array<i32>} : memref<64x128xf32, #tpu.memory_space<vmem>>, vector<1x16xf32>,
        %get3A_1408 = arith.index_cast %add3A_1383 : i32 to index
        %get3A_1409 = arith.constant 32 : index
        %get3A_1410 = tpu.vector_load %arg12[%get3A_1408, %get3A_1409] {strides = array<i32>} : memref<64x128xf32, #tpu.memory_space<vmem>>, vector<1x16xf32>,
        %get3A_1411 = vector.shape_cast %get3A_1410 : vector<1x16xf32> to vector<16xf32>
        %mul3A_1412 = vector.broadcast %squeeze3A_1385 : f32 to vector<16xf32>
        %mul3A_1413 = arith.mulf %get3A_1411, %mul3A_1412 : vector<16xf32>
        %swap3A_1414 = arith.index_cast %add3A_1383 : i32 to index
        %swap3A_1415 = arith.constant 32 : index
        %swap3A_1416 = tpu.vector_load %arg12[%swap3A_1414, %swap3A_1415] {strides = array<i32>} : memref<64x128xf32, #tpu.memory_space<vmem>>, vector<1x16xf32>,
        %swap3A_1417 = vector.shape_cast %swap3A_1416 : vector<1x16xf32> to vector<16xf32>
        %swap3A_1418 = vector.shape_cast %mul3A_1413 : vector<16xf32> to vector<1x16xf32>
        tpu.vector_store %arg12[%swap3A_1414, %swap3A_1415], %swap3A_1418 {strides = array<i32>} : memref<64x128xf32, #tpu.memory_space<vmem>>, vector<1x16xf32>,
        %get3A_1419 = arith.index_cast %add3A_1383 : i32 to index
        %get3A_1420 = arith.constant 48 : index
        %get3A_1421 = tpu.vector_load %arg12[%get3A_1419, %get3A_1420] {strides = array<i32>} : memref<64x128xf32, #tpu.memory_space<vmem>>, vector<1x16xf32>,
        %get3A_1422 = vector.shape_cast %get3A_1421 : vector<1x16xf32> to vector<16xf32>
        %mul3A_1423 = vector.broadcast %squeeze3A_1385 : f32 to vector<16xf32>
        %mul3A_1424 = arith.mulf %get3A_1422, %mul3A_1423 : vector<16xf32>
        %swap3A_1425 = arith.index_cast %add3A_1383 : i32 to index
        %swap3A_1426 = arith.constant 48 : index
        %swap3A_1427 = tpu.vector_load %arg12[%swap3A_1425, %swap3A_1426] {strides = array<i32>} : memref<64x128xf32, #tpu.memory_space<vmem>>, vector<1x16xf32>,
        %swap3A_1428 = vector.shape_cast %swap3A_1427 : vector<1x16xf32> to vector<16xf32>
        %swap3A_1429 = vector.shape_cast %mul3A_1424 : vector<16xf32> to vector<1x16xf32>
        tpu.vector_store %arg12[%swap3A_1425, %swap3A_1426], %swap3A_1429 {strides = array<i32>} : memref<64x128xf32, #tpu.memory_space<vmem>>, vector<1x16xf32>,
        %get3A_1430 = arith.index_cast %add3A_1383 : i32 to index
        %get3A_1431 = arith.constant 64 : index
        %get3A_1432 = tpu.vector_load %arg12[%get3A_1430, %get3A_1431] {strides = array<i32>} : memref<64x128xf32, #tpu.memory_space<vmem>>, vector<1x16xf32>,
        %get3A_1433 = vector.shape_cast %get3A_1432 : vector<1x16xf32> to vector<16xf32>
        %mul3A_1434 = vector.broadcast %squeeze3A_1385 : f32 to vector<16xf32>
        %mul3A_1435 = arith.mulf %get3A_1433, %mul3A_1434 : vector<16xf32>
        %swap3A_1436 = arith.index_cast %add3A_1383 : i32 to index
        %swap3A_1437 = arith.constant 64 : index
        %swap3A_1438 = tpu.vector_load %arg12[%swap3A_1436, %swap3A_1437] {strides = array<i32>} : memref<64x128xf32, #tpu.memory_space<vmem>>, vector<1x16xf32>,
        %swap3A_1439 = vector.shape_cast %swap3A_1438 : vector<1x16xf32> to vector<16xf32>
        %swap3A_1440 = vector.shape_cast %mul3A_1435 : vector<16xf32> to vector<1x16xf32>
        tpu.vector_store %arg12[%swap3A_1436, %swap3A_1437], %swap3A_1440 {strides = array<i32>} : memref<64x128xf32, #tpu.memory_space<vmem>>, vector<1x16xf32>,
        %get3A_1441 = arith.index_cast %add3A_1383 : i32 to index
        %get3A_1442 = arith.constant 80 : index
        %get3A_1443 = tpu.vector_load %arg12[%get3A_1441, %get3A_1442] {strides = array<i32>} : memref<64x128xf32, #tpu.memory_space<vmem>>, vector<1x16xf32>,
        %get3A_1444 = vector.shape_cast %get3A_1443 : vector<1x16xf32> to vector<16xf32>
        %mul3A_1445 = vector.broadcast %squeeze3A_1385 : f32 to vector<16xf32>
        %mul3A_1446 = arith.mulf %get3A_1444, %mul3A_1445 : vector<16xf32>
        %swap3A_1447 = arith.index_cast %add3A_1383 : i32 to index
        %swap3A_1448 = arith.constant 80 : index
        %swap3A_1449 = tpu.vector_load %arg12[%swap3A_1447, %swap3A_1448] {strides = array<i32>} : memref<64x128xf32, #tpu.memory_space<vmem>>, vector<1x16xf32>,
        %swap3A_1450 = vector.shape_cast %swap3A_1449 : vector<1x16xf32> to vector<16xf32>
        %swap3A_1451 = vector.shape_cast %mul3A_1446 : vector<16xf32> to vector<1x16xf32>
        tpu.vector_store %arg12[%swap3A_1447, %swap3A_1448], %swap3A_1451 {strides = array<i32>} : memref<64x128xf32, #tpu.memory_space<vmem>>, vector<1x16xf32>,
        %get3A_1452 = arith.index_cast %add3A_1383 : i32 to index
        %get3A_1453 = arith.constant 96 : index
        %get3A_1454 = tpu.vector_load %arg12[%get3A_1452, %get3A_1453] {strides = array<i32>} : memref<64x128xf32, #tpu.memory_space<vmem>>, vector<1x16xf32>,
        %get3A_1455 = vector.shape_cast %get3A_1454 : vector<1x16xf32> to vector<16xf32>
        %mul3A_1456 = vector.broadcast %squeeze3A_1385 : f32 to vector<16xf32>
        %mul3A_1457 = arith.mulf %get3A_1455, %mul3A_1456 : vector<16xf32>
        %swap3A_1458 = arith.index_cast %add3A_1383 : i32 to index
        %swap3A_1459 = arith.constant 96 : index
        %swap3A_1460 = tpu.vector_load %arg12[%swap3A_1458, %swap3A_1459] {strides = array<i32>} : memref<64x128xf32, #tpu.memory_space<vmem>>, vector<1x16xf32>,
        %swap3A_1461 = vector.shape_cast %swap3A_1460 : vector<1x16xf32> to vector<16xf32>
        %swap3A_1462 = vector.shape_cast %mul3A_1457 : vector<16xf32> to vector<1x16xf32>
        tpu.vector_store %arg12[%swap3A_1458, %swap3A_1459], %swap3A_1462 {strides = array<i32>} : memref<64x128xf32, #tpu.memory_space<vmem>>, vector<1x16xf32>,
        %get3A_1463 = arith.index_cast %add3A_1383 : i32 to index
        %get3A_1464 = arith.constant 112 : index
        %get3A_1465 = tpu.vector_load %arg12[%get3A_1463, %get3A_1464] {strides = array<i32>} : memref<64x128xf32, #tpu.memory_space<vmem>>, vector<1x16xf32>,
        %get3A_1466 = vector.shape_cast %get3A_1465 : vector<1x16xf32> to vector<16xf32>
        %mul3A_1467 = vector.broadcast %squeeze3A_1385 : f32 to vector<16xf32>
        %mul3A_1468 = arith.mulf %get3A_1466, %mul3A_1467 : vector<16xf32>
        %swap3A_1469 = arith.index_cast %add3A_1383 : i32 to index
        %swap3A_1470 = arith.constant 112 : index
        %swap3A_1471 = tpu.vector_load %arg12[%swap3A_1469, %swap3A_1470] {strides = array<i32>} : memref<64x128xf32, #tpu.memory_space<vmem>>, vector<1x16xf32>,
        %swap3A_1472 = vector.shape_cast %swap3A_1471 : vector<1x16xf32> to vector<16xf32>
        %swap3A_1473 = vector.shape_cast %mul3A_1468 : vector<16xf32> to vector<1x16xf32>
        tpu.vector_store %arg12[%swap3A_1469, %swap3A_1470], %swap3A_1473 {strides = array<i32>} : memref<64x128xf32, #tpu.memory_space<vmem>>, vector<1x16xf32>,
        %mul3A_1474 = arith.constant 16 : i32
        %mul3A_1475 = arith.muli %scan3A_152, %mul3A_1474 : i32
        %add3A_1476 = arith.constant 14 : i32
        %add3A_1477 = arith.addi %mul3A_1475, %add3A_1476 : i32
        %slice3A_1478 = vector.extract_strided_slice %get3A_160 {offsets = [14], sizes = [1], strides = [1]} : vector<16xf32> to vector<1xf32>
        %squeeze3A_1479 = vector.extract %slice3A_1478[0] : f32 from vector<1xf32>
        %get3A_1480 = arith.index_cast %add3A_1477 : i32 to index
        %get3A_1481 = arith.constant 0 : index
        %get3A_1482 = tpu.vector_load %arg12[%get3A_1480, %get3A_1481] {strides = array<i32>} : memref<64x128xf32, #tpu.memory_space<vmem>>, vector<1x16xf32>,
        %get3A_1483 = vector.shape_cast %get3A_1482 : vector<1x16xf32> to vector<16xf32>
        %mul3A_1484 = vector.broadcast %squeeze3A_1479 : f32 to vector<16xf32>
        %mul3A_1485 = arith.mulf %get3A_1483, %mul3A_1484 : vector<16xf32>
        %swap3A_1486 = arith.index_cast %add3A_1477 : i32 to index
        %swap3A_1487 = arith.constant 0 : index
        %swap3A_1488 = tpu.vector_load %arg12[%swap3A_1486, %swap3A_1487] {strides = array<i32>} : memref<64x128xf32, #tpu.memory_space<vmem>>, vector<1x16xf32>,
        %swap3A_1489 = vector.shape_cast %swap3A_1488 : vector<1x16xf32> to vector<16xf32>
        %swap3A_1490 = vector.shape_cast %mul3A_1485 : vector<16xf32> to vector<1x16xf32>
        tpu.vector_store %arg12[%swap3A_1486, %swap3A_1487], %swap3A_1490 {strides = array<i32>} : memref<64x128xf32, #tpu.memory_space<vmem>>, vector<1x16xf32>,
        %get3A_1491 = arith.index_cast %add3A_1477 : i32 to index
        %get3A_1492 = arith.constant 16 : index
        %get3A_1493 = tpu.vector_load %arg12[%get3A_1491, %get3A_1492] {strides = array<i32>} : memref<64x128xf32, #tpu.memory_space<vmem>>, vector<1x16xf32>,
        %get3A_1494 = vector.shape_cast %get3A_1493 : vector<1x16xf32> to vector<16xf32>
        %mul3A_1495 = vector.broadcast %squeeze3A_1479 : f32 to vector<16xf32>
        %mul3A_1496 = arith.mulf %get3A_1494, %mul3A_1495 : vector<16xf32>
        %swap3A_1497 = arith.index_cast %add3A_1477 : i32 to index
        %swap3A_1498 = arith.constant 16 : index
        %swap3A_1499 = tpu.vector_load %arg12[%swap3A_1497, %swap3A_1498] {strides = array<i32>} : memref<64x128xf32, #tpu.memory_space<vmem>>, vector<1x16xf32>,
        %swap3A_1500 = vector.shape_cast %swap3A_1499 : vector<1x16xf32> to vector<16xf32>
        %swap3A_1501 = vector.shape_cast %mul3A_1496 : vector<16xf32> to vector<1x16xf32>
        tpu.vector_store %arg12[%swap3A_1497, %swap3A_1498], %swap3A_1501 {strides = array<i32>} : memref<64x128xf32, #tpu.memory_space<vmem>>, vector<1x16xf32>,
        %get3A_1502 = arith.index_cast %add3A_1477 : i32 to index
        %get3A_1503 = arith.constant 32 : index
        %get3A_1504 = tpu.vector_load %arg12[%get3A_1502, %get3A_1503] {strides = array<i32>} : memref<64x128xf32, #tpu.memory_space<vmem>>, vector<1x16xf32>,
        %get3A_1505 = vector.shape_cast %get3A_1504 : vector<1x16xf32> to vector<16xf32>
        %mul3A_1506 = vector.broadcast %squeeze3A_1479 : f32 to vector<16xf32>
        %mul3A_1507 = arith.mulf %get3A_1505, %mul3A_1506 : vector<16xf32>
        %swap3A_1508 = arith.index_cast %add3A_1477 : i32 to index
        %swap3A_1509 = arith.constant 32 : index
        %swap3A_1510 = tpu.vector_load %arg12[%swap3A_1508, %swap3A_1509] {strides = array<i32>} : memref<64x128xf32, #tpu.memory_space<vmem>>, vector<1x16xf32>,
        %swap3A_1511 = vector.shape_cast %swap3A_1510 : vector<1x16xf32> to vector<16xf32>
        %swap3A_1512 = vector.shape_cast %mul3A_1507 : vector<16xf32> to vector<1x16xf32>
        tpu.vector_store %arg12[%swap3A_1508, %swap3A_1509], %swap3A_1512 {strides = array<i32>} : memref<64x128xf32, #tpu.memory_space<vmem>>, vector<1x16xf32>,
        %get3A_1513 = arith.index_cast %add3A_1477 : i32 to index
        %get3A_1514 = arith.constant 48 : index
        %get3A_1515 = tpu.vector_load %arg12[%get3A_1513, %get3A_1514] {strides = array<i32>} : memref<64x128xf32, #tpu.memory_space<vmem>>, vector<1x16xf32>,
        %get3A_1516 = vector.shape_cast %get3A_1515 : vector<1x16xf32> to vector<16xf32>
        %mul3A_1517 = vector.broadcast %squeeze3A_1479 : f32 to vector<16xf32>
        %mul3A_1518 = arith.mulf %get3A_1516, %mul3A_1517 : vector<16xf32>
        %swap3A_1519 = arith.index_cast %add3A_1477 : i32 to index
        %swap3A_1520 = arith.constant 48 : index
        %swap3A_1521 = tpu.vector_load %arg12[%swap3A_1519, %swap3A_1520] {strides = array<i32>} : memref<64x128xf32, #tpu.memory_space<vmem>>, vector<1x16xf32>,
        %swap3A_1522 = vector.shape_cast %swap3A_1521 : vector<1x16xf32> to vector<16xf32>
        %swap3A_1523 = vector.shape_cast %mul3A_1518 : vector<16xf32> to vector<1x16xf32>
        tpu.vector_store %arg12[%swap3A_1519, %swap3A_1520], %swap3A_1523 {strides = array<i32>} : memref<64x128xf32, #tpu.memory_space<vmem>>, vector<1x16xf32>,
        %get3A_1524 = arith.index_cast %add3A_1477 : i32 to index
        %get3A_1525 = arith.constant 64 : index
        %get3A_1526 = tpu.vector_load %arg12[%get3A_1524, %get3A_1525] {strides = array<i32>} : memref<64x128xf32, #tpu.memory_space<vmem>>, vector<1x16xf32>,
        %get3A_1527 = vector.shape_cast %get3A_1526 : vector<1x16xf32> to vector<16xf32>
        %mul3A_1528 = vector.broadcast %squeeze3A_1479 : f32 to vector<16xf32>
        %mul3A_1529 = arith.mulf %get3A_1527, %mul3A_1528 : vector<16xf32>
        %swap3A_1530 = arith.index_cast %add3A_1477 : i32 to index
        %swap3A_1531 = arith.constant 64 : index
        %swap3A_1532 = tpu.vector_load %arg12[%swap3A_1530, %swap3A_1531] {strides = array<i32>} : memref<64x128xf32, #tpu.memory_space<vmem>>, vector<1x16xf32>,
        %swap3A_1533 = vector.shape_cast %swap3A_1532 : vector<1x16xf32> to vector<16xf32>
        %swap3A_1534 = vector.shape_cast %mul3A_1529 : vector<16xf32> to vector<1x16xf32>
        tpu.vector_store %arg12[%swap3A_1530, %swap3A_1531], %swap3A_1534 {strides = array<i32>} : memref<64x128xf32, #tpu.memory_space<vmem>>, vector<1x16xf32>,
        %get3A_1535 = arith.index_cast %add3A_1477 : i32 to index
        %get3A_1536 = arith.constant 80 : index
        %get3A_1537 = tpu.vector_load %arg12[%get3A_1535, %get3A_1536] {strides = array<i32>} : memref<64x128xf32, #tpu.memory_space<vmem>>, vector<1x16xf32>,
        %get3A_1538 = vector.shape_cast %get3A_1537 : vector<1x16xf32> to vector<16xf32>
        %mul3A_1539 = vector.broadcast %squeeze3A_1479 : f32 to vector<16xf32>
        %mul3A_1540 = arith.mulf %get3A_1538, %mul3A_1539 : vector<16xf32>
        %swap3A_1541 = arith.index_cast %add3A_1477 : i32 to index
        %swap3A_1542 = arith.constant 80 : index
        %swap3A_1543 = tpu.vector_load %arg12[%swap3A_1541, %swap3A_1542] {strides = array<i32>} : memref<64x128xf32, #tpu.memory_space<vmem>>, vector<1x16xf32>,
        %swap3A_1544 = vector.shape_cast %swap3A_1543 : vector<1x16xf32> to vector<16xf32>
        %swap3A_1545 = vector.shape_cast %mul3A_1540 : vector<16xf32> to vector<1x16xf32>
        tpu.vector_store %arg12[%swap3A_1541, %swap3A_1542], %swap3A_1545 {strides = array<i32>} : memref<64x128xf32, #tpu.memory_space<vmem>>, vector<1x16xf32>,
        %get3A_1546 = arith.index_cast %add3A_1477 : i32 to index
        %get3A_1547 = arith.constant 96 : index
        %get3A_1548 = tpu.vector_load %arg12[%get3A_1546, %get3A_1547] {strides = array<i32>} : memref<64x128xf32, #tpu.memory_space<vmem>>, vector<1x16xf32>,
        %get3A_1549 = vector.shape_cast %get3A_1548 : vector<1x16xf32> to vector<16xf32>
        %mul3A_1550 = vector.broadcast %squeeze3A_1479 : f32 to vector<16xf32>
        %mul3A_1551 = arith.mulf %get3A_1549, %mul3A_1550 : vector<16xf32>
        %swap3A_1552 = arith.index_cast %add3A_1477 : i32 to index
        %swap3A_1553 = arith.constant 96 : index
        %swap3A_1554 = tpu.vector_load %arg12[%swap3A_1552, %swap3A_1553] {strides = array<i32>} : memref<64x128xf32, #tpu.memory_space<vmem>>, vector<1x16xf32>,
        %swap3A_1555 = vector.shape_cast %swap3A_1554 : vector<1x16xf32> to vector<16xf32>
        %swap3A_1556 = vector.shape_cast %mul3A_1551 : vector<16xf32> to vector<1x16xf32>
        tpu.vector_store %arg12[%swap3A_1552, %swap3A_1553], %swap3A_1556 {strides = array<i32>} : memref<64x128xf32, #tpu.memory_space<vmem>>, vector<1x16xf32>,
        %get3A_1557 = arith.index_cast %add3A_1477 : i32 to index
        %get3A_1558 = arith.constant 112 : index
        %get3A_1559 = tpu.vector_load %arg12[%get3A_1557, %get3A_1558] {strides = array<i32>} : memref<64x128xf32, #tpu.memory_space<vmem>>, vector<1x16xf32>,
        %get3A_1560 = vector.shape_cast %get3A_1559 : vector<1x16xf32> to vector<16xf32>
        %mul3A_1561 = vector.broadcast %squeeze3A_1479 : f32 to vector<16xf32>
        %mul3A_1562 = arith.mulf %get3A_1560, %mul3A_1561 : vector<16xf32>
        %swap3A_1563 = arith.index_cast %add3A_1477 : i32 to index
        %swap3A_1564 = arith.constant 112 : index
        %swap3A_1565 = tpu.vector_load %arg12[%swap3A_1563, %swap3A_1564] {strides = array<i32>} : memref<64x128xf32, #tpu.memory_space<vmem>>, vector<1x16xf32>,
        %swap3A_1566 = vector.shape_cast %swap3A_1565 : vector<1x16xf32> to vector<16xf32>
        %swap3A_1567 = vector.shape_cast %mul3A_1562 : vector<16xf32> to vector<1x16xf32>
        tpu.vector_store %arg12[%swap3A_1563, %swap3A_1564], %swap3A_1567 {strides = array<i32>} : memref<64x128xf32, #tpu.memory_space<vmem>>, vector<1x16xf32>,
        %mul3A_1568 = arith.constant 16 : i32
        %mul3A_1569 = arith.muli %scan3A_152, %mul3A_1568 : i32
        %add3A_1570 = arith.constant 15 : i32
        %add3A_1571 = arith.addi %mul3A_1569, %add3A_1570 : i32
        %slice3A_1572 = vector.extract_strided_slice %get3A_160 {offsets = [15], sizes = [1], strides = [1]} : vector<16xf32> to vector<1xf32>
        %squeeze3A_1573 = vector.extract %slice3A_1572[0] : f32 from vector<1xf32>
        %get3A_1574 = arith.index_cast %add3A_1571 : i32 to index
        %get3A_1575 = arith.constant 0 : index
        %get3A_1576 = tpu.vector_load %arg12[%get3A_1574, %get3A_1575] {strides = array<i32>} : memref<64x128xf32, #tpu.memory_space<vmem>>, vector<1x16xf32>,
        %get3A_1577 = vector.shape_cast %get3A_1576 : vector<1x16xf32> to vector<16xf32>
        %mul3A_1578 = vector.broadcast %squeeze3A_1573 : f32 to vector<16xf32>
        %mul3A_1579 = arith.mulf %get3A_1577, %mul3A_1578 : vector<16xf32>
        %swap3A_1580 = arith.index_cast %add3A_1571 : i32 to index
        %swap3A_1581 = arith.constant 0 : index
        %swap3A_1582 = tpu.vector_load %arg12[%swap3A_1580, %swap3A_1581] {strides = array<i32>} : memref<64x128xf32, #tpu.memory_space<vmem>>, vector<1x16xf32>,
        %swap3A_1583 = vector.shape_cast %swap3A_1582 : vector<1x16xf32> to vector<16xf32>
        %swap3A_1584 = vector.shape_cast %mul3A_1579 : vector<16xf32> to vector<1x16xf32>
        tpu.vector_store %arg12[%swap3A_1580, %swap3A_1581], %swap3A_1584 {strides = array<i32>} : memref<64x128xf32, #tpu.memory_space<vmem>>, vector<1x16xf32>,
        %get3A_1585 = arith.index_cast %add3A_1571 : i32 to index
        %get3A_1586 = arith.constant 16 : index
        %get3A_1587 = tpu.vector_load %arg12[%get3A_1585, %get3A_1586] {strides = array<i32>} : memref<64x128xf32, #tpu.memory_space<vmem>>, vector<1x16xf32>,
        %get3A_1588 = vector.shape_cast %get3A_1587 : vector<1x16xf32> to vector<16xf32>
        %mul3A_1589 = vector.broadcast %squeeze3A_1573 : f32 to vector<16xf32>
        %mul3A_1590 = arith.mulf %get3A_1588, %mul3A_1589 : vector<16xf32>
        %swap3A_1591 = arith.index_cast %add3A_1571 : i32 to index
        %swap3A_1592 = arith.constant 16 : index
        %swap3A_1593 = tpu.vector_load %arg12[%swap3A_1591, %swap3A_1592] {strides = array<i32>} : memref<64x128xf32, #tpu.memory_space<vmem>>, vector<1x16xf32>,
        %swap3A_1594 = vector.shape_cast %swap3A_1593 : vector<1x16xf32> to vector<16xf32>
        %swap3A_1595 = vector.shape_cast %mul3A_1590 : vector<16xf32> to vector<1x16xf32>
        tpu.vector_store %arg12[%swap3A_1591, %swap3A_1592], %swap3A_1595 {strides = array<i32>} : memref<64x128xf32, #tpu.memory_space<vmem>>, vector<1x16xf32>,
        %get3A_1596 = arith.index_cast %add3A_1571 : i32 to index
        %get3A_1597 = arith.constant 32 : index
        %get3A_1598 = tpu.vector_load %arg12[%get3A_1596, %get3A_1597] {strides = array<i32>} : memref<64x128xf32, #tpu.memory_space<vmem>>, vector<1x16xf32>,
        %get3A_1599 = vector.shape_cast %get3A_1598 : vector<1x16xf32> to vector<16xf32>
        %mul3A_1600 = vector.broadcast %squeeze3A_1573 : f32 to vector<16xf32>
        %mul3A_1601 = arith.mulf %get3A_1599, %mul3A_1600 : vector<16xf32>
        %swap3A_1602 = arith.index_cast %add3A_1571 : i32 to index
        %swap3A_1603 = arith.constant 32 : index
        %swap3A_1604 = tpu.vector_load %arg12[%swap3A_1602, %swap3A_1603] {strides = array<i32>} : memref<64x128xf32, #tpu.memory_space<vmem>>, vector<1x16xf32>,
        %swap3A_1605 = vector.shape_cast %swap3A_1604 : vector<1x16xf32> to vector<16xf32>
        %swap3A_1606 = vector.shape_cast %mul3A_1601 : vector<16xf32> to vector<1x16xf32>
        tpu.vector_store %arg12[%swap3A_1602, %swap3A_1603], %swap3A_1606 {strides = array<i32>} : memref<64x128xf32, #tpu.memory_space<vmem>>, vector<1x16xf32>,
        %get3A_1607 = arith.index_cast %add3A_1571 : i32 to index
        %get3A_1608 = arith.constant 48 : index
        %get3A_1609 = tpu.vector_load %arg12[%get3A_1607, %get3A_1608] {strides = array<i32>} : memref<64x128xf32, #tpu.memory_space<vmem>>, vector<1x16xf32>,
        %get3A_1610 = vector.shape_cast %get3A_1609 : vector<1x16xf32> to vector<16xf32>
        %mul3A_1611 = vector.broadcast %squeeze3A_1573 : f32 to vector<16xf32>
        %mul3A_1612 = arith.mulf %get3A_1610, %mul3A_1611 : vector<16xf32>
        %swap3A_1613 = arith.index_cast %add3A_1571 : i32 to index
        %swap3A_1614 = arith.constant 48 : index
        %swap3A_1615 = tpu.vector_load %arg12[%swap3A_1613, %swap3A_1614] {strides = array<i32>} : memref<64x128xf32, #tpu.memory_space<vmem>>, vector<1x16xf32>,
        %swap3A_1616 = vector.shape_cast %swap3A_1615 : vector<1x16xf32> to vector<16xf32>
        %swap3A_1617 = vector.shape_cast %mul3A_1612 : vector<16xf32> to vector<1x16xf32>
        tpu.vector_store %arg12[%swap3A_1613, %swap3A_1614], %swap3A_1617 {strides = array<i32>} : memref<64x128xf32, #tpu.memory_space<vmem>>, vector<1x16xf32>,
        %get3A_1618 = arith.index_cast %add3A_1571 : i32 to index
        %get3A_1619 = arith.constant 64 : index
        %get3A_1620 = tpu.vector_load %arg12[%get3A_1618, %get3A_1619] {strides = array<i32>} : memref<64x128xf32, #tpu.memory_space<vmem>>, vector<1x16xf32>,
        %get3A_1621 = vector.shape_cast %get3A_1620 : vector<1x16xf32> to vector<16xf32>
        %mul3A_1622 = vector.broadcast %squeeze3A_1573 : f32 to vector<16xf32>
        %mul3A_1623 = arith.mulf %get3A_1621, %mul3A_1622 : vector<16xf32>
        %swap3A_1624 = arith.index_cast %add3A_1571 : i32 to index
        %swap3A_1625 = arith.constant 64 : index
        %swap3A_1626 = tpu.vector_load %arg12[%swap3A_1624, %swap3A_1625] {strides = array<i32>} : memref<64x128xf32, #tpu.memory_space<vmem>>, vector<1x16xf32>,
        %swap3A_1627 = vector.shape_cast %swap3A_1626 : vector<1x16xf32> to vector<16xf32>
        %swap3A_1628 = vector.shape_cast %mul3A_1623 : vector<16xf32> to vector<1x16xf32>
        tpu.vector_store %arg12[%swap3A_1624, %swap3A_1625], %swap3A_1628 {strides = array<i32>} : memref<64x128xf32, #tpu.memory_space<vmem>>, vector<1x16xf32>,
        %get3A_1629 = arith.index_cast %add3A_1571 : i32 to index
        %get3A_1630 = arith.constant 80 : index
        %get3A_1631 = tpu.vector_load %arg12[%get3A_1629, %get3A_1630] {strides = array<i32>} : memref<64x128xf32, #tpu.memory_space<vmem>>, vector<1x16xf32>,
        %get3A_1632 = vector.shape_cast %get3A_1631 : vector<1x16xf32> to vector<16xf32>
        %mul3A_1633 = vector.broadcast %squeeze3A_1573 : f32 to vector<16xf32>
        %mul3A_1634 = arith.mulf %get3A_1632, %mul3A_1633 : vector<16xf32>
        %swap3A_1635 = arith.index_cast %add3A_1571 : i32 to index
        %swap3A_1636 = arith.constant 80 : index
        %swap3A_1637 = tpu.vector_load %arg12[%swap3A_1635, %swap3A_1636] {strides = array<i32>} : memref<64x128xf32, #tpu.memory_space<vmem>>, vector<1x16xf32>,
        %swap3A_1638 = vector.shape_cast %swap3A_1637 : vector<1x16xf32> to vector<16xf32>
        %swap3A_1639 = vector.shape_cast %mul3A_1634 : vector<16xf32> to vector<1x16xf32>
        tpu.vector_store %arg12[%swap3A_1635, %swap3A_1636], %swap3A_1639 {strides = array<i32>} : memref<64x128xf32, #tpu.memory_space<vmem>>, vector<1x16xf32>,
        %get3A_1640 = arith.index_cast %add3A_1571 : i32 to index
        %get3A_1641 = arith.constant 96 : index
        %get3A_1642 = tpu.vector_load %arg12[%get3A_1640, %get3A_1641] {strides = array<i32>} : memref<64x128xf32, #tpu.memory_space<vmem>>, vector<1x16xf32>,
        %get3A_1643 = vector.shape_cast %get3A_1642 : vector<1x16xf32> to vector<16xf32>
        %mul3A_1644 = vector.broadcast %squeeze3A_1573 : f32 to vector<16xf32>
        %mul3A_1645 = arith.mulf %get3A_1643, %mul3A_1644 : vector<16xf32>
        %swap3A_1646 = arith.index_cast %add3A_1571 : i32 to index
        %swap3A_1647 = arith.constant 96 : index
        %swap3A_1648 = tpu.vector_load %arg12[%swap3A_1646, %swap3A_1647] {strides = array<i32>} : memref<64x128xf32, #tpu.memory_space<vmem>>, vector<1x16xf32>,
        %swap3A_1649 = vector.shape_cast %swap3A_1648 : vector<1x16xf32> to vector<16xf32>
        %swap3A_1650 = vector.shape_cast %mul3A_1645 : vector<16xf32> to vector<1x16xf32>
        tpu.vector_store %arg12[%swap3A_1646, %swap3A_1647], %swap3A_1650 {strides = array<i32>} : memref<64x128xf32, #tpu.memory_space<vmem>>, vector<1x16xf32>,
        %get3A_1651 = arith.index_cast %add3A_1571 : i32 to index
        %get3A_1652 = arith.constant 112 : index
        %get3A_1653 = tpu.vector_load %arg12[%get3A_1651, %get3A_1652] {strides = array<i32>} : memref<64x128xf32, #tpu.memory_space<vmem>>, vector<1x16xf32>,
        %get3A_1654 = vector.shape_cast %get3A_1653 : vector<1x16xf32> to vector<16xf32>
        %mul3A_1655 = vector.broadcast %squeeze3A_1573 : f32 to vector<16xf32>
        %mul3A_1656 = arith.mulf %get3A_1654, %mul3A_1655 : vector<16xf32>
        %swap3A_1657 = arith.index_cast %add3A_1571 : i32 to index
        %swap3A_1658 = arith.constant 112 : index
        %swap3A_1659 = tpu.vector_load %arg12[%swap3A_1657, %swap3A_1658] {strides = array<i32>} : memref<64x128xf32, #tpu.memory_space<vmem>>, vector<1x16xf32>,
        %swap3A_1660 = vector.shape_cast %swap3A_1659 : vector<1x16xf32> to vector<16xf32>
        %swap3A_1661 = vector.shape_cast %mul3A_1656 : vector<16xf32> to vector<1x16xf32>
        tpu.vector_store %arg12[%swap3A_1657, %swap3A_1658], %swap3A_1661 {strides = array<i32>} : memref<64x128xf32, #tpu.memory_space<vmem>>, vector<1x16xf32>,
        %scan3A_1662 = arith.constant 0 : i32
        scf.yield %scan3A_1662 : i32
      }
      %scan3A_137 = arith.constant 4 : i32
      %dma_wait3A_138 = arith.constant 0 : i32
      %dma_wait3A_139 = tpu.memref_slice %arg4[%add3A, %add3A_117, %dma_wait3A_138] : memref<32x158x64xi32, #tpu.memory_space<hbm>> -> memref<1x1x64xi32, #tpu.memory_space<hbm>>
      %dma_wait3A_140 = tpu.memref_squeeze %dma_wait3A_139 : memref<1x1x64xi32, #tpu.memory_space<hbm>> -> memref<64xi32, #tpu.memory_space<hbm>>
      %dma_wait3A_141 = arith.constant 0 : i32
      %dma_wait3A_142 = tpu.memref_slice %arg4[%add3A, %add3A_117, %dma_wait3A_141] : memref<32x158x64xi32, #tpu.memory_space<hbm>> -> memref<1x1x64xi32, #tpu.memory_space<hbm>>
      %dma_wait3A_143 = tpu.memref_squeeze %dma_wait3A_142 : memref<1x1x64xi32, #tpu.memory_space<hbm>> -> memref<64xi32, #tpu.memory_space<hbm>>
      tpu.wait_dma2 semaphore(%arg15 : memref<!tpu.dma_semaphore, #tpu.memory_space<semaphore_mem>>) src(%dma_wait3A_143 : memref<64xi32, #tpu.memory_space<hbm>>) dst(%arg10 : memref<64xi32, #tpu.memory_space<vmem>>)
      "tpu.region"() ({
        %run_scoped3A = tpu.sem_alloc : memref<!tpu.dma_semaphore, #tpu.memory_space<semaphore_mem>>
        %dma_start3A_152 = arith.constant 0 : i32
        %dma_start3A_153 = arith.constant 0 : i32
        %dma_start3A_154 = tpu.memref_slice %arg13[%dma_start3A_152, %dma_start3A_153] : memref<10240x128xf32, #tpu.memory_space<vmem_shared>> -> memref<10240x128xf32, #tpu.memory_space<vmem_shared>>
        tpu.enqueue_indirect_dma source(%arg12 : memref<64x128xf32, #tpu.memory_space<vmem>>) target(%dma_start3A_154 : memref<10240x128xf32, #tpu.memory_space<vmem_shared>>) offsets(%arg10 : memref<64xi32, #tpu.memory_space<vmem>>) semaphore(%run_scoped3A : memref<!tpu.dma_semaphore, #tpu.memory_space<semaphore_mem>>) {add = true}
        %dma_wait3A_155 = arith.constant 0 : i32
        %dma_wait3A_156 = arith.constant 0 : i32
        %dma_wait3A_157 = tpu.memref_slice %arg13[%dma_wait3A_155, %dma_wait3A_156] : memref<10240x128xf32, #tpu.memory_space<vmem_shared>> -> memref<10240x128xf32, #tpu.memory_space<vmem_shared>>
        tpu.wait_indirect_dma semaphore(%run_scoped3A : memref<!tpu.dma_semaphore, #tpu.memory_space<semaphore_mem>>) src(%arg12 : memref<64x128xf32, #tpu.memory_space<vmem>>) dst(%dma_wait3A_157 : memref<10240x128xf32, #tpu.memory_space<vmem_shared>>)
        tpu.yield
      }) : () -> ()
      %add3A_144 = arith.constant 2 : i32
      %add3A_145 = arith.addi %add3A_117, %add3A_144 : i32
      %lt3A_146 = arith.constant 158 : i32
      %lt3A_147 = arith.cmpi slt, %add3A_145, %lt3A_146 : i32
      %convert_element_type3A_148 = arith.extui %lt3A_147 : i1 to i32
      %cond3A_149 = arith.constant 0 : i32
      %cond3A_150 = arith.cmpi ne, %convert_element_type3A_148, %cond3A_149 : i32
      scf.if %cond3A_150 {
        %add3A_152 = arith.constant 2 : i32
        %add3A_153 = arith.addi %add3A_117, %add3A_152 : i32
        %dma_start3A_154 = arith.constant 0 : i32
        %dma_start3A_155 = tpu.memref_slice %arg4[%add3A, %add3A_153, %dma_start3A_154] : memref<32x158x64xi32, #tpu.memory_space<hbm>> -> memref<1x1x64xi32, #tpu.memory_space<hbm>>
        %dma_start3A_156 = tpu.memref_squeeze %dma_start3A_155 : memref<1x1x64xi32, #tpu.memory_space<hbm>> -> memref<64xi32, #tpu.memory_space<hbm>>
        %dma_start3A_157 = arith.constant 0 : i32
        %dma_start3A_158 = tpu.memref_slice %arg4[%add3A, %add3A_153, %dma_start3A_157] : memref<32x158x64xi32, #tpu.memory_space<hbm>> -> memref<1x1x64xi32, #tpu.memory_space<hbm>>
        %dma_start3A_159 = tpu.memref_squeeze %dma_start3A_158 : memref<1x1x64xi32, #tpu.memory_space<hbm>> -> memref<64xi32, #tpu.memory_space<hbm>>
        tpu.enqueue_dma source(%dma_start3A_159 : memref<64xi32, #tpu.memory_space<hbm>>) target(%arg10 : memref<64xi32, #tpu.memory_space<vmem>>) target_semaphore(%arg15 : memref<!tpu.dma_semaphore, #tpu.memory_space<semaphore_mem>>)
      } else {
      }
      %scan3A_151 = arith.constant 0 : i32
      scf.yield %scan3A_151 : i32
    }
    %scan3A_73 = arith.constant 79 : i32
    %barrier3A_74 = arith.constant 0 : index
    tpu.barrier barrier_id(%barrier3A_74)
    %mul3A_75 = arith.constant 640 : i32
    %mul3A_76 = arith.muli %arg1, %mul3A_75 : i32
    %mul3A_77 = arith.constant 640 : i32
    %mul3A_78 = arith.muli %arg1, %mul3A_77 : i32
    "tpu.region"() ({
      %run_scoped3A = tpu.sem_alloc : memref<!tpu.dma_semaphore, #tpu.memory_space<semaphore_mem>>
      %dma_start3A_79 = arith.constant 0 : i32
      %dma_start3A_80 = tpu.memref_slice %arg6[%arg0, %mul3A_78, %dma_start3A_79] : memref<2x10240x128xf32, #tpu.memory_space<hbm>> -> memref<1x640x128xf32, #tpu.memory_space<hbm>>
      %dma_start3A_81 = tpu.memref_squeeze %dma_start3A_80 : memref<1x640x128xf32, #tpu.memory_space<hbm>> -> memref<640x128xf32, #tpu.memory_space<hbm>>
      %dma_start3A_82 = arith.constant 0 : i32
      %dma_start3A_83 = tpu.memref_slice %arg13[%mul3A_76, %dma_start3A_82] : memref<10240x128xf32, #tpu.memory_space<vmem_shared>> -> memref<640x128xf32, #tpu.memory_space<vmem_shared>>
      tpu.enqueue_dma source(%dma_start3A_83 : memref<640x128xf32, #tpu.memory_space<vmem_shared>>) target(%dma_start3A_81 : memref<640x128xf32, #tpu.memory_space<hbm>>) target_semaphore(%run_scoped3A : memref<!tpu.dma_semaphore, #tpu.memory_space<semaphore_mem>>)
      %dma_wait3A = arith.constant 0 : i32
      %dma_wait3A_84 = tpu.memref_slice %arg6[%arg0, %mul3A_78, %dma_wait3A] : memref<2x10240x128xf32, #tpu.memory_space<hbm>> -> memref<1x640x128xf32, #tpu.memory_space<hbm>>
      %dma_wait3A_85 = tpu.memref_squeeze %dma_wait3A_84 : memref<1x640x128xf32, #tpu.memory_space<hbm>> -> memref<640x128xf32, #tpu.memory_space<hbm>>
      %dma_wait3A_86 = arith.constant 0 : i32
      %dma_wait3A_87 = tpu.memref_slice %arg13[%mul3A_76, %dma_wait3A_86] : memref<10240x128xf32, #tpu.memory_space<vmem_shared>> -> memref<640x128xf32, #tpu.memory_space<vmem_shared>>
      tpu.wait_dma2 semaphore(%run_scoped3A : memref<!tpu.dma_semaphore, #tpu.memory_space<semaphore_mem>>) src(%dma_wait3A_87 : memref<640x128xf32, #tpu.memory_space<vmem_shared>>) dst(%dma_wait3A_85 : memref<640x128xf32, #tpu.memory_space<hbm>>)
      tpu.yield
    }) : () -> ()
    return
  }
}

module attributes {stable_mosaic.version = 14 : i64} {
  func.func @_rel_transform_body(%arg0: i32, %arg1: i32, %arg2: memref<1000x128xf32, #tpu.memory_space<vmem>>, %arg3: memref<1x128x128xf32, #tpu.memory_space<vmem>>, %arg4: memref<1000x128xf32, #tpu.memory_space<vmem>>) attributes {dimension_semantics = [#tpu.dimension_semantics<arbitrary>, #tpu.dimension_semantics<arbitrary>], iteration_bounds = array<i64: 8, 10>, scalar_prefetch = 0 : i64, scratch_operands = 0 : i64, tpu.core_type = #tpu.core_type<tc>, window_params = [{transform_indices = @transform_0, window_bounds = array<i64: 1000, 128>}, {transform_indices = @transform_1, window_bounds = array<i64: 1, 128, 128>}, {transform_indices = @transform_2, window_bounds = array<i64: 1000, 128>}]} {
    %get3A = arith.constant 0 : index
    %get3A_0 = arith.constant 0 : index
    %get3A_1 = vector.load %arg2[%get3A, %get3A_0] : memref<1000x128xf32, #tpu.memory_space<vmem>>, vector<1000x128xf32>
    %get3A_2 = arith.constant 0 : index
    %get3A_3 = arith.constant 0 : index
    %get3A_4 = arith.constant 0 : index
    %get3A_5 = vector.load %arg3[%get3A_2, %get3A_3, %get3A_4] : memref<1x128x128xf32, #tpu.memory_space<vmem>>, vector<1x128x128xf32>
    %get3A_6 = vector.shape_cast %get3A_5 : vector<1x128x128xf32> to vector<128x128xf32>
    %dot_general3A = arith.constant dense<0.000000e+00> : vector<1000x128xf32>
    %dot_general3A_7 = tpu.matmul %get3A_1, %get3A_6, %dot_general3A {dimension_numbers = #tpu.dot_dimension_numbers<[1], [0], [0], [1], [0, 0, 1, 1], [], []>, transpose_lhs_hint = false} : vector<1000x128xf32>, vector<128x128xf32>, vector<1000x128xf32> -> vector<1000x128xf32>
    %swap3A = arith.constant 0 : index
    %swap3A_8 = arith.constant 0 : index
    %swap3A_9 = vector.load %arg4[%swap3A, %swap3A_8] : memref<1000x128xf32, #tpu.memory_space<vmem>>, vector<1000x128xf32>
    tpu.vector_store %arg4[%swap3A, %swap3A_8], %dot_general3A_7 {strides = array<i32>} : memref<1000x128xf32, #tpu.memory_space<vmem>>, vector<1000x128xf32>,
    return
  }
  func.func @transform_0(%arg0: i32, %arg1: i32) -> (i32, i32) {
    %c0_i32 = arith.constant 0 : i32
    %c0_i32_0 = arith.constant 0 : i32
    return %arg1, %c0_i32 : i32, i32
  }
  func.func @transform_1(%arg0: i32, %arg1: i32) -> (i32, i32, i32) {
    %c0_i32 = arith.constant 0 : i32
    %c0_i32_0 = arith.constant 0 : i32
    %c0_i32_1 = arith.constant 0 : i32
    return %arg0, %c0_i32, %c0_i32_0 : i32, i32, i32
  }
  func.func @transform_2(%arg0: i32, %arg1: i32) -> (i32, i32) {
    %mul3A = arith.constant 10 : i32
    %mul3A_0 = arith.muli %arg0, %mul3A : i32
    %add3A = arith.addi %mul3A_0, %arg1 : i32
    %c0_i32 = arith.constant 0 : i32
    %c0_i32_1 = arith.constant 0 : i32
    return %add3A, %c0_i32 : i32, i32
  }
}

module attributes {stable_mosaic.version = 14 : i64} {
  func.func @_combine_body(%arg0: i32, %arg1: memref<2x1000x128xf32, #tpu.memory_space<vmem>>, %arg2: memref<1000x128xf32, #tpu.memory_space<vmem>>, %arg3: memref<128x128xf32, #tpu.memory_space<vmem>>, %arg4: memref<1000x1xf32, #tpu.memory_space<vmem>>, %arg5: memref<1000x128xf32, #tpu.memory_space<vmem>>) attributes {dimension_semantics = [#tpu.dimension_semantics<arbitrary>], iteration_bounds = array<i64: 10>, scalar_prefetch = 0 : i64, scratch_operands = 0 : i64, tpu.core_type = #tpu.core_type<tc>, window_params = [{transform_indices = @transform_0, window_bounds = array<i64: 2, 1000, 128>}, {transform_indices = @transform_1, window_bounds = array<i64: 1000, 128>}, {pipeline_mode = #tpu.pipeline_mode<synchronous>, transform_indices = @transform_2, window_bounds = array<i64: 128, 128>}, {transform_indices = @transform_3, window_bounds = array<i64: 1000, 1>}, {transform_indices = @transform_4, window_bounds = array<i64: 1000, 128>}]} {
    %get3A = arith.constant 0 : index
    %get3A_0 = arith.constant 0 : index
    %get3A_1 = vector.load %arg2[%get3A, %get3A_0] : memref<1000x128xf32, #tpu.memory_space<vmem>>, vector<1000x128xf32>
    %get3A_2 = arith.constant 0 : index
    %get3A_3 = arith.constant 0 : index
    %get3A_4 = vector.load %arg3[%get3A_2, %get3A_3] : memref<128x128xf32, #tpu.memory_space<vmem>>, vector<128x128xf32>
    %dot_general3A = arith.constant dense<0.000000e+00> : vector<1000x128xf32>
    %dot_general3A_5 = tpu.matmul %get3A_1, %get3A_4, %dot_general3A {dimension_numbers = #tpu.dot_dimension_numbers<[1], [0], [0], [1], [0, 0, 1, 1], [], []>, transpose_lhs_hint = false} : vector<1000x128xf32>, vector<128x128xf32>, vector<1000x128xf32> -> vector<1000x128xf32>
    %get3A_6 = arith.constant 0 : index
    %get3A_7 = arith.constant 0 : index
    %get3A_8 = arith.constant 0 : index
    %get3A_9 = vector.load %arg1[%get3A_6, %get3A_7, %get3A_8] : memref<2x1000x128xf32, #tpu.memory_space<vmem>>, vector<1x1000x128xf32>
    %get3A_10 = vector.shape_cast %get3A_9 : vector<1x1000x128xf32> to vector<1000x128xf32>
    %get3A_11 = arith.constant 1 : index
    %get3A_12 = arith.constant 0 : index
    %get3A_13 = arith.constant 0 : index
    %get3A_14 = vector.load %arg1[%get3A_11, %get3A_12, %get3A_13] : memref<2x1000x128xf32, #tpu.memory_space<vmem>>, vector<1x1000x128xf32>
    %get3A_15 = vector.shape_cast %get3A_14 : vector<1x1000x128xf32> to vector<1000x128xf32>
    %add3A = arith.addf %get3A_10, %get3A_15 : vector<1000x128xf32>
    %get3A_16 = arith.constant 0 : index
    %get3A_17 = arith.constant 0 : index
    %get3A_18 = vector.load %arg4[%get3A_16, %get3A_17] : memref<1000x1xf32, #tpu.memory_space<vmem>>, vector<1000x1xf32>
    %mul3A = vector.broadcast %get3A_18 : vector<1000x1xf32> to vector<1000x128xf32>
    %mul3A_19 = arith.mulf %mul3A, %dot_general3A_5 : vector<1000x128xf32>
    %add3A_20 = arith.addf %add3A, %mul3A_19 : vector<1000x128xf32>
    %swap3A = arith.constant 0 : index
    %swap3A_21 = arith.constant 0 : index
    %swap3A_22 = vector.load %arg5[%swap3A, %swap3A_21] : memref<1000x128xf32, #tpu.memory_space<vmem>>, vector<1000x128xf32>
    tpu.vector_store %arg5[%swap3A, %swap3A_21], %add3A_20 {strides = array<i32>} : memref<1000x128xf32, #tpu.memory_space<vmem>>, vector<1000x128xf32>,
    return
  }
  func.func @transform_0(%arg0: i32) -> (i32, i32, i32) {
    %c0_i32 = arith.constant 0 : i32
    %c0_i32_0 = arith.constant 0 : i32
    %c0_i32_1 = arith.constant 0 : i32
    return %c0_i32, %arg0, %c0_i32_0 : i32, i32, i32
  }
  func.func @transform_1(%arg0: i32) -> (i32, i32) {
    %c0_i32 = arith.constant 0 : i32
    %c0_i32_0 = arith.constant 0 : i32
    return %arg0, %c0_i32 : i32, i32
  }
  func.func @transform_2(%arg0: i32) -> (i32, i32) {
    %c0_i32 = arith.constant 0 : i32
    %c0_i32_0 = arith.constant 0 : i32
    %c0_i32_1 = arith.constant 0 : i32
    return %c0_i32, %c0_i32_0 : i32, i32
  }
  func.func @transform_3(%arg0: i32) -> (i32, i32) {
    %c0_i32 = arith.constant 0 : i32
    %c0_i32_0 = arith.constant 0 : i32
    return %arg0, %c0_i32 : i32, i32
  }
  func.func @transform_4(%arg0: i32) -> (i32, i32) {
    %c0_i32 = arith.constant 0 : i32
    %c0_i32_0 = arith.constant 0 : i32
    return %arg0, %c0_i32 : i32, i32
  }
}

</mosaic_0001>

<sc_bundles>
// kernel: kernel.5.cloned.1.call-start
scs
__scs_entry_jumppad:
0x0: {  	(pc) =	sbr.rel $0x88, $3  }
0x1: {  	(tag) =	ssettag $0x0;
	lr =	simm.s32 $0x1  }
0x2: {  	[smem:$0x3F99] =	sst lr;
	_ =	strace $0xD0000000  }
0x3: {  	_ = 	snop  }
0x4: {  	_ = 	snop  }
0x5: {  	_ = 	snop  }
0x6: {  	_ = 	snop  }
0x7: {  	_ = 	snop  }
__scs_overlays_trampoline_lowered:
0x8: {  	[smem:$0x3FA8] =	sst s0  }
0x9: {  	[smem:$0x3FA9] =	sst s1  }
0xa: {  	[smem:$0x3FAA] =	sst s2  }
0xb: {  	[smem:$0x3FAB] =	sst s3  }
0xc: {  	[smem:$0x3FAC] =	sst s4  }
0xd: {  	[smem:$0x3FAD] =	sst s5  }
0xe: {  	[smem:$0x3FAE] =	sst s6  }
0xf: {  	[smem:$0x3FAF] =	sst s7  }
0x10: {  	[smem:$0x3FB0] =	sst s8  }
0x11: {  	[smem:$0x3FB1] =	sst s9;
	s0 =	simm.s32 @!p0 $0x0  }
0x12: {  	s1 =	sld [smem:$0x3F97];
	s0 =	simm.s32 @p0 $0x1  }
0x13: {  	[smem:$0x3FB2] =	sst s0;
	s0 =	simm.s32 @!p1 $0x0  }
0x14: {  	s2 =	sld [smem:$0x3F96];
	s0 =	simm.s32 @p1 $0x1  }
0x15: {  	[smem:$0x3FB3] =	sst s0;
	s0 =	simm.s32 @!p2 $0x0  }
0x16: {  	s3 =	sld [smem:$0x3FDB];
	s0 =	simm.s32 @p2 $0x1  }
0x17: {  	s4 =	simm.s32 $0x1BF5;
	[smem:$0x3FB5] =	sst s0  }
0x18: {  	s0 =	sld [smem:$0x3F98];
	_ =	swait.ge [sflag:s4], $0x0  }
0x19: {  	s7 =	sld [smem:$0x3F99]  }
0x1a: {  	s8 =	sadd.s32 $0xFFFFE003, lr  }
0x1b: {  	s9 =	sadd.s32 $0xFFFFFEF7, lr;
	s5 =	simm.s32 $0xFFFFFFFF;
	p2 =	slt.u32 s8, $0xFFFFF086  }
0x1c: {  	p1 =	slt.u32 s9, $0xF7A;
	s5 =	simm.s32 @!p2 $0x0  }
0x1d: {  	s5 =	simm.s32 @p1 $0x1;
	p0 =	seq.s32 s7, s2  }
0x1e: {  	s7 =	smul.u32 @!p0 $0xF7A, s2;
	p2 =	seq.s32 @!p0 s5, $0x0  }
0x1f: {  	s9 =	smul.u32 $0xF7A, s1;
	s8 =	simm.s32 @!p0 $0x1BF5;
	p2 =	por !p2, p0  }
0x20: {  	[sflag:s8] =	ssyncset.s32 @!p0 $0xFFFFF086;
	s6 =	sadd.s32 @!p0 s3, s7;
	s7 =	simm.s32 @!p0 $0x108  }
0x21: {  	s3 =	sadd.s32 s3, s9;
	s6 =	sadd.s32 @!p0 $0x88, s6;
	s7 =	simm.s32 @p2 $0x1082  }
0x22: {  	[simem:s7], [sflag:s8] =	dma.local @!p0 [hbm:s6], $0xF7A  }
0x23: {  	s9 =	sor.u32 $0xD0000000, s2;
	s6 =	simm.s32 $0x108;
	_ =	swait.ge @!p0 [sflag:s8], $0x0  }
0x24: {  	s3 =	sadd.s32 $0x88, s3;
	s6 =	simm.s32 @!p1 $0x1082;
	[sflag:s4] =	ssyncset.s32 $0xFFFFF086  }
0x25: {  	[simem:s6], [sflag:s4] =	dma.local [hbm:s3], $0xF7A  }
0x26: {  	[smem:$0x3F99] =	sst s1;
	(tag) =	ssettag s2;
	_ =	strace s9  }
0x27: {  	s1 =	sld [smem:$0x3FA9]  }
0x28: {  	s2 =	sld [smem:$0x3FAA]  }
0x29: {  	s4 =	sld [smem:$0x3FAC]  }
0x2a: {  	p0 =	seq.s32 s5, $0x0;
	s5 =	sld [smem:$0x3FAD]  }
0x2b: {  	s6 =	sld [smem:$0x3FAE]  }
0x2c: {  	s7 =	sld [smem:$0x3FAF]  }
0x2d: {  	s3 =	simm.s32 $0x108;
	s8 =	sld [smem:$0x3FB0]  }
0x2e: {  	s3 =	simm.s32 @!p0 $0x1082;
	s9 =	sld [smem:$0x3FB1]  }
0x2f: {  	lr =	sadd.s32 s0, s3;
	s0 =	sld [smem:$0x3FA8]  }
0x30: {  	s3 =	sld [smem:$0x3FAB]  }
0x31: {  	[smem:$0x3FB4] =	sst s10  }
0x32: {  	s10 =	sld [smem:$0x3FB2];
	_ =	sdelay $0x3  }
0x33: {  	p0 =	seq.s32 s10, $0x1;
	s10 =	sld [smem:$0x3FB4];
	_ =	sdelay $0x3  }
0x34: {  	[smem:$0x3FB4] =	sst s10  }
0x35: {  	s10 =	sld [smem:$0x3FB3];
	_ =	sdelay $0x3  }
0x36: {  	p1 =	seq.s32 s10, $0x1;
	s10 =	sld [smem:$0x3FB4];
	_ =	sdelay $0x3  }
0x37: {  	[smem:$0x3FB4] =	sst s10  }
0x38: {  	s10 =	sld [smem:$0x3FB5]  }
0x39: {  	_ = 	snop;
	(pc) =	sbr.ind lr, $3  }
0x3a: {  	_ = 	snop  }
0x3b: {  	_ = 	snop  }
0x3c: {  	p2 =	seq.s32 s10, $0x1;
	s10 =	sld [smem:$0x3FB4]  }
0x3d: {  	_ =	shalt  }
0x3e: {  	_ =	shalt  }
0x3f: {  	_ =	shalt  }
0x40: {  	_ =	shalt  }
0x41: {  	_ =	shalt  }
0x42: {  	_ =	shalt  }
0x43: {  	_ =	shalt  }
0x44: {  	_ =	shalt  }
0x45: {  	_ =	shalt  }
0x46: {  	_ =	shalt  }
0x47: {  	_ =	shalt  }
0x48: {  	_ =	shalt  }
0x49: {  	_ =	shalt  }
0x4a: {  	_ =	shalt  }
0x4b: {  	_ =	shalt  }
0x4c: {  	_ =	shalt  }
0x4d: {  	_ =	shalt  }
0x4e: {  	_ =	shalt  }
0x4f: {  	_ =	shalt  }
0x50: {  	_ =	shalt  }
0x51: {  	_ =	shalt  }
0x52: {  	_ =	shalt  }
0x53: {  	_ =	shalt  }
0x54: {  	_ =	shalt  }
0x55: {  	_ =	shalt  }
0x56: {  	_ =	shalt  }
0x57: {  	_ =	shalt  }
0x58: {  	_ =	shalt  }
0x59: {  	_ =	shalt  }
0x5a: {  	_ =	shalt  }
0x5b: {  	_ =	shalt  }
0x5c: {  	_ =	shalt  }
0x5d: {  	_ =	shalt  }
0x5e: {  	_ =	shalt  }
0x5f: {  	_ =	shalt  }
0x60: {  	_ =	shalt  }
0x61: {  	_ =	shalt  }
0x62: {  	_ =	shalt  }
0x63: {  	_ =	shalt  }
0x64: {  	_ =	shalt  }
0x65: {  	_ =	shalt  }
0x66: {  	_ =	shalt  }
0x67: {  	_ =	shalt  }
0x68: {  	_ =	shalt  }
0x69: {  	_ =	shalt  }
0x6a: {  	_ =	shalt  }
0x6b: {  	_ =	shalt  }
0x6c: {  	_ =	shalt  }
0x6d: {  	_ =	shalt  }
0x6e: {  	_ =	shalt  }
0x6f: {  	_ =	shalt  }
0x70: {  	_ =	shalt  }
0x71: {  	_ =	shalt  }
0x72: {  	_ =	shalt  }
0x73: {  	_ =	shalt  }
0x74: {  	_ =	shalt  }
0x75: {  	_ =	shalt  }
0x76: {  	_ =	shalt  }
0x77: {  	_ =	shalt  }
0x78: {  	_ =	shalt  }
0x79: {  	_ =	shalt  }
0x7a: {  	_ =	shalt  }
0x7b: {  	_ =	shalt  }
0x7c: {  	_ =	shalt  }
0x7d: {  	_ =	shalt  }
0x7e: {  	_ =	shalt  }
0x7f: {  	_ =	shalt  }
0x80: {  	_ =	shalt  }
0x81: {  	_ =	shalt  }
0x82: {  	_ =	shalt  }
0x83: {  	_ =	shalt  }
0x84: {  	_ =	shalt  }
0x85: {  	_ =	shalt  }
0x86: {  	_ =	shalt  }
0x87: {  	_ =	shalt  }
.Lfunc_end0:
.L_simem_size_0:
called_computation_lowered:
.L_overlay_start_0:
0x88: {  	s2 =	sld [smem:$0x3FD9]  }
0x89: {  	s3 =	sld [smem:$0x3FFE];
	_ =	sdelay $0x1  }
0x8a: {  	s1 =	srdreg.scid  }
0x8b: {  	s0 =	sand.u32 $0x1, s1  }
0x8c: {  	s17 =	sshll.u32 s0, $0xA;
	s2 =	sadd.s32 s3, s2  }
0x8d: {  	s2 =	sadd.s32 s2, s17  }
0x8e: {  	[smem:$0x3FC0] =	sst s2  }
0x8f: {  	_ = 	snop  }
0x90: {  	s2 =	sld [smem:$0x3FD0];
	(tm) =	ssettm $0x1  }
0x91: {  	s18 =	sld [smem:$0x3FFB];
	_ =	sdelay $0x3  }
0x92: {  	_ =	strace s18  }
0x93: {  	s3 =	sld [smem:$0x3FFC];
	_ =	sdelay $0x3  }
0x94: {  	_ =	strace s3  }
0x95: {  	s3 =	sld [smem:$0x3FFD];
	_ =	sdelay $0x3  }
0x96: {  	_ =	strace s3  }
0x97: {  	_ =	strace $0x8FFFFFFF  }
0x98: {  	s19 =	sld [smem:$0x3FDB];
	_ =	sdelay $0x1  }
0x99: {  	s4 =	simm.s32 $_scs_section_size  }
0x9a: {  	s5 =	simm.s32 $_size__tile_overlayer_lowered;
	s6 =	simm.s32 $_tile_overlayer_lowered  }
0x9b: {  	s22 =	simm.s32 $0x1BFF;
	s21 =	sshll.u32 s6, $0x1;
	s3 =	sadd.s32 s4, s19  }
0x9c: {  	s7 =	simm.s32 $0x0;
	s20 =	sshll.u32 s5, $0x1;
	s5 =	sadd.s32 s21, s3  }
0x9d: {  	[timem:s7], [sflag:s22] =	dma.local [hbm:s5], s20  }
0x9e: {  	_ =	swait.ge [sflag:s22], s20  }
0x9f: {  	s4 =	ssub.s32 $0x0, s20;
	[sflag:s22] =	ssyncset.done $0x0  }
0xa0: {  	[sflag:s22] =	ssyncadd.s32 s4;
	_ =	sdelay $0x1  }
0xa1: {  	s23 =	simm.s32 $0x1B8B  }
0xa2: {  	_ =	swait.ge [sflag:s23], $0x1  }
0xa3: {  	[sflag:s23] =	ssyncset.done $0x0  }
0xa4: {  	s25 =	simm.s32 $0x1B8E;
	s24 =	sld [smem:$0x3FFE];
	[sflag:s23] =	ssyncadd.s32 $0xFFFFFFFF  }
0xa5: {  	s26 =	simm.s32 $execute0_lowered;
	[smem:$0x3FD2] =	sst s25  }
0xa6: {  	s5 =	sshll.u32 s26, $0x1;
	_ =	strace $0x80000046;
	[dreg:$0x1] =	wrdreg $0xFFFFFFFF  }
0xa7: {  	s28 =	simm.s32 $_size_execute0_lowered;
	s3 =	sadd.s32 s3, s5;
	[dreg:$0x0] =	wrdreg $0x0  }
0xa8: {  	s5 =	sshll.u32 s28, $0x1;
	[dreg:$0x2] =	wrdreg s3  }
0xa9: {  	[dreg:$0x3] =	wrdreg s5  }
0xaa: {  	[dreg:$0x4] =	wrdreg $0xC0  }
0xab: {  	_ =	task [dreg:s7], $0x5FFFF  }
0xac: {  	[dreg:$0x1] =	wrdreg $0xFFFFFFFF  }
0xad: {  	[dreg:$0x0] =	wrdreg $0x60  }
0xae: {  	[dreg:$0x2] =	wrdreg s24  }
0xaf: {  	[dreg:$0x3] =	wrdreg s2  }
0xb0: {  	[dreg:$0x4] =	wrdreg $0x91000  }
0xb1: {  	[dreg:$0x5] =	wrdreg $0x9  }
0xb2: {  	_ =	task.clear_ibuf [dreg:s7], $0x6FFFF;
	_ =	strace $0x90000046  }
0xb3: {  	s29 =	simm.s32 $0x9;
	_ =	strace $0x80000048  }
0xb4: {  	_ =	swait.ge [sflag:s29], $0x1  }
0xb5: {  	[sflag:s29] =	ssyncadd.s32 $0xFFFFFFFF  }
0xb6: {  	_ =	strace $0x90000048  }
0xb7: {  	_ =	sfence  }
0xb8: {  	s30 =	sld [smem:$0x0];
	_ =	sdelay $0x2  }
0xb9: {  	s31 =	sshll.u32 s1, $0xD;
	s1 =	sshrl.u32 s1, $0x2  }
0xba: {  	s3 =	sand.u32 $0x4000, s31;
	s1 =	sadd.s32 s1, s30  }
0xbb: {  	s0 =	sor.u32 s3, s0;
	s1 =	sshll.u32 s1, $0x11  }
0xbc: {  	s0 =	sor.u32 s1, s0  }
0xbd: {  	s0 =	sadd.s32 $0x8F2B, s0  }
0xbe: {  	[sflag:s0] =	ssyncadd.remote.s32 $0x1  }
0xbf: {  	_ =	sfence.sel $0xFFFF  }
0xc0: {  	[dreg:$0x0] =	wrdreg $0xFFFFFFFF;
	(pc) =	sbr.abs _section_cstart, $3  }
0xc1: {  	[dreg:$0x1] =	wrdreg $0xFFFFFFFF  }
0xc2: {  	_ =	task.clear_ibuf [dreg:s7], $0x2FFFF;
	_ =	strace $0x9FFFFFFF  }
0xc3: {  	(tm) =	ssettm $0x7FFFFFFF  }
tec
execute0_lowered:
.L_overlay_start_1:
0x0: {  	(tag) =	ssettag $0x1  }
0x1: {  	s0 =	rddreg [dreg:$0x0]  }
0x2: {  	s2 =	rddreg [dreg:$0x1]  }
0x3: {  	s3 =	rddreg [dreg:$0x2];
	s1 =	srdreg.scid  }
0x4: {  	s10 =	stileid.u32;
	s4 =	simm.s32 $0x0;
	s28 =	simm.s32 $0x5080  }
0x5: {  	s29 =	simm.s32 $0x40;
	s30 =	simm.s32 $0x7100;
	s8 =	smul.u32 $0x14000, s10  }
0x6: {  	s31 =	simm.s32 $0x3;
	s1 =	sand.u32 $0x1, s1;
	s17 =	smul.u32 $0x50000, s10  }
0x7: {  	s5 =	sshll.u32 s10, $0x1;
	[smem:$0x7FF] =	sst s4;
	s6 =	smul.u32 $0x140000, s1  }
0x8: {  	s7 =	sor.u32 s1, s5;
	_ =	strace $0x80000047;
	s1 =	ssub.s32 $0x2, s1  }
0x9: {  	s5 =	sadd.s32 $0x15A00, s0;
	s9 =	smul.u32 $0x500, s7;
	s18 =	sshrl.u32 s1, $0x1  }
0xa: {  	s19 =	sshrl.u32 s17, $0x2;
	s11 =	smul.u32 $0x5000, s7;
	s6 =	sadd.s32 s8, s6  }
0xb: {  	s1 =	ssub.s32 s1, s18;
	s8 =	sadd.s32 s19, s3;
	s9 =	sadd.s32 s9, s0  }
0xc: {  	s6 =	sshrl.u32 s6, $0x3;
	s22 =	sadd.s32 $0x4000, s8;
	s23 =	sadd.s32 $0x6000, s8  }
0xd: {  	s24 =	sadd.s32 $0x8000, s8;
	s25 =	sadd.s32 $0xA000, s8;
	s15 =	sadd.s32 $0xC000, s8  }
0xe: {  	s16 =	sadd.s32 $0xE000, s8;
	s26 =	sshrl.u32 s11, $0x3;
	[dreg:$0x7] =	wrdreg s22  }
0xf: {  	s17 =	sadd.s32 $0x10000, s8;
	s18 =	sadd.s32 $0x12000, s8;
	[dreg:$0x8] =	wrdreg s23  }
0x10: {  	s0 =	sadd.s32 s6, s0;
	s20 =	sadd.s32 $0x1A00, s9;
	[dreg:$0x9] =	wrdreg s24  }
0x11: {  	s21 =	sadd.s32 $0xBA00, s9;
	s6 =	sadd.s32 $0x2000, s8;
	[dreg:$0xa] =	wrdreg s25  }
.Ltmp0:
0x12: {  	s19 =	sadd.s32 s2, s26;
	s22 =	smax.u32 s1, $0x1;
	(pc) =	sbr.rel .LBB2_1-.Ltmp0, $4  }
0x13: {  	s23 =	simm.s32 $0x5;
	s25 =	simm.s32 $0x5100;
	[dreg:$0x4] =	wrdreg s20  }
0x14: {  	s26 =	simm.s32 $0x5000;
	s24 =	simm.s32 $0x4;
	[dreg:$0x5] =	wrdreg s21  }
0x15: {  	s1 =	simm.s32 $0x2;
	[dreg:$0x6] =	wrdreg s6;
	s20 =	sadd.s32 $0x10, s19  }
0x16: {  	v0 =	vimm.f32 $0.0e+00;
	s21 =	sadd.s32 $0x14E200, s0;
	s0 =	simm.s32 $0x1;
	s6 =	simm.s32 $0x0  }
.LBB2_10:
0x17: {  	s7 =	stileid.u32;
	s6 =	sadd.s32 $0x1, s6  }
0x18: {  	[bflag:$0x0] =	sbarrier.arrive $0xFFFF;
	s7 =	sshll.u32 s7, $0x6;
	p0 =	sne.s32 s6, s22  }
.Ltmp1:
0x19: {  	s9 =	sshrl.u32 s8, $0x3;
	s7 =	sor.u32 $0x1C05, s7;
	(pc) =	sbr.rel @!p0 .LBB2_11-.Ltmp1, $4  }
0x1a: {  	[hbm:s21], [sflag:s7] =	dma.local [spmem:s9], $0x2800  }
0x1b: {  	_ =	swait.ge [sflag:s23], $0x2800  }
0x1c: {  	[sflag:s23] =	ssyncset.done $0x0  }
0x1d: {  	[sflag:s23] =	ssyncadd.s32 $0xFFFFD800  }
.LBB2_1:
0x1e: {  	s7 =	rddreg [dreg:$0x4]  }
0x1f: {  	[tilespmem:s4], [sflag:$0x5] =	stream.linear.gather [hbm4b:s7+s4], $0x2780, $0x38;
	[tilespmem:$0x1D100] =	vst v63  }
0x20: {  	_ =	swait.ge [sflag:s23], $0x2780  }
0x21: {  	[sflag:s23] =	ssyncset.done $0x0  }
0x22: {  	s9 =	simm.s32 $0x2800;
	s14 =	rddreg [dreg:$0x5];
	[sflag:s23] =	ssyncadd.s32 $0xFFFFD880  }
0x23: {  	[tilespmem:s9], [sflag:$0x5] =	stream.linear.gather [hbm4b:s14+s4], $0x2780, $0x38;
	[tilespmem:$0x1D100] =	vst v63  }
0x24: {  	_ =	swait.ge [sflag:s23], $0x2780  }
0x25: {  	[sflag:s23] =	ssyncset.done $0x0  }
0x26: {  	s7 =	simm.s32 $0x0;
	s9 =	simm.s32 $0x200;
	[sflag:s23] =	ssyncadd.s32 $0xFFFFD880  }
.LBB2_2:
0x27: {  	p0 =	sne.s32 s9, $0x7E00;
	[tilespmem:s7+$0x5170] =	vst v0  }
0x28: {  	[tilespmem:s7+$0x5100] =	vst v0  }
0x29: {  	[tilespmem:s7+$0x5110] =	vst v0  }
.Ltmp2:
0x2a: {  	[tilespmem:s7+$0x5120] =	vst v0;
	(pc) =	sbr.rel @p0 .LBB2_2-.Ltmp2, $4  }
0x2b: {  	[tilespmem:s7+$0x5130] =	vst v0  }
0x2c: {  	[tilespmem:s7+$0x5140] =	vst v0  }
0x2d: {  	[tilespmem:s7+$0x5150] =	vst v0  }
0x2e: {  	[tilespmem:s7+$0x5160] =	vst v0;
	s7 =	sshra.s32 s9, $0x2;
	s9 =	sadd.s32 $0x200, s9  }
0x2f: {  	[tilespmem:s7+$0x5170] =	vst v0  }
0x30: {  	[tilespmem:s7+$0x5100] =	vst v0  }
0x31: {  	[tilespmem:s7+$0x5110] =	vst v0  }
0x32: {  	[tilespmem:s7+$0x5120] =	vst v0  }
0x33: {  	[tilespmem:s7+$0x5130] =	vst v0  }
0x34: {  	[tilespmem:s7+$0x5140] =	vst v0  }
0x35: {  	[tilespmem:s7+$0x5150] =	vst v0  }
0x36: {  	[tilespmem:s7+$0x5160] =	vst v0  }
0x37: {  	[spmem:s8] =	stream.linear.scatter [tilespmem:s25], [sflag:$0x5], $0x2000, $0x38;
	[tilespmem:$0x1D100] =	vst v63  }
0x38: {  	_ =	swait.ge [sflag:s23], $0x2000  }
0x39: {  	[sflag:s23] =	ssyncset.done $0x0  }
0x3a: {  	s9 =	rddreg [dreg:$0x6];
	[sflag:s23] =	ssyncadd.s32 $0xFFFFE000  }
0x3b: {  	[spmem:s9] =	stream.linear.scatter [tilespmem:s25], [sflag:$0x5], $0x2000, $0x38;
	[tilespmem:$0x1D100] =	vst v63  }
0x3c: {  	_ =	swait.ge [sflag:s23], $0x2000  }
0x3d: {  	[sflag:s23] =	ssyncset.done $0x0  }
0x3e: {  	s10 =	rddreg [dreg:$0x7];
	[sflag:s23] =	ssyncadd.s32 $0xFFFFE000  }
0x3f: {  	[spmem:s10] =	stream.linear.scatter [tilespmem:s25], [sflag:$0x5], $0x2000, $0x38;
	[tilespmem:$0x1D100] =	vst v63  }
0x40: {  	_ =	swait.ge [sflag:s23], $0x2000  }
0x41: {  	[sflag:s23] =	ssyncset.done $0x0  }
0x42: {  	s12 =	rddreg [dreg:$0x8];
	[sflag:s23] =	ssyncadd.s32 $0xFFFFE000  }
0x43: {  	[spmem:s12] =	stream.linear.scatter [tilespmem:s25], [sflag:$0x5], $0x2000, $0x38;
	[tilespmem:$0x1D100] =	vst v63  }
0x44: {  	_ =	swait.ge [sflag:s23], $0x2000  }
0x45: {  	[sflag:s23] =	ssyncset.done $0x0  }
0x46: {  	s13 =	rddreg [dreg:$0x9];
	[sflag:s23] =	ssyncadd.s32 $0xFFFFE000  }
0x47: {  	[spmem:s13] =	stream.linear.scatter [tilespmem:s25], [sflag:$0x5], $0x2000, $0x38;
	[tilespmem:$0x1D100] =	vst v63  }
0x48: {  	_ =	swait.ge [sflag:s23], $0x2000  }
0x49: {  	[sflag:s23] =	ssyncset.done $0x0  }
0x4a: {  	s14 =	rddreg [dreg:$0xa];
	[sflag:s23] =	ssyncadd.s32 $0xFFFFE000  }
0x4b: {  	[spmem:s14] =	stream.linear.scatter [tilespmem:s25], [sflag:$0x5], $0x2000, $0x38;
	[tilespmem:$0x1D100] =	vst v63  }
0x4c: {  	_ =	swait.ge [sflag:s23], $0x2000  }
0x4d: {  	[sflag:s23] =	ssyncset.done $0x0  }
0x4e: {  	[sflag:s23] =	ssyncadd.s32 $0xFFFFE000  }
0x4f: {  	[spmem:s15] =	stream.linear.scatter [tilespmem:s25], [sflag:$0x5], $0x2000, $0x38;
	[tilespmem:$0x1D100] =	vst v63  }
0x50: {  	_ =	swait.ge [sflag:s23], $0x2000  }
0x51: {  	[sflag:s23] =	ssyncset.done $0x0  }
0x52: {  	[sflag:s23] =	ssyncadd.s32 $0xFFFFE000  }
0x53: {  	[spmem:s16] =	stream.linear.scatter [tilespmem:s25], [sflag:$0x5], $0x2000, $0x38;
	[tilespmem:$0x1D100] =	vst v63  }
0x54: {  	_ =	swait.ge [sflag:s23], $0x2000  }
0x55: {  	[sflag:s23] =	ssyncset.done $0x0  }
0x56: {  	[sflag:s23] =	ssyncadd.s32 $0xFFFFE000  }
0x57: {  	[spmem:s17] =	stream.linear.scatter [tilespmem:s25], [sflag:$0x5], $0x2000, $0x38;
	[tilespmem:$0x1D100] =	vst v63  }
0x58: {  	_ =	swait.ge [sflag:s23], $0x2000  }
0x59: {  	[sflag:s23] =	ssyncset.done $0x0  }
0x5a: {  	[sflag:s23] =	ssyncadd.s32 $0xFFFFE000  }
0x5b: {  	[spmem:s18] =	stream.linear.scatter [tilespmem:s25], [sflag:$0x5], $0x2000, $0x38;
	[tilespmem:$0x1D100] =	vst v63  }
0x5c: {  	_ =	swait.ge [sflag:s23], $0x2000  }
0x5d: {  	[sflag:s23] =	ssyncset.done $0x0  }
0x5e: {  	[sflag:s23] =	ssyncadd.s32 $0xFFFFE000  }
0x5f: {  	s7 =	simm.s32 $0x0;
	[bflag:$0x0] =	sbarrier.arrive $0xFFFF  }
0x60: {  	[tilespmem:s26], [sflag:$0x1] =	stream.linear.gather [hbm4b:s19+s7], $0x80, $0x38;
	[tilespmem:$0x1D100] =	vst v63  }
0x61: {  	_ = 	snop  }
0x62: {  	[tilespmem:s28], [sflag:$0x2] =	stream.linear.gather [hbm4b:s20+s7], $0x80, $0x38;
	[tilespmem:$0x1D100] =	vst v63  }
0x63: {  	_ = 	snop  }
0x64: {  	[tilespmem:s25], [sflag:$0x3] =	stream.indirect.gather [hbm4b:s5+s29], $0x80, s7, s29, $0xb8;
	[tilespmem:$0x1D100] =	vst v63  }
.LBB2_4:
0x65: {  	s9 =	sshll.u32 s7, $0x7  }
0x66: {  	s10 =	sand.u32 $0x3FFFFF80, s9  }
0x67: {  	s9 =	sadd.s32 $0x2800, s10  }
0x68: {  	s12 =	sor.u32 $0x40, s10;
	v1 =	vmov s9  }
0x69: {  	[tilespmem:s30], [sflag:$0x4] =	stream.indirect.gather [hbm4b:s5+s29], $0x80, s12, s29, $0xb8;
	[tilespmem:$0x1D100] =	vst v63  }
0x6a: {  	_ =	swait.ge [sflag:s31], $0x2000  }
0x6b: {  	s13 =	simm.s32 $0x0;
	[sflag:s31] =	ssyncset.done $0x0  }
0x6c: {  	s14 =	simm.s32 $0x0;
	s9 =	sand.u32 $0x3FFFFFF0, s13;
	[sflag:s31] =	ssyncadd.s32 $0xFFFFE000  }
0x6d: {  	v2 =	vld.idx.msk [tilespmem:v1+s9+$0x0 ss:$0x1], $0xffff;
	s9 =	sand.u32 $0x3FFFF800, s14  }
0x6e: {  	v8 =	vld [tilespmem:s9+$0x51C0]  }
0x6f: {  	v4 =	vld [tilespmem:s9+$0x5120]  }
0x70: {  	v5 =	vld [tilespmem:s9+$0x5130]  }
0x71: {  	v11 =	vld [tilespmem:s9+$0x5160]  }
0x72: {  	v12 =	vld [tilespmem:s9+$0x5170];
	v3 =	vbroadcast v2, $0x0  }
0x73: {  	v13 =	vld [tilespmem:s9+$0x5180]  }
0x74: {  	v14 =	vld [tilespmem:s9+$0x5190];
	v4 =	vmul.f32 v4, v3  }
0x75: {  	v15 =	vld [tilespmem:s9+$0x51A0];
	v5 =	vmul.f32 v5, v3  }
0x76: {  	v10 =	vld [tilespmem:s9+$0x51B0];
	v21 =	vbroadcast v2, $0x1;
	v20 =	vmul.f32 v11, v3;
	[tilespmem:s9+$0x5120] =	vst v4  }
0x77: {  	v9 =	vld [tilespmem:s9+$0x51D0];
	v12 =	vmul.f32 v12, v3;
	[tilespmem:s9+$0x5130] =	vst v5  }
0x78: {  	v7 =	vld [tilespmem:s9+$0x5670];
	v13 =	vmul.f32 v13, v21;
	[tilespmem:s9+$0x5160] =	vst v20  }
0x79: {  	v23 =	vld [tilespmem:s9+$0x51F0];
	v14 =	vmul.f32 v14, v21;
	[tilespmem:s9+$0x5170] =	vst v12  }
0x7a: {  	v24 =	vld [tilespmem:s9+$0x5200];
	v15 =	vmul.f32 v15, v21;
	[tilespmem:s9+$0x5180] =	vst v13  }
0x7b: {  	v25 =	vld [tilespmem:s9+$0x5210];
	v10 =	vmul.f32 v10, v21;
	[tilespmem:s9+$0x5190] =	vst v14  }
0x7c: {  	v22 =	vld [tilespmem:s9+$0x51E0];
	v8 =	vmul.f32 v8, v21;
	[tilespmem:s9+$0x51A0] =	vst v15  }
0x7d: {  	v26 =	vld [tilespmem:s9+$0x5220];
	v16 =	vbroadcast v2, $0x2;
	v9 =	vmul.f32 v9, v21;
	[tilespmem:s9+$0x51B0] =	vst v10  }
0x7e: {  	v27 =	vld [tilespmem:s9+$0x5230];
	v11 =	vmul.f32 v23, v21;
	[tilespmem:s9+$0x51C0] =	vst v8  }
0x7f: {  	v28 =	vld [tilespmem:s9+$0x5240];
	v6 =	vbroadcast v2, $0xA;
	v30 =	vmul.f32 v24, v16;
	[tilespmem:s9+$0x51D0] =	vst v9  }
0x80: {  	v29 =	vld [tilespmem:s9+$0x5250];
	v32 =	vmul.f32 v25, v16;
	[tilespmem:s9+$0x51F0] =	vst v11  }
0x81: {  	v31 =	vld [tilespmem:s9+$0x5260];
	v4 =	vmul.f32 v7, v6;
	[tilespmem:s9+$0x5200] =	vst v30  }
0x82: {  	v33 =	vld [tilespmem:s9+$0x5270];
	v12 =	vmul.f32 v22, v21;
	[tilespmem:s9+$0x5210] =	vst v32  }
0x83: {  	v34 =	vld [tilespmem:s9+$0x5280];
	v10 =	vmul.f32 v26, v16;
	[tilespmem:s9+$0x5670] =	vst v4  }
0x84: {  	v35 =	vld [tilespmem:s9+$0x5290];
	v8 =	vmul.f32 v27, v16;
	[tilespmem:s9+$0x51E0] =	vst v12  }
0x85: {  	v36 =	vld [tilespmem:s9+$0x52A0];
	v9 =	vmul.f32 v28, v16;
	[tilespmem:s9+$0x5220] =	vst v10  }
0x86: {  	v37 =	vld [tilespmem:s9+$0x52B0];
	v39 =	vbroadcast v2, $0x3;
	v11 =	vmul.f32 v31, v16;
	[tilespmem:s9+$0x5230] =	vst v8  }
0x87: {  	v38 =	vld [tilespmem:s9+$0x52C0];
	v13 =	vmul.f32 v33, v16;
	[tilespmem:s9+$0x5240] =	vst v9  }
0x88: {  	v40 =	vld [tilespmem:s9+$0x52D0];
	v14 =	vmul.f32 v34, v39;
	[tilespmem:s9+$0x5260] =	vst v11  }
0x89: {  	v41 =	vld [tilespmem:s9+$0x52E0];
	v12 =	vmul.f32 v29, v16;
	[tilespmem:s9+$0x5270] =	vst v13  }
0x8a: {  	v42 =	vld [tilespmem:s9+$0x52F0];
	v10 =	vmul.f32 v35, v39;
	[tilespmem:s9+$0x5280] =	vst v14  }
0x8b: {  	v43 =	vld [tilespmem:s9+$0x5300];
	v8 =	vmul.f32 v36, v39;
	[tilespmem:s9+$0x5250] =	vst v12  }
0x8c: {  	v44 =	vld [tilespmem:s9+$0x5310];
	v9 =	vmul.f32 v37, v39;
	[tilespmem:s9+$0x5290] =	vst v10  }
0x8d: {  	v45 =	vld [tilespmem:s9+$0x5320];
	v11 =	vmul.f32 v40, v39;
	[tilespmem:s9+$0x52A0] =	vst v8  }
0x8e: {  	v46 =	vld [tilespmem:s9+$0x5330];
	v13 =	vmul.f32 v41, v39;
	[tilespmem:s9+$0x52B0] =	vst v9  }
0x8f: {  	v47 =	vld [tilespmem:s9+$0x5340];
	v48 =	vbroadcast v2, $0x4;
	v14 =	vmul.f32 v42, v39;
	[tilespmem:s9+$0x52D0] =	vst v11  }
0x90: {  	v49 =	vld [tilespmem:s9+$0x5350];
	v12 =	vmul.f32 v38, v39;
	[tilespmem:s9+$0x52E0] =	vst v13  }
0x91: {  	v50 =	vld [tilespmem:s9+$0x5360];
	v10 =	vmul.f32 v43, v48;
	[tilespmem:s9+$0x52F0] =	vst v14  }
0x92: {  	v51 =	vld [tilespmem:s9+$0x5370];
	v8 =	vmul.f32 v44, v48;
	[tilespmem:s9+$0x52C0] =	vst v12  }
0x93: {  	v52 =	vld [tilespmem:s9+$0x5380];
	v9 =	vmul.f32 v45, v48;
	[tilespmem:s9+$0x5300] =	vst v10  }
0x94: {  	v53 =	vld [tilespmem:s9+$0x5390];
	v11 =	vmul.f32 v47, v48;
	[tilespmem:s9+$0x5310] =	vst v8  }
0x95: {  	v54 =	vld [tilespmem:s9+$0x53A0];
	v13 =	vmul.f32 v49, v48;
	[tilespmem:s9+$0x5320] =	vst v9  }
0x96: {  	v55 =	vld [tilespmem:s9+$0x53B0];
	v14 =	vmul.f32 v50, v48;
	[tilespmem:s9+$0x5340] =	vst v11  }
0x97: {  	v56 =	vld [tilespmem:s9+$0x53C0];
	v57 =	vbroadcast v2, $0x5;
	v12 =	vmul.f32 v46, v48;
	[tilespmem:s9+$0x5350] =	vst v13  }
0x98: {  	v58 =	vld [tilespmem:s9+$0x53D0];
	v10 =	vmul.f32 v51, v48;
	[tilespmem:s9+$0x5360] =	vst v14  }
0x99: {  	v59 =	vld [tilespmem:s9+$0x53E0];
	v8 =	vmul.f32 v52, v57;
	[tilespmem:s9+$0x5330] =	vst v12  }
0x9a: {  	v60 =	vld [tilespmem:s9+$0x53F0];
	v9 =	vmul.f32 v53, v57;
	[tilespmem:s9+$0x5370] =	vst v10  }
0x9b: {  	v61 =	vld [tilespmem:s9+$0x5400];
	v11 =	vmul.f32 v55, v57;
	[tilespmem:s9+$0x5380] =	vst v8  }
0x9c: {  	v62 =	vld [tilespmem:s9+$0x5410];
	v13 =	vmul.f32 v56, v57;
	[tilespmem:s9+$0x5390] =	vst v9  }
0x9d: {  	v63 =	vld [tilespmem:s9+$0x5420];
	v14 =	vmul.f32 v58, v57;
	[tilespmem:s9+$0x53B0] =	vst v11  }
0x9e: {  	v20 =	vld [tilespmem:s9+$0x5430];
	v12 =	vmul.f32 v54, v57;
	[tilespmem:s9+$0x53C0] =	vst v13  }
0x9f: {  	v21 =	vld [tilespmem:s9+$0x5440];
	v22 =	vbroadcast v2, $0x6;
	v10 =	vmul.f32 v59, v57;
	[tilespmem:s9+$0x53D0] =	vst v14  }
0xa0: {  	v23 =	vld [tilespmem:s9+$0x5450];
	v8 =	vmul.f32 v60, v57;
	[tilespmem:s9+$0x53A0] =	vst v12  }
0xa1: {  	v24 =	vld [tilespmem:s9+$0x5460];
	v9 =	vmul.f32 v61, v22;
	[tilespmem:s9+$0x53E0] =	vst v10  }
0xa2: {  	v25 =	vld [tilespmem:s9+$0x5470];
	v11 =	vmul.f32 v63, v22;
	[tilespmem:s9+$0x53F0] =	vst v8  }
0xa3: {  	v5 =	vld [tilespmem:s9+$0x5680];
	v13 =	vmul.f32 v20, v22;
	[tilespmem:s9+$0x5400] =	vst v9  }
0xa4: {  	v27 =	vld [tilespmem:s9+$0x5490];
	v14 =	vmul.f32 v21, v22;
	[tilespmem:s9+$0x5420] =	vst v11  }
0xa5: {  	v28 =	vld [tilespmem:s9+$0x54A0];
	v12 =	vmul.f32 v62, v22;
	[tilespmem:s9+$0x5430] =	vst v13  }
0xa6: {  	v29 =	vld [tilespmem:s9+$0x54B0];
	v10 =	vmul.f32 v23, v22;
	[tilespmem:s9+$0x5440] =	vst v14  }
0xa7: {  	v31 =	vbroadcast v2, $0x7;
	v53 =	vld [tilespmem:s9+$0x5600];
	v8 =	vmul.f32 v24, v22;
	[tilespmem:s9+$0x5410] =	vst v12  }
0xa8: {  	v58 =	vld [tilespmem:s9+$0x5650];
	v9 =	vmul.f32 v25, v22;
	[tilespmem:s9+$0x5450] =	vst v10  }
0xa9: {  	v26 =	vld [tilespmem:s9+$0x5480];
	v11 =	vmul.f32 v27, v31;
	[tilespmem:s9+$0x5460] =	vst v8  }
0xaa: {  	v30 =	vld [tilespmem:s9+$0x54C0];
	v13 =	vmul.f32 v28, v31;
	[tilespmem:s9+$0x5470] =	vst v9  }
0xab: {  	v32 =	vld [tilespmem:s9+$0x54D0];
	v14 =	vmul.f32 v29, v31;
	[tilespmem:s9+$0x5490] =	vst v11  }
0xac: {  	v33 =	vld [tilespmem:s9+$0x54E0];
	v59 =	vmul.f32 v53, v6;
	[tilespmem:s9+$0x54A0] =	vst v13  }
0xad: {  	v35 =	vld [tilespmem:s9+$0x5500];
	v21 =	vmul.f32 v58, v6;
	[tilespmem:s9+$0x54B0] =	vst v14  }
0xae: {  	v36 =	vld [tilespmem:s9+$0x5510];
	v12 =	vmul.f32 v26, v31;
	[tilespmem:s9+$0x5600] =	vst v59  }
0xaf: {  	v37 =	vld [tilespmem:s9+$0x5520];
	v10 =	vmul.f32 v30, v31;
	[tilespmem:s9+$0x5650] =	vst v21  }
0xb0: {  	v7 =	vld [tilespmem:s9+$0x5690];
	v40 =	vbroadcast v2, $0x8;
	v8 =	vmul.f32 v32, v31;
	[tilespmem:s9+$0x5480] =	vst v12  }
0xb1: {  	v34 =	vld [tilespmem:s9+$0x54F0];
	v9 =	vmul.f32 v33, v31;
	[tilespmem:s9+$0x54C0] =	vst v10  }
0xb2: {  	v57 =	vld [tilespmem:s9+$0x5640];
	v11 =	vmul.f32 v35, v40;
	[tilespmem:s9+$0x54D0] =	vst v8  }
0xb3: {  	v61 =	vld [tilespmem:s9+$0x5100];
	v24 =	vbroadcast v2, $0xB;
	v13 =	vmul.f32 v36, v40;
	[tilespmem:s9+$0x54E0] =	vst v9  }
0xb4: {  	v4 =	vld [tilespmem:s9+$0x58D0];
	v14 =	vmul.f32 v37, v40;
	[tilespmem:s9+$0x5500] =	vst v11  }
0xb5: {  	v38 =	vld [tilespmem:s9+$0x5530];
	v5 =	vmul.f32 v5, v24;
	[tilespmem:s9+$0x5510] =	vst v13  }
0xb6: {  	v39 =	vld [tilespmem:s9+$0x5540];
	v7 =	vmul.f32 v7, v24;
	[tilespmem:s9+$0x5520] =	vst v14  }
0xb7: {  	v41 =	vld [tilespmem:s9+$0x5550];
	v19 =	vmul.f32 v57, v6;
	[tilespmem:s9+$0x5680] =	vst v5  }
0xb8: {  	v43 =	vld [tilespmem:s9+$0x5570];
	v25 =	vmul.f32 v3, v61;
	[tilespmem:s9+$0x5690] =	vst v7  }
0xb9: {  	v44 =	vld [tilespmem:s9+$0x5580];
	v12 =	vmul.f32 v34, v31;
	[tilespmem:s9+$0x5640] =	vst v19  }
0xba: {  	v45 =	vld [tilespmem:s9+$0x5590];
	v10 =	vmul.f32 v38, v40;
	[tilespmem:s9+$0x5100] =	vst v25  }
0xbb: {  	v27 =	vld [tilespmem:s9+$0x56D0];
	v8 =	vmul.f32 v39, v40;
	[tilespmem:s9+$0x54F0] =	vst v12  }
0xbc: {  	v49 =	vbroadcast v2, $0x9;
	v29 =	vld [tilespmem:s9+$0x56F0];
	v9 =	vmul.f32 v41, v40;
	[tilespmem:s9+$0x5530] =	vst v10  }
0xbd: {  	v42 =	vld [tilespmem:s9+$0x5560];
	v11 =	vmul.f32 v43, v40;
	[tilespmem:s9+$0x5540] =	vst v8  }
0xbe: {  	v46 =	vld [tilespmem:s9+$0x55A0];
	v13 =	vmul.f32 v44, v49;
	[tilespmem:s9+$0x5550] =	vst v9  }
0xbf: {  	v47 =	vld [tilespmem:s9+$0x55B0];
	v14 =	vmul.f32 v45, v49;
	[tilespmem:s9+$0x5570] =	vst v11  }
0xc0: {  	v48 =	vld [tilespmem:s9+$0x55C0];
	v32 =	vmul.f32 v27, v24;
	[tilespmem:s9+$0x5580] =	vst v13  }
0xc1: {  	v51 =	vld [tilespmem:s9+$0x55E0];
	v7 =	vmul.f32 v29, v24;
	[tilespmem:s9+$0x5590] =	vst v14  }
0xc2: {  	v52 =	vld [tilespmem:s9+$0x55F0];
	v12 =	vmul.f32 v42, v40;
	[tilespmem:s9+$0x56D0] =	vst v32  }
0xc3: {  	v10 =	vmul.f32 v46, v49;
	[tilespmem:s9+$0x56F0] =	vst v7  }
0xc4: {  	v28 =	vld [tilespmem:s9+$0x56E0];
	v8 =	vmul.f32 v47, v49;
	[tilespmem:s9+$0x5560] =	vst v12  }
0xc5: {  	v30 =	vld [tilespmem:s9+$0x5700];
	v9 =	vmul.f32 v48, v49;
	[tilespmem:s9+$0x55A0] =	vst v10  }
0xc6: {  	v50 =	vld [tilespmem:s9+$0x55D0];
	v5 =	vbroadcast v2, $0xF;
	v11 =	vmul.f32 v51, v49;
	[tilespmem:s9+$0x55B0] =	vst v8  }
0xc7: {  	v54 =	vld [tilespmem:s9+$0x5610];
	v13 =	vmul.f32 v52, v49;
	[tilespmem:s9+$0x55C0] =	vst v9  }
0xc8: {  	v55 =	vld [tilespmem:s9+$0x5620];
	v35 =	vbroadcast v2, $0xC;
	v4 =	vmul.f32 v4, v5;
	[tilespmem:s9+$0x55E0] =	vst v11  }
0xc9: {  	v56 =	vld [tilespmem:s9+$0x5630];
	v40 =	vmul.f32 v28, v24;
	[tilespmem:s9+$0x55F0] =	vst v13  }
0xca: {  	v60 =	vld [tilespmem:s9+$0x5660];
	v16 =	vmul.f32 v30, v35;
	[tilespmem:s9+$0x58D0] =	vst v4  }
0xcb: {  	v62 =	vld [tilespmem:s9+$0x5110];
	v12 =	vmul.f32 v50, v49;
	[tilespmem:s9+$0x56E0] =	vst v40  }
0xcc: {  	v63 =	vld [tilespmem:s9+$0x5140];
	v10 =	vmul.f32 v54, v6;
	[tilespmem:s9+$0x5700] =	vst v16  }
0xcd: {  	v20 =	vld [tilespmem:s9+$0x5150];
	v8 =	vmul.f32 v55, v6;
	[tilespmem:s9+$0x55D0] =	vst v12  }
0xce: {  	v33 =	vld [tilespmem:s9+$0x5730];
	v9 =	vmul.f32 v56, v6;
	[tilespmem:s9+$0x5610] =	vst v10  }
0xcf: {  	v61 =	vld [tilespmem:s9+$0x58F0];
	v6 =	vmul.f32 v60, v6;
	[tilespmem:s9+$0x5620] =	vst v8  }
0xd0: {  	v38 =	vld [tilespmem:s9+$0x5770];
	v13 =	vmul.f32 v62, v3;
	[tilespmem:s9+$0x5630] =	vst v9  }
0xd1: {  	v22 =	vld [tilespmem:s9+$0x56A0];
	v4 =	vmul.f32 v63, v3;
	[tilespmem:s9+$0x5660] =	vst v6  }
0xd2: {  	v23 =	vld [tilespmem:s9+$0x56B0];
	v3 =	vmul.f32 v20, v3;
	[tilespmem:s9+$0x5110] =	vst v13  }
0xd3: {  	v26 =	vld [tilespmem:s9+$0x56C0];
	v62 =	vmul.f32 v33, v35;
	[tilespmem:s9+$0x5140] =	vst v4  }
0xd4: {  	v31 =	vld [tilespmem:s9+$0x5710];
	v63 =	vmul.f32 v61, v5;
	[tilespmem:s9+$0x5150] =	vst v3  }
0xd5: {  	v34 =	vld [tilespmem:s9+$0x5740];
	v16 =	vmul.f32 v38, v35;
	[tilespmem:s9+$0x5730] =	vst v62  }
0xd6: {  	v41 =	vld [tilespmem:s9+$0x57A0];
	v8 =	vmul.f32 v22, v24;
	[tilespmem:s9+$0x58F0] =	vst v63  }
0xd7: {  	v46 =	vld [tilespmem:s9+$0x57E0];
	v9 =	vmul.f32 v23, v24;
	[tilespmem:s9+$0x5770] =	vst v16  }
0xd8: {  	v6 =	vmul.f32 v26, v24;
	v3 =	vld [tilespmem:s9+$0x5790];
	[tilespmem:s9+$0x56A0] =	vst v8  }
0xd9: {  	v36 =	vld [tilespmem:s9+$0x5750];
	v44 =	vbroadcast v2, $0xD;
	v10 =	vmul.f32 v31, v35;
	[tilespmem:s9+$0x56B0] =	vst v9  }
0xda: {  	v37 =	vld [tilespmem:s9+$0x5760];
	v13 =	vmul.f32 v34, v35;
	[tilespmem:s9+$0x56C0] =	vst v6  }
0xdb: {  	v39 =	vld [tilespmem:s9+$0x5780];
	v12 =	vmul.f32 v41, v44;
	[tilespmem:s9+$0x5710] =	vst v10  }
0xdc: {  	v42 =	vld [tilespmem:s9+$0x57B0];
	v51 =	vmul.f32 v46, v44;
	[tilespmem:s9+$0x5740] =	vst v13  }
0xdd: {  	v48 =	vld [tilespmem:s9+$0x5810];
	[tilespmem:s9+$0x57A0] =	vst v12;
	v3 =	vmul.f32 v3, v44  }
0xde: {  	v49 =	vld [tilespmem:s9+$0x5820];
	v9 =	vmul.f32 v36, v35;
	[tilespmem:s9+$0x57E0] =	vst v51  }
0xdf: {  	v6 =	vmul.f32 v37, v35;
	[tilespmem:s9+$0x5790] =	vst v3;
	v3 =	vld [tilespmem:s9+$0x5800]  }
0xe0: {  	v2 =	vbroadcast v2, $0xE;
	v50 =	vld [tilespmem:s9+$0x5830];
	v10 =	vmul.f32 v39, v44;
	[tilespmem:s9+$0x5750] =	vst v9  }
0xe1: {  	v45 =	vld [tilespmem:s9+$0x57D0];
	v13 =	vmul.f32 v42, v44;
	[tilespmem:s9+$0x5760] =	vst v6  }
0xe2: {  	v47 =	vld [tilespmem:s9+$0x57F0];
	v12 =	vmul.f32 v48, v2;
	[tilespmem:s9+$0x5780] =	vst v10  }
0xe3: {  	v43 =	vld [tilespmem:s9+$0x57C0];
	v11 =	vmul.f32 v49, v2;
	[tilespmem:s9+$0x57B0] =	vst v13  }
0xe4: {  	v55 =	vld [tilespmem:s9+$0x5880];
	[tilespmem:s9+$0x5810] =	vst v12;
	v3 =	vmul.f32 v3, v2  }
0xe5: {  	v57 =	vld [tilespmem:s9+$0x58A0];
	v7 =	vmul.f32 v50, v2;
	[tilespmem:s9+$0x5820] =	vst v11  }
0xe6: {  	v6 =	vmul.f32 v45, v44;
	[tilespmem:s9+$0x5800] =	vst v3;
	v3 =	vld [tilespmem:s9+$0x5870]  }
0xe7: {  	v52 =	vld [tilespmem:s9+$0x5840];
	v10 =	vmul.f32 v47, v44;
	[tilespmem:s9+$0x5830] =	vst v7  }
0xe8: {  	v56 =	vld [tilespmem:s9+$0x5890];
	v9 =	vmul.f32 v43, v44;
	[tilespmem:s9+$0x57D0] =	vst v6  }
0xe9: {  	v54 =	vld [tilespmem:s9+$0x5860];
	v12 =	vmul.f32 v55, v5;
	[tilespmem:s9+$0x57F0] =	vst v10  }
0xea: {  	v58 =	vld [tilespmem:s9+$0x58B0];
	v7 =	vmul.f32 v57, v5;
	[tilespmem:s9+$0x57C0] =	vst v9  }
0xeb: {  	v53 =	vld [tilespmem:s9+$0x5850];
	[tilespmem:s9+$0x5880] =	vst v12;
	v3 =	vmul.f32 v3, v2  }
0xec: {  	v59 =	vld [tilespmem:s9+$0x58C0];
	v6 =	vmul.f32 v52, v2;
	[tilespmem:s9+$0x58A0] =	vst v7  }
0xed: {  	v60 =	vld [tilespmem:s9+$0x58E0];
	[tilespmem:s9+$0x5870] =	vst v3;
	v3 =	vmul.f32 v56, v5  }
0xee: {  	v10 =	vmul.f32 v54, v2;
	[tilespmem:s9+$0x5840] =	vst v6  }
0xef: {  	v4 =	vld [tilespmem:s9+$0x5720];
	[tilespmem:s9+$0x5890] =	vst v3;
	v3 =	vmul.f32 v58, v5  }
0xf0: {  	[tilespmem:s9+$0x5860] =	vst v10;
	v2 =	vmul.f32 v53, v2  }
0xf1: {  	[tilespmem:s9+$0x58B0] =	vst v3;
	v3 =	vmul.f32 v59, v5  }
0xf2: {  	[tilespmem:s9+$0x5850] =	vst v2;
	v5 =	vmul.f32 v60, v5  }
0xf3: {  	[tilespmem:s9+$0x58C0] =	vst v3  }
0xf4: {  	s12 =	simm.s32 $0x1;
	v3 =	vmul.f32 v4, v35;
	[tilespmem:s9+$0x58E0] =	vst v5  }
.LBB2_5:
0xf5: {  	s13 =	sshll.u32 s12, $0x4  }
0xf6: {  	p0 =	sne.s32 s12, $0x3;
	[tilespmem:s9+$0x5720] =	vst v3;
	s9 =	smov.u32 s12;
	s12 =	sadd.s32 $0x1, s12  }
0xf7: {  	s13 =	sand.u32 $0x3FFFFFF0, s13  }
0xf8: {  	v2 =	vld.idx.msk [tilespmem:v1+s13+$0x0 ss:$0x1], $0xffff  }
0xf9: {  	s9 =	sshll.u32 s9, $0xB  }
0xfa: {  	s9 =	sand.u32 $0x3FFFF800, s9  }
0xfb: {  	v9 =	vld [tilespmem:s9+$0x51C0]  }
0xfc: {  	v10 =	vld [tilespmem:s9+$0x51D0]  }
0xfd: {  	v11 =	vld [tilespmem:s9+$0x51B0]  }
0xfe: {  	v3 =	vbroadcast v2, $0x0;
	v8 =	vbroadcast v2, $0x4;
	v4 =	vld [tilespmem:s9+$0x5120]  }
0xff: {  	v6 =	vld [tilespmem:s9+$0x5130]  }
0x100: {  	v7 =	vld [tilespmem:s9+$0x5670]  }
0x101: {  	v12 =	vld [tilespmem:s9+$0x5160]  }
0x102: {  	v13 =	vld [tilespmem:s9+$0x5170]  }
0x103: {  	v5 =	vbroadcast v2, $0xA;
	v4 =	vmul.f32 v4, v3;
	v14 =	vld [tilespmem:s9+$0x5180]  }
0x104: {  	v6 =	vmul.f32 v6, v3;
	v15 =	vld [tilespmem:s9+$0x5190]  }
0x105: {  	[tilespmem:s9+$0x5120] =	vst v4;
	v16 =	vld [tilespmem:s9+$0x51A0];
	v4 =	vmul.f32 v7, v5  }
0x106: {  	[tilespmem:s9+$0x5130] =	vst v6;
	v7 =	vmul.f32 v12, v3;
	v12 =	vbroadcast v2, $0x1;
	v6 =	vld [tilespmem:s9+$0x5680]  }
0x107: {  	v13 =	vmul.f32 v13, v3;
	[tilespmem:s9+$0x5670] =	vst v4;
	v4 =	vld [tilespmem:s9+$0x58D0]  }
0x108: {  	[tilespmem:s9+$0x5160] =	vst v7;
	v14 =	vmul.f32 v14, v12;
	v7 =	vld [tilespmem:s9+$0x5690]  }
0x109: {  	[tilespmem:s9+$0x5170] =	vst v13;
	v13 =	vmul.f32 v15, v12;
	v15 =	vld [tilespmem:s9+$0x51E0]  }
0x10a: {  	[tilespmem:s9+$0x5180] =	vst v14;
	v14 =	vmul.f32 v16, v12;
	v16 =	vld [tilespmem:s9+$0x51F0]  }
0x10b: {  	v11 =	vmul.f32 v11, v12;
	[tilespmem:s9+$0x5190] =	vst v13;
	v13 =	vld [tilespmem:s9+$0x5200]  }
0x10c: {  	v9 =	vmul.f32 v9, v12;
	[tilespmem:s9+$0x51A0] =	vst v14;
	v14 =	vld [tilespmem:s9+$0x5210]  }
0x10d: {  	v10 =	vmul.f32 v10, v12;
	[tilespmem:s9+$0x51B0] =	vst v11;
	v11 =	vld [tilespmem:s9+$0x5220]  }
0x10e: {  	[tilespmem:s9+$0x51C0] =	vst v9;
	v9 =	vmul.f32 v15, v12;
	v15 =	vbroadcast v2, $0x2;
	v17 =	vld [tilespmem:s9+$0x5230]  }
0x10f: {  	[tilespmem:s9+$0x51D0] =	vst v10;
	v10 =	vmul.f32 v16, v12;
	v12 =	vld [tilespmem:s9+$0x5240]  }
0x110: {  	[tilespmem:s9+$0x51E0] =	vst v9;
	v9 =	vmul.f32 v13, v15;
	v13 =	vld [tilespmem:s9+$0x5250]  }
0x111: {  	[tilespmem:s9+$0x51F0] =	vst v10;
	v10 =	vmul.f32 v14, v15;
	v14 =	vld [tilespmem:s9+$0x5260]  }
0x112: {  	[tilespmem:s9+$0x5200] =	vst v9;
	v9 =	vmul.f32 v11, v15;
	v11 =	vld [tilespmem:s9+$0x5270]  }
0x113: {  	[tilespmem:s9+$0x5210] =	vst v10;
	v10 =	vmul.f32 v17, v15;
	v16 =	vld [tilespmem:s9+$0x5280]  }
0x114: {  	[tilespmem:s9+$0x5220] =	vst v9;
	v9 =	vmul.f32 v12, v15;
	v12 =	vld [tilespmem:s9+$0x5290]  }
0x115: {  	[tilespmem:s9+$0x5230] =	vst v10;
	v10 =	vmul.f32 v13, v15;
	v13 =	vld [tilespmem:s9+$0x52A0]  }
0x116: {  	[tilespmem:s9+$0x5240] =	vst v9;
	v9 =	vmul.f32 v14, v15;
	v14 =	vbroadcast v2, $0x3;
	v17 =	vld [tilespmem:s9+$0x52B0]  }
0x117: {  	[tilespmem:s9+$0x5250] =	vst v10;
	v10 =	vmul.f32 v11, v15;
	v11 =	vld [tilespmem:s9+$0x52C0]  }
0x118: {  	[tilespmem:s9+$0x5260] =	vst v9;
	v9 =	vmul.f32 v16, v14;
	v15 =	vld [tilespmem:s9+$0x52D0]  }
0x119: {  	[tilespmem:s9+$0x5270] =	vst v10;
	v10 =	vmul.f32 v12, v14;
	v12 =	vld [tilespmem:s9+$0x52E0]  }
0x11a: {  	[tilespmem:s9+$0x5280] =	vst v9;
	v9 =	vmul.f32 v13, v14;
	v13 =	vld [tilespmem:s9+$0x52F0]  }
0x11b: {  	[tilespmem:s9+$0x5290] =	vst v10;
	v10 =	vmul.f32 v17, v14;
	v16 =	vld [tilespmem:s9+$0x5300]  }
0x11c: {  	[tilespmem:s9+$0x52A0] =	vst v9;
	v9 =	vmul.f32 v11, v14;
	v11 =	vld [tilespmem:s9+$0x5310]  }
0x11d: {  	[tilespmem:s9+$0x52B0] =	vst v10;
	v10 =	vmul.f32 v15, v14;
	v15 =	vld [tilespmem:s9+$0x5320]  }
0x11e: {  	[tilespmem:s9+$0x52C0] =	vst v9;
	v9 =	vmul.f32 v12, v14;
	v12 =	vld [tilespmem:s9+$0x5330]  }
0x11f: {  	[tilespmem:s9+$0x52D0] =	vst v10;
	v10 =	vmul.f32 v13, v14;
	v13 =	vld [tilespmem:s9+$0x5340]  }
0x120: {  	[tilespmem:s9+$0x52E0] =	vst v9;
	v9 =	vmul.f32 v16, v8;
	v14 =	vld [tilespmem:s9+$0x5350]  }
0x121: {  	[tilespmem:s9+$0x52F0] =	vst v10;
	v10 =	vmul.f32 v11, v8;
	v11 =	vld [tilespmem:s9+$0x5360]  }
0x122: {  	[tilespmem:s9+$0x5300] =	vst v9;
	v9 =	vmul.f32 v15, v8;
	v15 =	vld [tilespmem:s9+$0x5370]  }
0x123: {  	[tilespmem:s9+$0x5310] =	vst v10;
	v10 =	vmul.f32 v12, v8;
	v12 =	vld [tilespmem:s9+$0x5380]  }
0x124: {  	[tilespmem:s9+$0x5320] =	vst v9;
	v9 =	vmul.f32 v13, v8;
	v13 =	vld [tilespmem:s9+$0x5390]  }
0x125: {  	[tilespmem:s9+$0x5330] =	vst v10;
	v10 =	vmul.f32 v14, v8;
	v14 =	vld [tilespmem:s9+$0x53A0]  }
0x126: {  	[tilespmem:s9+$0x5340] =	vst v9;
	v9 =	vmul.f32 v11, v8;
	v11 =	vbroadcast v2, $0x5;
	v16 =	vld [tilespmem:s9+$0x53B0]  }
0x127: {  	[tilespmem:s9+$0x5350] =	vst v10;
	v8 =	vmul.f32 v15, v8;
	v10 =	vld [tilespmem:s9+$0x53C0]  }
0x128: {  	[tilespmem:s9+$0x5360] =	vst v9;
	v9 =	vmul.f32 v12, v11;
	v12 =	vld [tilespmem:s9+$0x53D0]  }
0x129: {  	[tilespmem:s9+$0x5370] =	vst v8;
	v8 =	vmul.f32 v13, v11;
	v13 =	vld [tilespmem:s9+$0x53E0]  }
0x12a: {  	[tilespmem:s9+$0x5380] =	vst v9;
	v9 =	vmul.f32 v14, v11;
	v14 =	vld [tilespmem:s9+$0x53F0]  }
0x12b: {  	[tilespmem:s9+$0x5390] =	vst v8;
	v8 =	vmul.f32 v16, v11;
	v15 =	vld [tilespmem:s9+$0x5400]  }
0x12c: {  	[tilespmem:s9+$0x53A0] =	vst v9;
	v9 =	vmul.f32 v10, v11;
	v10 =	vld [tilespmem:s9+$0x5410]  }
0x12d: {  	[tilespmem:s9+$0x53B0] =	vst v8;
	v8 =	vmul.f32 v12, v11;
	v12 =	vld [tilespmem:s9+$0x5420]  }
0x12e: {  	[tilespmem:s9+$0x53C0] =	vst v9;
	v9 =	vmul.f32 v13, v11;
	v13 =	vbroadcast v2, $0x6;
	v16 =	vld [tilespmem:s9+$0x5430]  }
0x12f: {  	[tilespmem:s9+$0x53D0] =	vst v8;
	v8 =	vmul.f32 v14, v11;
	v11 =	vld [tilespmem:s9+$0x5440]  }
0x130: {  	[tilespmem:s9+$0x53E0] =	vst v9;
	v9 =	vmul.f32 v15, v13;
	v14 =	vld [tilespmem:s9+$0x5450]  }
0x131: {  	[tilespmem:s9+$0x53F0] =	vst v8;
	v8 =	vmul.f32 v10, v13;
	v10 =	vld [tilespmem:s9+$0x5460]  }
0x132: {  	[tilespmem:s9+$0x5400] =	vst v9;
	v9 =	vmul.f32 v12, v13;
	v12 =	vld [tilespmem:s9+$0x5470]  }
0x133: {  	[tilespmem:s9+$0x5410] =	vst v8;
	v8 =	vmul.f32 v16, v13;
	v15 =	vld [tilespmem:s9+$0x5480]  }
0x134: {  	[tilespmem:s9+$0x5420] =	vst v9;
	v9 =	vmul.f32 v11, v13;
	v11 =	vld [tilespmem:s9+$0x5490]  }
0x135: {  	[tilespmem:s9+$0x5430] =	vst v8;
	v8 =	vmul.f32 v14, v13;
	v14 =	vld [tilespmem:s9+$0x54A0]  }
0x136: {  	[tilespmem:s9+$0x5440] =	vst v9;
	v9 =	vmul.f32 v10, v13;
	v10 =	vbroadcast v2, $0x7;
	v16 =	vld [tilespmem:s9+$0x54B0]  }
0x137: {  	[tilespmem:s9+$0x5450] =	vst v8;
	v8 =	vmul.f32 v12, v13;
	v12 =	vld [tilespmem:s9+$0x54C0]  }
0x138: {  	[tilespmem:s9+$0x5460] =	vst v9;
	v9 =	vmul.f32 v15, v10;
	v13 =	vld [tilespmem:s9+$0x54D0]  }
0x139: {  	[tilespmem:s9+$0x5470] =	vst v8;
	v8 =	vmul.f32 v11, v10;
	v11 =	vld [tilespmem:s9+$0x54E0]  }
0x13a: {  	[tilespmem:s9+$0x5480] =	vst v9;
	v9 =	vmul.f32 v14, v10;
	v14 =	vld [tilespmem:s9+$0x54F0]  }
0x13b: {  	[tilespmem:s9+$0x5490] =	vst v8;
	v8 =	vmul.f32 v16, v10;
	v15 =	vld [tilespmem:s9+$0x5500]  }
0x13c: {  	[tilespmem:s9+$0x54A0] =	vst v9;
	v9 =	vmul.f32 v12, v10;
	v12 =	vld [tilespmem:s9+$0x5510]  }
0x13d: {  	[tilespmem:s9+$0x54B0] =	vst v8;
	v8 =	vmul.f32 v13, v10;
	v13 =	vld [tilespmem:s9+$0x5520]  }
0x13e: {  	[tilespmem:s9+$0x54C0] =	vst v9;
	v9 =	vmul.f32 v11, v10;
	v11 =	vbroadcast v2, $0x8;
	v16 =	vld [tilespmem:s9+$0x5530]  }
0x13f: {  	[tilespmem:s9+$0x54D0] =	vst v8;
	v8 =	vmul.f32 v14, v10;
	v10 =	vld [tilespmem:s9+$0x5540]  }
0x140: {  	[tilespmem:s9+$0x54E0] =	vst v9;
	v9 =	vmul.f32 v15, v11;
	v14 =	vld [tilespmem:s9+$0x5550]  }
0x141: {  	[tilespmem:s9+$0x54F0] =	vst v8;
	v8 =	vmul.f32 v12, v11;
	v12 =	vld [tilespmem:s9+$0x5560]  }
0x142: {  	[tilespmem:s9+$0x5500] =	vst v9;
	v9 =	vmul.f32 v13, v11;
	v13 =	vld [tilespmem:s9+$0x5570]  }
0x143: {  	[tilespmem:s9+$0x5510] =	vst v8;
	v8 =	vmul.f32 v16, v11;
	v15 =	vld [tilespmem:s9+$0x5580]  }
0x144: {  	[tilespmem:s9+$0x5520] =	vst v9;
	v9 =	vmul.f32 v10, v11;
	v10 =	vld [tilespmem:s9+$0x5590]  }
0x145: {  	[tilespmem:s9+$0x5530] =	vst v8;
	v8 =	vmul.f32 v14, v11;
	v14 =	vld [tilespmem:s9+$0x55A0]  }
0x146: {  	[tilespmem:s9+$0x5540] =	vst v9;
	v9 =	vmul.f32 v12, v11;
	v12 =	vbroadcast v2, $0x9;
	v16 =	vld [tilespmem:s9+$0x55B0]  }
0x147: {  	[tilespmem:s9+$0x5550] =	vst v8;
	v8 =	vmul.f32 v13, v11;
	v11 =	vld [tilespmem:s9+$0x55C0]  }
0x148: {  	[tilespmem:s9+$0x5560] =	vst v9;
	v9 =	vmul.f32 v15, v12;
	v13 =	vld [tilespmem:s9+$0x55D0]  }
0x149: {  	[tilespmem:s9+$0x5570] =	vst v8;
	v8 =	vmul.f32 v10, v12;
	v10 =	vld [tilespmem:s9+$0x55E0]  }
0x14a: {  	[tilespmem:s9+$0x5580] =	vst v9;
	v9 =	vmul.f32 v14, v12;
	v14 =	vld [tilespmem:s9+$0x55F0]  }
0x14b: {  	[tilespmem:s9+$0x5590] =	vst v8;
	v8 =	vmul.f32 v16, v12;
	v15 =	vld [tilespmem:s9+$0x5600]  }
0x14c: {  	[tilespmem:s9+$0x55A0] =	vst v9;
	v9 =	vmul.f32 v11, v12;
	v11 =	vld [tilespmem:s9+$0x5610]  }
0x14d: {  	[tilespmem:s9+$0x55B0] =	vst v8;
	v8 =	vmul.f32 v13, v12;
	v13 =	vld [tilespmem:s9+$0x5620]  }
0x14e: {  	[tilespmem:s9+$0x55C0] =	vst v9;
	v9 =	vmul.f32 v10, v12;
	v10 =	vld [tilespmem:s9+$0x5630]  }
0x14f: {  	[tilespmem:s9+$0x55D0] =	vst v8;
	v8 =	vmul.f32 v14, v12;
	v12 =	vld [tilespmem:s9+$0x5640]  }
0x150: {  	[tilespmem:s9+$0x55E0] =	vst v9;
	v9 =	vmul.f32 v15, v5;
	v14 =	vld [tilespmem:s9+$0x5650]  }
0x151: {  	[tilespmem:s9+$0x55F0] =	vst v8;
	v8 =	vmul.f32 v11, v5;
	v11 =	vld [tilespmem:s9+$0x5660]  }
0x152: {  	v15 =	vld [tilespmem:s9+$0x5100];
	[tilespmem:s9+$0x5600] =	vst v9;
	v9 =	vmul.f32 v13, v5  }
0x153: {  	v13 =	vld [tilespmem:s9+$0x5110];
	[tilespmem:s9+$0x5610] =	vst v8;
	v8 =	vmul.f32 v10, v5  }
0x154: {  	v10 =	vld [tilespmem:s9+$0x5140];
	[tilespmem:s9+$0x5620] =	vst v9;
	v9 =	vmul.f32 v12, v5  }
0x155: {  	v12 =	vld [tilespmem:s9+$0x5150];
	[tilespmem:s9+$0x5630] =	vst v8;
	v8 =	vmul.f32 v14, v5  }
0x156: {  	[tilespmem:s9+$0x5640] =	vst v9;
	v9 =	vmul.f32 v11, v5;
	v11 =	vbroadcast v2, $0xB;
	v14 =	vld [tilespmem:s9+$0x56A0]  }
0x157: {  	v5 =	vbroadcast v2, $0xF;
	v15 =	vmul.f32 v3, v15;
	[tilespmem:s9+$0x5650] =	vst v8;
	v8 =	vld [tilespmem:s9+$0x56B0]  }
0x158: {  	v13 =	vmul.f32 v13, v3;
	[tilespmem:s9+$0x5660] =	vst v9;
	v6 =	vmul.f32 v6, v11;
	v9 =	vld [tilespmem:s9+$0x56C0]  }
0x159: {  	v7 =	vmul.f32 v7, v11;
	[tilespmem:s9+$0x5100] =	vst v15;
	v10 =	vmul.f32 v10, v3;
	v15 =	vld [tilespmem:s9+$0x56D0]  }
0x15a: {  	v4 =	vmul.f32 v4, v5;
	v12 =	vmul.f32 v12, v3;
	[tilespmem:s9+$0x5680] =	vst v6;
	v3 =	vld [tilespmem:s9+$0x56E0]  }
0x15b: {  	[tilespmem:s9+$0x5690] =	vst v7;
	v6 =	vmul.f32 v14, v11;
	v7 =	vld [tilespmem:s9+$0x56F0]  }
0x15c: {  	v8 =	vmul.f32 v8, v11;
	v14 =	vld [tilespmem:s9+$0x5700];
	[tilespmem:s9+$0x58D0] =	vst v4  }
0x15d: {  	[tilespmem:s9+$0x5110] =	vst v13;
	v4 =	vmul.f32 v9, v11;
	v9 =	vld [tilespmem:s9+$0x5710]  }
0x15e: {  	[tilespmem:s9+$0x5140] =	vst v10;
	v10 =	vmul.f32 v15, v11;
	v13 =	vld [tilespmem:s9+$0x5720]  }
0x15f: {  	v15 =	vbroadcast v2, $0xC;
	[tilespmem:s9+$0x56A0] =	vst v6;
	v6 =	vmul.f32 v3, v11;
	v16 =	vld [tilespmem:s9+$0x5730]  }
0x160: {  	[tilespmem:s9+$0x56D0] =	vst v10;
	v7 =	vmul.f32 v7, v11;
	v10 =	vld [tilespmem:s9+$0x5740]  }
0x161: {  	[tilespmem:s9+$0x56B0] =	vst v8;
	v3 =	vmul.f32 v14, v15;
	v8 =	vld [tilespmem:s9+$0x5750]  }
0x162: {  	[tilespmem:s9+$0x56C0] =	vst v4;
	v4 =	vmul.f32 v9, v15;
	v9 =	vld [tilespmem:s9+$0x5760]  }
0x163: {  	[tilespmem:s9+$0x5700] =	vst v3;
	v3 =	vmul.f32 v13, v15;
	v11 =	vld [tilespmem:s9+$0x5770]  }
0x164: {  	[tilespmem:s9+$0x5710] =	vst v4;
	v4 =	vld [tilespmem:s9+$0x5780]  }
0x165: {  	[tilespmem:s9+$0x5150] =	vst v12;
	v10 =	vmul.f32 v10, v15;
	v12 =	vld [tilespmem:s9+$0x5790]  }
0x166: {  	[tilespmem:s9+$0x56E0] =	vst v6;
	v6 =	vmul.f32 v8, v15;
	v8 =	vld [tilespmem:s9+$0x57A0]  }
0x167: {  	[tilespmem:s9+$0x5740] =	vst v10;
	v9 =	vmul.f32 v9, v15;
	v10 =	vbroadcast v2, $0xD;
	v13 =	vld [tilespmem:s9+$0x57B0]  }
0x168: {  	[tilespmem:s9+$0x5750] =	vst v6;
	v6 =	vmul.f32 v11, v15;
	v11 =	vld [tilespmem:s9+$0x57C0]  }
0x169: {  	[tilespmem:s9+$0x5760] =	vst v9;
	v4 =	vmul.f32 v4, v10;
	v9 =	vld [tilespmem:s9+$0x57D0]  }
0x16a: {  	[tilespmem:s9+$0x5770] =	vst v6;
	v6 =	vmul.f32 v12, v10;
	v12 =	vld [tilespmem:s9+$0x57E0]  }
0x16b: {  	[tilespmem:s9+$0x5780] =	vst v4;
	v4 =	vmul.f32 v8, v10;
	v8 =	vld [tilespmem:s9+$0x57F0]  }
0x16c: {  	[tilespmem:s9+$0x5790] =	vst v6;
	v6 =	vmul.f32 v13, v10;
	v13 =	vld [tilespmem:s9+$0x5800]  }
0x16d: {  	[tilespmem:s9+$0x57A0] =	vst v4;
	v4 =	vmul.f32 v11, v10;
	v11 =	vld [tilespmem:s9+$0x5810]  }
0x16e: {  	[tilespmem:s9+$0x57B0] =	vst v6;
	v6 =	vmul.f32 v9, v10;
	v9 =	vld [tilespmem:s9+$0x5820]  }
0x16f: {  	v2 =	vbroadcast v2, $0xE;
	[tilespmem:s9+$0x56F0] =	vst v7;
	v7 =	vmul.f32 v12, v10;
	v12 =	vld [tilespmem:s9+$0x5830]  }
0x170: {  	[tilespmem:s9+$0x57D0] =	vst v6;
	v6 =	vmul.f32 v8, v10;
	v8 =	vld [tilespmem:s9+$0x5840]  }
0x171: {  	[tilespmem:s9+$0x57E0] =	vst v7;
	v7 =	vmul.f32 v13, v2;
	v10 =	vld [tilespmem:s9+$0x5850]  }
0x172: {  	[tilespmem:s9+$0x57F0] =	vst v6;
	v6 =	vmul.f32 v11, v2;
	v11 =	vld [tilespmem:s9+$0x5860]  }
0x173: {  	[tilespmem:s9+$0x5800] =	vst v7;
	v7 =	vmul.f32 v9, v2;
	v9 =	vld [tilespmem:s9+$0x5870]  }
0x174: {  	[tilespmem:s9+$0x5810] =	vst v6;
	v6 =	vmul.f32 v12, v2;
	v12 =	vld [tilespmem:s9+$0x5880]  }
0x175: {  	[tilespmem:s9+$0x5820] =	vst v7;
	v7 =	vmul.f32 v8, v2;
	v8 =	vld [tilespmem:s9+$0x5890]  }
0x176: {  	[tilespmem:s9+$0x5830] =	vst v6;
	v6 =	vmul.f32 v10, v2;
	v10 =	vld [tilespmem:s9+$0x58A0]  }
0x177: {  	[tilespmem:s9+$0x5840] =	vst v7;
	v7 =	vmul.f32 v11, v2;
	v11 =	vld [tilespmem:s9+$0x58B0]  }
0x178: {  	[tilespmem:s9+$0x57C0] =	vst v4;
	v2 =	vmul.f32 v9, v2;
	v4 =	vld [tilespmem:s9+$0x58C0]  }
0x179: {  	[tilespmem:s9+$0x5860] =	vst v7;
	v7 =	vmul.f32 v12, v5;
	v9 =	vld [tilespmem:s9+$0x58E0]  }
0x17a: {  	[tilespmem:s9+$0x5870] =	vst v2;
	v2 =	vmul.f32 v8, v5;
	v8 =	vld [tilespmem:s9+$0x58F0]  }
0x17b: {  	[tilespmem:s9+$0x5880] =	vst v7;
	v7 =	vmul.f32 v10, v5  }
0x17c: {  	[tilespmem:s9+$0x5890] =	vst v2;
	v2 =	vmul.f32 v11, v5  }
0x17d: {  	v10 =	vmul.f32 v16, v15;
	[tilespmem:s9+$0x58A0] =	vst v7  }
0x17e: {  	[tilespmem:s9+$0x58B0] =	vst v2;
	v2 =	vmul.f32 v4, v5  }
.Ltmp3:
0x17f: {  	[tilespmem:s9+$0x5730] =	vst v10;
	v4 =	vmul.f32 v8, v5;
	(pc) =	sbr.rel @p0 .LBB2_5-.Ltmp3, $4  }
0x180: {  	[tilespmem:s9+$0x58C0] =	vst v2  }
0x181: {  	v2 =	vmul.f32 v9, v5;
	[tilespmem:s9+$0x58F0] =	vst v4  }
0x182: {  	[tilespmem:s9+$0x5850] =	vst v6  }
0x183: {  	[tilespmem:s9+$0x58E0] =	vst v2  }
0x184: {  	[tilespmem:s9+$0x5720] =	vst v3;
	s9 =	sshll.u32 s7, $0x8;
	p0 =	seq.s32 s7, $0x4E  }
0x185: {  	_ =	swait.ge [sflag:s0], $0x80;
	s12 =	sadd.s32 @!p0 $0x100, s9  }
0x186: {  	[sflag:s0] =	ssyncset.done $0x0;
	s13 =	sand.u32 @!p0 $0xFC00, s12  }
0x187: {  	s12 =	sand.u32 @!p0 $0x300, s12;
	[sflag:s0] =	ssyncadd.s32 $0xFFFFFF80;
	s13 =	sadd.s32 @!p0 s11, s13  }
0x188: {  	[spmem:s3] =	stream.indirect.scatter.add.f32 [tilespmem:s25], [sflag:$0x5], $0x80, s26, s29, $0xb8;
	[tilespmem:$0x1D100] =	vst v63  }
0x189: {  	s12 =	sor.u32 @!p0 s12, s13;
	_ =	swait.ge [sflag:s23], $0x2000  }
0x18a: {  	s14 =	simm.s32 @!p0 $0x5000;
	s12 =	sshrl.u32 @!p0 s12, $0x3;
	[sflag:s23] =	ssyncset.done $0x0  }
0x18b: {  	s13 =	simm.s32 @!p0 $0x0;
	s12 =	sadd.s32 @!p0 s2, s12;
	[sflag:s23] =	ssyncadd.s32 $0xFFFFE000  }
0x18c: {  	[tilespmem:s14], [sflag:$0x1] =	stream.linear.gather @!p0 [hbm4b:s12+s13], $0x80, $0x38;
	[tilespmem:$0x1D100] =	vst v63  }
0x18d: {  	s10 =	sadd.s32 @!p0 $0x80, s10;
	s12 =	simm.s32 @!p0 $0x40;
	s13 =	simm.s32 @!p0 $0x5100  }
0x18e: {  	[tilespmem:s13], [sflag:$0x3] =	stream.indirect.gather @!p0 [hbm4b:s5+s12], $0x80, s10, s12, $0xb8;
	[tilespmem:$0x1D100] =	vst v63  }
0x18f: {  	_ =	swait.ge [sflag:s24], $0x2000  }
0x190: {  	s13 =	simm.s32 $0x0;
	[sflag:s24] =	ssyncset.done $0x0  }
0x191: {  	s14 =	simm.s32 $0x0;
	s10 =	sand.u32 $0x3FFFFFF0, s13;
	[sflag:s24] =	ssyncadd.s32 $0xFFFFE000  }
0x192: {  	v2 =	vld.idx.msk [tilespmem:v1+s10+$0x40 ss:$0x1], $0xffff;
	s10 =	sand.u32 $0x3FFFF800, s14  }
0x193: {  	v8 =	vld [tilespmem:s10+$0x71C0]  }
0x194: {  	v4 =	vld [tilespmem:s10+$0x7120]  }
0x195: {  	v5 =	vld [tilespmem:s10+$0x7130]  }
0x196: {  	v11 =	vld [tilespmem:s10+$0x7160]  }
0x197: {  	v12 =	vld [tilespmem:s10+$0x7170];
	v3 =	vbroadcast v2, $0x0  }
0x198: {  	v13 =	vld [tilespmem:s10+$0x7180]  }
0x199: {  	v14 =	vld [tilespmem:s10+$0x7190];
	v4 =	vmul.f32 v4, v3  }
0x19a: {  	v15 =	vld [tilespmem:s10+$0x71A0];
	v5 =	vmul.f32 v5, v3  }
0x19b: {  	v10 =	vld [tilespmem:s10+$0x71B0];
	v21 =	vbroadcast v2, $0x1;
	v20 =	vmul.f32 v11, v3;
	[tilespmem:s10+$0x7120] =	vst v4  }
0x19c: {  	v9 =	vld [tilespmem:s10+$0x71D0];
	v12 =	vmul.f32 v12, v3;
	[tilespmem:s10+$0x7130] =	vst v5  }
0x19d: {  	v7 =	vld [tilespmem:s10+$0x7670];
	v13 =	vmul.f32 v13, v21;
	[tilespmem:s10+$0x7160] =	vst v20  }
0x19e: {  	v23 =	vld [tilespmem:s10+$0x71F0];
	v14 =	vmul.f32 v14, v21;
	[tilespmem:s10+$0x7170] =	vst v12  }
0x19f: {  	v24 =	vld [tilespmem:s10+$0x7200];
	v15 =	vmul.f32 v15, v21;
	[tilespmem:s10+$0x7180] =	vst v13  }
0x1a0: {  	v25 =	vld [tilespmem:s10+$0x7210];
	v10 =	vmul.f32 v10, v21;
	[tilespmem:s10+$0x7190] =	vst v14  }
0x1a1: {  	v22 =	vld [tilespmem:s10+$0x71E0];
	v8 =	vmul.f32 v8, v21;
	[tilespmem:s10+$0x71A0] =	vst v15  }
0x1a2: {  	v26 =	vld [tilespmem:s10+$0x7220];
	v16 =	vbroadcast v2, $0x2;
	v9 =	vmul.f32 v9, v21;
	[tilespmem:s10+$0x71B0] =	vst v10  }
0x1a3: {  	v27 =	vld [tilespmem:s10+$0x7230];
	v11 =	vmul.f32 v23, v21;
	[tilespmem:s10+$0x71C0] =	vst v8  }
0x1a4: {  	v28 =	vld [tilespmem:s10+$0x7240];
	v6 =	vbroadcast v2, $0xA;
	v30 =	vmul.f32 v24, v16;
	[tilespmem:s10+$0x71D0] =	vst v9  }
0x1a5: {  	v29 =	vld [tilespmem:s10+$0x7250];
	v32 =	vmul.f32 v25, v16;
	[tilespmem:s10+$0x71F0] =	vst v11  }
0x1a6: {  	v31 =	vld [tilespmem:s10+$0x7260];
	v4 =	vmul.f32 v7, v6;
	[tilespmem:s10+$0x7200] =	vst v30  }
0x1a7: {  	v33 =	vld [tilespmem:s10+$0x7270];
	v12 =	vmul.f32 v22, v21;
	[tilespmem:s10+$0x7210] =	vst v32  }
0x1a8: {  	v34 =	vld [tilespmem:s10+$0x7280];
	v10 =	vmul.f32 v26, v16;
	[tilespmem:s10+$0x7670] =	vst v4  }
0x1a9: {  	v35 =	vld [tilespmem:s10+$0x7290];
	v8 =	vmul.f32 v27, v16;
	[tilespmem:s10+$0x71E0] =	vst v12  }
0x1aa: {  	v36 =	vld [tilespmem:s10+$0x72A0];
	v9 =	vmul.f32 v28, v16;
	[tilespmem:s10+$0x7220] =	vst v10  }
0x1ab: {  	v37 =	vld [tilespmem:s10+$0x72B0];
	v39 =	vbroadcast v2, $0x3;
	v11 =	vmul.f32 v31, v16;
	[tilespmem:s10+$0x7230] =	vst v8  }
0x1ac: {  	v38 =	vld [tilespmem:s10+$0x72C0];
	v13 =	vmul.f32 v33, v16;
	[tilespmem:s10+$0x7240] =	vst v9  }
0x1ad: {  	v40 =	vld [tilespmem:s10+$0x72D0];
	v14 =	vmul.f32 v34, v39;
	[tilespmem:s10+$0x7260] =	vst v11  }
0x1ae: {  	v41 =	vld [tilespmem:s10+$0x72E0];
	v12 =	vmul.f32 v29, v16;
	[tilespmem:s10+$0x7270] =	vst v13  }
0x1af: {  	v42 =	vld [tilespmem:s10+$0x72F0];
	v10 =	vmul.f32 v35, v39;
	[tilespmem:s10+$0x7280] =	vst v14  }
0x1b0: {  	v43 =	vld [tilespmem:s10+$0x7300];
	v8 =	vmul.f32 v36, v39;
	[tilespmem:s10+$0x7250] =	vst v12  }
0x1b1: {  	v44 =	vld [tilespmem:s10+$0x7310];
	v9 =	vmul.f32 v37, v39;
	[tilespmem:s10+$0x7290] =	vst v10  }
0x1b2: {  	v45 =	vld [tilespmem:s10+$0x7320];
	v11 =	vmul.f32 v40, v39;
	[tilespmem:s10+$0x72A0] =	vst v8  }
0x1b3: {  	v46 =	vld [tilespmem:s10+$0x7330];
	v13 =	vmul.f32 v41, v39;
	[tilespmem:s10+$0x72B0] =	vst v9  }
0x1b4: {  	v47 =	vld [tilespmem:s10+$0x7340];
	v48 =	vbroadcast v2, $0x4;
	v14 =	vmul.f32 v42, v39;
	[tilespmem:s10+$0x72D0] =	vst v11  }
0x1b5: {  	v49 =	vld [tilespmem:s10+$0x7350];
	v12 =	vmul.f32 v38, v39;
	[tilespmem:s10+$0x72E0] =	vst v13  }
0x1b6: {  	v50 =	vld [tilespmem:s10+$0x7360];
	v10 =	vmul.f32 v43, v48;
	[tilespmem:s10+$0x72F0] =	vst v14  }
0x1b7: {  	v51 =	vld [tilespmem:s10+$0x7370];
	v8 =	vmul.f32 v44, v48;
	[tilespmem:s10+$0x72C0] =	vst v12  }
0x1b8: {  	v52 =	vld [tilespmem:s10+$0x7380];
	v9 =	vmul.f32 v45, v48;
	[tilespmem:s10+$0x7300] =	vst v10  }
0x1b9: {  	v53 =	vld [tilespmem:s10+$0x7390];
	v11 =	vmul.f32 v47, v48;
	[tilespmem:s10+$0x7310] =	vst v8  }
0x1ba: {  	v54 =	vld [tilespmem:s10+$0x73A0];
	v13 =	vmul.f32 v49, v48;
	[tilespmem:s10+$0x7320] =	vst v9  }
0x1bb: {  	v55 =	vld [tilespmem:s10+$0x73B0];
	v14 =	vmul.f32 v50, v48;
	[tilespmem:s10+$0x7340] =	vst v11  }
0x1bc: {  	v56 =	vld [tilespmem:s10+$0x73C0];
	v57 =	vbroadcast v2, $0x5;
	v12 =	vmul.f32 v46, v48;
	[tilespmem:s10+$0x7350] =	vst v13  }
0x1bd: {  	v58 =	vld [tilespmem:s10+$0x73D0];
	v10 =	vmul.f32 v51, v48;
	[tilespmem:s10+$0x7360] =	vst v14  }
0x1be: {  	v59 =	vld [tilespmem:s10+$0x73E0];
	v8 =	vmul.f32 v52, v57;
	[tilespmem:s10+$0x7330] =	vst v12  }
0x1bf: {  	v60 =	vld [tilespmem:s10+$0x73F0];
	v9 =	vmul.f32 v53, v57;
	[tilespmem:s10+$0x7370] =	vst v10  }
0x1c0: {  	v61 =	vld [tilespmem:s10+$0x7400];
	v11 =	vmul.f32 v55, v57;
	[tilespmem:s10+$0x7380] =	vst v8  }
0x1c1: {  	v62 =	vld [tilespmem:s10+$0x7410];
	v13 =	vmul.f32 v56, v57;
	[tilespmem:s10+$0x7390] =	vst v9  }
0x1c2: {  	v63 =	vld [tilespmem:s10+$0x7420];
	v14 =	vmul.f32 v58, v57;
	[tilespmem:s10+$0x73B0] =	vst v11  }
0x1c3: {  	v20 =	vld [tilespmem:s10+$0x7430];
	v12 =	vmul.f32 v54, v57;
	[tilespmem:s10+$0x73C0] =	vst v13  }
0x1c4: {  	v21 =	vld [tilespmem:s10+$0x7440];
	v22 =	vbroadcast v2, $0x6;
	v10 =	vmul.f32 v59, v57;
	[tilespmem:s10+$0x73D0] =	vst v14  }
0x1c5: {  	v23 =	vld [tilespmem:s10+$0x7450];
	v8 =	vmul.f32 v60, v57;
	[tilespmem:s10+$0x73A0] =	vst v12  }
0x1c6: {  	v24 =	vld [tilespmem:s10+$0x7460];
	v9 =	vmul.f32 v61, v22;
	[tilespmem:s10+$0x73E0] =	vst v10  }
0x1c7: {  	v25 =	vld [tilespmem:s10+$0x7470];
	v11 =	vmul.f32 v63, v22;
	[tilespmem:s10+$0x73F0] =	vst v8  }
0x1c8: {  	v5 =	vld [tilespmem:s10+$0x7680];
	v13 =	vmul.f32 v20, v22;
	[tilespmem:s10+$0x7400] =	vst v9  }
0x1c9: {  	v27 =	vld [tilespmem:s10+$0x7490];
	v14 =	vmul.f32 v21, v22;
	[tilespmem:s10+$0x7420] =	vst v11  }
0x1ca: {  	v28 =	vld [tilespmem:s10+$0x74A0];
	v12 =	vmul.f32 v62, v22;
	[tilespmem:s10+$0x7430] =	vst v13  }
0x1cb: {  	v29 =	vld [tilespmem:s10+$0x74B0];
	v10 =	vmul.f32 v23, v22;
	[tilespmem:s10+$0x7440] =	vst v14  }
0x1cc: {  	v31 =	vbroadcast v2, $0x7;
	v53 =	vld [tilespmem:s10+$0x7600];
	v8 =	vmul.f32 v24, v22;
	[tilespmem:s10+$0x7410] =	vst v12  }
0x1cd: {  	v58 =	vld [tilespmem:s10+$0x7650];
	v9 =	vmul.f32 v25, v22;
	[tilespmem:s10+$0x7450] =	vst v10  }
0x1ce: {  	v26 =	vld [tilespmem:s10+$0x7480];
	v11 =	vmul.f32 v27, v31;
	[tilespmem:s10+$0x7460] =	vst v8  }
0x1cf: {  	v30 =	vld [tilespmem:s10+$0x74C0];
	v13 =	vmul.f32 v28, v31;
	[tilespmem:s10+$0x7470] =	vst v9  }
0x1d0: {  	v32 =	vld [tilespmem:s10+$0x74D0];
	v14 =	vmul.f32 v29, v31;
	[tilespmem:s10+$0x7490] =	vst v11  }
0x1d1: {  	v33 =	vld [tilespmem:s10+$0x74E0];
	v59 =	vmul.f32 v53, v6;
	[tilespmem:s10+$0x74A0] =	vst v13  }
0x1d2: {  	v35 =	vld [tilespmem:s10+$0x7500];
	v21 =	vmul.f32 v58, v6;
	[tilespmem:s10+$0x74B0] =	vst v14  }
0x1d3: {  	v36 =	vld [tilespmem:s10+$0x7510];
	v12 =	vmul.f32 v26, v31;
	[tilespmem:s10+$0x7600] =	vst v59  }
0x1d4: {  	v37 =	vld [tilespmem:s10+$0x7520];
	v10 =	vmul.f32 v30, v31;
	[tilespmem:s10+$0x7650] =	vst v21  }
0x1d5: {  	v7 =	vld [tilespmem:s10+$0x7690];
	v40 =	vbroadcast v2, $0x8;
	v8 =	vmul.f32 v32, v31;
	[tilespmem:s10+$0x7480] =	vst v12  }
0x1d6: {  	v34 =	vld [tilespmem:s10+$0x74F0];
	v9 =	vmul.f32 v33, v31;
	[tilespmem:s10+$0x74C0] =	vst v10  }
0x1d7: {  	v57 =	vld [tilespmem:s10+$0x7640];
	v11 =	vmul.f32 v35, v40;
	[tilespmem:s10+$0x74D0] =	vst v8  }
0x1d8: {  	v61 =	vld [tilespmem:s10+$0x7100];
	v24 =	vbroadcast v2, $0xB;
	v13 =	vmul.f32 v36, v40;
	[tilespmem:s10+$0x74E0] =	vst v9  }
0x1d9: {  	v4 =	vld [tilespmem:s10+$0x78D0];
	v14 =	vmul.f32 v37, v40;
	[tilespmem:s10+$0x7500] =	vst v11  }
0x1da: {  	v38 =	vld [tilespmem:s10+$0x7530];
	v5 =	vmul.f32 v5, v24;
	[tilespmem:s10+$0x7510] =	vst v13  }
0x1db: {  	v39 =	vld [tilespmem:s10+$0x7540];
	v7 =	vmul.f32 v7, v24;
	[tilespmem:s10+$0x7520] =	vst v14  }
0x1dc: {  	v41 =	vld [tilespmem:s10+$0x7550];
	v19 =	vmul.f32 v57, v6;
	[tilespmem:s10+$0x7680] =	vst v5  }
0x1dd: {  	v43 =	vld [tilespmem:s10+$0x7570];
	v25 =	vmul.f32 v3, v61;
	[tilespmem:s10+$0x7690] =	vst v7  }
0x1de: {  	v44 =	vld [tilespmem:s10+$0x7580];
	v12 =	vmul.f32 v34, v31;
	[tilespmem:s10+$0x7640] =	vst v19  }
0x1df: {  	v45 =	vld [tilespmem:s10+$0x7590];
	v10 =	vmul.f32 v38, v40;
	[tilespmem:s10+$0x7100] =	vst v25  }
0x1e0: {  	v27 =	vld [tilespmem:s10+$0x76D0];
	v8 =	vmul.f32 v39, v40;
	[tilespmem:s10+$0x74F0] =	vst v12  }
0x1e1: {  	v49 =	vbroadcast v2, $0x9;
	v29 =	vld [tilespmem:s10+$0x76F0];
	v9 =	vmul.f32 v41, v40;
	[tilespmem:s10+$0x7530] =	vst v10  }
0x1e2: {  	v42 =	vld [tilespmem:s10+$0x7560];
	v11 =	vmul.f32 v43, v40;
	[tilespmem:s10+$0x7540] =	vst v8  }
0x1e3: {  	v46 =	vld [tilespmem:s10+$0x75A0];
	v13 =	vmul.f32 v44, v49;
	[tilespmem:s10+$0x7550] =	vst v9  }
0x1e4: {  	v47 =	vld [tilespmem:s10+$0x75B0];
	v14 =	vmul.f32 v45, v49;
	[tilespmem:s10+$0x7570] =	vst v11  }
0x1e5: {  	v48 =	vld [tilespmem:s10+$0x75C0];
	v32 =	vmul.f32 v27, v24;
	[tilespmem:s10+$0x7580] =	vst v13  }
0x1e6: {  	v51 =	vld [tilespmem:s10+$0x75E0];
	v7 =	vmul.f32 v29, v24;
	[tilespmem:s10+$0x7590] =	vst v14  }
0x1e7: {  	v52 =	vld [tilespmem:s10+$0x75F0];
	v12 =	vmul.f32 v42, v40;
	[tilespmem:s10+$0x76D0] =	vst v32  }
0x1e8: {  	v10 =	vmul.f32 v46, v49;
	[tilespmem:s10+$0x76F0] =	vst v7  }
0x1e9: {  	v28 =	vld [tilespmem:s10+$0x76E0];
	v8 =	vmul.f32 v47, v49;
	[tilespmem:s10+$0x7560] =	vst v12  }
0x1ea: {  	v30 =	vld [tilespmem:s10+$0x7700];
	v9 =	vmul.f32 v48, v49;
	[tilespmem:s10+$0x75A0] =	vst v10  }
0x1eb: {  	v50 =	vld [tilespmem:s10+$0x75D0];
	v5 =	vbroadcast v2, $0xF;
	v11 =	vmul.f32 v51, v49;
	[tilespmem:s10+$0x75B0] =	vst v8  }
0x1ec: {  	v54 =	vld [tilespmem:s10+$0x7610];
	v13 =	vmul.f32 v52, v49;
	[tilespmem:s10+$0x75C0] =	vst v9  }
0x1ed: {  	v55 =	vld [tilespmem:s10+$0x7620];
	v35 =	vbroadcast v2, $0xC;
	v4 =	vmul.f32 v4, v5;
	[tilespmem:s10+$0x75E0] =	vst v11  }
0x1ee: {  	v56 =	vld [tilespmem:s10+$0x7630];
	v40 =	vmul.f32 v28, v24;
	[tilespmem:s10+$0x75F0] =	vst v13  }
0x1ef: {  	v60 =	vld [tilespmem:s10+$0x7660];
	v16 =	vmul.f32 v30, v35;
	[tilespmem:s10+$0x78D0] =	vst v4  }
0x1f0: {  	v62 =	vld [tilespmem:s10+$0x7110];
	v12 =	vmul.f32 v50, v49;
	[tilespmem:s10+$0x76E0] =	vst v40  }
0x1f1: {  	v63 =	vld [tilespmem:s10+$0x7140];
	v10 =	vmul.f32 v54, v6;
	[tilespmem:s10+$0x7700] =	vst v16  }
0x1f2: {  	v20 =	vld [tilespmem:s10+$0x7150];
	v8 =	vmul.f32 v55, v6;
	[tilespmem:s10+$0x75D0] =	vst v12  }
0x1f3: {  	v33 =	vld [tilespmem:s10+$0x7730];
	v9 =	vmul.f32 v56, v6;
	[tilespmem:s10+$0x7610] =	vst v10  }
0x1f4: {  	v61 =	vld [tilespmem:s10+$0x78F0];
	v6 =	vmul.f32 v60, v6;
	[tilespmem:s10+$0x7620] =	vst v8  }
0x1f5: {  	v38 =	vld [tilespmem:s10+$0x7770];
	v13 =	vmul.f32 v62, v3;
	[tilespmem:s10+$0x7630] =	vst v9  }
0x1f6: {  	v22 =	vld [tilespmem:s10+$0x76A0];
	v4 =	vmul.f32 v63, v3;
	[tilespmem:s10+$0x7660] =	vst v6  }
0x1f7: {  	v23 =	vld [tilespmem:s10+$0x76B0];
	v3 =	vmul.f32 v20, v3;
	[tilespmem:s10+$0x7110] =	vst v13  }
0x1f8: {  	v26 =	vld [tilespmem:s10+$0x76C0];
	v62 =	vmul.f32 v33, v35;
	[tilespmem:s10+$0x7140] =	vst v4  }
0x1f9: {  	v31 =	vld [tilespmem:s10+$0x7710];
	v63 =	vmul.f32 v61, v5;
	[tilespmem:s10+$0x7150] =	vst v3  }
0x1fa: {  	v34 =	vld [tilespmem:s10+$0x7740];
	v16 =	vmul.f32 v38, v35;
	[tilespmem:s10+$0x7730] =	vst v62  }
0x1fb: {  	v41 =	vld [tilespmem:s10+$0x77A0];
	v8 =	vmul.f32 v22, v24;
	[tilespmem:s10+$0x78F0] =	vst v63  }
0x1fc: {  	v46 =	vld [tilespmem:s10+$0x77E0];
	v9 =	vmul.f32 v23, v24;
	[tilespmem:s10+$0x7770] =	vst v16  }
0x1fd: {  	v6 =	vmul.f32 v26, v24;
	v3 =	vld [tilespmem:s10+$0x7790];
	[tilespmem:s10+$0x76A0] =	vst v8  }
0x1fe: {  	v36 =	vld [tilespmem:s10+$0x7750];
	v44 =	vbroadcast v2, $0xD;
	v10 =	vmul.f32 v31, v35;
	[tilespmem:s10+$0x76B0] =	vst v9  }
0x1ff: {  	v37 =	vld [tilespmem:s10+$0x7760];
	v13 =	vmul.f32 v34, v35;
	[tilespmem:s10+$0x76C0] =	vst v6  }
0x200: {  	v39 =	vld [tilespmem:s10+$0x7780];
	v12 =	vmul.f32 v41, v44;
	[tilespmem:s10+$0x7710] =	vst v10  }
0x201: {  	v42 =	vld [tilespmem:s10+$0x77B0];
	v51 =	vmul.f32 v46, v44;
	[tilespmem:s10+$0x7740] =	vst v13  }
0x202: {  	v48 =	vld [tilespmem:s10+$0x7810];
	[tilespmem:s10+$0x77A0] =	vst v12;
	v3 =	vmul.f32 v3, v44  }
0x203: {  	v49 =	vld [tilespmem:s10+$0x7820];
	v9 =	vmul.f32 v36, v35;
	[tilespmem:s10+$0x77E0] =	vst v51  }
0x204: {  	v6 =	vmul.f32 v37, v35;
	[tilespmem:s10+$0x7790] =	vst v3;
	v3 =	vld [tilespmem:s10+$0x7800]  }
0x205: {  	v2 =	vbroadcast v2, $0xE;
	v50 =	vld [tilespmem:s10+$0x7830];
	v10 =	vmul.f32 v39, v44;
	[tilespmem:s10+$0x7750] =	vst v9  }
0x206: {  	v45 =	vld [tilespmem:s10+$0x77D0];
	v13 =	vmul.f32 v42, v44;
	[tilespmem:s10+$0x7760] =	vst v6  }
0x207: {  	v47 =	vld [tilespmem:s10+$0x77F0];
	v12 =	vmul.f32 v48, v2;
	[tilespmem:s10+$0x7780] =	vst v10  }
0x208: {  	v43 =	vld [tilespmem:s10+$0x77C0];
	v11 =	vmul.f32 v49, v2;
	[tilespmem:s10+$0x77B0] =	vst v13  }
0x209: {  	v55 =	vld [tilespmem:s10+$0x7880];
	[tilespmem:s10+$0x7810] =	vst v12;
	v3 =	vmul.f32 v3, v2  }
0x20a: {  	v57 =	vld [tilespmem:s10+$0x78A0];
	v7 =	vmul.f32 v50, v2;
	[tilespmem:s10+$0x7820] =	vst v11  }
0x20b: {  	v6 =	vmul.f32 v45, v44;
	[tilespmem:s10+$0x7800] =	vst v3;
	v3 =	vld [tilespmem:s10+$0x7870]  }
0x20c: {  	v52 =	vld [tilespmem:s10+$0x7840];
	v10 =	vmul.f32 v47, v44;
	[tilespmem:s10+$0x7830] =	vst v7  }
0x20d: {  	v56 =	vld [tilespmem:s10+$0x7890];
	v9 =	vmul.f32 v43, v44;
	[tilespmem:s10+$0x77D0] =	vst v6  }
0x20e: {  	v54 =	vld [tilespmem:s10+$0x7860];
	v12 =	vmul.f32 v55, v5;
	[tilespmem:s10+$0x77F0] =	vst v10  }
0x20f: {  	v58 =	vld [tilespmem:s10+$0x78B0];
	v7 =	vmul.f32 v57, v5;
	[tilespmem:s10+$0x77C0] =	vst v9  }
0x210: {  	v53 =	vld [tilespmem:s10+$0x7850];
	[tilespmem:s10+$0x7880] =	vst v12;
	v3 =	vmul.f32 v3, v2  }
0x211: {  	v59 =	vld [tilespmem:s10+$0x78C0];
	v6 =	vmul.f32 v52, v2;
	[tilespmem:s10+$0x78A0] =	vst v7  }
0x212: {  	v60 =	vld [tilespmem:s10+$0x78E0];
	[tilespmem:s10+$0x7870] =	vst v3;
	v3 =	vmul.f32 v56, v5  }
0x213: {  	v10 =	vmul.f32 v54, v2;
	[tilespmem:s10+$0x7840] =	vst v6  }
0x214: {  	v4 =	vld [tilespmem:s10+$0x7720];
	[tilespmem:s10+$0x7890] =	vst v3;
	v3 =	vmul.f32 v58, v5  }
0x215: {  	[tilespmem:s10+$0x7860] =	vst v10;
	v2 =	vmul.f32 v53, v2  }
0x216: {  	[tilespmem:s10+$0x78B0] =	vst v3;
	v3 =	vmul.f32 v59, v5  }
0x217: {  	[tilespmem:s10+$0x7850] =	vst v2;
	v5 =	vmul.f32 v60, v5  }
0x218: {  	[tilespmem:s10+$0x78C0] =	vst v3  }
0x219: {  	s12 =	simm.s32 $0x1;
	v3 =	vmul.f32 v4, v35;
	[tilespmem:s10+$0x78E0] =	vst v5  }
.LBB2_7:
0x21a: {  	s13 =	sshll.u32 s12, $0x4  }
0x21b: {  	p1 =	sne.s32 s12, $0x3;
	[tilespmem:s10+$0x7720] =	vst v3;
	s10 =	smov.u32 s12;
	s12 =	sadd.s32 $0x1, s12  }
0x21c: {  	s13 =	sand.u32 $0x3FFFFFF0, s13  }
0x21d: {  	v2 =	vld.idx.msk [tilespmem:v1+s13+$0x40 ss:$0x1], $0xffff  }
0x21e: {  	s10 =	sshll.u32 s10, $0xB  }
0x21f: {  	s10 =	sand.u32 $0x3FFFF800, s10  }
0x220: {  	v9 =	vld [tilespmem:s10+$0x71C0]  }
0x221: {  	v10 =	vld [tilespmem:s10+$0x71D0]  }
0x222: {  	v11 =	vld [tilespmem:s10+$0x71B0]  }
0x223: {  	v3 =	vbroadcast v2, $0x0;
	v8 =	vbroadcast v2, $0x4;
	v4 =	vld [tilespmem:s10+$0x7120]  }
0x224: {  	v6 =	vld [tilespmem:s10+$0x7130]  }
0x225: {  	v7 =	vld [tilespmem:s10+$0x7670]  }
0x226: {  	v12 =	vld [tilespmem:s10+$0x7160]  }
0x227: {  	v13 =	vld [tilespmem:s10+$0x7170]  }
0x228: {  	v5 =	vbroadcast v2, $0xA;
	v4 =	vmul.f32 v4, v3;
	v14 =	vld [tilespmem:s10+$0x7180]  }
0x229: {  	v6 =	vmul.f32 v6, v3;
	v15 =	vld [tilespmem:s10+$0x7190]  }
0x22a: {  	[tilespmem:s10+$0x7120] =	vst v4;
	v16 =	vld [tilespmem:s10+$0x71A0];
	v4 =	vmul.f32 v7, v5  }
0x22b: {  	[tilespmem:s10+$0x7130] =	vst v6;
	v7 =	vmul.f32 v12, v3;
	v12 =	vbroadcast v2, $0x1;
	v6 =	vld [tilespmem:s10+$0x7680]  }
0x22c: {  	v13 =	vmul.f32 v13, v3;
	[tilespmem:s10+$0x7670] =	vst v4;
	v4 =	vld [tilespmem:s10+$0x78D0]  }
0x22d: {  	[tilespmem:s10+$0x7160] =	vst v7;
	v14 =	vmul.f32 v14, v12;
	v7 =	vld [tilespmem:s10+$0x7690]  }
0x22e: {  	[tilespmem:s10+$0x7170] =	vst v13;
	v13 =	vmul.f32 v15, v12;
	v15 =	vld [tilespmem:s10+$0x71E0]  }
0x22f: {  	[tilespmem:s10+$0x7180] =	vst v14;
	v14 =	vmul.f32 v16, v12;
	v16 =	vld [tilespmem:s10+$0x71F0]  }
0x230: {  	v11 =	vmul.f32 v11, v12;
	[tilespmem:s10+$0x7190] =	vst v13;
	v13 =	vld [tilespmem:s10+$0x7200]  }
0x231: {  	v9 =	vmul.f32 v9, v12;
	[tilespmem:s10+$0x71A0] =	vst v14;
	v14 =	vld [tilespmem:s10+$0x7210]  }
0x232: {  	v10 =	vmul.f32 v10, v12;
	[tilespmem:s10+$0x71B0] =	vst v11;
	v11 =	vld [tilespmem:s10+$0x7220]  }
0x233: {  	[tilespmem:s10+$0x71C0] =	vst v9;
	v9 =	vmul.f32 v15, v12;
	v15 =	vbroadcast v2, $0x2;
	v17 =	vld [tilespmem:s10+$0x7230]  }
0x234: {  	[tilespmem:s10+$0x71D0] =	vst v10;
	v10 =	vmul.f32 v16, v12;
	v12 =	vld [tilespmem:s10+$0x7240]  }
0x235: {  	[tilespmem:s10+$0x71E0] =	vst v9;
	v9 =	vmul.f32 v13, v15;
	v13 =	vld [tilespmem:s10+$0x7250]  }
0x236: {  	[tilespmem:s10+$0x71F0] =	vst v10;
	v10 =	vmul.f32 v14, v15;
	v14 =	vld [tilespmem:s10+$0x7260]  }
0x237: {  	[tilespmem:s10+$0x7200] =	vst v9;
	v9 =	vmul.f32 v11, v15;
	v11 =	vld [tilespmem:s10+$0x7270]  }
0x238: {  	[tilespmem:s10+$0x7210] =	vst v10;
	v10 =	vmul.f32 v17, v15;
	v16 =	vld [tilespmem:s10+$0x7280]  }
0x239: {  	[tilespmem:s10+$0x7220] =	vst v9;
	v9 =	vmul.f32 v12, v15;
	v12 =	vld [tilespmem:s10+$0x7290]  }
0x23a: {  	[tilespmem:s10+$0x7230] =	vst v10;
	v10 =	vmul.f32 v13, v15;
	v13 =	vld [tilespmem:s10+$0x72A0]  }
0x23b: {  	[tilespmem:s10+$0x7240] =	vst v9;
	v9 =	vmul.f32 v14, v15;
	v14 =	vbroadcast v2, $0x3;
	v17 =	vld [tilespmem:s10+$0x72B0]  }
0x23c: {  	[tilespmem:s10+$0x7250] =	vst v10;
	v10 =	vmul.f32 v11, v15;
	v11 =	vld [tilespmem:s10+$0x72C0]  }
0x23d: {  	[tilespmem:s10+$0x7260] =	vst v9;
	v9 =	vmul.f32 v16, v14;
	v15 =	vld [tilespmem:s10+$0x72D0]  }
0x23e: {  	[tilespmem:s10+$0x7270] =	vst v10;
	v10 =	vmul.f32 v12, v14;
	v12 =	vld [tilespmem:s10+$0x72E0]  }
0x23f: {  	[tilespmem:s10+$0x7280] =	vst v9;
	v9 =	vmul.f32 v13, v14;
	v13 =	vld [tilespmem:s10+$0x72F0]  }
0x240: {  	[tilespmem:s10+$0x7290] =	vst v10;
	v10 =	vmul.f32 v17, v14;
	v16 =	vld [tilespmem:s10+$0x7300]  }
0x241: {  	[tilespmem:s10+$0x72A0] =	vst v9;
	v9 =	vmul.f32 v11, v14;
	v11 =	vld [tilespmem:s10+$0x7310]  }
0x242: {  	[tilespmem:s10+$0x72B0] =	vst v10;
	v10 =	vmul.f32 v15, v14;
	v15 =	vld [tilespmem:s10+$0x7320]  }
0x243: {  	[tilespmem:s10+$0x72C0] =	vst v9;
	v9 =	vmul.f32 v12, v14;
	v12 =	vld [tilespmem:s10+$0x7330]  }
0x244: {  	[tilespmem:s10+$0x72D0] =	vst v10;
	v10 =	vmul.f32 v13, v14;
	v13 =	vld [tilespmem:s10+$0x7340]  }
0x245: {  	[tilespmem:s10+$0x72E0] =	vst v9;
	v9 =	vmul.f32 v16, v8;
	v14 =	vld [tilespmem:s10+$0x7350]  }
0x246: {  	[tilespmem:s10+$0x72F0] =	vst v10;
	v10 =	vmul.f32 v11, v8;
	v11 =	vld [tilespmem:s10+$0x7360]  }
0x247: {  	[tilespmem:s10+$0x7300] =	vst v9;
	v9 =	vmul.f32 v15, v8;
	v15 =	vld [tilespmem:s10+$0x7370]  }
0x248: {  	[tilespmem:s10+$0x7310] =	vst v10;
	v10 =	vmul.f32 v12, v8;
	v12 =	vld [tilespmem:s10+$0x7380]  }
0x249: {  	[tilespmem:s10+$0x7320] =	vst v9;
	v9 =	vmul.f32 v13, v8;
	v13 =	vld [tilespmem:s10+$0x7390]  }
0x24a: {  	[tilespmem:s10+$0x7330] =	vst v10;
	v10 =	vmul.f32 v14, v8;
	v14 =	vld [tilespmem:s10+$0x73A0]  }
0x24b: {  	[tilespmem:s10+$0x7340] =	vst v9;
	v9 =	vmul.f32 v11, v8;
	v11 =	vbroadcast v2, $0x5;
	v16 =	vld [tilespmem:s10+$0x73B0]  }
0x24c: {  	[tilespmem:s10+$0x7350] =	vst v10;
	v8 =	vmul.f32 v15, v8;
	v10 =	vld [tilespmem:s10+$0x73C0]  }
0x24d: {  	[tilespmem:s10+$0x7360] =	vst v9;
	v9 =	vmul.f32 v12, v11;
	v12 =	vld [tilespmem:s10+$0x73D0]  }
0x24e: {  	[tilespmem:s10+$0x7370] =	vst v8;
	v8 =	vmul.f32 v13, v11;
	v13 =	vld [tilespmem:s10+$0x73E0]  }
0x24f: {  	[tilespmem:s10+$0x7380] =	vst v9;
	v9 =	vmul.f32 v14, v11;
	v14 =	vld [tilespmem:s10+$0x73F0]  }
0x250: {  	[tilespmem:s10+$0x7390] =	vst v8;
	v8 =	vmul.f32 v16, v11;
	v15 =	vld [tilespmem:s10+$0x7400]  }
0x251: {  	[tilespmem:s10+$0x73A0] =	vst v9;
	v9 =	vmul.f32 v10, v11;
	v10 =	vld [tilespmem:s10+$0x7410]  }
0x252: {  	[tilespmem:s10+$0x73B0] =	vst v8;
	v8 =	vmul.f32 v12, v11;
	v12 =	vld [tilespmem:s10+$0x7420]  }
0x253: {  	[tilespmem:s10+$0x73C0] =	vst v9;
	v9 =	vmul.f32 v13, v11;
	v13 =	vbroadcast v2, $0x6;
	v16 =	vld [tilespmem:s10+$0x7430]  }
0x254: {  	[tilespmem:s10+$0x73D0] =	vst v8;
	v8 =	vmul.f32 v14, v11;
	v11 =	vld [tilespmem:s10+$0x7440]  }
0x255: {  	[tilespmem:s10+$0x73E0] =	vst v9;
	v9 =	vmul.f32 v15, v13;
	v14 =	vld [tilespmem:s10+$0x7450]  }
0x256: {  	[tilespmem:s10+$0x73F0] =	vst v8;
	v8 =	vmul.f32 v10, v13;
	v10 =	vld [tilespmem:s10+$0x7460]  }
0x257: {  	[tilespmem:s10+$0x7400] =	vst v9;
	v9 =	vmul.f32 v12, v13;
	v12 =	vld [tilespmem:s10+$0x7470]  }
0x258: {  	[tilespmem:s10+$0x7410] =	vst v8;
	v8 =	vmul.f32 v16, v13;
	v15 =	vld [tilespmem:s10+$0x7480]  }
0x259: {  	[tilespmem:s10+$0x7420] =	vst v9;
	v9 =	vmul.f32 v11, v13;
	v11 =	vld [tilespmem:s10+$0x7490]  }
0x25a: {  	[tilespmem:s10+$0x7430] =	vst v8;
	v8 =	vmul.f32 v14, v13;
	v14 =	vld [tilespmem:s10+$0x74A0]  }
0x25b: {  	[tilespmem:s10+$0x7440] =	vst v9;
	v9 =	vmul.f32 v10, v13;
	v10 =	vbroadcast v2, $0x7;
	v16 =	vld [tilespmem:s10+$0x74B0]  }
0x25c: {  	[tilespmem:s10+$0x7450] =	vst v8;
	v8 =	vmul.f32 v12, v13;
	v12 =	vld [tilespmem:s10+$0x74C0]  }
0x25d: {  	[tilespmem:s10+$0x7460] =	vst v9;
	v9 =	vmul.f32 v15, v10;
	v13 =	vld [tilespmem:s10+$0x74D0]  }
0x25e: {  	[tilespmem:s10+$0x7470] =	vst v8;
	v8 =	vmul.f32 v11, v10;
	v11 =	vld [tilespmem:s10+$0x74E0]  }
0x25f: {  	[tilespmem:s10+$0x7480] =	vst v9;
	v9 =	vmul.f32 v14, v10;
	v14 =	vld [tilespmem:s10+$0x74F0]  }
0x260: {  	[tilespmem:s10+$0x7490] =	vst v8;
	v8 =	vmul.f32 v16, v10;
	v15 =	vld [tilespmem:s10+$0x7500]  }
0x261: {  	[tilespmem:s10+$0x74A0] =	vst v9;
	v9 =	vmul.f32 v12, v10;
	v12 =	vld [tilespmem:s10+$0x7510]  }
0x262: {  	[tilespmem:s10+$0x74B0] =	vst v8;
	v8 =	vmul.f32 v13, v10;
	v13 =	vld [tilespmem:s10+$0x7520]  }
0x263: {  	[tilespmem:s10+$0x74C0] =	vst v9;
	v9 =	vmul.f32 v11, v10;
	v11 =	vbroadcast v2, $0x8;
	v16 =	vld [tilespmem:s10+$0x7530]  }
0x264: {  	[tilespmem:s10+$0x74D0] =	vst v8;
	v8 =	vmul.f32 v14, v10;
	v10 =	vld [tilespmem:s10+$0x7540]  }
0x265: {  	[tilespmem:s10+$0x74E0] =	vst v9;
	v9 =	vmul.f32 v15, v11;
	v14 =	vld [tilespmem:s10+$0x7550]  }
0x266: {  	[tilespmem:s10+$0x74F0] =	vst v8;
	v8 =	vmul.f32 v12, v11;
	v12 =	vld [tilespmem:s10+$0x7560]  }
0x267: {  	[tilespmem:s10+$0x7500] =	vst v9;
	v9 =	vmul.f32 v13, v11;
	v13 =	vld [tilespmem:s10+$0x7570]  }
0x268: {  	[tilespmem:s10+$0x7510] =	vst v8;
	v8 =	vmul.f32 v16, v11;
	v15 =	vld [tilespmem:s10+$0x7580]  }
0x269: {  	[tilespmem:s10+$0x7520] =	vst v9;
	v9 =	vmul.f32 v10, v11;
	v10 =	vld [tilespmem:s10+$0x7590]  }
0x26a: {  	[tilespmem:s10+$0x7530] =	vst v8;
	v8 =	vmul.f32 v14, v11;
	v14 =	vld [tilespmem:s10+$0x75A0]  }
0x26b: {  	[tilespmem:s10+$0x7540] =	vst v9;
	v9 =	vmul.f32 v12, v11;
	v12 =	vbroadcast v2, $0x9;
	v16 =	vld [tilespmem:s10+$0x75B0]  }
0x26c: {  	[tilespmem:s10+$0x7550] =	vst v8;
	v8 =	vmul.f32 v13, v11;
	v11 =	vld [tilespmem:s10+$0x75C0]  }
0x26d: {  	[tilespmem:s10+$0x7560] =	vst v9;
	v9 =	vmul.f32 v15, v12;
	v13 =	vld [tilespmem:s10+$0x75D0]  }
0x26e: {  	[tilespmem:s10+$0x7570] =	vst v8;
	v8 =	vmul.f32 v10, v12;
	v10 =	vld [tilespmem:s10+$0x75E0]  }
0x26f: {  	[tilespmem:s10+$0x7580] =	vst v9;
	v9 =	vmul.f32 v14, v12;
	v14 =	vld [tilespmem:s10+$0x75F0]  }
0x270: {  	[tilespmem:s10+$0x7590] =	vst v8;
	v8 =	vmul.f32 v16, v12;
	v15 =	vld [tilespmem:s10+$0x7600]  }
0x271: {  	[tilespmem:s10+$0x75A0] =	vst v9;
	v9 =	vmul.f32 v11, v12;
	v11 =	vld [tilespmem:s10+$0x7610]  }
0x272: {  	[tilespmem:s10+$0x75B0] =	vst v8;
	v8 =	vmul.f32 v13, v12;
	v13 =	vld [tilespmem:s10+$0x7620]  }
0x273: {  	[tilespmem:s10+$0x75C0] =	vst v9;
	v9 =	vmul.f32 v10, v12;
	v10 =	vld [tilespmem:s10+$0x7630]  }
0x274: {  	[tilespmem:s10+$0x75D0] =	vst v8;
	v8 =	vmul.f32 v14, v12;
	v12 =	vld [tilespmem:s10+$0x7640]  }
0x275: {  	[tilespmem:s10+$0x75E0] =	vst v9;
	v9 =	vmul.f32 v15, v5;
	v14 =	vld [tilespmem:s10+$0x7650]  }
0x276: {  	[tilespmem:s10+$0x75F0] =	vst v8;
	v8 =	vmul.f32 v11, v5;
	v11 =	vld [tilespmem:s10+$0x7660]  }
0x277: {  	v15 =	vld [tilespmem:s10+$0x7100];
	[tilespmem:s10+$0x7600] =	vst v9;
	v9 =	vmul.f32 v13, v5  }
0x278: {  	v13 =	vld [tilespmem:s10+$0x7110];
	[tilespmem:s10+$0x7610] =	vst v8;
	v8 =	vmul.f32 v10, v5  }
0x279: {  	v10 =	vld [tilespmem:s10+$0x7140];
	[tilespmem:s10+$0x7620] =	vst v9;
	v9 =	vmul.f32 v12, v5  }
0x27a: {  	v12 =	vld [tilespmem:s10+$0x7150];
	[tilespmem:s10+$0x7630] =	vst v8;
	v8 =	vmul.f32 v14, v5  }
0x27b: {  	[tilespmem:s10+$0x7640] =	vst v9;
	v9 =	vmul.f32 v11, v5;
	v11 =	vbroadcast v2, $0xB;
	v14 =	vld [tilespmem:s10+$0x76A0]  }
0x27c: {  	v5 =	vbroadcast v2, $0xF;
	v15 =	vmul.f32 v3, v15;
	[tilespmem:s10+$0x7650] =	vst v8;
	v8 =	vld [tilespmem:s10+$0x76B0]  }
0x27d: {  	v13 =	vmul.f32 v13, v3;
	[tilespmem:s10+$0x7660] =	vst v9;
	v6 =	vmul.f32 v6, v11;
	v9 =	vld [tilespmem:s10+$0x76C0]  }
0x27e: {  	v7 =	vmul.f32 v7, v11;
	[tilespmem:s10+$0x7100] =	vst v15;
	v10 =	vmul.f32 v10, v3;
	v15 =	vld [tilespmem:s10+$0x76D0]  }
0x27f: {  	v4 =	vmul.f32 v4, v5;
	v12 =	vmul.f32 v12, v3;
	[tilespmem:s10+$0x7680] =	vst v6;
	v3 =	vld [tilespmem:s10+$0x76E0]  }
0x280: {  	[tilespmem:s10+$0x7690] =	vst v7;
	v6 =	vmul.f32 v14, v11;
	v7 =	vld [tilespmem:s10+$0x76F0]  }
0x281: {  	v8 =	vmul.f32 v8, v11;
	v14 =	vld [tilespmem:s10+$0x7700];
	[tilespmem:s10+$0x78D0] =	vst v4  }
0x282: {  	[tilespmem:s10+$0x7110] =	vst v13;
	v4 =	vmul.f32 v9, v11;
	v9 =	vld [tilespmem:s10+$0x7710]  }
0x283: {  	[tilespmem:s10+$0x7140] =	vst v10;
	v10 =	vmul.f32 v15, v11;
	v13 =	vld [tilespmem:s10+$0x7720]  }
0x284: {  	v15 =	vbroadcast v2, $0xC;
	[tilespmem:s10+$0x76A0] =	vst v6;
	v6 =	vmul.f32 v3, v11;
	v16 =	vld [tilespmem:s10+$0x7730]  }
0x285: {  	[tilespmem:s10+$0x76D0] =	vst v10;
	v7 =	vmul.f32 v7, v11;
	v10 =	vld [tilespmem:s10+$0x7740]  }
0x286: {  	[tilespmem:s10+$0x76B0] =	vst v8;
	v3 =	vmul.f32 v14, v15;
	v8 =	vld [tilespmem:s10+$0x7750]  }
0x287: {  	[tilespmem:s10+$0x76C0] =	vst v4;
	v4 =	vmul.f32 v9, v15;
	v9 =	vld [tilespmem:s10+$0x7760]  }
0x288: {  	[tilespmem:s10+$0x7700] =	vst v3;
	v3 =	vmul.f32 v13, v15;
	v11 =	vld [tilespmem:s10+$0x7770]  }
0x289: {  	[tilespmem:s10+$0x7710] =	vst v4;
	v4 =	vld [tilespmem:s10+$0x7780]  }
0x28a: {  	[tilespmem:s10+$0x7150] =	vst v12;
	v10 =	vmul.f32 v10, v15;
	v12 =	vld [tilespmem:s10+$0x7790]  }
0x28b: {  	[tilespmem:s10+$0x76E0] =	vst v6;
	v6 =	vmul.f32 v8, v15;
	v8 =	vld [tilespmem:s10+$0x77A0]  }
0x28c: {  	[tilespmem:s10+$0x7740] =	vst v10;
	v9 =	vmul.f32 v9, v15;
	v10 =	vbroadcast v2, $0xD;
	v13 =	vld [tilespmem:s10+$0x77B0]  }
0x28d: {  	[tilespmem:s10+$0x7750] =	vst v6;
	v6 =	vmul.f32 v11, v15;
	v11 =	vld [tilespmem:s10+$0x77C0]  }
0x28e: {  	[tilespmem:s10+$0x7760] =	vst v9;
	v4 =	vmul.f32 v4, v10;
	v9 =	vld [tilespmem:s10+$0x77D0]  }
0x28f: {  	[tilespmem:s10+$0x7770] =	vst v6;
	v6 =	vmul.f32 v12, v10;
	v12 =	vld [tilespmem:s10+$0x77E0]  }
0x290: {  	[tilespmem:s10+$0x7780] =	vst v4;
	v4 =	vmul.f32 v8, v10;
	v8 =	vld [tilespmem:s10+$0x77F0]  }
0x291: {  	[tilespmem:s10+$0x7790] =	vst v6;
	v6 =	vmul.f32 v13, v10;
	v13 =	vld [tilespmem:s10+$0x7800]  }
0x292: {  	[tilespmem:s10+$0x77A0] =	vst v4;
	v4 =	vmul.f32 v11, v10;
	v11 =	vld [tilespmem:s10+$0x7810]  }
0x293: {  	[tilespmem:s10+$0x77B0] =	vst v6;
	v6 =	vmul.f32 v9, v10;
	v9 =	vld [tilespmem:s10+$0x7820]  }
0x294: {  	v2 =	vbroadcast v2, $0xE;
	[tilespmem:s10+$0x76F0] =	vst v7;
	v7 =	vmul.f32 v12, v10;
	v12 =	vld [tilespmem:s10+$0x7830]  }
0x295: {  	[tilespmem:s10+$0x77D0] =	vst v6;
	v6 =	vmul.f32 v8, v10;
	v8 =	vld [tilespmem:s10+$0x7840]  }
0x296: {  	[tilespmem:s10+$0x77E0] =	vst v7;
	v7 =	vmul.f32 v13, v2;
	v10 =	vld [tilespmem:s10+$0x7850]  }
0x297: {  	[tilespmem:s10+$0x77F0] =	vst v6;
	v6 =	vmul.f32 v11, v2;
	v11 =	vld [tilespmem:s10+$0x7860]  }
0x298: {  	[tilespmem:s10+$0x7800] =	vst v7;
	v7 =	vmul.f32 v9, v2;
	v9 =	vld [tilespmem:s10+$0x7870]  }
0x299: {  	[tilespmem:s10+$0x7810] =	vst v6;
	v6 =	vmul.f32 v12, v2;
	v12 =	vld [tilespmem:s10+$0x7880]  }
0x29a: {  	[tilespmem:s10+$0x7820] =	vst v7;
	v7 =	vmul.f32 v8, v2;
	v8 =	vld [tilespmem:s10+$0x7890]  }
0x29b: {  	[tilespmem:s10+$0x7830] =	vst v6;
	v6 =	vmul.f32 v10, v2;
	v10 =	vld [tilespmem:s10+$0x78A0]  }
0x29c: {  	[tilespmem:s10+$0x7840] =	vst v7;
	v7 =	vmul.f32 v11, v2;
	v11 =	vld [tilespmem:s10+$0x78B0]  }
0x29d: {  	[tilespmem:s10+$0x77C0] =	vst v4;
	v2 =	vmul.f32 v9, v2;
	v4 =	vld [tilespmem:s10+$0x78C0]  }
0x29e: {  	[tilespmem:s10+$0x7860] =	vst v7;
	v7 =	vmul.f32 v12, v5;
	v9 =	vld [tilespmem:s10+$0x78E0]  }
0x29f: {  	[tilespmem:s10+$0x7870] =	vst v2;
	v2 =	vmul.f32 v8, v5;
	v8 =	vld [tilespmem:s10+$0x78F0]  }
0x2a0: {  	[tilespmem:s10+$0x7880] =	vst v7;
	v7 =	vmul.f32 v10, v5  }
0x2a1: {  	[tilespmem:s10+$0x7890] =	vst v2;
	v2 =	vmul.f32 v11, v5  }
0x2a2: {  	v10 =	vmul.f32 v16, v15;
	[tilespmem:s10+$0x78A0] =	vst v7  }
0x2a3: {  	[tilespmem:s10+$0x78B0] =	vst v2;
	v2 =	vmul.f32 v4, v5  }
.Ltmp4:
0x2a4: {  	[tilespmem:s10+$0x7730] =	vst v10;
	v4 =	vmul.f32 v8, v5;
	(pc) =	sbr.rel @p1 .LBB2_7-.Ltmp4, $4  }
0x2a5: {  	[tilespmem:s10+$0x78C0] =	vst v2  }
0x2a6: {  	v2 =	vmul.f32 v9, v5;
	[tilespmem:s10+$0x78F0] =	vst v4  }
0x2a7: {  	[tilespmem:s10+$0x7850] =	vst v6  }
0x2a8: {  	[tilespmem:s10+$0x78E0] =	vst v2  }
0x2a9: {  	[tilespmem:s10+$0x7720] =	vst v3  }
0x2aa: {  	_ =	swait.ge [sflag:s1], $0x80  }
0x2ab: {  	[sflag:s1] =	ssyncset.done $0x0  }
.Ltmp5:
0x2ac: {  	[sflag:s1] =	ssyncadd.s32 $0xFFFFFF80;
	(pc) =	sbr.rel @p0 .LBB2_10-.Ltmp5, $4  }
0x2ad: {  	[spmem:s3] =	stream.indirect.scatter.add.f32 [tilespmem:s30], [sflag:$0x5], $0x80, s28, s29, $0xb8;
	[tilespmem:$0x1D100] =	vst v63  }
0x2ae: {  	_ =	swait.ge [sflag:s23], $0x2000  }
0x2af: {  	[sflag:s23] =	ssyncset.done $0x0  }
0x2b0: {  	[sflag:s23] =	ssyncadd.s32 $0xFFFFE000  }
0x2b1: {  	s9 =	sadd.s32 $0x180, s9  }
0x2b2: {  	s10 =	sand.u32 $0xFC00, s9  }
.Ltmp6:
0x2b3: {  	s9 =	sand.u32 $0x380, s9;
	s10 =	sadd.s32 s11, s10;
	(pc) =	sbr.rel .LBB2_4-.Ltmp6, $4  }
0x2b4: {  	s9 =	sor.u32 s9, s10  }
0x2b5: {  	s9 =	sshrl.u32 s9, $0x3  }
0x2b6: {  	s7 =	sadd.s32 $0x1, s7;
	s9 =	sadd.s32 s2, s9  }
0x2b7: {  	[tilespmem:s28], [sflag:$0x2] =	stream.linear.gather [hbm4b:s9+s4], $0x80, $0x38;
	[tilespmem:$0x1D100] =	vst v63  }
.LBB2_11:
0x2b8: {  	_ =	sfence.sel $0x180000  }
0x2b9: {  	[bflag:$0x0] =	sbarrier.arrive $0xFFFF  }
0x2ba: {  	_ =	strace $0x90000047  }
0x2bb: {  	s0 =	stileid.u32;
	[bflag:$0x2] =	sbarrier.arrive $0xFFFF  }
0x2bc: {  	p0 =	sne.s32 s0, $0x0;
	s0 =	rddreg [dreg:$0x3]  }
0x2bd: {  	s0 =	sadd.s32 @!p0 $0x100000, s0  }
0x2be: {  	[sflag:s0] =	ssyncadd.tile.s32 @!p0 $0x1;
	_ =	shalt  }
.Lfunc_end2:
_tile_overlayer_lowered:
.L_overlay_start_2:
0x2bf: {  	(tag) =	ssettag $0x2  }
0x2c0: {  	s0 =	rddreg [dreg:$0x0];
	s2 =	stileid.u32  }
0x2c1: {  	s1 =	rddreg [dreg:$0x1];
	p0 =	sne.s32 s2, $0x0  }
0x2c2: {  	s3 =	rddreg [dreg:$0x2];
	[bflag:$0x3] =	sbarrier.arrive $0xFFFF;
	s2 =	simm.s32 @!p0 $0x1C05  }
0x2c3: {  	[timem:s3], [sflag:s2] =	dma.local @!p0 [hbm:s0], s1  }
0x2c4: {  	s0 =	simm.s32 @!p0 $0x5  }
0x2c5: {  	_ =	swait.ge @!p0 [sflag:s0], s1  }
0x2c6: {  	s1 =	ssub.s32 @!p0 $0x0, s1;
	[sflag:s0] =	ssyncset.done @!p0 $0x0  }
0x2c7: {  	[sflag:s0] =	ssyncadd.s32 @!p0 s1  }
0x2c8: {  	[bflag:$0x3] =	sbarrier.arrive $0xFFFF  }
0x2c9: {  	_ =	shalt  }

</sc_bundles>
